<compile_context>
chip_gen: v7x
topology: tpu7x:2x2x1
jax: 0.10.2.dev20260603
libtpu: 0.0.44.dev20260713+nightly
codegen_flags: <defaults>
</compile_context>

<pallas_src>
import functools

import jax
import jax.numpy as jnp
from jax import lax
from jax.experimental import pallas as pl
from jax.experimental.pallas import tpu as pltpu
from jax.experimental.pallas import tpu_sc as plsc

N = 10000
E = 320000
D = 128

NC = 2
NS = 16
L = 16
NW = NC * NS

NPAD = 10240
DUMMY = N
EPW = E // NW
CHUNK = 80
NCHUNK = EPW // CHUNK
BCHUNK = 25
NBLK = NCHUNK // BCHUNK
HROW = NPAD // L
ZROWS = NPAD // NS
OROWS = N // NS

_MESH = plsc.VectorSubcoreMesh(
    core_axis_name="c", subcore_axis_name="s", num_cores=NC, num_subcores=NS)
_SC_PARAMS = pltpu.CompilerParams(needs_layout_passes=False)


HR = NPAD // D


@functools.partial(
    pl.kernel,
    out_type=jax.ShapeDtypeStruct((NC, HR, D), jnp.float32),
    mesh=_MESH,
    compiler_params=_SC_PARAMS,
    scratch_types=[
        pltpu.VMEM((NCHUNK, CHUNK), jnp.int32),
        pltpu.VMEM((NCHUNK, CHUNK), jnp.int32),
        pltpu.VMEM((HR, D), jnp.float32),
        pltpu.VMEM((8, CHUNK), jnp.int32),
        pltpu.VMEM_SHARED((HR, D), jnp.float32),
    ],
)
def _deg_kernel(ei_ref, out_ref, rows2d, cols2d, hist, idxs, shared):
    c = lax.axis_index("c")
    s = lax.axis_index("s")
    wid = c * NS + s

    pltpu.sync_copy(ei_ref.at[0, wid], rows2d)
    pltpu.sync_copy(ei_ref.at[1, wid], cols2d)

    zeros16 = jnp.zeros((L,), jnp.float32)

    def _zero_hist(i, carry):
        for m in range(D // L):
            hist[i, pl.ds(m * L, L)] = zeros16
        return carry

    lax.fori_loop(0, HR, _zero_hist, 0)

    lane = jnp.arange(L, dtype=jnp.int32)
    for k in range(8):
        for j in range(CHUNK // L):
            idxs[k, pl.ds(j * L, L)] = lane + L * j

    @pl.when(s == 0)
    def _():
        pltpu.sync_copy(hist, shared)
    plsc.subcore_barrier()

    ones16 = jnp.ones((L,), jnp.float32)

    def _accum(j, carry):
        for m in range(CHUNK // L):
            r = rows2d[j, pl.ds(m * L, L)]
            cc = cols2d[j, pl.ds(m * L, L)]
            keep = r != cc
            plsc.addupdate_scatter(
                hist, [lax.shift_right_logical(r, 7), lax.bitwise_and(r, 127)],
                ones16, mask=keep)
        return carry

    lax.fori_loop(0, NCHUNK, _accum, 0)

    pltpu.sync_copy(hist, shared.at[idxs.at[0]], add=True)
    plsc.subcore_barrier()

    @pl.when(s == 0)
    def _():
        pltpu.sync_copy(shared, out_ref.at[c])


@functools.partial(
    pl.kernel,
    out_type=jax.ShapeDtypeStruct((NC, N, D), jnp.float32),
    mesh=_MESH,
    compiler_params=_SC_PARAMS,
    scratch_types=[
        pltpu.VMEM((BCHUNK, CHUNK), jnp.int32),
        pltpu.VMEM((BCHUNK, CHUNK), jnp.int32),
        pltpu.VMEM((CHUNK, D), jnp.float32),
        pltpu.VMEM((CHUNK, D), jnp.float32),
        pltpu.VMEM_SHARED((NPAD, D), jnp.float32),
        pltpu.SemaphoreType.DMA,
        pltpu.SemaphoreType.DMA,
    ],
)
def _spmm_kernel(sp_ref, ei_ref, out_ref, rowsb, colsb, gbufA, gbufB, acc,
                 semA, semB):
    c = lax.axis_index("c")
    s = lax.axis_index("s")
    wid = c * NS + s

    zeros16 = jnp.zeros((L,), jnp.float32)

    def _zero_gbuf(i, carry):
        for m in range(D // L):
            gbufA[i, pl.ds(m * L, L)] = zeros16
        return carry

    lax.fori_loop(0, CHUNK, _zero_gbuf, 0)

    def _zero_acc(k, carry):
        pltpu.sync_copy(gbufA, acc.at[pl.ds(s * ZROWS + k * CHUNK, CHUNK)])
        return carry

    lax.fori_loop(0, ZROWS // CHUNK, _zero_acc, 0)
    plsc.subcore_barrier()

    for b in range(NBLK):
        pltpu.sync_copy(ei_ref.at[0, wid, b], rowsb)
        pltpu.sync_copy(ei_ref.at[1, wid, b], colsb)

        def _fix(j, carry):
            for m in range(CHUNK // L):
                r = rowsb[j, pl.ds(m * L, L)]
                cc = colsb[j, pl.ds(m * L, L)]
                rowsb[j, pl.ds(m * L, L)] = jnp.where(r == cc, DUMMY, r)
            return carry

        lax.fori_loop(0, BCHUNK, _fix, 0)

        pltpu.async_copy(sp_ref.at[colsb.at[0]], gbufA, semA)

        def _step(t, carry):
            j0 = 2 * t
            j1 = 2 * t + 1

            @pl.when(j1 < BCHUNK)
            def _():
                pltpu.async_copy(sp_ref.at[colsb.at[j1]], gbufB, semB)

            pltpu.make_async_copy(sp_ref.at[colsb.at[j0]], gbufA, semA).wait()
            pltpu.sync_copy(gbufA, acc.at[rowsb.at[j0]], add=True)

            @pl.when(j0 + 2 < BCHUNK)
            def _():
                pltpu.async_copy(sp_ref.at[colsb.at[j0 + 2]], gbufA, semA)

            @pl.when(j1 < BCHUNK)
            def _():
                pltpu.make_async_copy(sp_ref.at[colsb.at[j1]], gbufB, semB).wait()
                pltpu.sync_copy(gbufB, acc.at[rowsb.at[j1]], add=True)

            return carry

        lax.fori_loop(0, (BCHUNK + 1) // 2, _step, 0)

    plsc.subcore_barrier()

    base = pl.multiple_of(s * ZROWS, 8)

    @pl.when(s < NS - 1)
    def _():
        pltpu.sync_copy(acc.at[pl.ds(base, ZROWS)],
                        out_ref.at[c, pl.ds(base, ZROWS)])

    @pl.when(s == NS - 1)
    def _():
        pltpu.sync_copy(acc.at[pl.ds(ZROWS * (NS - 1), N - ZROWS * (NS - 1))],
                        out_ref.at[c, pl.ds(ZROWS * (NS - 1),
                                            N - ZROWS * (NS - 1))])


BM = 1000
GRID = N // BM

_row_spec = pl.BlockSpec((BM, D), lambda i: (i, 0))
_col_spec = pl.BlockSpec((BM, 1), lambda i: (i, 0))
_w_spec = pl.BlockSpec((D, D), lambda i: (0, 0))
_b_spec = pl.BlockSpec((1, D), lambda i: (0, 0))
_pair_spec = pl.BlockSpec((2, BM, D), lambda i: (0, i, 0))
_dpair_spec = pl.BlockSpec((2, BM, 1), lambda i: (0, i, 0))


def _k0_body(x_ref, dg_ref, wi_ref, bi_ref, wc_ref, h_ref, sp_ref, dis_ref):
    deg = dg_ref[0] + dg_ref[1] + 1.0
    dis = lax.rsqrt(deg)
    h = jnp.dot(x_ref[...], wi_ref[...],
                preferred_element_type=jnp.float32) + bi_ref[...]
    h_ref[...] = h
    dis_ref[...] = dis
    sp_ref[...] = dis * jnp.dot(h, wc_ref[...],
                                preferred_element_type=jnp.float32)


_k0 = pl.pallas_call(
    _k0_body,
    grid=(GRID,),
    in_specs=[_row_spec, _dpair_spec, _w_spec, _b_spec, _w_spec],
    out_specs=[_row_spec, _row_spec, _col_spec],
    out_shape=[
        jax.ShapeDtypeStruct((N, D), jnp.float32),
        jax.ShapeDtypeStruct((N, D), jnp.float32),
        jax.ShapeDtypeStruct((N, 1), jnp.float32),
    ],
)


def _k1_body(p_ref, sp_ref, h_ref, dis_ref, wl_ref, bl_ref, bc_ref, wc1_ref,
             h1_ref, s1p_ref):
    dis = dis_ref[...]
    t = (dis * (p_ref[0] + p_ref[1] + sp_ref[...]) + bc_ref[...]
         + jnp.dot(h_ref[...], wl_ref[...], preferred_element_type=jnp.float32)
         + bl_ref[...])
    h1 = jnp.maximum(t, 0.0) + h_ref[...]
    h1_ref[...] = h1
    s1p_ref[...] = dis * jnp.dot(h1, wc1_ref[...],
                                 preferred_element_type=jnp.float32)


_k1 = pl.pallas_call(
    _k1_body,
    grid=(GRID,),
    in_specs=[_pair_spec, _row_spec, _row_spec, _col_spec, _w_spec, _b_spec,
              _b_spec, _w_spec],
    out_specs=[_row_spec, _row_spec],
    out_shape=[
        jax.ShapeDtypeStruct((N, D), jnp.float32),
        jax.ShapeDtypeStruct((N, D), jnp.float32),
    ],
)


def _k2_body(p_ref, sp_ref, h_ref, dis_ref, wl_ref, bl_ref, bc_ref, wf_ref,
             bf_ref, out_ref):
    dis = dis_ref[...]
    t = (dis * (p_ref[0] + p_ref[1] + sp_ref[...]) + bc_ref[...]
         + jnp.dot(h_ref[...], wl_ref[...], preferred_element_type=jnp.float32)
         + bl_ref[...])
    h2 = jnp.maximum(t, 0.0) + h_ref[...]
    out_ref[...] = jnp.dot(h2, wf_ref[...],
                           preferred_element_type=jnp.float32) + bf_ref[...]


_k2 = pl.pallas_call(
    _k2_body,
    grid=(GRID,),
    in_specs=[_pair_spec, _row_spec, _row_spec, _col_spec, _w_spec, _b_spec,
              _b_spec, _w_spec, _b_spec],
    out_specs=pl.BlockSpec((BM, D), lambda i: (i, 0)),
    out_shape=jax.ShapeDtypeStruct((N, D), jnp.float32),
)


def _spmm_jnp(sp, edge_index):
    row, col = edge_index[0], edge_index[1]
    keep = row != col
    acc = jnp.zeros_like(sp).at[row].add(
        jnp.where(keep[:, None], sp[col], 0.0))
    return jnp.stack([acc, jnp.zeros_like(acc)])


def kernel(x, edge_index, Winit, binit, Wc0, bc0, Wl0, bl0, Wc1, bc1, Wl1,
           bl1, Wf, bf):
    ei = edge_index.reshape(2, NW, NCHUNK, CHUNK)

    eib = edge_index.reshape(2, NW, NBLK, BCHUNK, CHUNK)

    degp = _deg_kernel(ei)
    deg3 = degp.reshape(NC, NPAD, 1)[:, :N]

    h, s0p, dis = _k0(x, deg3, Winit, binit.reshape(1, D), Wc0)
    parts0 = _spmm_kernel(s0p, eib)
    h1, s1p = _k1(parts0, s0p, h, dis, Wl0, bl0.reshape(1, D),
                  bc0.reshape(1, D), Wc1)
    parts1 = _spmm_kernel(s1p, eib)
    out = _k2(parts1, s1p, h1, dis, Wl1, bl1.reshape(1, D),
              bc1.reshape(1, D), Wf, bf.reshape(1, D))
    return out

# --- scband reference (transcript-rebuilt; emitter-appended) ---
"""Pipeline reference for scband-gcn-23888608101019 (READ-ONLY COPY).

The authoritative reference and input builder live on the scoring server;
editing this copy changes nothing except your own understanding.
"""

import jax, jax.numpy as jnp
import numpy as np
import math

N = 10000
E = 320000
D = 128


def _uniform(key, shape, stdv):
    return jax.random.uniform(key, shape, dtype=jnp.float32, minval=-stdv, maxval=stdv)


def setup_inputs(seed: int = 0) -> dict:
    key = jax.random.key(seed)
    ks = jax.random.split(key, 20)
    x = jax.random.normal(ks[0], (N, D), dtype=jnp.float32)
    edge_index = jax.random.randint(ks[1], (2, E), 0, N, dtype=jnp.int32)
    stdv = 1.0 / math.sqrt(D)
    inp = {
        'x': x,
        'edge_index': edge_index,
        'Winit': _uniform(ks[2], (D, D), stdv),
        'binit': _uniform(ks[3], (D,), stdv),
        'Wc0': _uniform(ks[4], (D, D), stdv),
        'bc0': _uniform(ks[5], (D,), stdv),
        'Wl0': _uniform(ks[6], (D, D), stdv),
        'bl0': _uniform(ks[7], (D,), stdv),
        'Wc1': _uniform(ks[8], (D, D), stdv),
        'bc1': _uniform(ks[9], (D,), stdv),
        'Wl1': _uniform(ks[10], (D, D), stdv),
        'bl1': _uniform(ks[11], (D,), stdv),
        'Wf': _uniform(ks[12], (D, D), stdv),
        'bf': _uniform(ks[13], (D,), stdv),
    }
    return inp


def reference(x, edge_index, Winit, binit, Wc0, bc0, Wl0, bl0, Wc1, bc1, Wl1, bl1, Wf, bf):
    n = x.shape[0]
    # edge2adj: add_remaining_self_loops (drop existing self loops, add full set),
    # then symmetric GCN normalization D^-1/2 A D^-1/2.
    row0, col0 = edge_index[0], edge_index[1]
    keep = (row0 != col0).astype(jnp.float32)
    loop = jnp.arange(n, dtype=edge_index.dtype)
    row = jnp.concatenate([row0, loop])
    col = jnp.concatenate([col0, loop])
    ew = jnp.concatenate([keep, jnp.ones(n, dtype=jnp.float32)])
    deg = jnp.zeros(n, dtype=jnp.float32).at[row].add(ew)
    deg_inv_sqrt = deg ** -0.5
    deg_inv_sqrt = jnp.where(jnp.isinf(deg_inv_sqrt), 0.0, deg_inv_sqrt)
    w = deg_inv_sqrt[row] * ew * deg_inv_sqrt[col]

    def spmm(s):
        # out = A @ s, scatter-add over destination rows
        return jnp.zeros_like(s).at[row].add(w[:, None] * s[col])

    h = x @ Winit + binit
    for Wc, bc, Wl, bl in ((Wc0, bc0, Wl0, bl0), (Wc1, bc1, Wl1, bl1)):
        nei = spmm(h @ Wc) + bc
        h_lin = h @ Wl + bl
        h = jax.nn.relu(nei + h_lin) + h
    out = h @ Wf + bf
    return out

if __name__ == "__main__":
    import jax
    _d = setup_inputs()
    print(jax.jit(kernel)(*tuple(_d.values())))

</pallas_src>

<mosaic_0001>
#map = affine_map<(d0, d1) -> (0, 0)>
#map1 = affine_map<(d0, d1) -> (0, 0, 0, 0, 0)>
#map2 = affine_map<(d0, d1) -> (0, 0, 0)>
module attributes {stable_mosaic.version = 14 : i64} {
  func.func @_spmm_kernel(%arg0: i32, %arg1: i32, %arg2: memref<10000x128xf32, #tpu.memory_space<hbm>>, %arg3: memref<2x32x5x25x80xi32, #tpu.memory_space<hbm>>, %arg4: memref<2x10000x128xf32, #tpu.memory_space<hbm>>, %arg5: memref<25x80xi32, #tpu.memory_space<vmem>>, %arg6: memref<25x80xi32, #tpu.memory_space<vmem>>, %arg7: memref<80x128xf32, #tpu.memory_space<vmem>>, %arg8: memref<80x128xf32, #tpu.memory_space<vmem>>, %arg9: memref<10240x128xf32, #tpu.memory_space<vmem_shared>>, %arg10: memref<!tpu.dma_semaphore, #tpu.memory_space<semaphore_mem>>, %arg11: memref<!tpu.dma_semaphore, #tpu.memory_space<semaphore_mem>>) attributes {dimension_semantics = [#tpu.dimension_semantics<core_parallel>, #tpu.dimension_semantics<subcore_parallel>], iteration_bounds = array<i64: 2, 16>, scalar_prefetch = 0 : i64, scratch_operands = 7 : i64, tpu.core_type = #tpu.core_type<sc_vector_subcore>, window_params = [{transform_indices = #map}, {transform_indices = #map1}, {transform_indices = #map2}]} {
    %mul3A = arith.constant 16 : i32
    %mul3A_0 = arith.muli %arg0, %mul3A : i32
    %add3A = arith.addi %mul3A_0, %arg1 : i32
    %broadcast_in_dim3A = arith.constant 0.000000e+00 : f32
    %broadcast_in_dim3A_1 = vector.broadcast %broadcast_in_dim3A : f32 to vector<16xf32>
    %scan3A = arith.constant 0 : i32
    %scan3A_2 = arith.constant 0 : i32
    %scan3A_3 = arith.constant 80 : i32
    %scan3A_4 = arith.addi %scan3A_2, %scan3A_3 : i32
    %scan3A_5 = arith.constant 1 : i32
    scf.for %scan3A_135 = %scan3A_2 to %scan3A_4 step %scan3A_5  : i32 {
      %swap3A = arith.index_cast %scan3A_135 : i32 to index
      %swap3A_136 = arith.constant 0 : index
      %swap3A_137 = tpu.vector_load %arg7[%swap3A, %swap3A_136] {strides = array<i32>} : memref<80x128xf32, #tpu.memory_space<vmem>>, vector<16xf32>,
      tpu.vector_store %arg7[%swap3A, %swap3A_136], %broadcast_in_dim3A_1 {strides = array<i32>} : memref<80x128xf32, #tpu.memory_space<vmem>>, vector<16xf32>,
      %swap3A_138 = arith.index_cast %scan3A_135 : i32 to index
      %swap3A_139 = arith.constant 16 : index
      %swap3A_140 = tpu.vector_load %arg7[%swap3A_138, %swap3A_139] {strides = array<i32>} : memref<80x128xf32, #tpu.memory_space<vmem>>, vector<16xf32>,
      tpu.vector_store %arg7[%swap3A_138, %swap3A_139], %broadcast_in_dim3A_1 {strides = array<i32>} : memref<80x128xf32, #tpu.memory_space<vmem>>, vector<16xf32>,
      %swap3A_141 = arith.index_cast %scan3A_135 : i32 to index
      %swap3A_142 = arith.constant 32 : index
      %swap3A_143 = tpu.vector_load %arg7[%swap3A_141, %swap3A_142] {strides = array<i32>} : memref<80x128xf32, #tpu.memory_space<vmem>>, vector<16xf32>,
      tpu.vector_store %arg7[%swap3A_141, %swap3A_142], %broadcast_in_dim3A_1 {strides = array<i32>} : memref<80x128xf32, #tpu.memory_space<vmem>>, vector<16xf32>,
      %swap3A_144 = arith.index_cast %scan3A_135 : i32 to index
      %swap3A_145 = arith.constant 48 : index
      %swap3A_146 = tpu.vector_load %arg7[%swap3A_144, %swap3A_145] {strides = array<i32>} : memref<80x128xf32, #tpu.memory_space<vmem>>, vector<16xf32>,
      tpu.vector_store %arg7[%swap3A_144, %swap3A_145], %broadcast_in_dim3A_1 {strides = array<i32>} : memref<80x128xf32, #tpu.memory_space<vmem>>, vector<16xf32>,
      %swap3A_147 = arith.index_cast %scan3A_135 : i32 to index
      %swap3A_148 = arith.constant 64 : index
      %swap3A_149 = tpu.vector_load %arg7[%swap3A_147, %swap3A_148] {strides = array<i32>} : memref<80x128xf32, #tpu.memory_space<vmem>>, vector<16xf32>,
      tpu.vector_store %arg7[%swap3A_147, %swap3A_148], %broadcast_in_dim3A_1 {strides = array<i32>} : memref<80x128xf32, #tpu.memory_space<vmem>>, vector<16xf32>,
      %swap3A_150 = arith.index_cast %scan3A_135 : i32 to index
      %swap3A_151 = arith.constant 80 : index
      %swap3A_152 = tpu.vector_load %arg7[%swap3A_150, %swap3A_151] {strides = array<i32>} : memref<80x128xf32, #tpu.memory_space<vmem>>, vector<16xf32>,
      tpu.vector_store %arg7[%swap3A_150, %swap3A_151], %broadcast_in_dim3A_1 {strides = array<i32>} : memref<80x128xf32, #tpu.memory_space<vmem>>, vector<16xf32>,
      %swap3A_153 = arith.index_cast %scan3A_135 : i32 to index
      %swap3A_154 = arith.constant 96 : index
      %swap3A_155 = tpu.vector_load %arg7[%swap3A_153, %swap3A_154] {strides = array<i32>} : memref<80x128xf32, #tpu.memory_space<vmem>>, vector<16xf32>,
      tpu.vector_store %arg7[%swap3A_153, %swap3A_154], %broadcast_in_dim3A_1 {strides = array<i32>} : memref<80x128xf32, #tpu.memory_space<vmem>>, vector<16xf32>,
      %swap3A_156 = arith.index_cast %scan3A_135 : i32 to index
      %swap3A_157 = arith.constant 112 : index
      %swap3A_158 = tpu.vector_load %arg7[%swap3A_156, %swap3A_157] {strides = array<i32>} : memref<80x128xf32, #tpu.memory_space<vmem>>, vector<16xf32>,
      tpu.vector_store %arg7[%swap3A_156, %swap3A_157], %broadcast_in_dim3A_1 {strides = array<i32>} : memref<80x128xf32, #tpu.memory_space<vmem>>, vector<16xf32>,
    }
    %scan3A_6 = arith.constant 80 : i32
    %scan3A_7 = arith.constant 0 : i32
    %scan3A_8 = arith.constant 0 : i32
    %scan3A_9 = arith.constant 8 : i32
    %scan3A_10 = arith.addi %scan3A_8, %scan3A_9 : i32
    %scan3A_11 = arith.constant 1 : i32
    scf.for %scan3A_135 = %scan3A_8 to %scan3A_10 step %scan3A_11  : i32 {
      %mul3A_136 = arith.constant 640 : i32
      %mul3A_137 = arith.muli %arg1, %mul3A_136 : i32
      %mul3A_138 = arith.constant 80 : i32
      %mul3A_139 = arith.muli %scan3A_135, %mul3A_138 : i32
      %add3A_140 = arith.addi %mul3A_137, %mul3A_139 : i32
      "tpu.region"() ({
        %run_scoped3A_141 = tpu.sem_alloc : memref<!tpu.dma_semaphore, #tpu.memory_space<semaphore_mem>>
        %dma_start3A_142 = arith.constant 0 : i32
        %dma_start3A_143 = tpu.memref_slice %arg9[%add3A_140, %dma_start3A_142] : memref<10240x128xf32, #tpu.memory_space<vmem_shared>> -> memref<80x128xf32, #tpu.memory_space<vmem_shared>>
        %dma_start3A_144 = arith.constant 0 : i32
        %dma_start3A_145 = tpu.memref_slice %arg9[%add3A_140, %dma_start3A_144] : memref<10240x128xf32, #tpu.memory_space<vmem_shared>> -> memref<80x128xf32, #tpu.memory_space<vmem_shared>>
        tpu.enqueue_dma source(%arg7 : memref<80x128xf32, #tpu.memory_space<vmem>>) target(%dma_start3A_145 : memref<80x128xf32, #tpu.memory_space<vmem_shared>>) target_semaphore(%run_scoped3A_141 : memref<!tpu.dma_semaphore, #tpu.memory_space<semaphore_mem>>)
        %dma_wait3A = arith.constant 0 : i32
        %dma_wait3A_146 = tpu.memref_slice %arg9[%add3A_140, %dma_wait3A] : memref<10240x128xf32, #tpu.memory_space<vmem_shared>> -> memref<80x128xf32, #tpu.memory_space<vmem_shared>>
        %dma_wait3A_147 = arith.constant 0 : i32
        %dma_wait3A_148 = tpu.memref_slice %arg9[%add3A_140, %dma_wait3A_147] : memref<10240x128xf32, #tpu.memory_space<vmem_shared>> -> memref<80x128xf32, #tpu.memory_space<vmem_shared>>
        tpu.wait_dma2 semaphore(%run_scoped3A_141 : memref<!tpu.dma_semaphore, #tpu.memory_space<semaphore_mem>>) src(%arg7 : memref<80x128xf32, #tpu.memory_space<vmem>>) dst(%dma_wait3A_148 : memref<80x128xf32, #tpu.memory_space<vmem_shared>>)
        tpu.yield
      }) : () -> ()
    }
    %scan3A_12 = arith.constant 8 : i32
    %barrier3A = arith.constant 0 : index
    tpu.barrier barrier_id(%barrier3A)
    %run_scoped3A = arith.constant 0 : i32
    %run_scoped3A_13 = arith.constant 0 : i32
    "tpu.region"() ({
      %run_scoped3A_135 = tpu.sem_alloc : memref<!tpu.dma_semaphore, #tpu.memory_space<semaphore_mem>>
      %dma_start3A_136 = arith.constant 0 : i32
      %dma_start3A_137 = arith.constant 0 : i32
      %dma_start3A_138 = tpu.memref_slice %arg3[%run_scoped3A, %add3A, %run_scoped3A_13, %dma_start3A_136, %dma_start3A_137] : memref<2x32x5x25x80xi32, #tpu.memory_space<hbm>> -> memref<1x1x1x25x80xi32, #tpu.memory_space<hbm>>
      %dma_start3A_139 = tpu.memref_squeeze %dma_start3A_138 : memref<1x1x1x25x80xi32, #tpu.memory_space<hbm>> -> memref<25x80xi32, #tpu.memory_space<hbm>>
      %dma_start3A_140 = arith.constant 0 : i32
      %dma_start3A_141 = arith.constant 0 : i32
      %dma_start3A_142 = tpu.memref_slice %arg3[%run_scoped3A, %add3A, %run_scoped3A_13, %dma_start3A_140, %dma_start3A_141] : memref<2x32x5x25x80xi32, #tpu.memory_space<hbm>> -> memref<1x1x1x25x80xi32, #tpu.memory_space<hbm>>
      %dma_start3A_143 = tpu.memref_squeeze %dma_start3A_142 : memref<1x1x1x25x80xi32, #tpu.memory_space<hbm>> -> memref<25x80xi32, #tpu.memory_space<hbm>>
      tpu.enqueue_dma source(%dma_start3A_143 : memref<25x80xi32, #tpu.memory_space<hbm>>) target(%arg5 : memref<25x80xi32, #tpu.memory_space<vmem>>) target_semaphore(%run_scoped3A_135 : memref<!tpu.dma_semaphore, #tpu.memory_space<semaphore_mem>>)
      %dma_wait3A = arith.constant 0 : i32
      %dma_wait3A_144 = arith.constant 0 : i32
      %dma_wait3A_145 = tpu.memref_slice %arg3[%run_scoped3A, %add3A, %run_scoped3A_13, %dma_wait3A, %dma_wait3A_144] : memref<2x32x5x25x80xi32, #tpu.memory_space<hbm>> -> memref<1x1x1x25x80xi32, #tpu.memory_space<hbm>>
      %dma_wait3A_146 = tpu.memref_squeeze %dma_wait3A_145 : memref<1x1x1x25x80xi32, #tpu.memory_space<hbm>> -> memref<25x80xi32, #tpu.memory_space<hbm>>
      %dma_wait3A_147 = arith.constant 0 : i32
      %dma_wait3A_148 = arith.constant 0 : i32
      %dma_wait3A_149 = tpu.memref_slice %arg3[%run_scoped3A, %add3A, %run_scoped3A_13, %dma_wait3A_147, %dma_wait3A_148] : memref<2x32x5x25x80xi32, #tpu.memory_space<hbm>> -> memref<1x1x1x25x80xi32, #tpu.memory_space<hbm>>
      %dma_wait3A_150 = tpu.memref_squeeze %dma_wait3A_149 : memref<1x1x1x25x80xi32, #tpu.memory_space<hbm>> -> memref<25x80xi32, #tpu.memory_space<hbm>>
      tpu.wait_dma2 semaphore(%run_scoped3A_135 : memref<!tpu.dma_semaphore, #tpu.memory_space<semaphore_mem>>) src(%dma_wait3A_150 : memref<25x80xi32, #tpu.memory_space<hbm>>) dst(%arg5 : memref<25x80xi32, #tpu.memory_space<vmem>>)
      tpu.yield
    }) : () -> ()
    %run_scoped3A_14 = arith.constant 1 : i32
    %run_scoped3A_15 = arith.constant 0 : i32
    "tpu.region"() ({
      %run_scoped3A_135 = tpu.sem_alloc : memref<!tpu.dma_semaphore, #tpu.memory_space<semaphore_mem>>
      %dma_start3A_136 = arith.constant 0 : i32
      %dma_start3A_137 = arith.constant 0 : i32
      %dma_start3A_138 = tpu.memref_slice %arg3[%run_scoped3A_14, %add3A, %run_scoped3A_15, %dma_start3A_136, %dma_start3A_137] : memref<2x32x5x25x80xi32, #tpu.memory_space<hbm>> -> memref<1x1x1x25x80xi32, #tpu.memory_space<hbm>>
      %dma_start3A_139 = tpu.memref_squeeze %dma_start3A_138 : memref<1x1x1x25x80xi32, #tpu.memory_space<hbm>> -> memref<25x80xi32, #tpu.memory_space<hbm>>
      %dma_start3A_140 = arith.constant 0 : i32
      %dma_start3A_141 = arith.constant 0 : i32
      %dma_start3A_142 = tpu.memref_slice %arg3[%run_scoped3A_14, %add3A, %run_scoped3A_15, %dma_start3A_140, %dma_start3A_141] : memref<2x32x5x25x80xi32, #tpu.memory_space<hbm>> -> memref<1x1x1x25x80xi32, #tpu.memory_space<hbm>>
      %dma_start3A_143 = tpu.memref_squeeze %dma_start3A_142 : memref<1x1x1x25x80xi32, #tpu.memory_space<hbm>> -> memref<25x80xi32, #tpu.memory_space<hbm>>
      tpu.enqueue_dma source(%dma_start3A_143 : memref<25x80xi32, #tpu.memory_space<hbm>>) target(%arg6 : memref<25x80xi32, #tpu.memory_space<vmem>>) target_semaphore(%run_scoped3A_135 : memref<!tpu.dma_semaphore, #tpu.memory_space<semaphore_mem>>)
      %dma_wait3A = arith.constant 0 : i32
      %dma_wait3A_144 = arith.constant 0 : i32
      %dma_wait3A_145 = tpu.memref_slice %arg3[%run_scoped3A_14, %add3A, %run_scoped3A_15, %dma_wait3A, %dma_wait3A_144] : memref<2x32x5x25x80xi32, #tpu.memory_space<hbm>> -> memref<1x1x1x25x80xi32, #tpu.memory_space<hbm>>
      %dma_wait3A_146 = tpu.memref_squeeze %dma_wait3A_145 : memref<1x1x1x25x80xi32, #tpu.memory_space<hbm>> -> memref<25x80xi32, #tpu.memory_space<hbm>>
      %dma_wait3A_147 = arith.constant 0 : i32
      %dma_wait3A_148 = arith.constant 0 : i32
      %dma_wait3A_149 = tpu.memref_slice %arg3[%run_scoped3A_14, %add3A, %run_scoped3A_15, %dma_wait3A_147, %dma_wait3A_148] : memref<2x32x5x25x80xi32, #tpu.memory_space<hbm>> -> memref<1x1x1x25x80xi32, #tpu.memory_space<hbm>>
      %dma_wait3A_150 = tpu.memref_squeeze %dma_wait3A_149 : memref<1x1x1x25x80xi32, #tpu.memory_space<hbm>> -> memref<25x80xi32, #tpu.memory_space<hbm>>
      tpu.wait_dma2 semaphore(%run_scoped3A_135 : memref<!tpu.dma_semaphore, #tpu.memory_space<semaphore_mem>>) src(%dma_wait3A_150 : memref<25x80xi32, #tpu.memory_space<hbm>>) dst(%arg6 : memref<25x80xi32, #tpu.memory_space<vmem>>)
      tpu.yield
    }) : () -> ()
    %scan3A_16 = arith.constant 0 : i32
    %scan3A_17 = arith.constant 0 : i32
    %scan3A_18 = arith.constant 25 : i32
    %scan3A_19 = arith.addi %scan3A_17, %scan3A_18 : i32
    %scan3A_20 = arith.constant 1 : i32
    scf.for %scan3A_135 = %scan3A_17 to %scan3A_19 step %scan3A_20  : i32 {
      %get3A = arith.index_cast %scan3A_135 : i32 to index
      %get3A_136 = arith.constant 0 : index
      %get3A_137 = tpu.vector_load %arg5[%get3A, %get3A_136] {strides = array<i32>} : memref<25x80xi32, #tpu.memory_space<vmem>>, vector<16xi32>,
      %get3A_138 = arith.index_cast %scan3A_135 : i32 to index
      %get3A_139 = arith.constant 0 : index
      %get3A_140 = tpu.vector_load %arg6[%get3A_138, %get3A_139] {strides = array<i32>} : memref<25x80xi32, #tpu.memory_space<vmem>>, vector<16xi32>,
      %eq3A_141 = arith.cmpi eq, %get3A_137, %get3A_140 : vector<16xi32>
      %jit3A = arith.constant 10000 : i32
      %broadcast_in_dim3A_142 = vector.broadcast %jit3A : i32 to vector<16xi32>
      %select_n3A = arith.select %eq3A_141, %broadcast_in_dim3A_142, %get3A_137 : vector<16xi1>, vector<16xi32>
      %swap3A = arith.index_cast %scan3A_135 : i32 to index
      %swap3A_143 = arith.constant 0 : index
      %swap3A_144 = tpu.vector_load %arg5[%swap3A, %swap3A_143] {strides = array<i32>} : memref<25x80xi32, #tpu.memory_space<vmem>>, vector<16xi32>,
      tpu.vector_store %arg5[%swap3A, %swap3A_143], %select_n3A {strides = array<i32>} : memref<25x80xi32, #tpu.memory_space<vmem>>, vector<16xi32>,
      %get3A_145 = arith.index_cast %scan3A_135 : i32 to index
      %get3A_146 = arith.constant 16 : index
      %get3A_147 = tpu.vector_load %arg5[%get3A_145, %get3A_146] {strides = array<i32>} : memref<25x80xi32, #tpu.memory_space<vmem>>, vector<16xi32>,
      %get3A_148 = arith.index_cast %scan3A_135 : i32 to index
      %get3A_149 = arith.constant 16 : index
      %get3A_150 = tpu.vector_load %arg6[%get3A_148, %get3A_149] {strides = array<i32>} : memref<25x80xi32, #tpu.memory_space<vmem>>, vector<16xi32>,
      %eq3A_151 = arith.cmpi eq, %get3A_147, %get3A_150 : vector<16xi32>
      %jit3A_152 = arith.constant 10000 : i32
      %broadcast_in_dim3A_153 = vector.broadcast %jit3A_152 : i32 to vector<16xi32>
      %select_n3A_154 = arith.select %eq3A_151, %broadcast_in_dim3A_153, %get3A_147 : vector<16xi1>, vector<16xi32>
      %swap3A_155 = arith.index_cast %scan3A_135 : i32 to index
      %swap3A_156 = arith.constant 16 : index
      %swap3A_157 = tpu.vector_load %arg5[%swap3A_155, %swap3A_156] {strides = array<i32>} : memref<25x80xi32, #tpu.memory_space<vmem>>, vector<16xi32>,
      tpu.vector_store %arg5[%swap3A_155, %swap3A_156], %select_n3A_154 {strides = array<i32>} : memref<25x80xi32, #tpu.memory_space<vmem>>, vector<16xi32>,
      %get3A_158 = arith.index_cast %scan3A_135 : i32 to index
      %get3A_159 = arith.constant 32 : index
      %get3A_160 = tpu.vector_load %arg5[%get3A_158, %get3A_159] {strides = array<i32>} : memref<25x80xi32, #tpu.memory_space<vmem>>, vector<16xi32>,
      %get3A_161 = arith.index_cast %scan3A_135 : i32 to index
      %get3A_162 = arith.constant 32 : index
      %get3A_163 = tpu.vector_load %arg6[%get3A_161, %get3A_162] {strides = array<i32>} : memref<25x80xi32, #tpu.memory_space<vmem>>, vector<16xi32>,
      %eq3A_164 = arith.cmpi eq, %get3A_160, %get3A_163 : vector<16xi32>
      %jit3A_165 = arith.constant 10000 : i32
      %broadcast_in_dim3A_166 = vector.broadcast %jit3A_165 : i32 to vector<16xi32>
      %select_n3A_167 = arith.select %eq3A_164, %broadcast_in_dim3A_166, %get3A_160 : vector<16xi1>, vector<16xi32>
      %swap3A_168 = arith.index_cast %scan3A_135 : i32 to index
      %swap3A_169 = arith.constant 32 : index
      %swap3A_170 = tpu.vector_load %arg5[%swap3A_168, %swap3A_169] {strides = array<i32>} : memref<25x80xi32, #tpu.memory_space<vmem>>, vector<16xi32>,
      tpu.vector_store %arg5[%swap3A_168, %swap3A_169], %select_n3A_167 {strides = array<i32>} : memref<25x80xi32, #tpu.memory_space<vmem>>, vector<16xi32>,
      %get3A_171 = arith.index_cast %scan3A_135 : i32 to index
      %get3A_172 = arith.constant 48 : index
      %get3A_173 = tpu.vector_load %arg5[%get3A_171, %get3A_172] {strides = array<i32>} : memref<25x80xi32, #tpu.memory_space<vmem>>, vector<16xi32>,
      %get3A_174 = arith.index_cast %scan3A_135 : i32 to index
      %get3A_175 = arith.constant 48 : index
      %get3A_176 = tpu.vector_load %arg6[%get3A_174, %get3A_175] {strides = array<i32>} : memref<25x80xi32, #tpu.memory_space<vmem>>, vector<16xi32>,
      %eq3A_177 = arith.cmpi eq, %get3A_173, %get3A_176 : vector<16xi32>
      %jit3A_178 = arith.constant 10000 : i32
      %broadcast_in_dim3A_179 = vector.broadcast %jit3A_178 : i32 to vector<16xi32>
      %select_n3A_180 = arith.select %eq3A_177, %broadcast_in_dim3A_179, %get3A_173 : vector<16xi1>, vector<16xi32>
      %swap3A_181 = arith.index_cast %scan3A_135 : i32 to index
      %swap3A_182 = arith.constant 48 : index
      %swap3A_183 = tpu.vector_load %arg5[%swap3A_181, %swap3A_182] {strides = array<i32>} : memref<25x80xi32, #tpu.memory_space<vmem>>, vector<16xi32>,
      tpu.vector_store %arg5[%swap3A_181, %swap3A_182], %select_n3A_180 {strides = array<i32>} : memref<25x80xi32, #tpu.memory_space<vmem>>, vector<16xi32>,
      %get3A_184 = arith.index_cast %scan3A_135 : i32 to index
      %get3A_185 = arith.constant 64 : index
      %get3A_186 = tpu.vector_load %arg5[%get3A_184, %get3A_185] {strides = array<i32>} : memref<25x80xi32, #tpu.memory_space<vmem>>, vector<16xi32>,
      %get3A_187 = arith.index_cast %scan3A_135 : i32 to index
      %get3A_188 = arith.constant 64 : index
      %get3A_189 = tpu.vector_load %arg6[%get3A_187, %get3A_188] {strides = array<i32>} : memref<25x80xi32, #tpu.memory_space<vmem>>, vector<16xi32>,
      %eq3A_190 = arith.cmpi eq, %get3A_186, %get3A_189 : vector<16xi32>
      %jit3A_191 = arith.constant 10000 : i32
      %broadcast_in_dim3A_192 = vector.broadcast %jit3A_191 : i32 to vector<16xi32>
      %select_n3A_193 = arith.select %eq3A_190, %broadcast_in_dim3A_192, %get3A_186 : vector<16xi1>, vector<16xi32>
      %swap3A_194 = arith.index_cast %scan3A_135 : i32 to index
      %swap3A_195 = arith.constant 64 : index
      %swap3A_196 = tpu.vector_load %arg5[%swap3A_194, %swap3A_195] {strides = array<i32>} : memref<25x80xi32, #tpu.memory_space<vmem>>, vector<16xi32>,
      tpu.vector_store %arg5[%swap3A_194, %swap3A_195], %select_n3A_193 {strides = array<i32>} : memref<25x80xi32, #tpu.memory_space<vmem>>, vector<16xi32>,
    }
    %scan3A_21 = arith.constant 25 : i32
    %dma_start3A = arith.constant 0 : i32
    %dma_start3A_22 = arith.constant 0 : i32
    %dma_start3A_23 = tpu.memref_slice %arg6[%dma_start3A, %dma_start3A_22] : memref<25x80xi32, #tpu.memory_space<vmem>> -> memref<1x80xi32, #tpu.memory_space<vmem>>
    %dma_start3A_24 = tpu.memref_squeeze %dma_start3A_23 : memref<1x80xi32, #tpu.memory_space<vmem>> -> memref<80xi32, #tpu.memory_space<vmem>>
    %dma_start3A_25 = arith.constant 0 : i32
    %dma_start3A_26 = arith.constant 0 : i32
    %dma_start3A_27 = tpu.memref_slice %arg2[%dma_start3A_25, %dma_start3A_26] : memref<10000x128xf32, #tpu.memory_space<hbm>> -> memref<10000x128xf32, #tpu.memory_space<hbm>>
    tpu.enqueue_indirect_dma source(%dma_start3A_27 : memref<10000x128xf32, #tpu.memory_space<hbm>>) target(%arg7 : memref<80x128xf32, #tpu.memory_space<vmem>>) offsets(%dma_start3A_24 : memref<80xi32, #tpu.memory_space<vmem>>) semaphore(%arg10 : memref<!tpu.dma_semaphore, #tpu.memory_space<semaphore_mem>>)
    %scan3A_28 = arith.constant 0 : i32
    %scan3A_29 = arith.constant 0 : i32
    %scan3A_30 = arith.constant 13 : i32
    %scan3A_31 = arith.addi %scan3A_29, %scan3A_30 : i32
    %scan3A_32 = arith.constant 1 : i32
    scf.for %scan3A_135 = %scan3A_29 to %scan3A_31 step %scan3A_32  : i32 {
      %mul3A_136 = arith.constant 2 : i32
      %mul3A_137 = arith.muli %mul3A_136, %scan3A_135 : i32
      %mul3A_138 = arith.constant 2 : i32
      %mul3A_139 = arith.muli %mul3A_138, %scan3A_135 : i32
      %add3A_140 = arith.constant 1 : i32
      %add3A_141 = arith.addi %mul3A_139, %add3A_140 : i32
      %lt3A_142 = arith.constant 25 : i32
      %lt3A_143 = arith.cmpi slt, %add3A_141, %lt3A_142 : i32
      %convert_element_type3A_144 = arith.extui %lt3A_143 : i1 to i32
      %cond3A_145 = arith.constant 0 : i32
      %cond3A_146 = arith.cmpi ne, %convert_element_type3A_144, %cond3A_145 : i32
      scf.if %cond3A_146 {
        %dma_start3A_164 = arith.constant 0 : i32
        %dma_start3A_165 = tpu.memref_slice %arg6[%add3A_141, %dma_start3A_164] : memref<25x80xi32, #tpu.memory_space<vmem>> -> memref<1x80xi32, #tpu.memory_space<vmem>>
        %dma_start3A_166 = tpu.memref_squeeze %dma_start3A_165 : memref<1x80xi32, #tpu.memory_space<vmem>> -> memref<80xi32, #tpu.memory_space<vmem>>
        %dma_start3A_167 = arith.constant 0 : i32
        %dma_start3A_168 = arith.constant 0 : i32
        %dma_start3A_169 = tpu.memref_slice %arg2[%dma_start3A_167, %dma_start3A_168] : memref<10000x128xf32, #tpu.memory_space<hbm>> -> memref<10000x128xf32, #tpu.memory_space<hbm>>
        tpu.enqueue_indirect_dma source(%dma_start3A_169 : memref<10000x128xf32, #tpu.memory_space<hbm>>) target(%arg8 : memref<80x128xf32, #tpu.memory_space<vmem>>) offsets(%dma_start3A_166 : memref<80xi32, #tpu.memory_space<vmem>>) semaphore(%arg11 : memref<!tpu.dma_semaphore, #tpu.memory_space<semaphore_mem>>)
      } else {
      }
      %dma_wait3A = arith.constant 0 : i32
      %dma_wait3A_147 = tpu.memref_slice %arg6[%mul3A_137, %dma_wait3A] : memref<25x80xi32, #tpu.memory_space<vmem>> -> memref<1x80xi32, #tpu.memory_space<vmem>>
      %dma_wait3A_148 = tpu.memref_squeeze %dma_wait3A_147 : memref<1x80xi32, #tpu.memory_space<vmem>> -> memref<80xi32, #tpu.memory_space<vmem>>
      %dma_wait3A_149 = arith.constant 0 : i32
      %dma_wait3A_150 = arith.constant 0 : i32
      %dma_wait3A_151 = tpu.memref_slice %arg2[%dma_wait3A_149, %dma_wait3A_150] : memref<10000x128xf32, #tpu.memory_space<hbm>> -> memref<10000x128xf32, #tpu.memory_space<hbm>>
      tpu.wait_indirect_dma semaphore(%arg10 : memref<!tpu.dma_semaphore, #tpu.memory_space<semaphore_mem>>) src(%dma_wait3A_151 : memref<10000x128xf32, #tpu.memory_space<hbm>>) dst(%arg7 : memref<80x128xf32, #tpu.memory_space<vmem>>)
      "tpu.region"() ({
        %run_scoped3A_164 = tpu.sem_alloc : memref<!tpu.dma_semaphore, #tpu.memory_space<semaphore_mem>>
        %dma_start3A_165 = arith.constant 0 : i32
        %dma_start3A_166 = tpu.memref_slice %arg5[%mul3A_137, %dma_start3A_165] : memref<25x80xi32, #tpu.memory_space<vmem>> -> memref<1x80xi32, #tpu.memory_space<vmem>>
        %dma_start3A_167 = tpu.memref_squeeze %dma_start3A_166 : memref<1x80xi32, #tpu.memory_space<vmem>> -> memref<80xi32, #tpu.memory_space<vmem>>
        %dma_start3A_168 = arith.constant 0 : i32
        %dma_start3A_169 = arith.constant 0 : i32
        %dma_start3A_170 = tpu.memref_slice %arg9[%dma_start3A_168, %dma_start3A_169] : memref<10240x128xf32, #tpu.memory_space<vmem_shared>> -> memref<10240x128xf32, #tpu.memory_space<vmem_shared>>
        tpu.enqueue_indirect_dma source(%arg7 : memref<80x128xf32, #tpu.memory_space<vmem>>) target(%dma_start3A_170 : memref<10240x128xf32, #tpu.memory_space<vmem_shared>>) offsets(%dma_start3A_167 : memref<80xi32, #tpu.memory_space<vmem>>) semaphore(%run_scoped3A_164 : memref<!tpu.dma_semaphore, #tpu.memory_space<semaphore_mem>>) {add = true}
        %dma_wait3A_171 = arith.constant 0 : i32
        %dma_wait3A_172 = tpu.memref_slice %arg5[%mul3A_137, %dma_wait3A_171] : memref<25x80xi32, #tpu.memory_space<vmem>> -> memref<1x80xi32, #tpu.memory_space<vmem>>
        %dma_wait3A_173 = tpu.memref_squeeze %dma_wait3A_172 : memref<1x80xi32, #tpu.memory_space<vmem>> -> memref<80xi32, #tpu.memory_space<vmem>>
        %dma_wait3A_174 = arith.constant 0 : i32
        %dma_wait3A_175 = arith.constant 0 : i32
        %dma_wait3A_176 = tpu.memref_slice %arg9[%dma_wait3A_174, %dma_wait3A_175] : memref<10240x128xf32, #tpu.memory_space<vmem_shared>> -> memref<10240x128xf32, #tpu.memory_space<vmem_shared>>
        tpu.wait_indirect_dma semaphore(%run_scoped3A_164 : memref<!tpu.dma_semaphore, #tpu.memory_space<semaphore_mem>>) src(%arg7 : memref<80x128xf32, #tpu.memory_space<vmem>>) dst(%dma_wait3A_176 : memref<10240x128xf32, #tpu.memory_space<vmem_shared>>)
        tpu.yield
      }) : () -> ()
      %add3A_152 = arith.constant 2 : i32
      %add3A_153 = arith.addi %mul3A_137, %add3A_152 : i32
      %lt3A_154 = arith.constant 25 : i32
      %lt3A_155 = arith.cmpi slt, %add3A_153, %lt3A_154 : i32
      %convert_element_type3A_156 = arith.extui %lt3A_155 : i1 to i32
      %cond3A_157 = arith.constant 0 : i32
      %cond3A_158 = arith.cmpi ne, %convert_element_type3A_156, %cond3A_157 : i32
      scf.if %cond3A_158 {
        %add3A_164 = arith.constant 2 : i32
        %add3A_165 = arith.addi %mul3A_137, %add3A_164 : i32
        %dma_start3A_166 = arith.constant 0 : i32
        %dma_start3A_167 = tpu.memref_slice %arg6[%add3A_165, %dma_start3A_166] : memref<25x80xi32, #tpu.memory_space<vmem>> -> memref<1x80xi32, #tpu.memory_space<vmem>>
        %dma_start3A_168 = tpu.memref_squeeze %dma_start3A_167 : memref<1x80xi32, #tpu.memory_space<vmem>> -> memref<80xi32, #tpu.memory_space<vmem>>
        %dma_start3A_169 = arith.constant 0 : i32
        %dma_start3A_170 = arith.constant 0 : i32
        %dma_start3A_171 = tpu.memref_slice %arg2[%dma_start3A_169, %dma_start3A_170] : memref<10000x128xf32, #tpu.memory_space<hbm>> -> memref<10000x128xf32, #tpu.memory_space<hbm>>
        tpu.enqueue_indirect_dma source(%dma_start3A_171 : memref<10000x128xf32, #tpu.memory_space<hbm>>) target(%arg7 : memref<80x128xf32, #tpu.memory_space<vmem>>) offsets(%dma_start3A_168 : memref<80xi32, #tpu.memory_space<vmem>>) semaphore(%arg10 : memref<!tpu.dma_semaphore, #tpu.memory_space<semaphore_mem>>)
      } else {
      }
      %lt3A_159 = arith.constant 25 : i32
      %lt3A_160 = arith.cmpi slt, %add3A_141, %lt3A_159 : i32
      %convert_element_type3A_161 = arith.extui %lt3A_160 : i1 to i32
      %cond3A_162 = arith.constant 0 : i32
      %cond3A_163 = arith.cmpi ne, %convert_element_type3A_161, %cond3A_162 : i32
      scf.if %cond3A_163 {
        %dma_wait3A_164 = arith.constant 0 : i32
        %dma_wait3A_165 = tpu.memref_slice %arg6[%add3A_141, %dma_wait3A_164] : memref<25x80xi32, #tpu.memory_space<vmem>> -> memref<1x80xi32, #tpu.memory_space<vmem>>
        %dma_wait3A_166 = tpu.memref_squeeze %dma_wait3A_165 : memref<1x80xi32, #tpu.memory_space<vmem>> -> memref<80xi32, #tpu.memory_space<vmem>>
        %dma_wait3A_167 = arith.constant 0 : i32
        %dma_wait3A_168 = arith.constant 0 : i32
        %dma_wait3A_169 = tpu.memref_slice %arg2[%dma_wait3A_167, %dma_wait3A_168] : memref<10000x128xf32, #tpu.memory_space<hbm>> -> memref<10000x128xf32, #tpu.memory_space<hbm>>
        tpu.wait_indirect_dma semaphore(%arg11 : memref<!tpu.dma_semaphore, #tpu.memory_space<semaphore_mem>>) src(%dma_wait3A_169 : memref<10000x128xf32, #tpu.memory_space<hbm>>) dst(%arg8 : memref<80x128xf32, #tpu.memory_space<vmem>>)
        "tpu.region"() ({
          %run_scoped3A_170 = tpu.sem_alloc : memref<!tpu.dma_semaphore, #tpu.memory_space<semaphore_mem>>
          %dma_start3A_171 = arith.constant 0 : i32
          %dma_start3A_172 = tpu.memref_slice %arg5[%add3A_141, %dma_start3A_171] : memref<25x80xi32, #tpu.memory_space<vmem>> -> memref<1x80xi32, #tpu.memory_space<vmem>>
          %dma_start3A_173 = tpu.memref_squeeze %dma_start3A_172 : memref<1x80xi32, #tpu.memory_space<vmem>> -> memref<80xi32, #tpu.memory_space<vmem>>
          %dma_start3A_174 = arith.constant 0 : i32
          %dma_start3A_175 = arith.constant 0 : i32
          %dma_start3A_176 = tpu.memref_slice %arg9[%dma_start3A_174, %dma_start3A_175] : memref<10240x128xf32, #tpu.memory_space<vmem_shared>> -> memref<10240x128xf32, #tpu.memory_space<vmem_shared>>
          tpu.enqueue_indirect_dma source(%arg8 : memref<80x128xf32, #tpu.memory_space<vmem>>) target(%dma_start3A_176 : memref<10240x128xf32, #tpu.memory_space<vmem_shared>>) offsets(%dma_start3A_173 : memref<80xi32, #tpu.memory_space<vmem>>) semaphore(%run_scoped3A_170 : memref<!tpu.dma_semaphore, #tpu.memory_space<semaphore_mem>>) {add = true}
          %dma_wait3A_177 = arith.constant 0 : i32
          %dma_wait3A_178 = tpu.memref_slice %arg5[%add3A_141, %dma_wait3A_177] : memref<25x80xi32, #tpu.memory_space<vmem>> -> memref<1x80xi32, #tpu.memory_space<vmem>>
          %dma_wait3A_179 = tpu.memref_squeeze %dma_wait3A_178 : memref<1x80xi32, #tpu.memory_space<vmem>> -> memref<80xi32, #tpu.memory_space<vmem>>
          %dma_wait3A_180 = arith.constant 0 : i32
          %dma_wait3A_181 = arith.constant 0 : i32
          %dma_wait3A_182 = tpu.memref_slice %arg9[%dma_wait3A_180, %dma_wait3A_181] : memref<10240x128xf32, #tpu.memory_space<vmem_shared>> -> memref<10240x128xf32, #tpu.memory_space<vmem_shared>>
          tpu.wait_indirect_dma semaphore(%run_scoped3A_170 : memref<!tpu.dma_semaphore, #tpu.memory_space<semaphore_mem>>) src(%arg8 : memref<80x128xf32, #tpu.memory_space<vmem>>) dst(%dma_wait3A_182 : memref<10240x128xf32, #tpu.memory_space<vmem_shared>>)
          tpu.yield
        }) : () -> ()
      } else {
      }
    }
    %scan3A_33 = arith.constant 13 : i32
    %run_scoped3A_34 = arith.constant 0 : i32
    %run_scoped3A_35 = arith.constant 1 : i32
    "tpu.region"() ({
      %run_scoped3A_135 = tpu.sem_alloc : memref<!tpu.dma_semaphore, #tpu.memory_space<semaphore_mem>>
      %dma_start3A_136 = arith.constant 0 : i32
      %dma_start3A_137 = arith.constant 0 : i32
      %dma_start3A_138 = tpu.memref_slice %arg3[%run_scoped3A_34, %add3A, %run_scoped3A_35, %dma_start3A_136, %dma_start3A_137] : memref<2x32x5x25x80xi32, #tpu.memory_space<hbm>> -> memref<1x1x1x25x80xi32, #tpu.memory_space<hbm>>
      %dma_start3A_139 = tpu.memref_squeeze %dma_start3A_138 : memref<1x1x1x25x80xi32, #tpu.memory_space<hbm>> -> memref<25x80xi32, #tpu.memory_space<hbm>>
      %dma_start3A_140 = arith.constant 0 : i32
      %dma_start3A_141 = arith.constant 0 : i32
      %dma_start3A_142 = tpu.memref_slice %arg3[%run_scoped3A_34, %add3A, %run_scoped3A_35, %dma_start3A_140, %dma_start3A_141] : memref<2x32x5x25x80xi32, #tpu.memory_space<hbm>> -> memref<1x1x1x25x80xi32, #tpu.memory_space<hbm>>
      %dma_start3A_143 = tpu.memref_squeeze %dma_start3A_142 : memref<1x1x1x25x80xi32, #tpu.memory_space<hbm>> -> memref<25x80xi32, #tpu.memory_space<hbm>>
      tpu.enqueue_dma source(%dma_start3A_143 : memref<25x80xi32, #tpu.memory_space<hbm>>) target(%arg5 : memref<25x80xi32, #tpu.memory_space<vmem>>) target_semaphore(%run_scoped3A_135 : memref<!tpu.dma_semaphore, #tpu.memory_space<semaphore_mem>>)
      %dma_wait3A = arith.constant 0 : i32
      %dma_wait3A_144 = arith.constant 0 : i32
      %dma_wait3A_145 = tpu.memref_slice %arg3[%run_scoped3A_34, %add3A, %run_scoped3A_35, %dma_wait3A, %dma_wait3A_144] : memref<2x32x5x25x80xi32, #tpu.memory_space<hbm>> -> memref<1x1x1x25x80xi32, #tpu.memory_space<hbm>>
      %dma_wait3A_146 = tpu.memref_squeeze %dma_wait3A_145 : memref<1x1x1x25x80xi32, #tpu.memory_space<hbm>> -> memref<25x80xi32, #tpu.memory_space<hbm>>
      %dma_wait3A_147 = arith.constant 0 : i32
      %dma_wait3A_148 = arith.constant 0 : i32
      %dma_wait3A_149 = tpu.memref_slice %arg3[%run_scoped3A_34, %add3A, %run_scoped3A_35, %dma_wait3A_147, %dma_wait3A_148] : memref<2x32x5x25x80xi32, #tpu.memory_space<hbm>> -> memref<1x1x1x25x80xi32, #tpu.memory_space<hbm>>
      %dma_wait3A_150 = tpu.memref_squeeze %dma_wait3A_149 : memref<1x1x1x25x80xi32, #tpu.memory_space<hbm>> -> memref<25x80xi32, #tpu.memory_space<hbm>>
      tpu.wait_dma2 semaphore(%run_scoped3A_135 : memref<!tpu.dma_semaphore, #tpu.memory_space<semaphore_mem>>) src(%dma_wait3A_150 : memref<25x80xi32, #tpu.memory_space<hbm>>) dst(%arg5 : memref<25x80xi32, #tpu.memory_space<vmem>>)
      tpu.yield
    }) : () -> ()
    %run_scoped3A_36 = arith.constant 1 : i32
    %run_scoped3A_37 = arith.constant 1 : i32
    "tpu.region"() ({
      %run_scoped3A_135 = tpu.sem_alloc : memref<!tpu.dma_semaphore, #tpu.memory_space<semaphore_mem>>
      %dma_start3A_136 = arith.constant 0 : i32
      %dma_start3A_137 = arith.constant 0 : i32
      %dma_start3A_138 = tpu.memref_slice %arg3[%run_scoped3A_36, %add3A, %run_scoped3A_37, %dma_start3A_136, %dma_start3A_137] : memref<2x32x5x25x80xi32, #tpu.memory_space<hbm>> -> memref<1x1x1x25x80xi32, #tpu.memory_space<hbm>>
      %dma_start3A_139 = tpu.memref_squeeze %dma_start3A_138 : memref<1x1x1x25x80xi32, #tpu.memory_space<hbm>> -> memref<25x80xi32, #tpu.memory_space<hbm>>
      %dma_start3A_140 = arith.constant 0 : i32
      %dma_start3A_141 = arith.constant 0 : i32
      %dma_start3A_142 = tpu.memref_slice %arg3[%run_scoped3A_36, %add3A, %run_scoped3A_37, %dma_start3A_140, %dma_start3A_141] : memref<2x32x5x25x80xi32, #tpu.memory_space<hbm>> -> memref<1x1x1x25x80xi32, #tpu.memory_space<hbm>>
      %dma_start3A_143 = tpu.memref_squeeze %dma_start3A_142 : memref<1x1x1x25x80xi32, #tpu.memory_space<hbm>> -> memref<25x80xi32, #tpu.memory_space<hbm>>
      tpu.enqueue_dma source(%dma_start3A_143 : memref<25x80xi32, #tpu.memory_space<hbm>>) target(%arg6 : memref<25x80xi32, #tpu.memory_space<vmem>>) target_semaphore(%run_scoped3A_135 : memref<!tpu.dma_semaphore, #tpu.memory_space<semaphore_mem>>)
      %dma_wait3A = arith.constant 0 : i32
      %dma_wait3A_144 = arith.constant 0 : i32
      %dma_wait3A_145 = tpu.memref_slice %arg3[%run_scoped3A_36, %add3A, %run_scoped3A_37, %dma_wait3A, %dma_wait3A_144] : memref<2x32x5x25x80xi32, #tpu.memory_space<hbm>> -> memref<1x1x1x25x80xi32, #tpu.memory_space<hbm>>
      %dma_wait3A_146 = tpu.memref_squeeze %dma_wait3A_145 : memref<1x1x1x25x80xi32, #tpu.memory_space<hbm>> -> memref<25x80xi32, #tpu.memory_space<hbm>>
      %dma_wait3A_147 = arith.constant 0 : i32
      %dma_wait3A_148 = arith.constant 0 : i32
      %dma_wait3A_149 = tpu.memref_slice %arg3[%run_scoped3A_36, %add3A, %run_scoped3A_37, %dma_wait3A_147, %dma_wait3A_148] : memref<2x32x5x25x80xi32, #tpu.memory_space<hbm>> -> memref<1x1x1x25x80xi32, #tpu.memory_space<hbm>>
      %dma_wait3A_150 = tpu.memref_squeeze %dma_wait3A_149 : memref<1x1x1x25x80xi32, #tpu.memory_space<hbm>> -> memref<25x80xi32, #tpu.memory_space<hbm>>
      tpu.wait_dma2 semaphore(%run_scoped3A_135 : memref<!tpu.dma_semaphore, #tpu.memory_space<semaphore_mem>>) src(%dma_wait3A_150 : memref<25x80xi32, #tpu.memory_space<hbm>>) dst(%arg6 : memref<25x80xi32, #tpu.memory_space<vmem>>)
      tpu.yield
    }) : () -> ()
    %scan3A_38 = arith.constant 0 : i32
    %scan3A_39 = arith.constant 0 : i32
    %scan3A_40 = arith.constant 25 : i32
    %scan3A_41 = arith.addi %scan3A_39, %scan3A_40 : i32
    %scan3A_42 = arith.constant 1 : i32
    scf.for %scan3A_135 = %scan3A_39 to %scan3A_41 step %scan3A_42  : i32 {
      %get3A = arith.index_cast %scan3A_135 : i32 to index
      %get3A_136 = arith.constant 0 : index
      %get3A_137 = tpu.vector_load %arg5[%get3A, %get3A_136] {strides = array<i32>} : memref<25x80xi32, #tpu.memory_space<vmem>>, vector<16xi32>,
      %get3A_138 = arith.index_cast %scan3A_135 : i32 to index
      %get3A_139 = arith.constant 0 : index
      %get3A_140 = tpu.vector_load %arg6[%get3A_138, %get3A_139] {strides = array<i32>} : memref<25x80xi32, #tpu.memory_space<vmem>>, vector<16xi32>,
      %eq3A_141 = arith.cmpi eq, %get3A_137, %get3A_140 : vector<16xi32>
      %jit3A = arith.constant 10000 : i32
      %broadcast_in_dim3A_142 = vector.broadcast %jit3A : i32 to vector<16xi32>
      %select_n3A = arith.select %eq3A_141, %broadcast_in_dim3A_142, %get3A_137 : vector<16xi1>, vector<16xi32>
      %swap3A = arith.index_cast %scan3A_135 : i32 to index
      %swap3A_143 = arith.constant 0 : index
      %swap3A_144 = tpu.vector_load %arg5[%swap3A, %swap3A_143] {strides = array<i32>} : memref<25x80xi32, #tpu.memory_space<vmem>>, vector<16xi32>,
      tpu.vector_store %arg5[%swap3A, %swap3A_143], %select_n3A {strides = array<i32>} : memref<25x80xi32, #tpu.memory_space<vmem>>, vector<16xi32>,
      %get3A_145 = arith.index_cast %scan3A_135 : i32 to index
      %get3A_146 = arith.constant 16 : index
      %get3A_147 = tpu.vector_load %arg5[%get3A_145, %get3A_146] {strides = array<i32>} : memref<25x80xi32, #tpu.memory_space<vmem>>, vector<16xi32>,
      %get3A_148 = arith.index_cast %scan3A_135 : i32 to index
      %get3A_149 = arith.constant 16 : index
      %get3A_150 = tpu.vector_load %arg6[%get3A_148, %get3A_149] {strides = array<i32>} : memref<25x80xi32, #tpu.memory_space<vmem>>, vector<16xi32>,
      %eq3A_151 = arith.cmpi eq, %get3A_147, %get3A_150 : vector<16xi32>
      %jit3A_152 = arith.constant 10000 : i32
      %broadcast_in_dim3A_153 = vector.broadcast %jit3A_152 : i32 to vector<16xi32>
      %select_n3A_154 = arith.select %eq3A_151, %broadcast_in_dim3A_153, %get3A_147 : vector<16xi1>, vector<16xi32>
      %swap3A_155 = arith.index_cast %scan3A_135 : i32 to index
      %swap3A_156 = arith.constant 16 : index
      %swap3A_157 = tpu.vector_load %arg5[%swap3A_155, %swap3A_156] {strides = array<i32>} : memref<25x80xi32, #tpu.memory_space<vmem>>, vector<16xi32>,
      tpu.vector_store %arg5[%swap3A_155, %swap3A_156], %select_n3A_154 {strides = array<i32>} : memref<25x80xi32, #tpu.memory_space<vmem>>, vector<16xi32>,
      %get3A_158 = arith.index_cast %scan3A_135 : i32 to index
      %get3A_159 = arith.constant 32 : index
      %get3A_160 = tpu.vector_load %arg5[%get3A_158, %get3A_159] {strides = array<i32>} : memref<25x80xi32, #tpu.memory_space<vmem>>, vector<16xi32>,
      %get3A_161 = arith.index_cast %scan3A_135 : i32 to index
      %get3A_162 = arith.constant 32 : index
      %get3A_163 = tpu.vector_load %arg6[%get3A_161, %get3A_162] {strides = array<i32>} : memref<25x80xi32, #tpu.memory_space<vmem>>, vector<16xi32>,
      %eq3A_164 = arith.cmpi eq, %get3A_160, %get3A_163 : vector<16xi32>
      %jit3A_165 = arith.constant 10000 : i32
      %broadcast_in_dim3A_166 = vector.broadcast %jit3A_165 : i32 to vector<16xi32>
      %select_n3A_167 = arith.select %eq3A_164, %broadcast_in_dim3A_166, %get3A_160 : vector<16xi1>, vector<16xi32>
      %swap3A_168 = arith.index_cast %scan3A_135 : i32 to index
      %swap3A_169 = arith.constant 32 : index
      %swap3A_170 = tpu.vector_load %arg5[%swap3A_168, %swap3A_169] {strides = array<i32>} : memref<25x80xi32, #tpu.memory_space<vmem>>, vector<16xi32>,
      tpu.vector_store %arg5[%swap3A_168, %swap3A_169], %select_n3A_167 {strides = array<i32>} : memref<25x80xi32, #tpu.memory_space<vmem>>, vector<16xi32>,
      %get3A_171 = arith.index_cast %scan3A_135 : i32 to index
      %get3A_172 = arith.constant 48 : index
      %get3A_173 = tpu.vector_load %arg5[%get3A_171, %get3A_172] {strides = array<i32>} : memref<25x80xi32, #tpu.memory_space<vmem>>, vector<16xi32>,
      %get3A_174 = arith.index_cast %scan3A_135 : i32 to index
      %get3A_175 = arith.constant 48 : index
      %get3A_176 = tpu.vector_load %arg6[%get3A_174, %get3A_175] {strides = array<i32>} : memref<25x80xi32, #tpu.memory_space<vmem>>, vector<16xi32>,
      %eq3A_177 = arith.cmpi eq, %get3A_173, %get3A_176 : vector<16xi32>
      %jit3A_178 = arith.constant 10000 : i32
      %broadcast_in_dim3A_179 = vector.broadcast %jit3A_178 : i32 to vector<16xi32>
      %select_n3A_180 = arith.select %eq3A_177, %broadcast_in_dim3A_179, %get3A_173 : vector<16xi1>, vector<16xi32>
      %swap3A_181 = arith.index_cast %scan3A_135 : i32 to index
      %swap3A_182 = arith.constant 48 : index
      %swap3A_183 = tpu.vector_load %arg5[%swap3A_181, %swap3A_182] {strides = array<i32>} : memref<25x80xi32, #tpu.memory_space<vmem>>, vector<16xi32>,
      tpu.vector_store %arg5[%swap3A_181, %swap3A_182], %select_n3A_180 {strides = array<i32>} : memref<25x80xi32, #tpu.memory_space<vmem>>, vector<16xi32>,
      %get3A_184 = arith.index_cast %scan3A_135 : i32 to index
      %get3A_185 = arith.constant 64 : index
      %get3A_186 = tpu.vector_load %arg5[%get3A_184, %get3A_185] {strides = array<i32>} : memref<25x80xi32, #tpu.memory_space<vmem>>, vector<16xi32>,
      %get3A_187 = arith.index_cast %scan3A_135 : i32 to index
      %get3A_188 = arith.constant 64 : index
      %get3A_189 = tpu.vector_load %arg6[%get3A_187, %get3A_188] {strides = array<i32>} : memref<25x80xi32, #tpu.memory_space<vmem>>, vector<16xi32>,
      %eq3A_190 = arith.cmpi eq, %get3A_186, %get3A_189 : vector<16xi32>
      %jit3A_191 = arith.constant 10000 : i32
      %broadcast_in_dim3A_192 = vector.broadcast %jit3A_191 : i32 to vector<16xi32>
      %select_n3A_193 = arith.select %eq3A_190, %broadcast_in_dim3A_192, %get3A_186 : vector<16xi1>, vector<16xi32>
      %swap3A_194 = arith.index_cast %scan3A_135 : i32 to index
      %swap3A_195 = arith.constant 64 : index
      %swap3A_196 = tpu.vector_load %arg5[%swap3A_194, %swap3A_195] {strides = array<i32>} : memref<25x80xi32, #tpu.memory_space<vmem>>, vector<16xi32>,
      tpu.vector_store %arg5[%swap3A_194, %swap3A_195], %select_n3A_193 {strides = array<i32>} : memref<25x80xi32, #tpu.memory_space<vmem>>, vector<16xi32>,
    }
    %scan3A_43 = arith.constant 25 : i32
    %dma_start3A_44 = arith.constant 0 : i32
    %dma_start3A_45 = arith.constant 0 : i32
    %dma_start3A_46 = tpu.memref_slice %arg6[%dma_start3A_44, %dma_start3A_45] : memref<25x80xi32, #tpu.memory_space<vmem>> -> memref<1x80xi32, #tpu.memory_space<vmem>>
    %dma_start3A_47 = tpu.memref_squeeze %dma_start3A_46 : memref<1x80xi32, #tpu.memory_space<vmem>> -> memref<80xi32, #tpu.memory_space<vmem>>
    %dma_start3A_48 = arith.constant 0 : i32
    %dma_start3A_49 = arith.constant 0 : i32
    %dma_start3A_50 = tpu.memref_slice %arg2[%dma_start3A_48, %dma_start3A_49] : memref<10000x128xf32, #tpu.memory_space<hbm>> -> memref<10000x128xf32, #tpu.memory_space<hbm>>
    tpu.enqueue_indirect_dma source(%dma_start3A_50 : memref<10000x128xf32, #tpu.memory_space<hbm>>) target(%arg7 : memref<80x128xf32, #tpu.memory_space<vmem>>) offsets(%dma_start3A_47 : memref<80xi32, #tpu.memory_space<vmem>>) semaphore(%arg10 : memref<!tpu.dma_semaphore, #tpu.memory_space<semaphore_mem>>)
    %scan3A_51 = arith.constant 0 : i32
    %scan3A_52 = arith.constant 0 : i32
    %scan3A_53 = arith.constant 13 : i32
    %scan3A_54 = arith.addi %scan3A_52, %scan3A_53 : i32
    %scan3A_55 = arith.constant 1 : i32
    scf.for %scan3A_135 = %scan3A_52 to %scan3A_54 step %scan3A_55  : i32 {
      %mul3A_136 = arith.constant 2 : i32
      %mul3A_137 = arith.muli %mul3A_136, %scan3A_135 : i32
      %mul3A_138 = arith.constant 2 : i32
      %mul3A_139 = arith.muli %mul3A_138, %scan3A_135 : i32
      %add3A_140 = arith.constant 1 : i32
      %add3A_141 = arith.addi %mul3A_139, %add3A_140 : i32
      %lt3A_142 = arith.constant 25 : i32
      %lt3A_143 = arith.cmpi slt, %add3A_141, %lt3A_142 : i32
      %convert_element_type3A_144 = arith.extui %lt3A_143 : i1 to i32
      %cond3A_145 = arith.constant 0 : i32
      %cond3A_146 = arith.cmpi ne, %convert_element_type3A_144, %cond3A_145 : i32
      scf.if %cond3A_146 {
        %dma_start3A_164 = arith.constant 0 : i32
        %dma_start3A_165 = tpu.memref_slice %arg6[%add3A_141, %dma_start3A_164] : memref<25x80xi32, #tpu.memory_space<vmem>> -> memref<1x80xi32, #tpu.memory_space<vmem>>
        %dma_start3A_166 = tpu.memref_squeeze %dma_start3A_165 : memref<1x80xi32, #tpu.memory_space<vmem>> -> memref<80xi32, #tpu.memory_space<vmem>>
        %dma_start3A_167 = arith.constant 0 : i32
        %dma_start3A_168 = arith.constant 0 : i32
        %dma_start3A_169 = tpu.memref_slice %arg2[%dma_start3A_167, %dma_start3A_168] : memref<10000x128xf32, #tpu.memory_space<hbm>> -> memref<10000x128xf32, #tpu.memory_space<hbm>>
        tpu.enqueue_indirect_dma source(%dma_start3A_169 : memref<10000x128xf32, #tpu.memory_space<hbm>>) target(%arg8 : memref<80x128xf32, #tpu.memory_space<vmem>>) offsets(%dma_start3A_166 : memref<80xi32, #tpu.memory_space<vmem>>) semaphore(%arg11 : memref<!tpu.dma_semaphore, #tpu.memory_space<semaphore_mem>>)
      } else {
      }
      %dma_wait3A = arith.constant 0 : i32
      %dma_wait3A_147 = tpu.memref_slice %arg6[%mul3A_137, %dma_wait3A] : memref<25x80xi32, #tpu.memory_space<vmem>> -> memref<1x80xi32, #tpu.memory_space<vmem>>
      %dma_wait3A_148 = tpu.memref_squeeze %dma_wait3A_147 : memref<1x80xi32, #tpu.memory_space<vmem>> -> memref<80xi32, #tpu.memory_space<vmem>>
      %dma_wait3A_149 = arith.constant 0 : i32
      %dma_wait3A_150 = arith.constant 0 : i32
      %dma_wait3A_151 = tpu.memref_slice %arg2[%dma_wait3A_149, %dma_wait3A_150] : memref<10000x128xf32, #tpu.memory_space<hbm>> -> memref<10000x128xf32, #tpu.memory_space<hbm>>
      tpu.wait_indirect_dma semaphore(%arg10 : memref<!tpu.dma_semaphore, #tpu.memory_space<semaphore_mem>>) src(%dma_wait3A_151 : memref<10000x128xf32, #tpu.memory_space<hbm>>) dst(%arg7 : memref<80x128xf32, #tpu.memory_space<vmem>>)
      "tpu.region"() ({
        %run_scoped3A_164 = tpu.sem_alloc : memref<!tpu.dma_semaphore, #tpu.memory_space<semaphore_mem>>
        %dma_start3A_165 = arith.constant 0 : i32
        %dma_start3A_166 = tpu.memref_slice %arg5[%mul3A_137, %dma_start3A_165] : memref<25x80xi32, #tpu.memory_space<vmem>> -> memref<1x80xi32, #tpu.memory_space<vmem>>
        %dma_start3A_167 = tpu.memref_squeeze %dma_start3A_166 : memref<1x80xi32, #tpu.memory_space<vmem>> -> memref<80xi32, #tpu.memory_space<vmem>>
        %dma_start3A_168 = arith.constant 0 : i32
        %dma_start3A_169 = arith.constant 0 : i32
        %dma_start3A_170 = tpu.memref_slice %arg9[%dma_start3A_168, %dma_start3A_169] : memref<10240x128xf32, #tpu.memory_space<vmem_shared>> -> memref<10240x128xf32, #tpu.memory_space<vmem_shared>>
        tpu.enqueue_indirect_dma source(%arg7 : memref<80x128xf32, #tpu.memory_space<vmem>>) target(%dma_start3A_170 : memref<10240x128xf32, #tpu.memory_space<vmem_shared>>) offsets(%dma_start3A_167 : memref<80xi32, #tpu.memory_space<vmem>>) semaphore(%run_scoped3A_164 : memref<!tpu.dma_semaphore, #tpu.memory_space<semaphore_mem>>) {add = true}
        %dma_wait3A_171 = arith.constant 0 : i32
        %dma_wait3A_172 = tpu.memref_slice %arg5[%mul3A_137, %dma_wait3A_171] : memref<25x80xi32, #tpu.memory_space<vmem>> -> memref<1x80xi32, #tpu.memory_space<vmem>>
        %dma_wait3A_173 = tpu.memref_squeeze %dma_wait3A_172 : memref<1x80xi32, #tpu.memory_space<vmem>> -> memref<80xi32, #tpu.memory_space<vmem>>
        %dma_wait3A_174 = arith.constant 0 : i32
        %dma_wait3A_175 = arith.constant 0 : i32
        %dma_wait3A_176 = tpu.memref_slice %arg9[%dma_wait3A_174, %dma_wait3A_175] : memref<10240x128xf32, #tpu.memory_space<vmem_shared>> -> memref<10240x128xf32, #tpu.memory_space<vmem_shared>>
        tpu.wait_indirect_dma semaphore(%run_scoped3A_164 : memref<!tpu.dma_semaphore, #tpu.memory_space<semaphore_mem>>) src(%arg7 : memref<80x128xf32, #tpu.memory_space<vmem>>) dst(%dma_wait3A_176 : memref<10240x128xf32, #tpu.memory_space<vmem_shared>>)
        tpu.yield
      }) : () -> ()
      %add3A_152 = arith.constant 2 : i32
      %add3A_153 = arith.addi %mul3A_137, %add3A_152 : i32
      %lt3A_154 = arith.constant 25 : i32
      %lt3A_155 = arith.cmpi slt, %add3A_153, %lt3A_154 : i32
      %convert_element_type3A_156 = arith.extui %lt3A_155 : i1 to i32
      %cond3A_157 = arith.constant 0 : i32
      %cond3A_158 = arith.cmpi ne, %convert_element_type3A_156, %cond3A_157 : i32
      scf.if %cond3A_158 {
        %add3A_164 = arith.constant 2 : i32
        %add3A_165 = arith.addi %mul3A_137, %add3A_164 : i32
        %dma_start3A_166 = arith.constant 0 : i32
        %dma_start3A_167 = tpu.memref_slice %arg6[%add3A_165, %dma_start3A_166] : memref<25x80xi32, #tpu.memory_space<vmem>> -> memref<1x80xi32, #tpu.memory_space<vmem>>
        %dma_start3A_168 = tpu.memref_squeeze %dma_start3A_167 : memref<1x80xi32, #tpu.memory_space<vmem>> -> memref<80xi32, #tpu.memory_space<vmem>>
        %dma_start3A_169 = arith.constant 0 : i32
        %dma_start3A_170 = arith.constant 0 : i32
        %dma_start3A_171 = tpu.memref_slice %arg2[%dma_start3A_169, %dma_start3A_170] : memref<10000x128xf32, #tpu.memory_space<hbm>> -> memref<10000x128xf32, #tpu.memory_space<hbm>>
        tpu.enqueue_indirect_dma source(%dma_start3A_171 : memref<10000x128xf32, #tpu.memory_space<hbm>>) target(%arg7 : memref<80x128xf32, #tpu.memory_space<vmem>>) offsets(%dma_start3A_168 : memref<80xi32, #tpu.memory_space<vmem>>) semaphore(%arg10 : memref<!tpu.dma_semaphore, #tpu.memory_space<semaphore_mem>>)
      } else {
      }
      %lt3A_159 = arith.constant 25 : i32
      %lt3A_160 = arith.cmpi slt, %add3A_141, %lt3A_159 : i32
      %convert_element_type3A_161 = arith.extui %lt3A_160 : i1 to i32
      %cond3A_162 = arith.constant 0 : i32
      %cond3A_163 = arith.cmpi ne, %convert_element_type3A_161, %cond3A_162 : i32
      scf.if %cond3A_163 {
        %dma_wait3A_164 = arith.constant 0 : i32
        %dma_wait3A_165 = tpu.memref_slice %arg6[%add3A_141, %dma_wait3A_164] : memref<25x80xi32, #tpu.memory_space<vmem>> -> memref<1x80xi32, #tpu.memory_space<vmem>>
        %dma_wait3A_166 = tpu.memref_squeeze %dma_wait3A_165 : memref<1x80xi32, #tpu.memory_space<vmem>> -> memref<80xi32, #tpu.memory_space<vmem>>
        %dma_wait3A_167 = arith.constant 0 : i32
        %dma_wait3A_168 = arith.constant 0 : i32
        %dma_wait3A_169 = tpu.memref_slice %arg2[%dma_wait3A_167, %dma_wait3A_168] : memref<10000x128xf32, #tpu.memory_space<hbm>> -> memref<10000x128xf32, #tpu.memory_space<hbm>>
        tpu.wait_indirect_dma semaphore(%arg11 : memref<!tpu.dma_semaphore, #tpu.memory_space<semaphore_mem>>) src(%dma_wait3A_169 : memref<10000x128xf32, #tpu.memory_space<hbm>>) dst(%arg8 : memref<80x128xf32, #tpu.memory_space<vmem>>)
        "tpu.region"() ({
          %run_scoped3A_170 = tpu.sem_alloc : memref<!tpu.dma_semaphore, #tpu.memory_space<semaphore_mem>>
          %dma_start3A_171 = arith.constant 0 : i32
          %dma_start3A_172 = tpu.memref_slice %arg5[%add3A_141, %dma_start3A_171] : memref<25x80xi32, #tpu.memory_space<vmem>> -> memref<1x80xi32, #tpu.memory_space<vmem>>
          %dma_start3A_173 = tpu.memref_squeeze %dma_start3A_172 : memref<1x80xi32, #tpu.memory_space<vmem>> -> memref<80xi32, #tpu.memory_space<vmem>>
          %dma_start3A_174 = arith.constant 0 : i32
          %dma_start3A_175 = arith.constant 0 : i32
          %dma_start3A_176 = tpu.memref_slice %arg9[%dma_start3A_174, %dma_start3A_175] : memref<10240x128xf32, #tpu.memory_space<vmem_shared>> -> memref<10240x128xf32, #tpu.memory_space<vmem_shared>>
          tpu.enqueue_indirect_dma source(%arg8 : memref<80x128xf32, #tpu.memory_space<vmem>>) target(%dma_start3A_176 : memref<10240x128xf32, #tpu.memory_space<vmem_shared>>) offsets(%dma_start3A_173 : memref<80xi32, #tpu.memory_space<vmem>>) semaphore(%run_scoped3A_170 : memref<!tpu.dma_semaphore, #tpu.memory_space<semaphore_mem>>) {add = true}
          %dma_wait3A_177 = arith.constant 0 : i32
          %dma_wait3A_178 = tpu.memref_slice %arg5[%add3A_141, %dma_wait3A_177] : memref<25x80xi32, #tpu.memory_space<vmem>> -> memref<1x80xi32, #tpu.memory_space<vmem>>
          %dma_wait3A_179 = tpu.memref_squeeze %dma_wait3A_178 : memref<1x80xi32, #tpu.memory_space<vmem>> -> memref<80xi32, #tpu.memory_space<vmem>>
          %dma_wait3A_180 = arith.constant 0 : i32
          %dma_wait3A_181 = arith.constant 0 : i32
          %dma_wait3A_182 = tpu.memref_slice %arg9[%dma_wait3A_180, %dma_wait3A_181] : memref<10240x128xf32, #tpu.memory_space<vmem_shared>> -> memref<10240x128xf32, #tpu.memory_space<vmem_shared>>
          tpu.wait_indirect_dma semaphore(%run_scoped3A_170 : memref<!tpu.dma_semaphore, #tpu.memory_space<semaphore_mem>>) src(%arg8 : memref<80x128xf32, #tpu.memory_space<vmem>>) dst(%dma_wait3A_182 : memref<10240x128xf32, #tpu.memory_space<vmem_shared>>)
          tpu.yield
        }) : () -> ()
      } else {
      }
    }
    %scan3A_56 = arith.constant 13 : i32
    %run_scoped3A_57 = arith.constant 0 : i32
    %run_scoped3A_58 = arith.constant 2 : i32
    "tpu.region"() ({
      %run_scoped3A_135 = tpu.sem_alloc : memref<!tpu.dma_semaphore, #tpu.memory_space<semaphore_mem>>
      %dma_start3A_136 = arith.constant 0 : i32
      %dma_start3A_137 = arith.constant 0 : i32
      %dma_start3A_138 = tpu.memref_slice %arg3[%run_scoped3A_57, %add3A, %run_scoped3A_58, %dma_start3A_136, %dma_start3A_137] : memref<2x32x5x25x80xi32, #tpu.memory_space<hbm>> -> memref<1x1x1x25x80xi32, #tpu.memory_space<hbm>>
      %dma_start3A_139 = tpu.memref_squeeze %dma_start3A_138 : memref<1x1x1x25x80xi32, #tpu.memory_space<hbm>> -> memref<25x80xi32, #tpu.memory_space<hbm>>
      %dma_start3A_140 = arith.constant 0 : i32
      %dma_start3A_141 = arith.constant 0 : i32
      %dma_start3A_142 = tpu.memref_slice %arg3[%run_scoped3A_57, %add3A, %run_scoped3A_58, %dma_start3A_140, %dma_start3A_141] : memref<2x32x5x25x80xi32, #tpu.memory_space<hbm>> -> memref<1x1x1x25x80xi32, #tpu.memory_space<hbm>>
      %dma_start3A_143 = tpu.memref_squeeze %dma_start3A_142 : memref<1x1x1x25x80xi32, #tpu.memory_space<hbm>> -> memref<25x80xi32, #tpu.memory_space<hbm>>
      tpu.enqueue_dma source(%dma_start3A_143 : memref<25x80xi32, #tpu.memory_space<hbm>>) target(%arg5 : memref<25x80xi32, #tpu.memory_space<vmem>>) target_semaphore(%run_scoped3A_135 : memref<!tpu.dma_semaphore, #tpu.memory_space<semaphore_mem>>)
      %dma_wait3A = arith.constant 0 : i32
      %dma_wait3A_144 = arith.constant 0 : i32
      %dma_wait3A_145 = tpu.memref_slice %arg3[%run_scoped3A_57, %add3A, %run_scoped3A_58, %dma_wait3A, %dma_wait3A_144] : memref<2x32x5x25x80xi32, #tpu.memory_space<hbm>> -> memref<1x1x1x25x80xi32, #tpu.memory_space<hbm>>
      %dma_wait3A_146 = tpu.memref_squeeze %dma_wait3A_145 : memref<1x1x1x25x80xi32, #tpu.memory_space<hbm>> -> memref<25x80xi32, #tpu.memory_space<hbm>>
      %dma_wait3A_147 = arith.constant 0 : i32
      %dma_wait3A_148 = arith.constant 0 : i32
      %dma_wait3A_149 = tpu.memref_slice %arg3[%run_scoped3A_57, %add3A, %run_scoped3A_58, %dma_wait3A_147, %dma_wait3A_148] : memref<2x32x5x25x80xi32, #tpu.memory_space<hbm>> -> memref<1x1x1x25x80xi32, #tpu.memory_space<hbm>>
      %dma_wait3A_150 = tpu.memref_squeeze %dma_wait3A_149 : memref<1x1x1x25x80xi32, #tpu.memory_space<hbm>> -> memref<25x80xi32, #tpu.memory_space<hbm>>
      tpu.wait_dma2 semaphore(%run_scoped3A_135 : memref<!tpu.dma_semaphore, #tpu.memory_space<semaphore_mem>>) src(%dma_wait3A_150 : memref<25x80xi32, #tpu.memory_space<hbm>>) dst(%arg5 : memref<25x80xi32, #tpu.memory_space<vmem>>)
      tpu.yield
    }) : () -> ()
    %run_scoped3A_59 = arith.constant 1 : i32
    %run_scoped3A_60 = arith.constant 2 : i32
    "tpu.region"() ({
      %run_scoped3A_135 = tpu.sem_alloc : memref<!tpu.dma_semaphore, #tpu.memory_space<semaphore_mem>>
      %dma_start3A_136 = arith.constant 0 : i32
      %dma_start3A_137 = arith.constant 0 : i32
      %dma_start3A_138 = tpu.memref_slice %arg3[%run_scoped3A_59, %add3A, %run_scoped3A_60, %dma_start3A_136, %dma_start3A_137] : memref<2x32x5x25x80xi32, #tpu.memory_space<hbm>> -> memref<1x1x1x25x80xi32, #tpu.memory_space<hbm>>
      %dma_start3A_139 = tpu.memref_squeeze %dma_start3A_138 : memref<1x1x1x25x80xi32, #tpu.memory_space<hbm>> -> memref<25x80xi32, #tpu.memory_space<hbm>>
      %dma_start3A_140 = arith.constant 0 : i32
      %dma_start3A_141 = arith.constant 0 : i32
      %dma_start3A_142 = tpu.memref_slice %arg3[%run_scoped3A_59, %add3A, %run_scoped3A_60, %dma_start3A_140, %dma_start3A_141] : memref<2x32x5x25x80xi32, #tpu.memory_space<hbm>> -> memref<1x1x1x25x80xi32, #tpu.memory_space<hbm>>
      %dma_start3A_143 = tpu.memref_squeeze %dma_start3A_142 : memref<1x1x1x25x80xi32, #tpu.memory_space<hbm>> -> memref<25x80xi32, #tpu.memory_space<hbm>>
      tpu.enqueue_dma source(%dma_start3A_143 : memref<25x80xi32, #tpu.memory_space<hbm>>) target(%arg6 : memref<25x80xi32, #tpu.memory_space<vmem>>) target_semaphore(%run_scoped3A_135 : memref<!tpu.dma_semaphore, #tpu.memory_space<semaphore_mem>>)
      %dma_wait3A = arith.constant 0 : i32
      %dma_wait3A_144 = arith.constant 0 : i32
      %dma_wait3A_145 = tpu.memref_slice %arg3[%run_scoped3A_59, %add3A, %run_scoped3A_60, %dma_wait3A, %dma_wait3A_144] : memref<2x32x5x25x80xi32, #tpu.memory_space<hbm>> -> memref<1x1x1x25x80xi32, #tpu.memory_space<hbm>>
      %dma_wait3A_146 = tpu.memref_squeeze %dma_wait3A_145 : memref<1x1x1x25x80xi32, #tpu.memory_space<hbm>> -> memref<25x80xi32, #tpu.memory_space<hbm>>
      %dma_wait3A_147 = arith.constant 0 : i32
      %dma_wait3A_148 = arith.constant 0 : i32
      %dma_wait3A_149 = tpu.memref_slice %arg3[%run_scoped3A_59, %add3A, %run_scoped3A_60, %dma_wait3A_147, %dma_wait3A_148] : memref<2x32x5x25x80xi32, #tpu.memory_space<hbm>> -> memref<1x1x1x25x80xi32, #tpu.memory_space<hbm>>
      %dma_wait3A_150 = tpu.memref_squeeze %dma_wait3A_149 : memref<1x1x1x25x80xi32, #tpu.memory_space<hbm>> -> memref<25x80xi32, #tpu.memory_space<hbm>>
      tpu.wait_dma2 semaphore(%run_scoped3A_135 : memref<!tpu.dma_semaphore, #tpu.memory_space<semaphore_mem>>) src(%dma_wait3A_150 : memref<25x80xi32, #tpu.memory_space<hbm>>) dst(%arg6 : memref<25x80xi32, #tpu.memory_space<vmem>>)
      tpu.yield
    }) : () -> ()
    %scan3A_61 = arith.constant 0 : i32
    %scan3A_62 = arith.constant 0 : i32
    %scan3A_63 = arith.constant 25 : i32
    %scan3A_64 = arith.addi %scan3A_62, %scan3A_63 : i32
    %scan3A_65 = arith.constant 1 : i32
    scf.for %scan3A_135 = %scan3A_62 to %scan3A_64 step %scan3A_65  : i32 {
      %get3A = arith.index_cast %scan3A_135 : i32 to index
      %get3A_136 = arith.constant 0 : index
      %get3A_137 = tpu.vector_load %arg5[%get3A, %get3A_136] {strides = array<i32>} : memref<25x80xi32, #tpu.memory_space<vmem>>, vector<16xi32>,
      %get3A_138 = arith.index_cast %scan3A_135 : i32 to index
      %get3A_139 = arith.constant 0 : index
      %get3A_140 = tpu.vector_load %arg6[%get3A_138, %get3A_139] {strides = array<i32>} : memref<25x80xi32, #tpu.memory_space<vmem>>, vector<16xi32>,
      %eq3A_141 = arith.cmpi eq, %get3A_137, %get3A_140 : vector<16xi32>
      %jit3A = arith.constant 10000 : i32
      %broadcast_in_dim3A_142 = vector.broadcast %jit3A : i32 to vector<16xi32>
      %select_n3A = arith.select %eq3A_141, %broadcast_in_dim3A_142, %get3A_137 : vector<16xi1>, vector<16xi32>
      %swap3A = arith.index_cast %scan3A_135 : i32 to index
      %swap3A_143 = arith.constant 0 : index
      %swap3A_144 = tpu.vector_load %arg5[%swap3A, %swap3A_143] {strides = array<i32>} : memref<25x80xi32, #tpu.memory_space<vmem>>, vector<16xi32>,
      tpu.vector_store %arg5[%swap3A, %swap3A_143], %select_n3A {strides = array<i32>} : memref<25x80xi32, #tpu.memory_space<vmem>>, vector<16xi32>,
      %get3A_145 = arith.index_cast %scan3A_135 : i32 to index
      %get3A_146 = arith.constant 16 : index
      %get3A_147 = tpu.vector_load %arg5[%get3A_145, %get3A_146] {strides = array<i32>} : memref<25x80xi32, #tpu.memory_space<vmem>>, vector<16xi32>,
      %get3A_148 = arith.index_cast %scan3A_135 : i32 to index
      %get3A_149 = arith.constant 16 : index
      %get3A_150 = tpu.vector_load %arg6[%get3A_148, %get3A_149] {strides = array<i32>} : memref<25x80xi32, #tpu.memory_space<vmem>>, vector<16xi32>,
      %eq3A_151 = arith.cmpi eq, %get3A_147, %get3A_150 : vector<16xi32>
      %jit3A_152 = arith.constant 10000 : i32
      %broadcast_in_dim3A_153 = vector.broadcast %jit3A_152 : i32 to vector<16xi32>
      %select_n3A_154 = arith.select %eq3A_151, %broadcast_in_dim3A_153, %get3A_147 : vector<16xi1>, vector<16xi32>
      %swap3A_155 = arith.index_cast %scan3A_135 : i32 to index
      %swap3A_156 = arith.constant 16 : index
      %swap3A_157 = tpu.vector_load %arg5[%swap3A_155, %swap3A_156] {strides = array<i32>} : memref<25x80xi32, #tpu.memory_space<vmem>>, vector<16xi32>,
      tpu.vector_store %arg5[%swap3A_155, %swap3A_156], %select_n3A_154 {strides = array<i32>} : memref<25x80xi32, #tpu.memory_space<vmem>>, vector<16xi32>,
      %get3A_158 = arith.index_cast %scan3A_135 : i32 to index
      %get3A_159 = arith.constant 32 : index
      %get3A_160 = tpu.vector_load %arg5[%get3A_158, %get3A_159] {strides = array<i32>} : memref<25x80xi32, #tpu.memory_space<vmem>>, vector<16xi32>,
      %get3A_161 = arith.index_cast %scan3A_135 : i32 to index
      %get3A_162 = arith.constant 32 : index
      %get3A_163 = tpu.vector_load %arg6[%get3A_161, %get3A_162] {strides = array<i32>} : memref<25x80xi32, #tpu.memory_space<vmem>>, vector<16xi32>,
      %eq3A_164 = arith.cmpi eq, %get3A_160, %get3A_163 : vector<16xi32>
      %jit3A_165 = arith.constant 10000 : i32
      %broadcast_in_dim3A_166 = vector.broadcast %jit3A_165 : i32 to vector<16xi32>
      %select_n3A_167 = arith.select %eq3A_164, %broadcast_in_dim3A_166, %get3A_160 : vector<16xi1>, vector<16xi32>
      %swap3A_168 = arith.index_cast %scan3A_135 : i32 to index
      %swap3A_169 = arith.constant 32 : index
      %swap3A_170 = tpu.vector_load %arg5[%swap3A_168, %swap3A_169] {strides = array<i32>} : memref<25x80xi32, #tpu.memory_space<vmem>>, vector<16xi32>,
      tpu.vector_store %arg5[%swap3A_168, %swap3A_169], %select_n3A_167 {strides = array<i32>} : memref<25x80xi32, #tpu.memory_space<vmem>>, vector<16xi32>,
      %get3A_171 = arith.index_cast %scan3A_135 : i32 to index
      %get3A_172 = arith.constant 48 : index
      %get3A_173 = tpu.vector_load %arg5[%get3A_171, %get3A_172] {strides = array<i32>} : memref<25x80xi32, #tpu.memory_space<vmem>>, vector<16xi32>,
      %get3A_174 = arith.index_cast %scan3A_135 : i32 to index
      %get3A_175 = arith.constant 48 : index
      %get3A_176 = tpu.vector_load %arg6[%get3A_174, %get3A_175] {strides = array<i32>} : memref<25x80xi32, #tpu.memory_space<vmem>>, vector<16xi32>,
      %eq3A_177 = arith.cmpi eq, %get3A_173, %get3A_176 : vector<16xi32>
      %jit3A_178 = arith.constant 10000 : i32
      %broadcast_in_dim3A_179 = vector.broadcast %jit3A_178 : i32 to vector<16xi32>
      %select_n3A_180 = arith.select %eq3A_177, %broadcast_in_dim3A_179, %get3A_173 : vector<16xi1>, vector<16xi32>
      %swap3A_181 = arith.index_cast %scan3A_135 : i32 to index
      %swap3A_182 = arith.constant 48 : index
      %swap3A_183 = tpu.vector_load %arg5[%swap3A_181, %swap3A_182] {strides = array<i32>} : memref<25x80xi32, #tpu.memory_space<vmem>>, vector<16xi32>,
      tpu.vector_store %arg5[%swap3A_181, %swap3A_182], %select_n3A_180 {strides = array<i32>} : memref<25x80xi32, #tpu.memory_space<vmem>>, vector<16xi32>,
      %get3A_184 = arith.index_cast %scan3A_135 : i32 to index
      %get3A_185 = arith.constant 64 : index
      %get3A_186 = tpu.vector_load %arg5[%get3A_184, %get3A_185] {strides = array<i32>} : memref<25x80xi32, #tpu.memory_space<vmem>>, vector<16xi32>,
      %get3A_187 = arith.index_cast %scan3A_135 : i32 to index
      %get3A_188 = arith.constant 64 : index
      %get3A_189 = tpu.vector_load %arg6[%get3A_187, %get3A_188] {strides = array<i32>} : memref<25x80xi32, #tpu.memory_space<vmem>>, vector<16xi32>,
      %eq3A_190 = arith.cmpi eq, %get3A_186, %get3A_189 : vector<16xi32>
      %jit3A_191 = arith.constant 10000 : i32
      %broadcast_in_dim3A_192 = vector.broadcast %jit3A_191 : i32 to vector<16xi32>
      %select_n3A_193 = arith.select %eq3A_190, %broadcast_in_dim3A_192, %get3A_186 : vector<16xi1>, vector<16xi32>
      %swap3A_194 = arith.index_cast %scan3A_135 : i32 to index
      %swap3A_195 = arith.constant 64 : index
      %swap3A_196 = tpu.vector_load %arg5[%swap3A_194, %swap3A_195] {strides = array<i32>} : memref<25x80xi32, #tpu.memory_space<vmem>>, vector<16xi32>,
      tpu.vector_store %arg5[%swap3A_194, %swap3A_195], %select_n3A_193 {strides = array<i32>} : memref<25x80xi32, #tpu.memory_space<vmem>>, vector<16xi32>,
    }
    %scan3A_66 = arith.constant 25 : i32
    %dma_start3A_67 = arith.constant 0 : i32
    %dma_start3A_68 = arith.constant 0 : i32
    %dma_start3A_69 = tpu.memref_slice %arg6[%dma_start3A_67, %dma_start3A_68] : memref<25x80xi32, #tpu.memory_space<vmem>> -> memref<1x80xi32, #tpu.memory_space<vmem>>
    %dma_start3A_70 = tpu.memref_squeeze %dma_start3A_69 : memref<1x80xi32, #tpu.memory_space<vmem>> -> memref<80xi32, #tpu.memory_space<vmem>>
    %dma_start3A_71 = arith.constant 0 : i32
    %dma_start3A_72 = arith.constant 0 : i32
    %dma_start3A_73 = tpu.memref_slice %arg2[%dma_start3A_71, %dma_start3A_72] : memref<10000x128xf32, #tpu.memory_space<hbm>> -> memref<10000x128xf32, #tpu.memory_space<hbm>>
    tpu.enqueue_indirect_dma source(%dma_start3A_73 : memref<10000x128xf32, #tpu.memory_space<hbm>>) target(%arg7 : memref<80x128xf32, #tpu.memory_space<vmem>>) offsets(%dma_start3A_70 : memref<80xi32, #tpu.memory_space<vmem>>) semaphore(%arg10 : memref<!tpu.dma_semaphore, #tpu.memory_space<semaphore_mem>>)
    %scan3A_74 = arith.constant 0 : i32
    %scan3A_75 = arith.constant 0 : i32
    %scan3A_76 = arith.constant 13 : i32
    %scan3A_77 = arith.addi %scan3A_75, %scan3A_76 : i32
    %scan3A_78 = arith.constant 1 : i32
    scf.for %scan3A_135 = %scan3A_75 to %scan3A_77 step %scan3A_78  : i32 {
      %mul3A_136 = arith.constant 2 : i32
      %mul3A_137 = arith.muli %mul3A_136, %scan3A_135 : i32
      %mul3A_138 = arith.constant 2 : i32
      %mul3A_139 = arith.muli %mul3A_138, %scan3A_135 : i32
      %add3A_140 = arith.constant 1 : i32
      %add3A_141 = arith.addi %mul3A_139, %add3A_140 : i32
      %lt3A_142 = arith.constant 25 : i32
      %lt3A_143 = arith.cmpi slt, %add3A_141, %lt3A_142 : i32
      %convert_element_type3A_144 = arith.extui %lt3A_143 : i1 to i32
      %cond3A_145 = arith.constant 0 : i32
      %cond3A_146 = arith.cmpi ne, %convert_element_type3A_144, %cond3A_145 : i32
      scf.if %cond3A_146 {
        %dma_start3A_164 = arith.constant 0 : i32
        %dma_start3A_165 = tpu.memref_slice %arg6[%add3A_141, %dma_start3A_164] : memref<25x80xi32, #tpu.memory_space<vmem>> -> memref<1x80xi32, #tpu.memory_space<vmem>>
        %dma_start3A_166 = tpu.memref_squeeze %dma_start3A_165 : memref<1x80xi32, #tpu.memory_space<vmem>> -> memref<80xi32, #tpu.memory_space<vmem>>
        %dma_start3A_167 = arith.constant 0 : i32
        %dma_start3A_168 = arith.constant 0 : i32
        %dma_start3A_169 = tpu.memref_slice %arg2[%dma_start3A_167, %dma_start3A_168] : memref<10000x128xf32, #tpu.memory_space<hbm>> -> memref<10000x128xf32, #tpu.memory_space<hbm>>
        tpu.enqueue_indirect_dma source(%dma_start3A_169 : memref<10000x128xf32, #tpu.memory_space<hbm>>) target(%arg8 : memref<80x128xf32, #tpu.memory_space<vmem>>) offsets(%dma_start3A_166 : memref<80xi32, #tpu.memory_space<vmem>>) semaphore(%arg11 : memref<!tpu.dma_semaphore, #tpu.memory_space<semaphore_mem>>)
      } else {
      }
      %dma_wait3A = arith.constant 0 : i32
      %dma_wait3A_147 = tpu.memref_slice %arg6[%mul3A_137, %dma_wait3A] : memref<25x80xi32, #tpu.memory_space<vmem>> -> memref<1x80xi32, #tpu.memory_space<vmem>>
      %dma_wait3A_148 = tpu.memref_squeeze %dma_wait3A_147 : memref<1x80xi32, #tpu.memory_space<vmem>> -> memref<80xi32, #tpu.memory_space<vmem>>
      %dma_wait3A_149 = arith.constant 0 : i32
      %dma_wait3A_150 = arith.constant 0 : i32
      %dma_wait3A_151 = tpu.memref_slice %arg2[%dma_wait3A_149, %dma_wait3A_150] : memref<10000x128xf32, #tpu.memory_space<hbm>> -> memref<10000x128xf32, #tpu.memory_space<hbm>>
      tpu.wait_indirect_dma semaphore(%arg10 : memref<!tpu.dma_semaphore, #tpu.memory_space<semaphore_mem>>) src(%dma_wait3A_151 : memref<10000x128xf32, #tpu.memory_space<hbm>>) dst(%arg7 : memref<80x128xf32, #tpu.memory_space<vmem>>)
      "tpu.region"() ({
        %run_scoped3A_164 = tpu.sem_alloc : memref<!tpu.dma_semaphore, #tpu.memory_space<semaphore_mem>>
        %dma_start3A_165 = arith.constant 0 : i32
        %dma_start3A_166 = tpu.memref_slice %arg5[%mul3A_137, %dma_start3A_165] : memref<25x80xi32, #tpu.memory_space<vmem>> -> memref<1x80xi32, #tpu.memory_space<vmem>>
        %dma_start3A_167 = tpu.memref_squeeze %dma_start3A_166 : memref<1x80xi32, #tpu.memory_space<vmem>> -> memref<80xi32, #tpu.memory_space<vmem>>
        %dma_start3A_168 = arith.constant 0 : i32
        %dma_start3A_169 = arith.constant 0 : i32
        %dma_start3A_170 = tpu.memref_slice %arg9[%dma_start3A_168, %dma_start3A_169] : memref<10240x128xf32, #tpu.memory_space<vmem_shared>> -> memref<10240x128xf32, #tpu.memory_space<vmem_shared>>
        tpu.enqueue_indirect_dma source(%arg7 : memref<80x128xf32, #tpu.memory_space<vmem>>) target(%dma_start3A_170 : memref<10240x128xf32, #tpu.memory_space<vmem_shared>>) offsets(%dma_start3A_167 : memref<80xi32, #tpu.memory_space<vmem>>) semaphore(%run_scoped3A_164 : memref<!tpu.dma_semaphore, #tpu.memory_space<semaphore_mem>>) {add = true}
        %dma_wait3A_171 = arith.constant 0 : i32
        %dma_wait3A_172 = tpu.memref_slice %arg5[%mul3A_137, %dma_wait3A_171] : memref<25x80xi32, #tpu.memory_space<vmem>> -> memref<1x80xi32, #tpu.memory_space<vmem>>
        %dma_wait3A_173 = tpu.memref_squeeze %dma_wait3A_172 : memref<1x80xi32, #tpu.memory_space<vmem>> -> memref<80xi32, #tpu.memory_space<vmem>>
        %dma_wait3A_174 = arith.constant 0 : i32
        %dma_wait3A_175 = arith.constant 0 : i32
        %dma_wait3A_176 = tpu.memref_slice %arg9[%dma_wait3A_174, %dma_wait3A_175] : memref<10240x128xf32, #tpu.memory_space<vmem_shared>> -> memref<10240x128xf32, #tpu.memory_space<vmem_shared>>
        tpu.wait_indirect_dma semaphore(%run_scoped3A_164 : memref<!tpu.dma_semaphore, #tpu.memory_space<semaphore_mem>>) src(%arg7 : memref<80x128xf32, #tpu.memory_space<vmem>>) dst(%dma_wait3A_176 : memref<10240x128xf32, #tpu.memory_space<vmem_shared>>)
        tpu.yield
      }) : () -> ()
      %add3A_152 = arith.constant 2 : i32
      %add3A_153 = arith.addi %mul3A_137, %add3A_152 : i32
      %lt3A_154 = arith.constant 25 : i32
      %lt3A_155 = arith.cmpi slt, %add3A_153, %lt3A_154 : i32
      %convert_element_type3A_156 = arith.extui %lt3A_155 : i1 to i32
      %cond3A_157 = arith.constant 0 : i32
      %cond3A_158 = arith.cmpi ne, %convert_element_type3A_156, %cond3A_157 : i32
      scf.if %cond3A_158 {
        %add3A_164 = arith.constant 2 : i32
        %add3A_165 = arith.addi %mul3A_137, %add3A_164 : i32
        %dma_start3A_166 = arith.constant 0 : i32
        %dma_start3A_167 = tpu.memref_slice %arg6[%add3A_165, %dma_start3A_166] : memref<25x80xi32, #tpu.memory_space<vmem>> -> memref<1x80xi32, #tpu.memory_space<vmem>>
        %dma_start3A_168 = tpu.memref_squeeze %dma_start3A_167 : memref<1x80xi32, #tpu.memory_space<vmem>> -> memref<80xi32, #tpu.memory_space<vmem>>
        %dma_start3A_169 = arith.constant 0 : i32
        %dma_start3A_170 = arith.constant 0 : i32
        %dma_start3A_171 = tpu.memref_slice %arg2[%dma_start3A_169, %dma_start3A_170] : memref<10000x128xf32, #tpu.memory_space<hbm>> -> memref<10000x128xf32, #tpu.memory_space<hbm>>
        tpu.enqueue_indirect_dma source(%dma_start3A_171 : memref<10000x128xf32, #tpu.memory_space<hbm>>) target(%arg7 : memref<80x128xf32, #tpu.memory_space<vmem>>) offsets(%dma_start3A_168 : memref<80xi32, #tpu.memory_space<vmem>>) semaphore(%arg10 : memref<!tpu.dma_semaphore, #tpu.memory_space<semaphore_mem>>)
      } else {
      }
      %lt3A_159 = arith.constant 25 : i32
      %lt3A_160 = arith.cmpi slt, %add3A_141, %lt3A_159 : i32
      %convert_element_type3A_161 = arith.extui %lt3A_160 : i1 to i32
      %cond3A_162 = arith.constant 0 : i32
      %cond3A_163 = arith.cmpi ne, %convert_element_type3A_161, %cond3A_162 : i32
      scf.if %cond3A_163 {
        %dma_wait3A_164 = arith.constant 0 : i32
        %dma_wait3A_165 = tpu.memref_slice %arg6[%add3A_141, %dma_wait3A_164] : memref<25x80xi32, #tpu.memory_space<vmem>> -> memref<1x80xi32, #tpu.memory_space<vmem>>
        %dma_wait3A_166 = tpu.memref_squeeze %dma_wait3A_165 : memref<1x80xi32, #tpu.memory_space<vmem>> -> memref<80xi32, #tpu.memory_space<vmem>>
        %dma_wait3A_167 = arith.constant 0 : i32
        %dma_wait3A_168 = arith.constant 0 : i32
        %dma_wait3A_169 = tpu.memref_slice %arg2[%dma_wait3A_167, %dma_wait3A_168] : memref<10000x128xf32, #tpu.memory_space<hbm>> -> memref<10000x128xf32, #tpu.memory_space<hbm>>
        tpu.wait_indirect_dma semaphore(%arg11 : memref<!tpu.dma_semaphore, #tpu.memory_space<semaphore_mem>>) src(%dma_wait3A_169 : memref<10000x128xf32, #tpu.memory_space<hbm>>) dst(%arg8 : memref<80x128xf32, #tpu.memory_space<vmem>>)
        "tpu.region"() ({
          %run_scoped3A_170 = tpu.sem_alloc : memref<!tpu.dma_semaphore, #tpu.memory_space<semaphore_mem>>
          %dma_start3A_171 = arith.constant 0 : i32
          %dma_start3A_172 = tpu.memref_slice %arg5[%add3A_141, %dma_start3A_171] : memref<25x80xi32, #tpu.memory_space<vmem>> -> memref<1x80xi32, #tpu.memory_space<vmem>>
          %dma_start3A_173 = tpu.memref_squeeze %dma_start3A_172 : memref<1x80xi32, #tpu.memory_space<vmem>> -> memref<80xi32, #tpu.memory_space<vmem>>
          %dma_start3A_174 = arith.constant 0 : i32
          %dma_start3A_175 = arith.constant 0 : i32
          %dma_start3A_176 = tpu.memref_slice %arg9[%dma_start3A_174, %dma_start3A_175] : memref<10240x128xf32, #tpu.memory_space<vmem_shared>> -> memref<10240x128xf32, #tpu.memory_space<vmem_shared>>
          tpu.enqueue_indirect_dma source(%arg8 : memref<80x128xf32, #tpu.memory_space<vmem>>) target(%dma_start3A_176 : memref<10240x128xf32, #tpu.memory_space<vmem_shared>>) offsets(%dma_start3A_173 : memref<80xi32, #tpu.memory_space<vmem>>) semaphore(%run_scoped3A_170 : memref<!tpu.dma_semaphore, #tpu.memory_space<semaphore_mem>>) {add = true}
          %dma_wait3A_177 = arith.constant 0 : i32
          %dma_wait3A_178 = tpu.memref_slice %arg5[%add3A_141, %dma_wait3A_177] : memref<25x80xi32, #tpu.memory_space<vmem>> -> memref<1x80xi32, #tpu.memory_space<vmem>>
          %dma_wait3A_179 = tpu.memref_squeeze %dma_wait3A_178 : memref<1x80xi32, #tpu.memory_space<vmem>> -> memref<80xi32, #tpu.memory_space<vmem>>
          %dma_wait3A_180 = arith.constant 0 : i32
          %dma_wait3A_181 = arith.constant 0 : i32
          %dma_wait3A_182 = tpu.memref_slice %arg9[%dma_wait3A_180, %dma_wait3A_181] : memref<10240x128xf32, #tpu.memory_space<vmem_shared>> -> memref<10240x128xf32, #tpu.memory_space<vmem_shared>>
          tpu.wait_indirect_dma semaphore(%run_scoped3A_170 : memref<!tpu.dma_semaphore, #tpu.memory_space<semaphore_mem>>) src(%arg8 : memref<80x128xf32, #tpu.memory_space<vmem>>) dst(%dma_wait3A_182 : memref<10240x128xf32, #tpu.memory_space<vmem_shared>>)
          tpu.yield
        }) : () -> ()
      } else {
      }
    }
    %scan3A_79 = arith.constant 13 : i32
    %run_scoped3A_80 = arith.constant 0 : i32
    %run_scoped3A_81 = arith.constant 3 : i32
    "tpu.region"() ({
      %run_scoped3A_135 = tpu.sem_alloc : memref<!tpu.dma_semaphore, #tpu.memory_space<semaphore_mem>>
      %dma_start3A_136 = arith.constant 0 : i32
      %dma_start3A_137 = arith.constant 0 : i32
      %dma_start3A_138 = tpu.memref_slice %arg3[%run_scoped3A_80, %add3A, %run_scoped3A_81, %dma_start3A_136, %dma_start3A_137] : memref<2x32x5x25x80xi32, #tpu.memory_space<hbm>> -> memref<1x1x1x25x80xi32, #tpu.memory_space<hbm>>
      %dma_start3A_139 = tpu.memref_squeeze %dma_start3A_138 : memref<1x1x1x25x80xi32, #tpu.memory_space<hbm>> -> memref<25x80xi32, #tpu.memory_space<hbm>>
      %dma_start3A_140 = arith.constant 0 : i32
      %dma_start3A_141 = arith.constant 0 : i32
      %dma_start3A_142 = tpu.memref_slice %arg3[%run_scoped3A_80, %add3A, %run_scoped3A_81, %dma_start3A_140, %dma_start3A_141] : memref<2x32x5x25x80xi32, #tpu.memory_space<hbm>> -> memref<1x1x1x25x80xi32, #tpu.memory_space<hbm>>
      %dma_start3A_143 = tpu.memref_squeeze %dma_start3A_142 : memref<1x1x1x25x80xi32, #tpu.memory_space<hbm>> -> memref<25x80xi32, #tpu.memory_space<hbm>>
      tpu.enqueue_dma source(%dma_start3A_143 : memref<25x80xi32, #tpu.memory_space<hbm>>) target(%arg5 : memref<25x80xi32, #tpu.memory_space<vmem>>) target_semaphore(%run_scoped3A_135 : memref<!tpu.dma_semaphore, #tpu.memory_space<semaphore_mem>>)
      %dma_wait3A = arith.constant 0 : i32
      %dma_wait3A_144 = arith.constant 0 : i32
      %dma_wait3A_145 = tpu.memref_slice %arg3[%run_scoped3A_80, %add3A, %run_scoped3A_81, %dma_wait3A, %dma_wait3A_144] : memref<2x32x5x25x80xi32, #tpu.memory_space<hbm>> -> memref<1x1x1x25x80xi32, #tpu.memory_space<hbm>>
      %dma_wait3A_146 = tpu.memref_squeeze %dma_wait3A_145 : memref<1x1x1x25x80xi32, #tpu.memory_space<hbm>> -> memref<25x80xi32, #tpu.memory_space<hbm>>
      %dma_wait3A_147 = arith.constant 0 : i32
      %dma_wait3A_148 = arith.constant 0 : i32
      %dma_wait3A_149 = tpu.memref_slice %arg3[%run_scoped3A_80, %add3A, %run_scoped3A_81, %dma_wait3A_147, %dma_wait3A_148] : memref<2x32x5x25x80xi32, #tpu.memory_space<hbm>> -> memref<1x1x1x25x80xi32, #tpu.memory_space<hbm>>
      %dma_wait3A_150 = tpu.memref_squeeze %dma_wait3A_149 : memref<1x1x1x25x80xi32, #tpu.memory_space<hbm>> -> memref<25x80xi32, #tpu.memory_space<hbm>>
      tpu.wait_dma2 semaphore(%run_scoped3A_135 : memref<!tpu.dma_semaphore, #tpu.memory_space<semaphore_mem>>) src(%dma_wait3A_150 : memref<25x80xi32, #tpu.memory_space<hbm>>) dst(%arg5 : memref<25x80xi32, #tpu.memory_space<vmem>>)
      tpu.yield
    }) : () -> ()
    %run_scoped3A_82 = arith.constant 1 : i32
    %run_scoped3A_83 = arith.constant 3 : i32
    "tpu.region"() ({
      %run_scoped3A_135 = tpu.sem_alloc : memref<!tpu.dma_semaphore, #tpu.memory_space<semaphore_mem>>
      %dma_start3A_136 = arith.constant 0 : i32
      %dma_start3A_137 = arith.constant 0 : i32
      %dma_start3A_138 = tpu.memref_slice %arg3[%run_scoped3A_82, %add3A, %run_scoped3A_83, %dma_start3A_136, %dma_start3A_137] : memref<2x32x5x25x80xi32, #tpu.memory_space<hbm>> -> memref<1x1x1x25x80xi32, #tpu.memory_space<hbm>>
      %dma_start3A_139 = tpu.memref_squeeze %dma_start3A_138 : memref<1x1x1x25x80xi32, #tpu.memory_space<hbm>> -> memref<25x80xi32, #tpu.memory_space<hbm>>
      %dma_start3A_140 = arith.constant 0 : i32
      %dma_start3A_141 = arith.constant 0 : i32
      %dma_start3A_142 = tpu.memref_slice %arg3[%run_scoped3A_82, %add3A, %run_scoped3A_83, %dma_start3A_140, %dma_start3A_141] : memref<2x32x5x25x80xi32, #tpu.memory_space<hbm>> -> memref<1x1x1x25x80xi32, #tpu.memory_space<hbm>>
      %dma_start3A_143 = tpu.memref_squeeze %dma_start3A_142 : memref<1x1x1x25x80xi32, #tpu.memory_space<hbm>> -> memref<25x80xi32, #tpu.memory_space<hbm>>
      tpu.enqueue_dma source(%dma_start3A_143 : memref<25x80xi32, #tpu.memory_space<hbm>>) target(%arg6 : memref<25x80xi32, #tpu.memory_space<vmem>>) target_semaphore(%run_scoped3A_135 : memref<!tpu.dma_semaphore, #tpu.memory_space<semaphore_mem>>)
      %dma_wait3A = arith.constant 0 : i32
      %dma_wait3A_144 = arith.constant 0 : i32
      %dma_wait3A_145 = tpu.memref_slice %arg3[%run_scoped3A_82, %add3A, %run_scoped3A_83, %dma_wait3A, %dma_wait3A_144] : memref<2x32x5x25x80xi32, #tpu.memory_space<hbm>> -> memref<1x1x1x25x80xi32, #tpu.memory_space<hbm>>
      %dma_wait3A_146 = tpu.memref_squeeze %dma_wait3A_145 : memref<1x1x1x25x80xi32, #tpu.memory_space<hbm>> -> memref<25x80xi32, #tpu.memory_space<hbm>>
      %dma_wait3A_147 = arith.constant 0 : i32
      %dma_wait3A_148 = arith.constant 0 : i32
      %dma_wait3A_149 = tpu.memref_slice %arg3[%run_scoped3A_82, %add3A, %run_scoped3A_83, %dma_wait3A_147, %dma_wait3A_148] : memref<2x32x5x25x80xi32, #tpu.memory_space<hbm>> -> memref<1x1x1x25x80xi32, #tpu.memory_space<hbm>>
      %dma_wait3A_150 = tpu.memref_squeeze %dma_wait3A_149 : memref<1x1x1x25x80xi32, #tpu.memory_space<hbm>> -> memref<25x80xi32, #tpu.memory_space<hbm>>
      tpu.wait_dma2 semaphore(%run_scoped3A_135 : memref<!tpu.dma_semaphore, #tpu.memory_space<semaphore_mem>>) src(%dma_wait3A_150 : memref<25x80xi32, #tpu.memory_space<hbm>>) dst(%arg6 : memref<25x80xi32, #tpu.memory_space<vmem>>)
      tpu.yield
    }) : () -> ()
    %scan3A_84 = arith.constant 0 : i32
    %scan3A_85 = arith.constant 0 : i32
    %scan3A_86 = arith.constant 25 : i32
    %scan3A_87 = arith.addi %scan3A_85, %scan3A_86 : i32
    %scan3A_88 = arith.constant 1 : i32
    scf.for %scan3A_135 = %scan3A_85 to %scan3A_87 step %scan3A_88  : i32 {
      %get3A = arith.index_cast %scan3A_135 : i32 to index
      %get3A_136 = arith.constant 0 : index
      %get3A_137 = tpu.vector_load %arg5[%get3A, %get3A_136] {strides = array<i32>} : memref<25x80xi32, #tpu.memory_space<vmem>>, vector<16xi32>,
      %get3A_138 = arith.index_cast %scan3A_135 : i32 to index
      %get3A_139 = arith.constant 0 : index
      %get3A_140 = tpu.vector_load %arg6[%get3A_138, %get3A_139] {strides = array<i32>} : memref<25x80xi32, #tpu.memory_space<vmem>>, vector<16xi32>,
      %eq3A_141 = arith.cmpi eq, %get3A_137, %get3A_140 : vector<16xi32>
      %jit3A = arith.constant 10000 : i32
      %broadcast_in_dim3A_142 = vector.broadcast %jit3A : i32 to vector<16xi32>
      %select_n3A = arith.select %eq3A_141, %broadcast_in_dim3A_142, %get3A_137 : vector<16xi1>, vector<16xi32>
      %swap3A = arith.index_cast %scan3A_135 : i32 to index
      %swap3A_143 = arith.constant 0 : index
      %swap3A_144 = tpu.vector_load %arg5[%swap3A, %swap3A_143] {strides = array<i32>} : memref<25x80xi32, #tpu.memory_space<vmem>>, vector<16xi32>,
      tpu.vector_store %arg5[%swap3A, %swap3A_143], %select_n3A {strides = array<i32>} : memref<25x80xi32, #tpu.memory_space<vmem>>, vector<16xi32>,
      %get3A_145 = arith.index_cast %scan3A_135 : i32 to index
      %get3A_146 = arith.constant 16 : index
      %get3A_147 = tpu.vector_load %arg5[%get3A_145, %get3A_146] {strides = array<i32>} : memref<25x80xi32, #tpu.memory_space<vmem>>, vector<16xi32>,
      %get3A_148 = arith.index_cast %scan3A_135 : i32 to index
      %get3A_149 = arith.constant 16 : index
      %get3A_150 = tpu.vector_load %arg6[%get3A_148, %get3A_149] {strides = array<i32>} : memref<25x80xi32, #tpu.memory_space<vmem>>, vector<16xi32>,
      %eq3A_151 = arith.cmpi eq, %get3A_147, %get3A_150 : vector<16xi32>
      %jit3A_152 = arith.constant 10000 : i32
      %broadcast_in_dim3A_153 = vector.broadcast %jit3A_152 : i32 to vector<16xi32>
      %select_n3A_154 = arith.select %eq3A_151, %broadcast_in_dim3A_153, %get3A_147 : vector<16xi1>, vector<16xi32>
      %swap3A_155 = arith.index_cast %scan3A_135 : i32 to index
      %swap3A_156 = arith.constant 16 : index
      %swap3A_157 = tpu.vector_load %arg5[%swap3A_155, %swap3A_156] {strides = array<i32>} : memref<25x80xi32, #tpu.memory_space<vmem>>, vector<16xi32>,
      tpu.vector_store %arg5[%swap3A_155, %swap3A_156], %select_n3A_154 {strides = array<i32>} : memref<25x80xi32, #tpu.memory_space<vmem>>, vector<16xi32>,
      %get3A_158 = arith.index_cast %scan3A_135 : i32 to index
      %get3A_159 = arith.constant 32 : index
      %get3A_160 = tpu.vector_load %arg5[%get3A_158, %get3A_159] {strides = array<i32>} : memref<25x80xi32, #tpu.memory_space<vmem>>, vector<16xi32>,
      %get3A_161 = arith.index_cast %scan3A_135 : i32 to index
      %get3A_162 = arith.constant 32 : index
      %get3A_163 = tpu.vector_load %arg6[%get3A_161, %get3A_162] {strides = array<i32>} : memref<25x80xi32, #tpu.memory_space<vmem>>, vector<16xi32>,
      %eq3A_164 = arith.cmpi eq, %get3A_160, %get3A_163 : vector<16xi32>
      %jit3A_165 = arith.constant 10000 : i32
      %broadcast_in_dim3A_166 = vector.broadcast %jit3A_165 : i32 to vector<16xi32>
      %select_n3A_167 = arith.select %eq3A_164, %broadcast_in_dim3A_166, %get3A_160 : vector<16xi1>, vector<16xi32>
      %swap3A_168 = arith.index_cast %scan3A_135 : i32 to index
      %swap3A_169 = arith.constant 32 : index
      %swap3A_170 = tpu.vector_load %arg5[%swap3A_168, %swap3A_169] {strides = array<i32>} : memref<25x80xi32, #tpu.memory_space<vmem>>, vector<16xi32>,
      tpu.vector_store %arg5[%swap3A_168, %swap3A_169], %select_n3A_167 {strides = array<i32>} : memref<25x80xi32, #tpu.memory_space<vmem>>, vector<16xi32>,
      %get3A_171 = arith.index_cast %scan3A_135 : i32 to index
      %get3A_172 = arith.constant 48 : index
      %get3A_173 = tpu.vector_load %arg5[%get3A_171, %get3A_172] {strides = array<i32>} : memref<25x80xi32, #tpu.memory_space<vmem>>, vector<16xi32>,
      %get3A_174 = arith.index_cast %scan3A_135 : i32 to index
      %get3A_175 = arith.constant 48 : index
      %get3A_176 = tpu.vector_load %arg6[%get3A_174, %get3A_175] {strides = array<i32>} : memref<25x80xi32, #tpu.memory_space<vmem>>, vector<16xi32>,
      %eq3A_177 = arith.cmpi eq, %get3A_173, %get3A_176 : vector<16xi32>
      %jit3A_178 = arith.constant 10000 : i32
      %broadcast_in_dim3A_179 = vector.broadcast %jit3A_178 : i32 to vector<16xi32>
      %select_n3A_180 = arith.select %eq3A_177, %broadcast_in_dim3A_179, %get3A_173 : vector<16xi1>, vector<16xi32>
      %swap3A_181 = arith.index_cast %scan3A_135 : i32 to index
      %swap3A_182 = arith.constant 48 : index
      %swap3A_183 = tpu.vector_load %arg5[%swap3A_181, %swap3A_182] {strides = array<i32>} : memref<25x80xi32, #tpu.memory_space<vmem>>, vector<16xi32>,
      tpu.vector_store %arg5[%swap3A_181, %swap3A_182], %select_n3A_180 {strides = array<i32>} : memref<25x80xi32, #tpu.memory_space<vmem>>, vector<16xi32>,
      %get3A_184 = arith.index_cast %scan3A_135 : i32 to index
      %get3A_185 = arith.constant 64 : index
      %get3A_186 = tpu.vector_load %arg5[%get3A_184, %get3A_185] {strides = array<i32>} : memref<25x80xi32, #tpu.memory_space<vmem>>, vector<16xi32>,
      %get3A_187 = arith.index_cast %scan3A_135 : i32 to index
      %get3A_188 = arith.constant 64 : index
      %get3A_189 = tpu.vector_load %arg6[%get3A_187, %get3A_188] {strides = array<i32>} : memref<25x80xi32, #tpu.memory_space<vmem>>, vector<16xi32>,
      %eq3A_190 = arith.cmpi eq, %get3A_186, %get3A_189 : vector<16xi32>
      %jit3A_191 = arith.constant 10000 : i32
      %broadcast_in_dim3A_192 = vector.broadcast %jit3A_191 : i32 to vector<16xi32>
      %select_n3A_193 = arith.select %eq3A_190, %broadcast_in_dim3A_192, %get3A_186 : vector<16xi1>, vector<16xi32>
      %swap3A_194 = arith.index_cast %scan3A_135 : i32 to index
      %swap3A_195 = arith.constant 64 : index
      %swap3A_196 = tpu.vector_load %arg5[%swap3A_194, %swap3A_195] {strides = array<i32>} : memref<25x80xi32, #tpu.memory_space<vmem>>, vector<16xi32>,
      tpu.vector_store %arg5[%swap3A_194, %swap3A_195], %select_n3A_193 {strides = array<i32>} : memref<25x80xi32, #tpu.memory_space<vmem>>, vector<16xi32>,
    }
    %scan3A_89 = arith.constant 25 : i32
    %dma_start3A_90 = arith.constant 0 : i32
    %dma_start3A_91 = arith.constant 0 : i32
    %dma_start3A_92 = tpu.memref_slice %arg6[%dma_start3A_90, %dma_start3A_91] : memref<25x80xi32, #tpu.memory_space<vmem>> -> memref<1x80xi32, #tpu.memory_space<vmem>>
    %dma_start3A_93 = tpu.memref_squeeze %dma_start3A_92 : memref<1x80xi32, #tpu.memory_space<vmem>> -> memref<80xi32, #tpu.memory_space<vmem>>
    %dma_start3A_94 = arith.constant 0 : i32
    %dma_start3A_95 = arith.constant 0 : i32
    %dma_start3A_96 = tpu.memref_slice %arg2[%dma_start3A_94, %dma_start3A_95] : memref<10000x128xf32, #tpu.memory_space<hbm>> -> memref<10000x128xf32, #tpu.memory_space<hbm>>
    tpu.enqueue_indirect_dma source(%dma_start3A_96 : memref<10000x128xf32, #tpu.memory_space<hbm>>) target(%arg7 : memref<80x128xf32, #tpu.memory_space<vmem>>) offsets(%dma_start3A_93 : memref<80xi32, #tpu.memory_space<vmem>>) semaphore(%arg10 : memref<!tpu.dma_semaphore, #tpu.memory_space<semaphore_mem>>)
    %scan3A_97 = arith.constant 0 : i32
    %scan3A_98 = arith.constant 0 : i32
    %scan3A_99 = arith.constant 13 : i32
    %scan3A_100 = arith.addi %scan3A_98, %scan3A_99 : i32
    %scan3A_101 = arith.constant 1 : i32
    scf.for %scan3A_135 = %scan3A_98 to %scan3A_100 step %scan3A_101  : i32 {
      %mul3A_136 = arith.constant 2 : i32
      %mul3A_137 = arith.muli %mul3A_136, %scan3A_135 : i32
      %mul3A_138 = arith.constant 2 : i32
      %mul3A_139 = arith.muli %mul3A_138, %scan3A_135 : i32
      %add3A_140 = arith.constant 1 : i32
      %add3A_141 = arith.addi %mul3A_139, %add3A_140 : i32
      %lt3A_142 = arith.constant 25 : i32
      %lt3A_143 = arith.cmpi slt, %add3A_141, %lt3A_142 : i32
      %convert_element_type3A_144 = arith.extui %lt3A_143 : i1 to i32
      %cond3A_145 = arith.constant 0 : i32
      %cond3A_146 = arith.cmpi ne, %convert_element_type3A_144, %cond3A_145 : i32
      scf.if %cond3A_146 {
        %dma_start3A_164 = arith.constant 0 : i32
        %dma_start3A_165 = tpu.memref_slice %arg6[%add3A_141, %dma_start3A_164] : memref<25x80xi32, #tpu.memory_space<vmem>> -> memref<1x80xi32, #tpu.memory_space<vmem>>
        %dma_start3A_166 = tpu.memref_squeeze %dma_start3A_165 : memref<1x80xi32, #tpu.memory_space<vmem>> -> memref<80xi32, #tpu.memory_space<vmem>>
        %dma_start3A_167 = arith.constant 0 : i32
        %dma_start3A_168 = arith.constant 0 : i32
        %dma_start3A_169 = tpu.memref_slice %arg2[%dma_start3A_167, %dma_start3A_168] : memref<10000x128xf32, #tpu.memory_space<hbm>> -> memref<10000x128xf32, #tpu.memory_space<hbm>>
        tpu.enqueue_indirect_dma source(%dma_start3A_169 : memref<10000x128xf32, #tpu.memory_space<hbm>>) target(%arg8 : memref<80x128xf32, #tpu.memory_space<vmem>>) offsets(%dma_start3A_166 : memref<80xi32, #tpu.memory_space<vmem>>) semaphore(%arg11 : memref<!tpu.dma_semaphore, #tpu.memory_space<semaphore_mem>>)
      } else {
      }
      %dma_wait3A = arith.constant 0 : i32
      %dma_wait3A_147 = tpu.memref_slice %arg6[%mul3A_137, %dma_wait3A] : memref<25x80xi32, #tpu.memory_space<vmem>> -> memref<1x80xi32, #tpu.memory_space<vmem>>
      %dma_wait3A_148 = tpu.memref_squeeze %dma_wait3A_147 : memref<1x80xi32, #tpu.memory_space<vmem>> -> memref<80xi32, #tpu.memory_space<vmem>>
      %dma_wait3A_149 = arith.constant 0 : i32
      %dma_wait3A_150 = arith.constant 0 : i32
      %dma_wait3A_151 = tpu.memref_slice %arg2[%dma_wait3A_149, %dma_wait3A_150] : memref<10000x128xf32, #tpu.memory_space<hbm>> -> memref<10000x128xf32, #tpu.memory_space<hbm>>
      tpu.wait_indirect_dma semaphore(%arg10 : memref<!tpu.dma_semaphore, #tpu.memory_space<semaphore_mem>>) src(%dma_wait3A_151 : memref<10000x128xf32, #tpu.memory_space<hbm>>) dst(%arg7 : memref<80x128xf32, #tpu.memory_space<vmem>>)
      "tpu.region"() ({
        %run_scoped3A_164 = tpu.sem_alloc : memref<!tpu.dma_semaphore, #tpu.memory_space<semaphore_mem>>
        %dma_start3A_165 = arith.constant 0 : i32
        %dma_start3A_166 = tpu.memref_slice %arg5[%mul3A_137, %dma_start3A_165] : memref<25x80xi32, #tpu.memory_space<vmem>> -> memref<1x80xi32, #tpu.memory_space<vmem>>
        %dma_start3A_167 = tpu.memref_squeeze %dma_start3A_166 : memref<1x80xi32, #tpu.memory_space<vmem>> -> memref<80xi32, #tpu.memory_space<vmem>>
        %dma_start3A_168 = arith.constant 0 : i32
        %dma_start3A_169 = arith.constant 0 : i32
        %dma_start3A_170 = tpu.memref_slice %arg9[%dma_start3A_168, %dma_start3A_169] : memref<10240x128xf32, #tpu.memory_space<vmem_shared>> -> memref<10240x128xf32, #tpu.memory_space<vmem_shared>>
        tpu.enqueue_indirect_dma source(%arg7 : memref<80x128xf32, #tpu.memory_space<vmem>>) target(%dma_start3A_170 : memref<10240x128xf32, #tpu.memory_space<vmem_shared>>) offsets(%dma_start3A_167 : memref<80xi32, #tpu.memory_space<vmem>>) semaphore(%run_scoped3A_164 : memref<!tpu.dma_semaphore, #tpu.memory_space<semaphore_mem>>) {add = true}
        %dma_wait3A_171 = arith.constant 0 : i32
        %dma_wait3A_172 = tpu.memref_slice %arg5[%mul3A_137, %dma_wait3A_171] : memref<25x80xi32, #tpu.memory_space<vmem>> -> memref<1x80xi32, #tpu.memory_space<vmem>>
        %dma_wait3A_173 = tpu.memref_squeeze %dma_wait3A_172 : memref<1x80xi32, #tpu.memory_space<vmem>> -> memref<80xi32, #tpu.memory_space<vmem>>
        %dma_wait3A_174 = arith.constant 0 : i32
        %dma_wait3A_175 = arith.constant 0 : i32
        %dma_wait3A_176 = tpu.memref_slice %arg9[%dma_wait3A_174, %dma_wait3A_175] : memref<10240x128xf32, #tpu.memory_space<vmem_shared>> -> memref<10240x128xf32, #tpu.memory_space<vmem_shared>>
        tpu.wait_indirect_dma semaphore(%run_scoped3A_164 : memref<!tpu.dma_semaphore, #tpu.memory_space<semaphore_mem>>) src(%arg7 : memref<80x128xf32, #tpu.memory_space<vmem>>) dst(%dma_wait3A_176 : memref<10240x128xf32, #tpu.memory_space<vmem_shared>>)
        tpu.yield
      }) : () -> ()
      %add3A_152 = arith.constant 2 : i32
      %add3A_153 = arith.addi %mul3A_137, %add3A_152 : i32
      %lt3A_154 = arith.constant 25 : i32
      %lt3A_155 = arith.cmpi slt, %add3A_153, %lt3A_154 : i32
      %convert_element_type3A_156 = arith.extui %lt3A_155 : i1 to i32
      %cond3A_157 = arith.constant 0 : i32
      %cond3A_158 = arith.cmpi ne, %convert_element_type3A_156, %cond3A_157 : i32
      scf.if %cond3A_158 {
        %add3A_164 = arith.constant 2 : i32
        %add3A_165 = arith.addi %mul3A_137, %add3A_164 : i32
        %dma_start3A_166 = arith.constant 0 : i32
        %dma_start3A_167 = tpu.memref_slice %arg6[%add3A_165, %dma_start3A_166] : memref<25x80xi32, #tpu.memory_space<vmem>> -> memref<1x80xi32, #tpu.memory_space<vmem>>
        %dma_start3A_168 = tpu.memref_squeeze %dma_start3A_167 : memref<1x80xi32, #tpu.memory_space<vmem>> -> memref<80xi32, #tpu.memory_space<vmem>>
        %dma_start3A_169 = arith.constant 0 : i32
        %dma_start3A_170 = arith.constant 0 : i32
        %dma_start3A_171 = tpu.memref_slice %arg2[%dma_start3A_169, %dma_start3A_170] : memref<10000x128xf32, #tpu.memory_space<hbm>> -> memref<10000x128xf32, #tpu.memory_space<hbm>>
        tpu.enqueue_indirect_dma source(%dma_start3A_171 : memref<10000x128xf32, #tpu.memory_space<hbm>>) target(%arg7 : memref<80x128xf32, #tpu.memory_space<vmem>>) offsets(%dma_start3A_168 : memref<80xi32, #tpu.memory_space<vmem>>) semaphore(%arg10 : memref<!tpu.dma_semaphore, #tpu.memory_space<semaphore_mem>>)
      } else {
      }
      %lt3A_159 = arith.constant 25 : i32
      %lt3A_160 = arith.cmpi slt, %add3A_141, %lt3A_159 : i32
      %convert_element_type3A_161 = arith.extui %lt3A_160 : i1 to i32
      %cond3A_162 = arith.constant 0 : i32
      %cond3A_163 = arith.cmpi ne, %convert_element_type3A_161, %cond3A_162 : i32
      scf.if %cond3A_163 {
        %dma_wait3A_164 = arith.constant 0 : i32
        %dma_wait3A_165 = tpu.memref_slice %arg6[%add3A_141, %dma_wait3A_164] : memref<25x80xi32, #tpu.memory_space<vmem>> -> memref<1x80xi32, #tpu.memory_space<vmem>>
        %dma_wait3A_166 = tpu.memref_squeeze %dma_wait3A_165 : memref<1x80xi32, #tpu.memory_space<vmem>> -> memref<80xi32, #tpu.memory_space<vmem>>
        %dma_wait3A_167 = arith.constant 0 : i32
        %dma_wait3A_168 = arith.constant 0 : i32
        %dma_wait3A_169 = tpu.memref_slice %arg2[%dma_wait3A_167, %dma_wait3A_168] : memref<10000x128xf32, #tpu.memory_space<hbm>> -> memref<10000x128xf32, #tpu.memory_space<hbm>>
        tpu.wait_indirect_dma semaphore(%arg11 : memref<!tpu.dma_semaphore, #tpu.memory_space<semaphore_mem>>) src(%dma_wait3A_169 : memref<10000x128xf32, #tpu.memory_space<hbm>>) dst(%arg8 : memref<80x128xf32, #tpu.memory_space<vmem>>)
        "tpu.region"() ({
          %run_scoped3A_170 = tpu.sem_alloc : memref<!tpu.dma_semaphore, #tpu.memory_space<semaphore_mem>>
          %dma_start3A_171 = arith.constant 0 : i32
          %dma_start3A_172 = tpu.memref_slice %arg5[%add3A_141, %dma_start3A_171] : memref<25x80xi32, #tpu.memory_space<vmem>> -> memref<1x80xi32, #tpu.memory_space<vmem>>
          %dma_start3A_173 = tpu.memref_squeeze %dma_start3A_172 : memref<1x80xi32, #tpu.memory_space<vmem>> -> memref<80xi32, #tpu.memory_space<vmem>>
          %dma_start3A_174 = arith.constant 0 : i32
          %dma_start3A_175 = arith.constant 0 : i32
          %dma_start3A_176 = tpu.memref_slice %arg9[%dma_start3A_174, %dma_start3A_175] : memref<10240x128xf32, #tpu.memory_space<vmem_shared>> -> memref<10240x128xf32, #tpu.memory_space<vmem_shared>>
          tpu.enqueue_indirect_dma source(%arg8 : memref<80x128xf32, #tpu.memory_space<vmem>>) target(%dma_start3A_176 : memref<10240x128xf32, #tpu.memory_space<vmem_shared>>) offsets(%dma_start3A_173 : memref<80xi32, #tpu.memory_space<vmem>>) semaphore(%run_scoped3A_170 : memref<!tpu.dma_semaphore, #tpu.memory_space<semaphore_mem>>) {add = true}
          %dma_wait3A_177 = arith.constant 0 : i32
          %dma_wait3A_178 = tpu.memref_slice %arg5[%add3A_141, %dma_wait3A_177] : memref<25x80xi32, #tpu.memory_space<vmem>> -> memref<1x80xi32, #tpu.memory_space<vmem>>
          %dma_wait3A_179 = tpu.memref_squeeze %dma_wait3A_178 : memref<1x80xi32, #tpu.memory_space<vmem>> -> memref<80xi32, #tpu.memory_space<vmem>>
          %dma_wait3A_180 = arith.constant 0 : i32
          %dma_wait3A_181 = arith.constant 0 : i32
          %dma_wait3A_182 = tpu.memref_slice %arg9[%dma_wait3A_180, %dma_wait3A_181] : memref<10240x128xf32, #tpu.memory_space<vmem_shared>> -> memref<10240x128xf32, #tpu.memory_space<vmem_shared>>
          tpu.wait_indirect_dma semaphore(%run_scoped3A_170 : memref<!tpu.dma_semaphore, #tpu.memory_space<semaphore_mem>>) src(%arg8 : memref<80x128xf32, #tpu.memory_space<vmem>>) dst(%dma_wait3A_182 : memref<10240x128xf32, #tpu.memory_space<vmem_shared>>)
          tpu.yield
        }) : () -> ()
      } else {
      }
    }
    %scan3A_102 = arith.constant 13 : i32
    %run_scoped3A_103 = arith.constant 0 : i32
    %run_scoped3A_104 = arith.constant 4 : i32
    "tpu.region"() ({
      %run_scoped3A_135 = tpu.sem_alloc : memref<!tpu.dma_semaphore, #tpu.memory_space<semaphore_mem>>
      %dma_start3A_136 = arith.constant 0 : i32
      %dma_start3A_137 = arith.constant 0 : i32
      %dma_start3A_138 = tpu.memref_slice %arg3[%run_scoped3A_103, %add3A, %run_scoped3A_104, %dma_start3A_136, %dma_start3A_137] : memref<2x32x5x25x80xi32, #tpu.memory_space<hbm>> -> memref<1x1x1x25x80xi32, #tpu.memory_space<hbm>>
      %dma_start3A_139 = tpu.memref_squeeze %dma_start3A_138 : memref<1x1x1x25x80xi32, #tpu.memory_space<hbm>> -> memref<25x80xi32, #tpu.memory_space<hbm>>
      %dma_start3A_140 = arith.constant 0 : i32
      %dma_start3A_141 = arith.constant 0 : i32
      %dma_start3A_142 = tpu.memref_slice %arg3[%run_scoped3A_103, %add3A, %run_scoped3A_104, %dma_start3A_140, %dma_start3A_141] : memref<2x32x5x25x80xi32, #tpu.memory_space<hbm>> -> memref<1x1x1x25x80xi32, #tpu.memory_space<hbm>>
      %dma_start3A_143 = tpu.memref_squeeze %dma_start3A_142 : memref<1x1x1x25x80xi32, #tpu.memory_space<hbm>> -> memref<25x80xi32, #tpu.memory_space<hbm>>
      tpu.enqueue_dma source(%dma_start3A_143 : memref<25x80xi32, #tpu.memory_space<hbm>>) target(%arg5 : memref<25x80xi32, #tpu.memory_space<vmem>>) target_semaphore(%run_scoped3A_135 : memref<!tpu.dma_semaphore, #tpu.memory_space<semaphore_mem>>)
      %dma_wait3A = arith.constant 0 : i32
      %dma_wait3A_144 = arith.constant 0 : i32
      %dma_wait3A_145 = tpu.memref_slice %arg3[%run_scoped3A_103, %add3A, %run_scoped3A_104, %dma_wait3A, %dma_wait3A_144] : memref<2x32x5x25x80xi32, #tpu.memory_space<hbm>> -> memref<1x1x1x25x80xi32, #tpu.memory_space<hbm>>
      %dma_wait3A_146 = tpu.memref_squeeze %dma_wait3A_145 : memref<1x1x1x25x80xi32, #tpu.memory_space<hbm>> -> memref<25x80xi32, #tpu.memory_space<hbm>>
      %dma_wait3A_147 = arith.constant 0 : i32
      %dma_wait3A_148 = arith.constant 0 : i32
      %dma_wait3A_149 = tpu.memref_slice %arg3[%run_scoped3A_103, %add3A, %run_scoped3A_104, %dma_wait3A_147, %dma_wait3A_148] : memref<2x32x5x25x80xi32, #tpu.memory_space<hbm>> -> memref<1x1x1x25x80xi32, #tpu.memory_space<hbm>>
      %dma_wait3A_150 = tpu.memref_squeeze %dma_wait3A_149 : memref<1x1x1x25x80xi32, #tpu.memory_space<hbm>> -> memref<25x80xi32, #tpu.memory_space<hbm>>
      tpu.wait_dma2 semaphore(%run_scoped3A_135 : memref<!tpu.dma_semaphore, #tpu.memory_space<semaphore_mem>>) src(%dma_wait3A_150 : memref<25x80xi32, #tpu.memory_space<hbm>>) dst(%arg5 : memref<25x80xi32, #tpu.memory_space<vmem>>)
      tpu.yield
    }) : () -> ()
    %run_scoped3A_105 = arith.constant 1 : i32
    %run_scoped3A_106 = arith.constant 4 : i32
    "tpu.region"() ({
      %run_scoped3A_135 = tpu.sem_alloc : memref<!tpu.dma_semaphore, #tpu.memory_space<semaphore_mem>>
      %dma_start3A_136 = arith.constant 0 : i32
      %dma_start3A_137 = arith.constant 0 : i32
      %dma_start3A_138 = tpu.memref_slice %arg3[%run_scoped3A_105, %add3A, %run_scoped3A_106, %dma_start3A_136, %dma_start3A_137] : memref<2x32x5x25x80xi32, #tpu.memory_space<hbm>> -> memref<1x1x1x25x80xi32, #tpu.memory_space<hbm>>
      %dma_start3A_139 = tpu.memref_squeeze %dma_start3A_138 : memref<1x1x1x25x80xi32, #tpu.memory_space<hbm>> -> memref<25x80xi32, #tpu.memory_space<hbm>>
      %dma_start3A_140 = arith.constant 0 : i32
      %dma_start3A_141 = arith.constant 0 : i32
      %dma_start3A_142 = tpu.memref_slice %arg3[%run_scoped3A_105, %add3A, %run_scoped3A_106, %dma_start3A_140, %dma_start3A_141] : memref<2x32x5x25x80xi32, #tpu.memory_space<hbm>> -> memref<1x1x1x25x80xi32, #tpu.memory_space<hbm>>
      %dma_start3A_143 = tpu.memref_squeeze %dma_start3A_142 : memref<1x1x1x25x80xi32, #tpu.memory_space<hbm>> -> memref<25x80xi32, #tpu.memory_space<hbm>>
      tpu.enqueue_dma source(%dma_start3A_143 : memref<25x80xi32, #tpu.memory_space<hbm>>) target(%arg6 : memref<25x80xi32, #tpu.memory_space<vmem>>) target_semaphore(%run_scoped3A_135 : memref<!tpu.dma_semaphore, #tpu.memory_space<semaphore_mem>>)
      %dma_wait3A = arith.constant 0 : i32
      %dma_wait3A_144 = arith.constant 0 : i32
      %dma_wait3A_145 = tpu.memref_slice %arg3[%run_scoped3A_105, %add3A, %run_scoped3A_106, %dma_wait3A, %dma_wait3A_144] : memref<2x32x5x25x80xi32, #tpu.memory_space<hbm>> -> memref<1x1x1x25x80xi32, #tpu.memory_space<hbm>>
      %dma_wait3A_146 = tpu.memref_squeeze %dma_wait3A_145 : memref<1x1x1x25x80xi32, #tpu.memory_space<hbm>> -> memref<25x80xi32, #tpu.memory_space<hbm>>
      %dma_wait3A_147 = arith.constant 0 : i32
      %dma_wait3A_148 = arith.constant 0 : i32
      %dma_wait3A_149 = tpu.memref_slice %arg3[%run_scoped3A_105, %add3A, %run_scoped3A_106, %dma_wait3A_147, %dma_wait3A_148] : memref<2x32x5x25x80xi32, #tpu.memory_space<hbm>> -> memref<1x1x1x25x80xi32, #tpu.memory_space<hbm>>
      %dma_wait3A_150 = tpu.memref_squeeze %dma_wait3A_149 : memref<1x1x1x25x80xi32, #tpu.memory_space<hbm>> -> memref<25x80xi32, #tpu.memory_space<hbm>>
      tpu.wait_dma2 semaphore(%run_scoped3A_135 : memref<!tpu.dma_semaphore, #tpu.memory_space<semaphore_mem>>) src(%dma_wait3A_150 : memref<25x80xi32, #tpu.memory_space<hbm>>) dst(%arg6 : memref<25x80xi32, #tpu.memory_space<vmem>>)
      tpu.yield
    }) : () -> ()
    %scan3A_107 = arith.constant 0 : i32
    %scan3A_108 = arith.constant 0 : i32
    %scan3A_109 = arith.constant 25 : i32
    %scan3A_110 = arith.addi %scan3A_108, %scan3A_109 : i32
    %scan3A_111 = arith.constant 1 : i32
    scf.for %scan3A_135 = %scan3A_108 to %scan3A_110 step %scan3A_111  : i32 {
      %get3A = arith.index_cast %scan3A_135 : i32 to index
      %get3A_136 = arith.constant 0 : index
      %get3A_137 = tpu.vector_load %arg5[%get3A, %get3A_136] {strides = array<i32>} : memref<25x80xi32, #tpu.memory_space<vmem>>, vector<16xi32>,
      %get3A_138 = arith.index_cast %scan3A_135 : i32 to index
      %get3A_139 = arith.constant 0 : index
      %get3A_140 = tpu.vector_load %arg6[%get3A_138, %get3A_139] {strides = array<i32>} : memref<25x80xi32, #tpu.memory_space<vmem>>, vector<16xi32>,
      %eq3A_141 = arith.cmpi eq, %get3A_137, %get3A_140 : vector<16xi32>
      %jit3A = arith.constant 10000 : i32
      %broadcast_in_dim3A_142 = vector.broadcast %jit3A : i32 to vector<16xi32>
      %select_n3A = arith.select %eq3A_141, %broadcast_in_dim3A_142, %get3A_137 : vector<16xi1>, vector<16xi32>
      %swap3A = arith.index_cast %scan3A_135 : i32 to index
      %swap3A_143 = arith.constant 0 : index
      %swap3A_144 = tpu.vector_load %arg5[%swap3A, %swap3A_143] {strides = array<i32>} : memref<25x80xi32, #tpu.memory_space<vmem>>, vector<16xi32>,
      tpu.vector_store %arg5[%swap3A, %swap3A_143], %select_n3A {strides = array<i32>} : memref<25x80xi32, #tpu.memory_space<vmem>>, vector<16xi32>,
      %get3A_145 = arith.index_cast %scan3A_135 : i32 to index
      %get3A_146 = arith.constant 16 : index
      %get3A_147 = tpu.vector_load %arg5[%get3A_145, %get3A_146] {strides = array<i32>} : memref<25x80xi32, #tpu.memory_space<vmem>>, vector<16xi32>,
      %get3A_148 = arith.index_cast %scan3A_135 : i32 to index
      %get3A_149 = arith.constant 16 : index
      %get3A_150 = tpu.vector_load %arg6[%get3A_148, %get3A_149] {strides = array<i32>} : memref<25x80xi32, #tpu.memory_space<vmem>>, vector<16xi32>,
      %eq3A_151 = arith.cmpi eq, %get3A_147, %get3A_150 : vector<16xi32>
      %jit3A_152 = arith.constant 10000 : i32
      %broadcast_in_dim3A_153 = vector.broadcast %jit3A_152 : i32 to vector<16xi32>
      %select_n3A_154 = arith.select %eq3A_151, %broadcast_in_dim3A_153, %get3A_147 : vector<16xi1>, vector<16xi32>
      %swap3A_155 = arith.index_cast %scan3A_135 : i32 to index
      %swap3A_156 = arith.constant 16 : index
      %swap3A_157 = tpu.vector_load %arg5[%swap3A_155, %swap3A_156] {strides = array<i32>} : memref<25x80xi32, #tpu.memory_space<vmem>>, vector<16xi32>,
      tpu.vector_store %arg5[%swap3A_155, %swap3A_156], %select_n3A_154 {strides = array<i32>} : memref<25x80xi32, #tpu.memory_space<vmem>>, vector<16xi32>,
      %get3A_158 = arith.index_cast %scan3A_135 : i32 to index
      %get3A_159 = arith.constant 32 : index
      %get3A_160 = tpu.vector_load %arg5[%get3A_158, %get3A_159] {strides = array<i32>} : memref<25x80xi32, #tpu.memory_space<vmem>>, vector<16xi32>,
      %get3A_161 = arith.index_cast %scan3A_135 : i32 to index
      %get3A_162 = arith.constant 32 : index
      %get3A_163 = tpu.vector_load %arg6[%get3A_161, %get3A_162] {strides = array<i32>} : memref<25x80xi32, #tpu.memory_space<vmem>>, vector<16xi32>,
      %eq3A_164 = arith.cmpi eq, %get3A_160, %get3A_163 : vector<16xi32>
      %jit3A_165 = arith.constant 10000 : i32
      %broadcast_in_dim3A_166 = vector.broadcast %jit3A_165 : i32 to vector<16xi32>
      %select_n3A_167 = arith.select %eq3A_164, %broadcast_in_dim3A_166, %get3A_160 : vector<16xi1>, vector<16xi32>
      %swap3A_168 = arith.index_cast %scan3A_135 : i32 to index
      %swap3A_169 = arith.constant 32 : index
      %swap3A_170 = tpu.vector_load %arg5[%swap3A_168, %swap3A_169] {strides = array<i32>} : memref<25x80xi32, #tpu.memory_space<vmem>>, vector<16xi32>,
      tpu.vector_store %arg5[%swap3A_168, %swap3A_169], %select_n3A_167 {strides = array<i32>} : memref<25x80xi32, #tpu.memory_space<vmem>>, vector<16xi32>,
      %get3A_171 = arith.index_cast %scan3A_135 : i32 to index
      %get3A_172 = arith.constant 48 : index
      %get3A_173 = tpu.vector_load %arg5[%get3A_171, %get3A_172] {strides = array<i32>} : memref<25x80xi32, #tpu.memory_space<vmem>>, vector<16xi32>,
      %get3A_174 = arith.index_cast %scan3A_135 : i32 to index
      %get3A_175 = arith.constant 48 : index
      %get3A_176 = tpu.vector_load %arg6[%get3A_174, %get3A_175] {strides = array<i32>} : memref<25x80xi32, #tpu.memory_space<vmem>>, vector<16xi32>,
      %eq3A_177 = arith.cmpi eq, %get3A_173, %get3A_176 : vector<16xi32>
      %jit3A_178 = arith.constant 10000 : i32
      %broadcast_in_dim3A_179 = vector.broadcast %jit3A_178 : i32 to vector<16xi32>
      %select_n3A_180 = arith.select %eq3A_177, %broadcast_in_dim3A_179, %get3A_173 : vector<16xi1>, vector<16xi32>
      %swap3A_181 = arith.index_cast %scan3A_135 : i32 to index
      %swap3A_182 = arith.constant 48 : index
      %swap3A_183 = tpu.vector_load %arg5[%swap3A_181, %swap3A_182] {strides = array<i32>} : memref<25x80xi32, #tpu.memory_space<vmem>>, vector<16xi32>,
      tpu.vector_store %arg5[%swap3A_181, %swap3A_182], %select_n3A_180 {strides = array<i32>} : memref<25x80xi32, #tpu.memory_space<vmem>>, vector<16xi32>,
      %get3A_184 = arith.index_cast %scan3A_135 : i32 to index
      %get3A_185 = arith.constant 64 : index
      %get3A_186 = tpu.vector_load %arg5[%get3A_184, %get3A_185] {strides = array<i32>} : memref<25x80xi32, #tpu.memory_space<vmem>>, vector<16xi32>,
      %get3A_187 = arith.index_cast %scan3A_135 : i32 to index
      %get3A_188 = arith.constant 64 : index
      %get3A_189 = tpu.vector_load %arg6[%get3A_187, %get3A_188] {strides = array<i32>} : memref<25x80xi32, #tpu.memory_space<vmem>>, vector<16xi32>,
      %eq3A_190 = arith.cmpi eq, %get3A_186, %get3A_189 : vector<16xi32>
      %jit3A_191 = arith.constant 10000 : i32
      %broadcast_in_dim3A_192 = vector.broadcast %jit3A_191 : i32 to vector<16xi32>
      %select_n3A_193 = arith.select %eq3A_190, %broadcast_in_dim3A_192, %get3A_186 : vector<16xi1>, vector<16xi32>
      %swap3A_194 = arith.index_cast %scan3A_135 : i32 to index
      %swap3A_195 = arith.constant 64 : index
      %swap3A_196 = tpu.vector_load %arg5[%swap3A_194, %swap3A_195] {strides = array<i32>} : memref<25x80xi32, #tpu.memory_space<vmem>>, vector<16xi32>,
      tpu.vector_store %arg5[%swap3A_194, %swap3A_195], %select_n3A_193 {strides = array<i32>} : memref<25x80xi32, #tpu.memory_space<vmem>>, vector<16xi32>,
    }
    %scan3A_112 = arith.constant 25 : i32
    %dma_start3A_113 = arith.constant 0 : i32
    %dma_start3A_114 = arith.constant 0 : i32
    %dma_start3A_115 = tpu.memref_slice %arg6[%dma_start3A_113, %dma_start3A_114] : memref<25x80xi32, #tpu.memory_space<vmem>> -> memref<1x80xi32, #tpu.memory_space<vmem>>
    %dma_start3A_116 = tpu.memref_squeeze %dma_start3A_115 : memref<1x80xi32, #tpu.memory_space<vmem>> -> memref<80xi32, #tpu.memory_space<vmem>>
    %dma_start3A_117 = arith.constant 0 : i32
    %dma_start3A_118 = arith.constant 0 : i32
    %dma_start3A_119 = tpu.memref_slice %arg2[%dma_start3A_117, %dma_start3A_118] : memref<10000x128xf32, #tpu.memory_space<hbm>> -> memref<10000x128xf32, #tpu.memory_space<hbm>>
    tpu.enqueue_indirect_dma source(%dma_start3A_119 : memref<10000x128xf32, #tpu.memory_space<hbm>>) target(%arg7 : memref<80x128xf32, #tpu.memory_space<vmem>>) offsets(%dma_start3A_116 : memref<80xi32, #tpu.memory_space<vmem>>) semaphore(%arg10 : memref<!tpu.dma_semaphore, #tpu.memory_space<semaphore_mem>>)
    %scan3A_120 = arith.constant 0 : i32
    %scan3A_121 = arith.constant 0 : i32
    %scan3A_122 = arith.constant 13 : i32
    %scan3A_123 = arith.addi %scan3A_121, %scan3A_122 : i32
    %scan3A_124 = arith.constant 1 : i32
    scf.for %scan3A_135 = %scan3A_121 to %scan3A_123 step %scan3A_124  : i32 {
      %mul3A_136 = arith.constant 2 : i32
      %mul3A_137 = arith.muli %mul3A_136, %scan3A_135 : i32
      %mul3A_138 = arith.constant 2 : i32
      %mul3A_139 = arith.muli %mul3A_138, %scan3A_135 : i32
      %add3A_140 = arith.constant 1 : i32
      %add3A_141 = arith.addi %mul3A_139, %add3A_140 : i32
      %lt3A_142 = arith.constant 25 : i32
      %lt3A_143 = arith.cmpi slt, %add3A_141, %lt3A_142 : i32
      %convert_element_type3A_144 = arith.extui %lt3A_143 : i1 to i32
      %cond3A_145 = arith.constant 0 : i32
      %cond3A_146 = arith.cmpi ne, %convert_element_type3A_144, %cond3A_145 : i32
      scf.if %cond3A_146 {
        %dma_start3A_164 = arith.constant 0 : i32
        %dma_start3A_165 = tpu.memref_slice %arg6[%add3A_141, %dma_start3A_164] : memref<25x80xi32, #tpu.memory_space<vmem>> -> memref<1x80xi32, #tpu.memory_space<vmem>>
        %dma_start3A_166 = tpu.memref_squeeze %dma_start3A_165 : memref<1x80xi32, #tpu.memory_space<vmem>> -> memref<80xi32, #tpu.memory_space<vmem>>
        %dma_start3A_167 = arith.constant 0 : i32
        %dma_start3A_168 = arith.constant 0 : i32
        %dma_start3A_169 = tpu.memref_slice %arg2[%dma_start3A_167, %dma_start3A_168] : memref<10000x128xf32, #tpu.memory_space<hbm>> -> memref<10000x128xf32, #tpu.memory_space<hbm>>
        tpu.enqueue_indirect_dma source(%dma_start3A_169 : memref<10000x128xf32, #tpu.memory_space<hbm>>) target(%arg8 : memref<80x128xf32, #tpu.memory_space<vmem>>) offsets(%dma_start3A_166 : memref<80xi32, #tpu.memory_space<vmem>>) semaphore(%arg11 : memref<!tpu.dma_semaphore, #tpu.memory_space<semaphore_mem>>)
      } else {
      }
      %dma_wait3A = arith.constant 0 : i32
      %dma_wait3A_147 = tpu.memref_slice %arg6[%mul3A_137, %dma_wait3A] : memref<25x80xi32, #tpu.memory_space<vmem>> -> memref<1x80xi32, #tpu.memory_space<vmem>>
      %dma_wait3A_148 = tpu.memref_squeeze %dma_wait3A_147 : memref<1x80xi32, #tpu.memory_space<vmem>> -> memref<80xi32, #tpu.memory_space<vmem>>
      %dma_wait3A_149 = arith.constant 0 : i32
      %dma_wait3A_150 = arith.constant 0 : i32
      %dma_wait3A_151 = tpu.memref_slice %arg2[%dma_wait3A_149, %dma_wait3A_150] : memref<10000x128xf32, #tpu.memory_space<hbm>> -> memref<10000x128xf32, #tpu.memory_space<hbm>>
      tpu.wait_indirect_dma semaphore(%arg10 : memref<!tpu.dma_semaphore, #tpu.memory_space<semaphore_mem>>) src(%dma_wait3A_151 : memref<10000x128xf32, #tpu.memory_space<hbm>>) dst(%arg7 : memref<80x128xf32, #tpu.memory_space<vmem>>)
      "tpu.region"() ({
        %run_scoped3A_164 = tpu.sem_alloc : memref<!tpu.dma_semaphore, #tpu.memory_space<semaphore_mem>>
        %dma_start3A_165 = arith.constant 0 : i32
        %dma_start3A_166 = tpu.memref_slice %arg5[%mul3A_137, %dma_start3A_165] : memref<25x80xi32, #tpu.memory_space<vmem>> -> memref<1x80xi32, #tpu.memory_space<vmem>>
        %dma_start3A_167 = tpu.memref_squeeze %dma_start3A_166 : memref<1x80xi32, #tpu.memory_space<vmem>> -> memref<80xi32, #tpu.memory_space<vmem>>
        %dma_start3A_168 = arith.constant 0 : i32
        %dma_start3A_169 = arith.constant 0 : i32
        %dma_start3A_170 = tpu.memref_slice %arg9[%dma_start3A_168, %dma_start3A_169] : memref<10240x128xf32, #tpu.memory_space<vmem_shared>> -> memref<10240x128xf32, #tpu.memory_space<vmem_shared>>
        tpu.enqueue_indirect_dma source(%arg7 : memref<80x128xf32, #tpu.memory_space<vmem>>) target(%dma_start3A_170 : memref<10240x128xf32, #tpu.memory_space<vmem_shared>>) offsets(%dma_start3A_167 : memref<80xi32, #tpu.memory_space<vmem>>) semaphore(%run_scoped3A_164 : memref<!tpu.dma_semaphore, #tpu.memory_space<semaphore_mem>>) {add = true}
        %dma_wait3A_171 = arith.constant 0 : i32
        %dma_wait3A_172 = tpu.memref_slice %arg5[%mul3A_137, %dma_wait3A_171] : memref<25x80xi32, #tpu.memory_space<vmem>> -> memref<1x80xi32, #tpu.memory_space<vmem>>
        %dma_wait3A_173 = tpu.memref_squeeze %dma_wait3A_172 : memref<1x80xi32, #tpu.memory_space<vmem>> -> memref<80xi32, #tpu.memory_space<vmem>>
        %dma_wait3A_174 = arith.constant 0 : i32
        %dma_wait3A_175 = arith.constant 0 : i32
        %dma_wait3A_176 = tpu.memref_slice %arg9[%dma_wait3A_174, %dma_wait3A_175] : memref<10240x128xf32, #tpu.memory_space<vmem_shared>> -> memref<10240x128xf32, #tpu.memory_space<vmem_shared>>
        tpu.wait_indirect_dma semaphore(%run_scoped3A_164 : memref<!tpu.dma_semaphore, #tpu.memory_space<semaphore_mem>>) src(%arg7 : memref<80x128xf32, #tpu.memory_space<vmem>>) dst(%dma_wait3A_176 : memref<10240x128xf32, #tpu.memory_space<vmem_shared>>)
        tpu.yield
      }) : () -> ()
      %add3A_152 = arith.constant 2 : i32
      %add3A_153 = arith.addi %mul3A_137, %add3A_152 : i32
      %lt3A_154 = arith.constant 25 : i32
      %lt3A_155 = arith.cmpi slt, %add3A_153, %lt3A_154 : i32
      %convert_element_type3A_156 = arith.extui %lt3A_155 : i1 to i32
      %cond3A_157 = arith.constant 0 : i32
      %cond3A_158 = arith.cmpi ne, %convert_element_type3A_156, %cond3A_157 : i32
      scf.if %cond3A_158 {
        %add3A_164 = arith.constant 2 : i32
        %add3A_165 = arith.addi %mul3A_137, %add3A_164 : i32
        %dma_start3A_166 = arith.constant 0 : i32
        %dma_start3A_167 = tpu.memref_slice %arg6[%add3A_165, %dma_start3A_166] : memref<25x80xi32, #tpu.memory_space<vmem>> -> memref<1x80xi32, #tpu.memory_space<vmem>>
        %dma_start3A_168 = tpu.memref_squeeze %dma_start3A_167 : memref<1x80xi32, #tpu.memory_space<vmem>> -> memref<80xi32, #tpu.memory_space<vmem>>
        %dma_start3A_169 = arith.constant 0 : i32
        %dma_start3A_170 = arith.constant 0 : i32
        %dma_start3A_171 = tpu.memref_slice %arg2[%dma_start3A_169, %dma_start3A_170] : memref<10000x128xf32, #tpu.memory_space<hbm>> -> memref<10000x128xf32, #tpu.memory_space<hbm>>
        tpu.enqueue_indirect_dma source(%dma_start3A_171 : memref<10000x128xf32, #tpu.memory_space<hbm>>) target(%arg7 : memref<80x128xf32, #tpu.memory_space<vmem>>) offsets(%dma_start3A_168 : memref<80xi32, #tpu.memory_space<vmem>>) semaphore(%arg10 : memref<!tpu.dma_semaphore, #tpu.memory_space<semaphore_mem>>)
      } else {
      }
      %lt3A_159 = arith.constant 25 : i32
      %lt3A_160 = arith.cmpi slt, %add3A_141, %lt3A_159 : i32
      %convert_element_type3A_161 = arith.extui %lt3A_160 : i1 to i32
      %cond3A_162 = arith.constant 0 : i32
      %cond3A_163 = arith.cmpi ne, %convert_element_type3A_161, %cond3A_162 : i32
      scf.if %cond3A_163 {
        %dma_wait3A_164 = arith.constant 0 : i32
        %dma_wait3A_165 = tpu.memref_slice %arg6[%add3A_141, %dma_wait3A_164] : memref<25x80xi32, #tpu.memory_space<vmem>> -> memref<1x80xi32, #tpu.memory_space<vmem>>
        %dma_wait3A_166 = tpu.memref_squeeze %dma_wait3A_165 : memref<1x80xi32, #tpu.memory_space<vmem>> -> memref<80xi32, #tpu.memory_space<vmem>>
        %dma_wait3A_167 = arith.constant 0 : i32
        %dma_wait3A_168 = arith.constant 0 : i32
        %dma_wait3A_169 = tpu.memref_slice %arg2[%dma_wait3A_167, %dma_wait3A_168] : memref<10000x128xf32, #tpu.memory_space<hbm>> -> memref<10000x128xf32, #tpu.memory_space<hbm>>
        tpu.wait_indirect_dma semaphore(%arg11 : memref<!tpu.dma_semaphore, #tpu.memory_space<semaphore_mem>>) src(%dma_wait3A_169 : memref<10000x128xf32, #tpu.memory_space<hbm>>) dst(%arg8 : memref<80x128xf32, #tpu.memory_space<vmem>>)
        "tpu.region"() ({
          %run_scoped3A_170 = tpu.sem_alloc : memref<!tpu.dma_semaphore, #tpu.memory_space<semaphore_mem>>
          %dma_start3A_171 = arith.constant 0 : i32
          %dma_start3A_172 = tpu.memref_slice %arg5[%add3A_141, %dma_start3A_171] : memref<25x80xi32, #tpu.memory_space<vmem>> -> memref<1x80xi32, #tpu.memory_space<vmem>>
          %dma_start3A_173 = tpu.memref_squeeze %dma_start3A_172 : memref<1x80xi32, #tpu.memory_space<vmem>> -> memref<80xi32, #tpu.memory_space<vmem>>
          %dma_start3A_174 = arith.constant 0 : i32
          %dma_start3A_175 = arith.constant 0 : i32
          %dma_start3A_176 = tpu.memref_slice %arg9[%dma_start3A_174, %dma_start3A_175] : memref<10240x128xf32, #tpu.memory_space<vmem_shared>> -> memref<10240x128xf32, #tpu.memory_space<vmem_shared>>
          tpu.enqueue_indirect_dma source(%arg8 : memref<80x128xf32, #tpu.memory_space<vmem>>) target(%dma_start3A_176 : memref<10240x128xf32, #tpu.memory_space<vmem_shared>>) offsets(%dma_start3A_173 : memref<80xi32, #tpu.memory_space<vmem>>) semaphore(%run_scoped3A_170 : memref<!tpu.dma_semaphore, #tpu.memory_space<semaphore_mem>>) {add = true}
          %dma_wait3A_177 = arith.constant 0 : i32
          %dma_wait3A_178 = tpu.memref_slice %arg5[%add3A_141, %dma_wait3A_177] : memref<25x80xi32, #tpu.memory_space<vmem>> -> memref<1x80xi32, #tpu.memory_space<vmem>>
          %dma_wait3A_179 = tpu.memref_squeeze %dma_wait3A_178 : memref<1x80xi32, #tpu.memory_space<vmem>> -> memref<80xi32, #tpu.memory_space<vmem>>
          %dma_wait3A_180 = arith.constant 0 : i32
          %dma_wait3A_181 = arith.constant 0 : i32
          %dma_wait3A_182 = tpu.memref_slice %arg9[%dma_wait3A_180, %dma_wait3A_181] : memref<10240x128xf32, #tpu.memory_space<vmem_shared>> -> memref<10240x128xf32, #tpu.memory_space<vmem_shared>>
          tpu.wait_indirect_dma semaphore(%run_scoped3A_170 : memref<!tpu.dma_semaphore, #tpu.memory_space<semaphore_mem>>) src(%arg8 : memref<80x128xf32, #tpu.memory_space<vmem>>) dst(%dma_wait3A_182 : memref<10240x128xf32, #tpu.memory_space<vmem_shared>>)
          tpu.yield
        }) : () -> ()
      } else {
      }
    }
    %scan3A_125 = arith.constant 13 : i32
    %barrier3A_126 = arith.constant 0 : index
    tpu.barrier barrier_id(%barrier3A_126)
    %mul3A_127 = arith.constant 640 : i32
    %mul3A_128 = arith.muli %arg1, %mul3A_127 : i32
    %multiple_of3A = tpu.assume_multiple %mul3A_128, 8 : i32
    %lt3A = arith.constant 15 : i32
    %lt3A_129 = arith.cmpi slt, %arg1, %lt3A : i32
    %convert_element_type3A = arith.extui %lt3A_129 : i1 to i32
    %cond3A = arith.constant 0 : i32
    %cond3A_130 = arith.cmpi ne, %convert_element_type3A, %cond3A : i32
    scf.if %cond3A_130 {
      "tpu.region"() ({
        %run_scoped3A_135 = tpu.sem_alloc : memref<!tpu.dma_semaphore, #tpu.memory_space<semaphore_mem>>
        %dma_start3A_136 = arith.constant 0 : i32
        %dma_start3A_137 = tpu.memref_slice %arg4[%arg0, %multiple_of3A, %dma_start3A_136] : memref<2x10000x128xf32, #tpu.memory_space<hbm>> -> memref<1x640x128xf32, #tpu.memory_space<hbm>>
        %dma_start3A_138 = tpu.memref_squeeze %dma_start3A_137 : memref<1x640x128xf32, #tpu.memory_space<hbm>> -> memref<640x128xf32, #tpu.memory_space<hbm>>
        %dma_start3A_139 = arith.constant 0 : i32
        %dma_start3A_140 = tpu.memref_slice %arg9[%multiple_of3A, %dma_start3A_139] : memref<10240x128xf32, #tpu.memory_space<vmem_shared>> -> memref<640x128xf32, #tpu.memory_space<vmem_shared>>
        tpu.enqueue_dma source(%dma_start3A_140 : memref<640x128xf32, #tpu.memory_space<vmem_shared>>) target(%dma_start3A_138 : memref<640x128xf32, #tpu.memory_space<hbm>>) target_semaphore(%run_scoped3A_135 : memref<!tpu.dma_semaphore, #tpu.memory_space<semaphore_mem>>)
        %dma_wait3A = arith.constant 0 : i32
        %dma_wait3A_141 = tpu.memref_slice %arg4[%arg0, %multiple_of3A, %dma_wait3A] : memref<2x10000x128xf32, #tpu.memory_space<hbm>> -> memref<1x640x128xf32, #tpu.memory_space<hbm>>
        %dma_wait3A_142 = tpu.memref_squeeze %dma_wait3A_141 : memref<1x640x128xf32, #tpu.memory_space<hbm>> -> memref<640x128xf32, #tpu.memory_space<hbm>>
        %dma_wait3A_143 = arith.constant 0 : i32
        %dma_wait3A_144 = tpu.memref_slice %arg9[%multiple_of3A, %dma_wait3A_143] : memref<10240x128xf32, #tpu.memory_space<vmem_shared>> -> memref<640x128xf32, #tpu.memory_space<vmem_shared>>
        tpu.wait_dma2 semaphore(%run_scoped3A_135 : memref<!tpu.dma_semaphore, #tpu.memory_space<semaphore_mem>>) src(%dma_wait3A_144 : memref<640x128xf32, #tpu.memory_space<vmem_shared>>) dst(%dma_wait3A_142 : memref<640x128xf32, #tpu.memory_space<hbm>>)
        tpu.yield
      }) : () -> ()
    } else {
    }
    %eq3A = arith.constant 15 : i32
    %eq3A_131 = arith.cmpi eq, %arg1, %eq3A : i32
    %convert_element_type3A_132 = arith.extui %eq3A_131 : i1 to i32
    %cond3A_133 = arith.constant 0 : i32
    %cond3A_134 = arith.cmpi ne, %convert_element_type3A_132, %cond3A_133 : i32
    scf.if %cond3A_134 {
      "tpu.region"() ({
        %run_scoped3A_135 = tpu.sem_alloc : memref<!tpu.dma_semaphore, #tpu.memory_space<semaphore_mem>>
        %dma_start3A_136 = arith.constant 9600 : i32
        %dma_start3A_137 = arith.constant 0 : i32
        %dma_start3A_138 = tpu.memref_slice %arg4[%arg0, %dma_start3A_136, %dma_start3A_137] : memref<2x10000x128xf32, #tpu.memory_space<hbm>> -> memref<1x400x128xf32, #tpu.memory_space<hbm>>
        %dma_start3A_139 = tpu.memref_squeeze %dma_start3A_138 : memref<1x400x128xf32, #tpu.memory_space<hbm>> -> memref<400x128xf32, #tpu.memory_space<hbm>>
        %dma_start3A_140 = arith.constant 9600 : i32
        %dma_start3A_141 = arith.constant 0 : i32
        %dma_start3A_142 = tpu.memref_slice %arg9[%dma_start3A_140, %dma_start3A_141] : memref<10240x128xf32, #tpu.memory_space<vmem_shared>> -> memref<400x128xf32, #tpu.memory_space<vmem_shared>>
        tpu.enqueue_dma source(%dma_start3A_142 : memref<400x128xf32, #tpu.memory_space<vmem_shared>>) target(%dma_start3A_139 : memref<400x128xf32, #tpu.memory_space<hbm>>) target_semaphore(%run_scoped3A_135 : memref<!tpu.dma_semaphore, #tpu.memory_space<semaphore_mem>>)
        %dma_wait3A = arith.constant 9600 : i32
        %dma_wait3A_143 = arith.constant 0 : i32
        %dma_wait3A_144 = tpu.memref_slice %arg4[%arg0, %dma_wait3A, %dma_wait3A_143] : memref<2x10000x128xf32, #tpu.memory_space<hbm>> -> memref<1x400x128xf32, #tpu.memory_space<hbm>>
        %dma_wait3A_145 = tpu.memref_squeeze %dma_wait3A_144 : memref<1x400x128xf32, #tpu.memory_space<hbm>> -> memref<400x128xf32, #tpu.memory_space<hbm>>
        %dma_wait3A_146 = arith.constant 9600 : i32
        %dma_wait3A_147 = arith.constant 0 : i32
        %dma_wait3A_148 = tpu.memref_slice %arg9[%dma_wait3A_146, %dma_wait3A_147] : memref<10240x128xf32, #tpu.memory_space<vmem_shared>> -> memref<400x128xf32, #tpu.memory_space<vmem_shared>>
        tpu.wait_dma2 semaphore(%run_scoped3A_135 : memref<!tpu.dma_semaphore, #tpu.memory_space<semaphore_mem>>) src(%dma_wait3A_148 : memref<400x128xf32, #tpu.memory_space<vmem_shared>>) dst(%dma_wait3A_145 : memref<400x128xf32, #tpu.memory_space<hbm>>)
        tpu.yield
      }) : () -> ()
    } else {
    }
    return
  }
}

#map = affine_map<(d0, d1) -> (0, 0, 0, 0)>
#map1 = affine_map<(d0, d1) -> (0, 0, 0)>
module attributes {stable_mosaic.version = 14 : i64} {
  func.func @_deg_kernel(%arg0: i32, %arg1: i32, %arg2: memref<2x32x125x80xi32, #tpu.memory_space<hbm>>, %arg3: memref<2x80x128xf32, #tpu.memory_space<hbm>>, %arg4: memref<125x80xi32, #tpu.memory_space<vmem>>, %arg5: memref<125x80xi32, #tpu.memory_space<vmem>>, %arg6: memref<80x128xf32, #tpu.memory_space<vmem>>, %arg7: memref<8x80xi32, #tpu.memory_space<vmem>>, %arg8: memref<80x128xf32, #tpu.memory_space<vmem_shared>>) attributes {dimension_semantics = [#tpu.dimension_semantics<core_parallel>, #tpu.dimension_semantics<subcore_parallel>], iteration_bounds = array<i64: 2, 16>, scalar_prefetch = 0 : i64, scratch_operands = 5 : i64, tpu.core_type = #tpu.core_type<sc_vector_subcore>, window_params = [{transform_indices = #map}, {transform_indices = #map1}]} {
    %mul3A = arith.constant 16 : i32
    %mul3A_0 = arith.muli %arg0, %mul3A : i32
    %add3A = arith.addi %mul3A_0, %arg1 : i32
    %run_scoped3A = arith.constant 0 : i32
    "tpu.region"() ({
      %run_scoped3A_304 = tpu.sem_alloc : memref<!tpu.dma_semaphore, #tpu.memory_space<semaphore_mem>>
      %dma_start3A = arith.constant 0 : i32
      %dma_start3A_305 = arith.constant 0 : i32
      %dma_start3A_306 = tpu.memref_slice %arg2[%run_scoped3A, %add3A, %dma_start3A, %dma_start3A_305] : memref<2x32x125x80xi32, #tpu.memory_space<hbm>> -> memref<1x1x125x80xi32, #tpu.memory_space<hbm>>
      %dma_start3A_307 = tpu.memref_squeeze %dma_start3A_306 : memref<1x1x125x80xi32, #tpu.memory_space<hbm>> -> memref<125x80xi32, #tpu.memory_space<hbm>>
      %dma_start3A_308 = arith.constant 0 : i32
      %dma_start3A_309 = arith.constant 0 : i32
      %dma_start3A_310 = tpu.memref_slice %arg2[%run_scoped3A, %add3A, %dma_start3A_308, %dma_start3A_309] : memref<2x32x125x80xi32, #tpu.memory_space<hbm>> -> memref<1x1x125x80xi32, #tpu.memory_space<hbm>>
      %dma_start3A_311 = tpu.memref_squeeze %dma_start3A_310 : memref<1x1x125x80xi32, #tpu.memory_space<hbm>> -> memref<125x80xi32, #tpu.memory_space<hbm>>
      tpu.enqueue_dma source(%dma_start3A_311 : memref<125x80xi32, #tpu.memory_space<hbm>>) target(%arg4 : memref<125x80xi32, #tpu.memory_space<vmem>>) target_semaphore(%run_scoped3A_304 : memref<!tpu.dma_semaphore, #tpu.memory_space<semaphore_mem>>)
      %dma_wait3A = arith.constant 0 : i32
      %dma_wait3A_312 = arith.constant 0 : i32
      %dma_wait3A_313 = tpu.memref_slice %arg2[%run_scoped3A, %add3A, %dma_wait3A, %dma_wait3A_312] : memref<2x32x125x80xi32, #tpu.memory_space<hbm>> -> memref<1x1x125x80xi32, #tpu.memory_space<hbm>>
      %dma_wait3A_314 = tpu.memref_squeeze %dma_wait3A_313 : memref<1x1x125x80xi32, #tpu.memory_space<hbm>> -> memref<125x80xi32, #tpu.memory_space<hbm>>
      %dma_wait3A_315 = arith.constant 0 : i32
      %dma_wait3A_316 = arith.constant 0 : i32
      %dma_wait3A_317 = tpu.memref_slice %arg2[%run_scoped3A, %add3A, %dma_wait3A_315, %dma_wait3A_316] : memref<2x32x125x80xi32, #tpu.memory_space<hbm>> -> memref<1x1x125x80xi32, #tpu.memory_space<hbm>>
      %dma_wait3A_318 = tpu.memref_squeeze %dma_wait3A_317 : memref<1x1x125x80xi32, #tpu.memory_space<hbm>> -> memref<125x80xi32, #tpu.memory_space<hbm>>
      tpu.wait_dma2 semaphore(%run_scoped3A_304 : memref<!tpu.dma_semaphore, #tpu.memory_space<semaphore_mem>>) src(%dma_wait3A_318 : memref<125x80xi32, #tpu.memory_space<hbm>>) dst(%arg4 : memref<125x80xi32, #tpu.memory_space<vmem>>)
      tpu.yield
    }) : () -> ()
    %run_scoped3A_1 = arith.constant 1 : i32
    "tpu.region"() ({
      %run_scoped3A_304 = tpu.sem_alloc : memref<!tpu.dma_semaphore, #tpu.memory_space<semaphore_mem>>
      %dma_start3A = arith.constant 0 : i32
      %dma_start3A_305 = arith.constant 0 : i32
      %dma_start3A_306 = tpu.memref_slice %arg2[%run_scoped3A_1, %add3A, %dma_start3A, %dma_start3A_305] : memref<2x32x125x80xi32, #tpu.memory_space<hbm>> -> memref<1x1x125x80xi32, #tpu.memory_space<hbm>>
      %dma_start3A_307 = tpu.memref_squeeze %dma_start3A_306 : memref<1x1x125x80xi32, #tpu.memory_space<hbm>> -> memref<125x80xi32, #tpu.memory_space<hbm>>
      %dma_start3A_308 = arith.constant 0 : i32
      %dma_start3A_309 = arith.constant 0 : i32
      %dma_start3A_310 = tpu.memref_slice %arg2[%run_scoped3A_1, %add3A, %dma_start3A_308, %dma_start3A_309] : memref<2x32x125x80xi32, #tpu.memory_space<hbm>> -> memref<1x1x125x80xi32, #tpu.memory_space<hbm>>
      %dma_start3A_311 = tpu.memref_squeeze %dma_start3A_310 : memref<1x1x125x80xi32, #tpu.memory_space<hbm>> -> memref<125x80xi32, #tpu.memory_space<hbm>>
      tpu.enqueue_dma source(%dma_start3A_311 : memref<125x80xi32, #tpu.memory_space<hbm>>) target(%arg5 : memref<125x80xi32, #tpu.memory_space<vmem>>) target_semaphore(%run_scoped3A_304 : memref<!tpu.dma_semaphore, #tpu.memory_space<semaphore_mem>>)
      %dma_wait3A = arith.constant 0 : i32
      %dma_wait3A_312 = arith.constant 0 : i32
      %dma_wait3A_313 = tpu.memref_slice %arg2[%run_scoped3A_1, %add3A, %dma_wait3A, %dma_wait3A_312] : memref<2x32x125x80xi32, #tpu.memory_space<hbm>> -> memref<1x1x125x80xi32, #tpu.memory_space<hbm>>
      %dma_wait3A_314 = tpu.memref_squeeze %dma_wait3A_313 : memref<1x1x125x80xi32, #tpu.memory_space<hbm>> -> memref<125x80xi32, #tpu.memory_space<hbm>>
      %dma_wait3A_315 = arith.constant 0 : i32
      %dma_wait3A_316 = arith.constant 0 : i32
      %dma_wait3A_317 = tpu.memref_slice %arg2[%run_scoped3A_1, %add3A, %dma_wait3A_315, %dma_wait3A_316] : memref<2x32x125x80xi32, #tpu.memory_space<hbm>> -> memref<1x1x125x80xi32, #tpu.memory_space<hbm>>
      %dma_wait3A_318 = tpu.memref_squeeze %dma_wait3A_317 : memref<1x1x125x80xi32, #tpu.memory_space<hbm>> -> memref<125x80xi32, #tpu.memory_space<hbm>>
      tpu.wait_dma2 semaphore(%run_scoped3A_304 : memref<!tpu.dma_semaphore, #tpu.memory_space<semaphore_mem>>) src(%dma_wait3A_318 : memref<125x80xi32, #tpu.memory_space<hbm>>) dst(%arg5 : memref<125x80xi32, #tpu.memory_space<vmem>>)
      tpu.yield
    }) : () -> ()
    %broadcast_in_dim3A = arith.constant 0.000000e+00 : f32
    %broadcast_in_dim3A_2 = vector.broadcast %broadcast_in_dim3A : f32 to vector<16xf32>
    %scan3A = arith.constant 0 : i32
    %scan3A_3 = arith.constant 0 : i32
    %scan3A_4 = arith.constant 80 : i32
    %scan3A_5 = arith.addi %scan3A_3, %scan3A_4 : i32
    %scan3A_6 = arith.constant 1 : i32
    scf.for %scan3A_304 = %scan3A_3 to %scan3A_5 step %scan3A_6  : i32 {
      %swap3A_305 = arith.index_cast %scan3A_304 : i32 to index
      %swap3A_306 = arith.constant 0 : index
      %swap3A_307 = tpu.vector_load %arg6[%swap3A_305, %swap3A_306] {strides = array<i32>} : memref<80x128xf32, #tpu.memory_space<vmem>>, vector<16xf32>,
      tpu.vector_store %arg6[%swap3A_305, %swap3A_306], %broadcast_in_dim3A_2 {strides = array<i32>} : memref<80x128xf32, #tpu.memory_space<vmem>>, vector<16xf32>,
      %swap3A_308 = arith.index_cast %scan3A_304 : i32 to index
      %swap3A_309 = arith.constant 16 : index
      %swap3A_310 = tpu.vector_load %arg6[%swap3A_308, %swap3A_309] {strides = array<i32>} : memref<80x128xf32, #tpu.memory_space<vmem>>, vector<16xf32>,
      tpu.vector_store %arg6[%swap3A_308, %swap3A_309], %broadcast_in_dim3A_2 {strides = array<i32>} : memref<80x128xf32, #tpu.memory_space<vmem>>, vector<16xf32>,
      %swap3A_311 = arith.index_cast %scan3A_304 : i32 to index
      %swap3A_312 = arith.constant 32 : index
      %swap3A_313 = tpu.vector_load %arg6[%swap3A_311, %swap3A_312] {strides = array<i32>} : memref<80x128xf32, #tpu.memory_space<vmem>>, vector<16xf32>,
      tpu.vector_store %arg6[%swap3A_311, %swap3A_312], %broadcast_in_dim3A_2 {strides = array<i32>} : memref<80x128xf32, #tpu.memory_space<vmem>>, vector<16xf32>,
      %swap3A_314 = arith.index_cast %scan3A_304 : i32 to index
      %swap3A_315 = arith.constant 48 : index
      %swap3A_316 = tpu.vector_load %arg6[%swap3A_314, %swap3A_315] {strides = array<i32>} : memref<80x128xf32, #tpu.memory_space<vmem>>, vector<16xf32>,
      tpu.vector_store %arg6[%swap3A_314, %swap3A_315], %broadcast_in_dim3A_2 {strides = array<i32>} : memref<80x128xf32, #tpu.memory_space<vmem>>, vector<16xf32>,
      %swap3A_317 = arith.index_cast %scan3A_304 : i32 to index
      %swap3A_318 = arith.constant 64 : index
      %swap3A_319 = tpu.vector_load %arg6[%swap3A_317, %swap3A_318] {strides = array<i32>} : memref<80x128xf32, #tpu.memory_space<vmem>>, vector<16xf32>,
      tpu.vector_store %arg6[%swap3A_317, %swap3A_318], %broadcast_in_dim3A_2 {strides = array<i32>} : memref<80x128xf32, #tpu.memory_space<vmem>>, vector<16xf32>,
      %swap3A_320 = arith.index_cast %scan3A_304 : i32 to index
      %swap3A_321 = arith.constant 80 : index
      %swap3A_322 = tpu.vector_load %arg6[%swap3A_320, %swap3A_321] {strides = array<i32>} : memref<80x128xf32, #tpu.memory_space<vmem>>, vector<16xf32>,
      tpu.vector_store %arg6[%swap3A_320, %swap3A_321], %broadcast_in_dim3A_2 {strides = array<i32>} : memref<80x128xf32, #tpu.memory_space<vmem>>, vector<16xf32>,
      %swap3A_323 = arith.index_cast %scan3A_304 : i32 to index
      %swap3A_324 = arith.constant 96 : index
      %swap3A_325 = tpu.vector_load %arg6[%swap3A_323, %swap3A_324] {strides = array<i32>} : memref<80x128xf32, #tpu.memory_space<vmem>>, vector<16xf32>,
      tpu.vector_store %arg6[%swap3A_323, %swap3A_324], %broadcast_in_dim3A_2 {strides = array<i32>} : memref<80x128xf32, #tpu.memory_space<vmem>>, vector<16xf32>,
      %swap3A_326 = arith.index_cast %scan3A_304 : i32 to index
      %swap3A_327 = arith.constant 112 : index
      %swap3A_328 = tpu.vector_load %arg6[%swap3A_326, %swap3A_327] {strides = array<i32>} : memref<80x128xf32, #tpu.memory_space<vmem>>, vector<16xf32>,
      tpu.vector_store %arg6[%swap3A_326, %swap3A_327], %broadcast_in_dim3A_2 {strides = array<i32>} : memref<80x128xf32, #tpu.memory_space<vmem>>, vector<16xf32>,
    }
    %scan3A_7 = arith.constant 80 : i32
    %iota3A = tpu.iota {dimensions = array<i32: 0>} : vector<16xi32>
    %add3A_8 = arith.constant 0 : i32
    %add3A_9 = vector.broadcast %add3A_8 : i32 to vector<16xi32>
    %add3A_10 = arith.addi %iota3A, %add3A_9 : vector<16xi32>
    %swap3A = arith.constant 0 : i32
    %swap3A_11 = arith.index_cast %swap3A : i32 to index
    %swap3A_12 = arith.constant 0 : index
    %swap3A_13 = tpu.vector_load %arg7[%swap3A_11, %swap3A_12] {strides = array<i32>} : memref<8x80xi32, #tpu.memory_space<vmem>>, vector<16xi32>,
    tpu.vector_store %arg7[%swap3A_11, %swap3A_12], %add3A_10 {strides = array<i32>} : memref<8x80xi32, #tpu.memory_space<vmem>>, vector<16xi32>,
    %add3A_14 = arith.constant 16 : i32
    %add3A_15 = vector.broadcast %add3A_14 : i32 to vector<16xi32>
    %add3A_16 = arith.addi %iota3A, %add3A_15 : vector<16xi32>
    %swap3A_17 = arith.constant 0 : i32
    %swap3A_18 = arith.index_cast %swap3A_17 : i32 to index
    %swap3A_19 = arith.constant 16 : index
    %swap3A_20 = tpu.vector_load %arg7[%swap3A_18, %swap3A_19] {strides = array<i32>} : memref<8x80xi32, #tpu.memory_space<vmem>>, vector<16xi32>,
    tpu.vector_store %arg7[%swap3A_18, %swap3A_19], %add3A_16 {strides = array<i32>} : memref<8x80xi32, #tpu.memory_space<vmem>>, vector<16xi32>,
    %add3A_21 = arith.constant 32 : i32
    %add3A_22 = vector.broadcast %add3A_21 : i32 to vector<16xi32>
    %add3A_23 = arith.addi %iota3A, %add3A_22 : vector<16xi32>
    %swap3A_24 = arith.constant 0 : i32
    %swap3A_25 = arith.index_cast %swap3A_24 : i32 to index
    %swap3A_26 = arith.constant 32 : index
    %swap3A_27 = tpu.vector_load %arg7[%swap3A_25, %swap3A_26] {strides = array<i32>} : memref<8x80xi32, #tpu.memory_space<vmem>>, vector<16xi32>,
    tpu.vector_store %arg7[%swap3A_25, %swap3A_26], %add3A_23 {strides = array<i32>} : memref<8x80xi32, #tpu.memory_space<vmem>>, vector<16xi32>,
    %add3A_28 = arith.constant 48 : i32
    %add3A_29 = vector.broadcast %add3A_28 : i32 to vector<16xi32>
    %add3A_30 = arith.addi %iota3A, %add3A_29 : vector<16xi32>
    %swap3A_31 = arith.constant 0 : i32
    %swap3A_32 = arith.index_cast %swap3A_31 : i32 to index
    %swap3A_33 = arith.constant 48 : index
    %swap3A_34 = tpu.vector_load %arg7[%swap3A_32, %swap3A_33] {strides = array<i32>} : memref<8x80xi32, #tpu.memory_space<vmem>>, vector<16xi32>,
    tpu.vector_store %arg7[%swap3A_32, %swap3A_33], %add3A_30 {strides = array<i32>} : memref<8x80xi32, #tpu.memory_space<vmem>>, vector<16xi32>,
    %add3A_35 = arith.constant 64 : i32
    %add3A_36 = vector.broadcast %add3A_35 : i32 to vector<16xi32>
    %add3A_37 = arith.addi %iota3A, %add3A_36 : vector<16xi32>
    %swap3A_38 = arith.constant 0 : i32
    %swap3A_39 = arith.index_cast %swap3A_38 : i32 to index
    %swap3A_40 = arith.constant 64 : index
    %swap3A_41 = tpu.vector_load %arg7[%swap3A_39, %swap3A_40] {strides = array<i32>} : memref<8x80xi32, #tpu.memory_space<vmem>>, vector<16xi32>,
    tpu.vector_store %arg7[%swap3A_39, %swap3A_40], %add3A_37 {strides = array<i32>} : memref<8x80xi32, #tpu.memory_space<vmem>>, vector<16xi32>,
    %add3A_42 = arith.constant 0 : i32
    %add3A_43 = vector.broadcast %add3A_42 : i32 to vector<16xi32>
    %add3A_44 = arith.addi %iota3A, %add3A_43 : vector<16xi32>
    %swap3A_45 = arith.constant 1 : i32
    %swap3A_46 = arith.index_cast %swap3A_45 : i32 to index
    %swap3A_47 = arith.constant 0 : index
    %swap3A_48 = tpu.vector_load %arg7[%swap3A_46, %swap3A_47] {strides = array<i32>} : memref<8x80xi32, #tpu.memory_space<vmem>>, vector<16xi32>,
    tpu.vector_store %arg7[%swap3A_46, %swap3A_47], %add3A_44 {strides = array<i32>} : memref<8x80xi32, #tpu.memory_space<vmem>>, vector<16xi32>,
    %add3A_49 = arith.constant 16 : i32
    %add3A_50 = vector.broadcast %add3A_49 : i32 to vector<16xi32>
    %add3A_51 = arith.addi %iota3A, %add3A_50 : vector<16xi32>
    %swap3A_52 = arith.constant 1 : i32
    %swap3A_53 = arith.index_cast %swap3A_52 : i32 to index
    %swap3A_54 = arith.constant 16 : index
    %swap3A_55 = tpu.vector_load %arg7[%swap3A_53, %swap3A_54] {strides = array<i32>} : memref<8x80xi32, #tpu.memory_space<vmem>>, vector<16xi32>,
    tpu.vector_store %arg7[%swap3A_53, %swap3A_54], %add3A_51 {strides = array<i32>} : memref<8x80xi32, #tpu.memory_space<vmem>>, vector<16xi32>,
    %add3A_56 = arith.constant 32 : i32
    %add3A_57 = vector.broadcast %add3A_56 : i32 to vector<16xi32>
    %add3A_58 = arith.addi %iota3A, %add3A_57 : vector<16xi32>
    %swap3A_59 = arith.constant 1 : i32
    %swap3A_60 = arith.index_cast %swap3A_59 : i32 to index
    %swap3A_61 = arith.constant 32 : index
    %swap3A_62 = tpu.vector_load %arg7[%swap3A_60, %swap3A_61] {strides = array<i32>} : memref<8x80xi32, #tpu.memory_space<vmem>>, vector<16xi32>,
    tpu.vector_store %arg7[%swap3A_60, %swap3A_61], %add3A_58 {strides = array<i32>} : memref<8x80xi32, #tpu.memory_space<vmem>>, vector<16xi32>,
    %add3A_63 = arith.constant 48 : i32
    %add3A_64 = vector.broadcast %add3A_63 : i32 to vector<16xi32>
    %add3A_65 = arith.addi %iota3A, %add3A_64 : vector<16xi32>
    %swap3A_66 = arith.constant 1 : i32
    %swap3A_67 = arith.index_cast %swap3A_66 : i32 to index
    %swap3A_68 = arith.constant 48 : index
    %swap3A_69 = tpu.vector_load %arg7[%swap3A_67, %swap3A_68] {strides = array<i32>} : memref<8x80xi32, #tpu.memory_space<vmem>>, vector<16xi32>,
    tpu.vector_store %arg7[%swap3A_67, %swap3A_68], %add3A_65 {strides = array<i32>} : memref<8x80xi32, #tpu.memory_space<vmem>>, vector<16xi32>,
    %add3A_70 = arith.constant 64 : i32
    %add3A_71 = vector.broadcast %add3A_70 : i32 to vector<16xi32>
    %add3A_72 = arith.addi %iota3A, %add3A_71 : vector<16xi32>
    %swap3A_73 = arith.constant 1 : i32
    %swap3A_74 = arith.index_cast %swap3A_73 : i32 to index
    %swap3A_75 = arith.constant 64 : index
    %swap3A_76 = tpu.vector_load %arg7[%swap3A_74, %swap3A_75] {strides = array<i32>} : memref<8x80xi32, #tpu.memory_space<vmem>>, vector<16xi32>,
    tpu.vector_store %arg7[%swap3A_74, %swap3A_75], %add3A_72 {strides = array<i32>} : memref<8x80xi32, #tpu.memory_space<vmem>>, vector<16xi32>,
    %add3A_77 = arith.constant 0 : i32
    %add3A_78 = vector.broadcast %add3A_77 : i32 to vector<16xi32>
    %add3A_79 = arith.addi %iota3A, %add3A_78 : vector<16xi32>
    %swap3A_80 = arith.constant 2 : i32
    %swap3A_81 = arith.index_cast %swap3A_80 : i32 to index
    %swap3A_82 = arith.constant 0 : index
    %swap3A_83 = tpu.vector_load %arg7[%swap3A_81, %swap3A_82] {strides = array<i32>} : memref<8x80xi32, #tpu.memory_space<vmem>>, vector<16xi32>,
    tpu.vector_store %arg7[%swap3A_81, %swap3A_82], %add3A_79 {strides = array<i32>} : memref<8x80xi32, #tpu.memory_space<vmem>>, vector<16xi32>,
    %add3A_84 = arith.constant 16 : i32
    %add3A_85 = vector.broadcast %add3A_84 : i32 to vector<16xi32>
    %add3A_86 = arith.addi %iota3A, %add3A_85 : vector<16xi32>
    %swap3A_87 = arith.constant 2 : i32
    %swap3A_88 = arith.index_cast %swap3A_87 : i32 to index
    %swap3A_89 = arith.constant 16 : index
    %swap3A_90 = tpu.vector_load %arg7[%swap3A_88, %swap3A_89] {strides = array<i32>} : memref<8x80xi32, #tpu.memory_space<vmem>>, vector<16xi32>,
    tpu.vector_store %arg7[%swap3A_88, %swap3A_89], %add3A_86 {strides = array<i32>} : memref<8x80xi32, #tpu.memory_space<vmem>>, vector<16xi32>,
    %add3A_91 = arith.constant 32 : i32
    %add3A_92 = vector.broadcast %add3A_91 : i32 to vector<16xi32>
    %add3A_93 = arith.addi %iota3A, %add3A_92 : vector<16xi32>
    %swap3A_94 = arith.constant 2 : i32
    %swap3A_95 = arith.index_cast %swap3A_94 : i32 to index
    %swap3A_96 = arith.constant 32 : index
    %swap3A_97 = tpu.vector_load %arg7[%swap3A_95, %swap3A_96] {strides = array<i32>} : memref<8x80xi32, #tpu.memory_space<vmem>>, vector<16xi32>,
    tpu.vector_store %arg7[%swap3A_95, %swap3A_96], %add3A_93 {strides = array<i32>} : memref<8x80xi32, #tpu.memory_space<vmem>>, vector<16xi32>,
    %add3A_98 = arith.constant 48 : i32
    %add3A_99 = vector.broadcast %add3A_98 : i32 to vector<16xi32>
    %add3A_100 = arith.addi %iota3A, %add3A_99 : vector<16xi32>
    %swap3A_101 = arith.constant 2 : i32
    %swap3A_102 = arith.index_cast %swap3A_101 : i32 to index
    %swap3A_103 = arith.constant 48 : index
    %swap3A_104 = tpu.vector_load %arg7[%swap3A_102, %swap3A_103] {strides = array<i32>} : memref<8x80xi32, #tpu.memory_space<vmem>>, vector<16xi32>,
    tpu.vector_store %arg7[%swap3A_102, %swap3A_103], %add3A_100 {strides = array<i32>} : memref<8x80xi32, #tpu.memory_space<vmem>>, vector<16xi32>,
    %add3A_105 = arith.constant 64 : i32
    %add3A_106 = vector.broadcast %add3A_105 : i32 to vector<16xi32>
    %add3A_107 = arith.addi %iota3A, %add3A_106 : vector<16xi32>
    %swap3A_108 = arith.constant 2 : i32
    %swap3A_109 = arith.index_cast %swap3A_108 : i32 to index
    %swap3A_110 = arith.constant 64 : index
    %swap3A_111 = tpu.vector_load %arg7[%swap3A_109, %swap3A_110] {strides = array<i32>} : memref<8x80xi32, #tpu.memory_space<vmem>>, vector<16xi32>,
    tpu.vector_store %arg7[%swap3A_109, %swap3A_110], %add3A_107 {strides = array<i32>} : memref<8x80xi32, #tpu.memory_space<vmem>>, vector<16xi32>,
    %add3A_112 = arith.constant 0 : i32
    %add3A_113 = vector.broadcast %add3A_112 : i32 to vector<16xi32>
    %add3A_114 = arith.addi %iota3A, %add3A_113 : vector<16xi32>
    %swap3A_115 = arith.constant 3 : i32
    %swap3A_116 = arith.index_cast %swap3A_115 : i32 to index
    %swap3A_117 = arith.constant 0 : index
    %swap3A_118 = tpu.vector_load %arg7[%swap3A_116, %swap3A_117] {strides = array<i32>} : memref<8x80xi32, #tpu.memory_space<vmem>>, vector<16xi32>,
    tpu.vector_store %arg7[%swap3A_116, %swap3A_117], %add3A_114 {strides = array<i32>} : memref<8x80xi32, #tpu.memory_space<vmem>>, vector<16xi32>,
    %add3A_119 = arith.constant 16 : i32
    %add3A_120 = vector.broadcast %add3A_119 : i32 to vector<16xi32>
    %add3A_121 = arith.addi %iota3A, %add3A_120 : vector<16xi32>
    %swap3A_122 = arith.constant 3 : i32
    %swap3A_123 = arith.index_cast %swap3A_122 : i32 to index
    %swap3A_124 = arith.constant 16 : index
    %swap3A_125 = tpu.vector_load %arg7[%swap3A_123, %swap3A_124] {strides = array<i32>} : memref<8x80xi32, #tpu.memory_space<vmem>>, vector<16xi32>,
    tpu.vector_store %arg7[%swap3A_123, %swap3A_124], %add3A_121 {strides = array<i32>} : memref<8x80xi32, #tpu.memory_space<vmem>>, vector<16xi32>,
    %add3A_126 = arith.constant 32 : i32
    %add3A_127 = vector.broadcast %add3A_126 : i32 to vector<16xi32>
    %add3A_128 = arith.addi %iota3A, %add3A_127 : vector<16xi32>
    %swap3A_129 = arith.constant 3 : i32
    %swap3A_130 = arith.index_cast %swap3A_129 : i32 to index
    %swap3A_131 = arith.constant 32 : index
    %swap3A_132 = tpu.vector_load %arg7[%swap3A_130, %swap3A_131] {strides = array<i32>} : memref<8x80xi32, #tpu.memory_space<vmem>>, vector<16xi32>,
    tpu.vector_store %arg7[%swap3A_130, %swap3A_131], %add3A_128 {strides = array<i32>} : memref<8x80xi32, #tpu.memory_space<vmem>>, vector<16xi32>,
    %add3A_133 = arith.constant 48 : i32
    %add3A_134 = vector.broadcast %add3A_133 : i32 to vector<16xi32>
    %add3A_135 = arith.addi %iota3A, %add3A_134 : vector<16xi32>
    %swap3A_136 = arith.constant 3 : i32
    %swap3A_137 = arith.index_cast %swap3A_136 : i32 to index
    %swap3A_138 = arith.constant 48 : index
    %swap3A_139 = tpu.vector_load %arg7[%swap3A_137, %swap3A_138] {strides = array<i32>} : memref<8x80xi32, #tpu.memory_space<vmem>>, vector<16xi32>,
    tpu.vector_store %arg7[%swap3A_137, %swap3A_138], %add3A_135 {strides = array<i32>} : memref<8x80xi32, #tpu.memory_space<vmem>>, vector<16xi32>,
    %add3A_140 = arith.constant 64 : i32
    %add3A_141 = vector.broadcast %add3A_140 : i32 to vector<16xi32>
    %add3A_142 = arith.addi %iota3A, %add3A_141 : vector<16xi32>
    %swap3A_143 = arith.constant 3 : i32
    %swap3A_144 = arith.index_cast %swap3A_143 : i32 to index
    %swap3A_145 = arith.constant 64 : index
    %swap3A_146 = tpu.vector_load %arg7[%swap3A_144, %swap3A_145] {strides = array<i32>} : memref<8x80xi32, #tpu.memory_space<vmem>>, vector<16xi32>,
    tpu.vector_store %arg7[%swap3A_144, %swap3A_145], %add3A_142 {strides = array<i32>} : memref<8x80xi32, #tpu.memory_space<vmem>>, vector<16xi32>,
    %add3A_147 = arith.constant 0 : i32
    %add3A_148 = vector.broadcast %add3A_147 : i32 to vector<16xi32>
    %add3A_149 = arith.addi %iota3A, %add3A_148 : vector<16xi32>
    %swap3A_150 = arith.constant 4 : i32
    %swap3A_151 = arith.index_cast %swap3A_150 : i32 to index
    %swap3A_152 = arith.constant 0 : index
    %swap3A_153 = tpu.vector_load %arg7[%swap3A_151, %swap3A_152] {strides = array<i32>} : memref<8x80xi32, #tpu.memory_space<vmem>>, vector<16xi32>,
    tpu.vector_store %arg7[%swap3A_151, %swap3A_152], %add3A_149 {strides = array<i32>} : memref<8x80xi32, #tpu.memory_space<vmem>>, vector<16xi32>,
    %add3A_154 = arith.constant 16 : i32
    %add3A_155 = vector.broadcast %add3A_154 : i32 to vector<16xi32>
    %add3A_156 = arith.addi %iota3A, %add3A_155 : vector<16xi32>
    %swap3A_157 = arith.constant 4 : i32
    %swap3A_158 = arith.index_cast %swap3A_157 : i32 to index
    %swap3A_159 = arith.constant 16 : index
    %swap3A_160 = tpu.vector_load %arg7[%swap3A_158, %swap3A_159] {strides = array<i32>} : memref<8x80xi32, #tpu.memory_space<vmem>>, vector<16xi32>,
    tpu.vector_store %arg7[%swap3A_158, %swap3A_159], %add3A_156 {strides = array<i32>} : memref<8x80xi32, #tpu.memory_space<vmem>>, vector<16xi32>,
    %add3A_161 = arith.constant 32 : i32
    %add3A_162 = vector.broadcast %add3A_161 : i32 to vector<16xi32>
    %add3A_163 = arith.addi %iota3A, %add3A_162 : vector<16xi32>
    %swap3A_164 = arith.constant 4 : i32
    %swap3A_165 = arith.index_cast %swap3A_164 : i32 to index
    %swap3A_166 = arith.constant 32 : index
    %swap3A_167 = tpu.vector_load %arg7[%swap3A_165, %swap3A_166] {strides = array<i32>} : memref<8x80xi32, #tpu.memory_space<vmem>>, vector<16xi32>,
    tpu.vector_store %arg7[%swap3A_165, %swap3A_166], %add3A_163 {strides = array<i32>} : memref<8x80xi32, #tpu.memory_space<vmem>>, vector<16xi32>,
    %add3A_168 = arith.constant 48 : i32
    %add3A_169 = vector.broadcast %add3A_168 : i32 to vector<16xi32>
    %add3A_170 = arith.addi %iota3A, %add3A_169 : vector<16xi32>
    %swap3A_171 = arith.constant 4 : i32
    %swap3A_172 = arith.index_cast %swap3A_171 : i32 to index
    %swap3A_173 = arith.constant 48 : index
    %swap3A_174 = tpu.vector_load %arg7[%swap3A_172, %swap3A_173] {strides = array<i32>} : memref<8x80xi32, #tpu.memory_space<vmem>>, vector<16xi32>,
    tpu.vector_store %arg7[%swap3A_172, %swap3A_173], %add3A_170 {strides = array<i32>} : memref<8x80xi32, #tpu.memory_space<vmem>>, vector<16xi32>,
    %add3A_175 = arith.constant 64 : i32
    %add3A_176 = vector.broadcast %add3A_175 : i32 to vector<16xi32>
    %add3A_177 = arith.addi %iota3A, %add3A_176 : vector<16xi32>
    %swap3A_178 = arith.constant 4 : i32
    %swap3A_179 = arith.index_cast %swap3A_178 : i32 to index
    %swap3A_180 = arith.constant 64 : index
    %swap3A_181 = tpu.vector_load %arg7[%swap3A_179, %swap3A_180] {strides = array<i32>} : memref<8x80xi32, #tpu.memory_space<vmem>>, vector<16xi32>,
    tpu.vector_store %arg7[%swap3A_179, %swap3A_180], %add3A_177 {strides = array<i32>} : memref<8x80xi32, #tpu.memory_space<vmem>>, vector<16xi32>,
    %add3A_182 = arith.constant 0 : i32
    %add3A_183 = vector.broadcast %add3A_182 : i32 to vector<16xi32>
    %add3A_184 = arith.addi %iota3A, %add3A_183 : vector<16xi32>
    %swap3A_185 = arith.constant 5 : i32
    %swap3A_186 = arith.index_cast %swap3A_185 : i32 to index
    %swap3A_187 = arith.constant 0 : index
    %swap3A_188 = tpu.vector_load %arg7[%swap3A_186, %swap3A_187] {strides = array<i32>} : memref<8x80xi32, #tpu.memory_space<vmem>>, vector<16xi32>,
    tpu.vector_store %arg7[%swap3A_186, %swap3A_187], %add3A_184 {strides = array<i32>} : memref<8x80xi32, #tpu.memory_space<vmem>>, vector<16xi32>,
    %add3A_189 = arith.constant 16 : i32
    %add3A_190 = vector.broadcast %add3A_189 : i32 to vector<16xi32>
    %add3A_191 = arith.addi %iota3A, %add3A_190 : vector<16xi32>
    %swap3A_192 = arith.constant 5 : i32
    %swap3A_193 = arith.index_cast %swap3A_192 : i32 to index
    %swap3A_194 = arith.constant 16 : index
    %swap3A_195 = tpu.vector_load %arg7[%swap3A_193, %swap3A_194] {strides = array<i32>} : memref<8x80xi32, #tpu.memory_space<vmem>>, vector<16xi32>,
    tpu.vector_store %arg7[%swap3A_193, %swap3A_194], %add3A_191 {strides = array<i32>} : memref<8x80xi32, #tpu.memory_space<vmem>>, vector<16xi32>,
    %add3A_196 = arith.constant 32 : i32
    %add3A_197 = vector.broadcast %add3A_196 : i32 to vector<16xi32>
    %add3A_198 = arith.addi %iota3A, %add3A_197 : vector<16xi32>
    %swap3A_199 = arith.constant 5 : i32
    %swap3A_200 = arith.index_cast %swap3A_199 : i32 to index
    %swap3A_201 = arith.constant 32 : index
    %swap3A_202 = tpu.vector_load %arg7[%swap3A_200, %swap3A_201] {strides = array<i32>} : memref<8x80xi32, #tpu.memory_space<vmem>>, vector<16xi32>,
    tpu.vector_store %arg7[%swap3A_200, %swap3A_201], %add3A_198 {strides = array<i32>} : memref<8x80xi32, #tpu.memory_space<vmem>>, vector<16xi32>,
    %add3A_203 = arith.constant 48 : i32
    %add3A_204 = vector.broadcast %add3A_203 : i32 to vector<16xi32>
    %add3A_205 = arith.addi %iota3A, %add3A_204 : vector<16xi32>
    %swap3A_206 = arith.constant 5 : i32
    %swap3A_207 = arith.index_cast %swap3A_206 : i32 to index
    %swap3A_208 = arith.constant 48 : index
    %swap3A_209 = tpu.vector_load %arg7[%swap3A_207, %swap3A_208] {strides = array<i32>} : memref<8x80xi32, #tpu.memory_space<vmem>>, vector<16xi32>,
    tpu.vector_store %arg7[%swap3A_207, %swap3A_208], %add3A_205 {strides = array<i32>} : memref<8x80xi32, #tpu.memory_space<vmem>>, vector<16xi32>,
    %add3A_210 = arith.constant 64 : i32
    %add3A_211 = vector.broadcast %add3A_210 : i32 to vector<16xi32>
    %add3A_212 = arith.addi %iota3A, %add3A_211 : vector<16xi32>
    %swap3A_213 = arith.constant 5 : i32
    %swap3A_214 = arith.index_cast %swap3A_213 : i32 to index
    %swap3A_215 = arith.constant 64 : index
    %swap3A_216 = tpu.vector_load %arg7[%swap3A_214, %swap3A_215] {strides = array<i32>} : memref<8x80xi32, #tpu.memory_space<vmem>>, vector<16xi32>,
    tpu.vector_store %arg7[%swap3A_214, %swap3A_215], %add3A_212 {strides = array<i32>} : memref<8x80xi32, #tpu.memory_space<vmem>>, vector<16xi32>,
    %add3A_217 = arith.constant 0 : i32
    %add3A_218 = vector.broadcast %add3A_217 : i32 to vector<16xi32>
    %add3A_219 = arith.addi %iota3A, %add3A_218 : vector<16xi32>
    %swap3A_220 = arith.constant 6 : i32
    %swap3A_221 = arith.index_cast %swap3A_220 : i32 to index
    %swap3A_222 = arith.constant 0 : index
    %swap3A_223 = tpu.vector_load %arg7[%swap3A_221, %swap3A_222] {strides = array<i32>} : memref<8x80xi32, #tpu.memory_space<vmem>>, vector<16xi32>,
    tpu.vector_store %arg7[%swap3A_221, %swap3A_222], %add3A_219 {strides = array<i32>} : memref<8x80xi32, #tpu.memory_space<vmem>>, vector<16xi32>,
    %add3A_224 = arith.constant 16 : i32
    %add3A_225 = vector.broadcast %add3A_224 : i32 to vector<16xi32>
    %add3A_226 = arith.addi %iota3A, %add3A_225 : vector<16xi32>
    %swap3A_227 = arith.constant 6 : i32
    %swap3A_228 = arith.index_cast %swap3A_227 : i32 to index
    %swap3A_229 = arith.constant 16 : index
    %swap3A_230 = tpu.vector_load %arg7[%swap3A_228, %swap3A_229] {strides = array<i32>} : memref<8x80xi32, #tpu.memory_space<vmem>>, vector<16xi32>,
    tpu.vector_store %arg7[%swap3A_228, %swap3A_229], %add3A_226 {strides = array<i32>} : memref<8x80xi32, #tpu.memory_space<vmem>>, vector<16xi32>,
    %add3A_231 = arith.constant 32 : i32
    %add3A_232 = vector.broadcast %add3A_231 : i32 to vector<16xi32>
    %add3A_233 = arith.addi %iota3A, %add3A_232 : vector<16xi32>
    %swap3A_234 = arith.constant 6 : i32
    %swap3A_235 = arith.index_cast %swap3A_234 : i32 to index
    %swap3A_236 = arith.constant 32 : index
    %swap3A_237 = tpu.vector_load %arg7[%swap3A_235, %swap3A_236] {strides = array<i32>} : memref<8x80xi32, #tpu.memory_space<vmem>>, vector<16xi32>,
    tpu.vector_store %arg7[%swap3A_235, %swap3A_236], %add3A_233 {strides = array<i32>} : memref<8x80xi32, #tpu.memory_space<vmem>>, vector<16xi32>,
    %add3A_238 = arith.constant 48 : i32
    %add3A_239 = vector.broadcast %add3A_238 : i32 to vector<16xi32>
    %add3A_240 = arith.addi %iota3A, %add3A_239 : vector<16xi32>
    %swap3A_241 = arith.constant 6 : i32
    %swap3A_242 = arith.index_cast %swap3A_241 : i32 to index
    %swap3A_243 = arith.constant 48 : index
    %swap3A_244 = tpu.vector_load %arg7[%swap3A_242, %swap3A_243] {strides = array<i32>} : memref<8x80xi32, #tpu.memory_space<vmem>>, vector<16xi32>,
    tpu.vector_store %arg7[%swap3A_242, %swap3A_243], %add3A_240 {strides = array<i32>} : memref<8x80xi32, #tpu.memory_space<vmem>>, vector<16xi32>,
    %add3A_245 = arith.constant 64 : i32
    %add3A_246 = vector.broadcast %add3A_245 : i32 to vector<16xi32>
    %add3A_247 = arith.addi %iota3A, %add3A_246 : vector<16xi32>
    %swap3A_248 = arith.constant 6 : i32
    %swap3A_249 = arith.index_cast %swap3A_248 : i32 to index
    %swap3A_250 = arith.constant 64 : index
    %swap3A_251 = tpu.vector_load %arg7[%swap3A_249, %swap3A_250] {strides = array<i32>} : memref<8x80xi32, #tpu.memory_space<vmem>>, vector<16xi32>,
    tpu.vector_store %arg7[%swap3A_249, %swap3A_250], %add3A_247 {strides = array<i32>} : memref<8x80xi32, #tpu.memory_space<vmem>>, vector<16xi32>,
    %add3A_252 = arith.constant 0 : i32
    %add3A_253 = vector.broadcast %add3A_252 : i32 to vector<16xi32>
    %add3A_254 = arith.addi %iota3A, %add3A_253 : vector<16xi32>
    %swap3A_255 = arith.constant 7 : i32
    %swap3A_256 = arith.index_cast %swap3A_255 : i32 to index
    %swap3A_257 = arith.constant 0 : index
    %swap3A_258 = tpu.vector_load %arg7[%swap3A_256, %swap3A_257] {strides = array<i32>} : memref<8x80xi32, #tpu.memory_space<vmem>>, vector<16xi32>,
    tpu.vector_store %arg7[%swap3A_256, %swap3A_257], %add3A_254 {strides = array<i32>} : memref<8x80xi32, #tpu.memory_space<vmem>>, vector<16xi32>,
    %add3A_259 = arith.constant 16 : i32
    %add3A_260 = vector.broadcast %add3A_259 : i32 to vector<16xi32>
    %add3A_261 = arith.addi %iota3A, %add3A_260 : vector<16xi32>
    %swap3A_262 = arith.constant 7 : i32
    %swap3A_263 = arith.index_cast %swap3A_262 : i32 to index
    %swap3A_264 = arith.constant 16 : index
    %swap3A_265 = tpu.vector_load %arg7[%swap3A_263, %swap3A_264] {strides = array<i32>} : memref<8x80xi32, #tpu.memory_space<vmem>>, vector<16xi32>,
    tpu.vector_store %arg7[%swap3A_263, %swap3A_264], %add3A_261 {strides = array<i32>} : memref<8x80xi32, #tpu.memory_space<vmem>>, vector<16xi32>,
    %add3A_266 = arith.constant 32 : i32
    %add3A_267 = vector.broadcast %add3A_266 : i32 to vector<16xi32>
    %add3A_268 = arith.addi %iota3A, %add3A_267 : vector<16xi32>
    %swap3A_269 = arith.constant 7 : i32
    %swap3A_270 = arith.index_cast %swap3A_269 : i32 to index
    %swap3A_271 = arith.constant 32 : index
    %swap3A_272 = tpu.vector_load %arg7[%swap3A_270, %swap3A_271] {strides = array<i32>} : memref<8x80xi32, #tpu.memory_space<vmem>>, vector<16xi32>,
    tpu.vector_store %arg7[%swap3A_270, %swap3A_271], %add3A_268 {strides = array<i32>} : memref<8x80xi32, #tpu.memory_space<vmem>>, vector<16xi32>,
    %add3A_273 = arith.constant 48 : i32
    %add3A_274 = vector.broadcast %add3A_273 : i32 to vector<16xi32>
    %add3A_275 = arith.addi %iota3A, %add3A_274 : vector<16xi32>
    %swap3A_276 = arith.constant 7 : i32
    %swap3A_277 = arith.index_cast %swap3A_276 : i32 to index
    %swap3A_278 = arith.constant 48 : index
    %swap3A_279 = tpu.vector_load %arg7[%swap3A_277, %swap3A_278] {strides = array<i32>} : memref<8x80xi32, #tpu.memory_space<vmem>>, vector<16xi32>,
    tpu.vector_store %arg7[%swap3A_277, %swap3A_278], %add3A_275 {strides = array<i32>} : memref<8x80xi32, #tpu.memory_space<vmem>>, vector<16xi32>,
    %add3A_280 = arith.constant 64 : i32
    %add3A_281 = vector.broadcast %add3A_280 : i32 to vector<16xi32>
    %add3A_282 = arith.addi %iota3A, %add3A_281 : vector<16xi32>
    %swap3A_283 = arith.constant 7 : i32
    %swap3A_284 = arith.index_cast %swap3A_283 : i32 to index
    %swap3A_285 = arith.constant 64 : index
    %swap3A_286 = tpu.vector_load %arg7[%swap3A_284, %swap3A_285] {strides = array<i32>} : memref<8x80xi32, #tpu.memory_space<vmem>>, vector<16xi32>,
    tpu.vector_store %arg7[%swap3A_284, %swap3A_285], %add3A_282 {strides = array<i32>} : memref<8x80xi32, #tpu.memory_space<vmem>>, vector<16xi32>,
    %eq3A = arith.constant 0 : i32
    %eq3A_287 = arith.cmpi eq, %arg1, %eq3A : i32
    %convert_element_type3A = arith.extui %eq3A_287 : i1 to i32
    %cond3A = arith.constant 0 : i32
    %cond3A_288 = arith.cmpi ne, %convert_element_type3A, %cond3A : i32
    scf.if %cond3A_288 {
      "tpu.region"() ({
        %run_scoped3A_304 = tpu.sem_alloc : memref<!tpu.dma_semaphore, #tpu.memory_space<semaphore_mem>>
        tpu.enqueue_dma source(%arg6 : memref<80x128xf32, #tpu.memory_space<vmem>>) target(%arg8 : memref<80x128xf32, #tpu.memory_space<vmem_shared>>) target_semaphore(%run_scoped3A_304 : memref<!tpu.dma_semaphore, #tpu.memory_space<semaphore_mem>>)
        tpu.wait_dma2 semaphore(%run_scoped3A_304 : memref<!tpu.dma_semaphore, #tpu.memory_space<semaphore_mem>>) src(%arg6 : memref<80x128xf32, #tpu.memory_space<vmem>>) dst(%arg8 : memref<80x128xf32, #tpu.memory_space<vmem_shared>>)
        tpu.yield
      }) : () -> ()
    } else {
    }
    %barrier3A = arith.constant 0 : index
    tpu.barrier barrier_id(%barrier3A)
    %broadcast_in_dim3A_289 = arith.constant 1.000000e+00 : f32
    %broadcast_in_dim3A_290 = vector.broadcast %broadcast_in_dim3A_289 : f32 to vector<16xf32>
    %scan3A_291 = arith.constant 0 : i32
    %scan3A_292 = arith.constant 0 : i32
    %scan3A_293 = arith.constant 125 : i32
    %scan3A_294 = arith.addi %scan3A_292, %scan3A_293 : i32
    %scan3A_295 = arith.constant 1 : i32
    scf.for %scan3A_304 = %scan3A_292 to %scan3A_294 step %scan3A_295  : i32 {
      %get3A = arith.index_cast %scan3A_304 : i32 to index
      %get3A_305 = arith.constant 0 : index
      %get3A_306 = tpu.vector_load %arg4[%get3A, %get3A_305] {strides = array<i32>} : memref<125x80xi32, #tpu.memory_space<vmem>>, vector<16xi32>,
      %get3A_307 = arith.index_cast %scan3A_304 : i32 to index
      %get3A_308 = arith.constant 0 : index
      %get3A_309 = tpu.vector_load %arg5[%get3A_307, %get3A_308] {strides = array<i32>} : memref<125x80xi32, #tpu.memory_space<vmem>>, vector<16xi32>,
      %ne3A = arith.cmpi ne, %get3A_306, %get3A_309 : vector<16xi32>
      %shift_right_logical3A = arith.constant 7 : i32
      %shift_right_logical3A_310 = vector.broadcast %shift_right_logical3A : i32 to vector<16xi32>
      %shift_right_logical3A_311 = arith.shrui %get3A_306, %shift_right_logical3A_310 : vector<16xi32>
      %and3A = arith.constant 127 : i32
      %and3A_312 = vector.broadcast %and3A : i32 to vector<16xi32>
      %and3A_313 = arith.andi %get3A_306, %and3A_312 : vector<16xi32>
      tpu.vector_store_idx %arg6[%shift_right_logical3A_311, %and3A_313], %broadcast_in_dim3A_290 masked %ne3A {add = true} : memref<80x128xf32, #tpu.memory_space<vmem>>[vector<16xi32>, vector<16xi32>], vector<16xf32>, vector<16xi1>
      %get3A_314 = arith.index_cast %scan3A_304 : i32 to index
      %get3A_315 = arith.constant 16 : index
      %get3A_316 = tpu.vector_load %arg4[%get3A_314, %get3A_315] {strides = array<i32>} : memref<125x80xi32, #tpu.memory_space<vmem>>, vector<16xi32>,
      %get3A_317 = arith.index_cast %scan3A_304 : i32 to index
      %get3A_318 = arith.constant 16 : index
      %get3A_319 = tpu.vector_load %arg5[%get3A_317, %get3A_318] {strides = array<i32>} : memref<125x80xi32, #tpu.memory_space<vmem>>, vector<16xi32>,
      %ne3A_320 = arith.cmpi ne, %get3A_316, %get3A_319 : vector<16xi32>
      %shift_right_logical3A_321 = arith.constant 7 : i32
      %shift_right_logical3A_322 = vector.broadcast %shift_right_logical3A_321 : i32 to vector<16xi32>
      %shift_right_logical3A_323 = arith.shrui %get3A_316, %shift_right_logical3A_322 : vector<16xi32>
      %and3A_324 = arith.constant 127 : i32
      %and3A_325 = vector.broadcast %and3A_324 : i32 to vector<16xi32>
      %and3A_326 = arith.andi %get3A_316, %and3A_325 : vector<16xi32>
      tpu.vector_store_idx %arg6[%shift_right_logical3A_323, %and3A_326], %broadcast_in_dim3A_290 masked %ne3A_320 {add = true} : memref<80x128xf32, #tpu.memory_space<vmem>>[vector<16xi32>, vector<16xi32>], vector<16xf32>, vector<16xi1>
      %get3A_327 = arith.index_cast %scan3A_304 : i32 to index
      %get3A_328 = arith.constant 32 : index
      %get3A_329 = tpu.vector_load %arg4[%get3A_327, %get3A_328] {strides = array<i32>} : memref<125x80xi32, #tpu.memory_space<vmem>>, vector<16xi32>,
      %get3A_330 = arith.index_cast %scan3A_304 : i32 to index
      %get3A_331 = arith.constant 32 : index
      %get3A_332 = tpu.vector_load %arg5[%get3A_330, %get3A_331] {strides = array<i32>} : memref<125x80xi32, #tpu.memory_space<vmem>>, vector<16xi32>,
      %ne3A_333 = arith.cmpi ne, %get3A_329, %get3A_332 : vector<16xi32>
      %shift_right_logical3A_334 = arith.constant 7 : i32
      %shift_right_logical3A_335 = vector.broadcast %shift_right_logical3A_334 : i32 to vector<16xi32>
      %shift_right_logical3A_336 = arith.shrui %get3A_329, %shift_right_logical3A_335 : vector<16xi32>
      %and3A_337 = arith.constant 127 : i32
      %and3A_338 = vector.broadcast %and3A_337 : i32 to vector<16xi32>
      %and3A_339 = arith.andi %get3A_329, %and3A_338 : vector<16xi32>
      tpu.vector_store_idx %arg6[%shift_right_logical3A_336, %and3A_339], %broadcast_in_dim3A_290 masked %ne3A_333 {add = true} : memref<80x128xf32, #tpu.memory_space<vmem>>[vector<16xi32>, vector<16xi32>], vector<16xf32>, vector<16xi1>
      %get3A_340 = arith.index_cast %scan3A_304 : i32 to index
      %get3A_341 = arith.constant 48 : index
      %get3A_342 = tpu.vector_load %arg4[%get3A_340, %get3A_341] {strides = array<i32>} : memref<125x80xi32, #tpu.memory_space<vmem>>, vector<16xi32>,
      %get3A_343 = arith.index_cast %scan3A_304 : i32 to index
      %get3A_344 = arith.constant 48 : index
      %get3A_345 = tpu.vector_load %arg5[%get3A_343, %get3A_344] {strides = array<i32>} : memref<125x80xi32, #tpu.memory_space<vmem>>, vector<16xi32>,
      %ne3A_346 = arith.cmpi ne, %get3A_342, %get3A_345 : vector<16xi32>
      %shift_right_logical3A_347 = arith.constant 7 : i32
      %shift_right_logical3A_348 = vector.broadcast %shift_right_logical3A_347 : i32 to vector<16xi32>
      %shift_right_logical3A_349 = arith.shrui %get3A_342, %shift_right_logical3A_348 : vector<16xi32>
      %and3A_350 = arith.constant 127 : i32
      %and3A_351 = vector.broadcast %and3A_350 : i32 to vector<16xi32>
      %and3A_352 = arith.andi %get3A_342, %and3A_351 : vector<16xi32>
      tpu.vector_store_idx %arg6[%shift_right_logical3A_349, %and3A_352], %broadcast_in_dim3A_290 masked %ne3A_346 {add = true} : memref<80x128xf32, #tpu.memory_space<vmem>>[vector<16xi32>, vector<16xi32>], vector<16xf32>, vector<16xi1>
      %get3A_353 = arith.index_cast %scan3A_304 : i32 to index
      %get3A_354 = arith.constant 64 : index
      %get3A_355 = tpu.vector_load %arg4[%get3A_353, %get3A_354] {strides = array<i32>} : memref<125x80xi32, #tpu.memory_space<vmem>>, vector<16xi32>,
      %get3A_356 = arith.index_cast %scan3A_304 : i32 to index
      %get3A_357 = arith.constant 64 : index
      %get3A_358 = tpu.vector_load %arg5[%get3A_356, %get3A_357] {strides = array<i32>} : memref<125x80xi32, #tpu.memory_space<vmem>>, vector<16xi32>,
      %ne3A_359 = arith.cmpi ne, %get3A_355, %get3A_358 : vector<16xi32>
      %shift_right_logical3A_360 = arith.constant 7 : i32
      %shift_right_logical3A_361 = vector.broadcast %shift_right_logical3A_360 : i32 to vector<16xi32>
      %shift_right_logical3A_362 = arith.shrui %get3A_355, %shift_right_logical3A_361 : vector<16xi32>
      %and3A_363 = arith.constant 127 : i32
      %and3A_364 = vector.broadcast %and3A_363 : i32 to vector<16xi32>
      %and3A_365 = arith.andi %get3A_355, %and3A_364 : vector<16xi32>
      tpu.vector_store_idx %arg6[%shift_right_logical3A_362, %and3A_365], %broadcast_in_dim3A_290 masked %ne3A_359 {add = true} : memref<80x128xf32, #tpu.memory_space<vmem>>[vector<16xi32>, vector<16xi32>], vector<16xf32>, vector<16xi1>
    }
    %scan3A_296 = arith.constant 125 : i32
    %run_scoped3A_297 = arith.constant 0 : i32
    "tpu.region"() ({
      %run_scoped3A_304 = tpu.sem_alloc : memref<!tpu.dma_semaphore, #tpu.memory_space<semaphore_mem>>
      %dma_start3A = arith.constant 0 : i32
      %dma_start3A_305 = tpu.memref_slice %arg7[%run_scoped3A_297, %dma_start3A] : memref<8x80xi32, #tpu.memory_space<vmem>> -> memref<1x80xi32, #tpu.memory_space<vmem>>
      %dma_start3A_306 = tpu.memref_squeeze %dma_start3A_305 : memref<1x80xi32, #tpu.memory_space<vmem>> -> memref<80xi32, #tpu.memory_space<vmem>>
      %dma_start3A_307 = arith.constant 0 : i32
      %dma_start3A_308 = arith.constant 0 : i32
      %dma_start3A_309 = tpu.memref_slice %arg8[%dma_start3A_307, %dma_start3A_308] : memref<80x128xf32, #tpu.memory_space<vmem_shared>> -> memref<80x128xf32, #tpu.memory_space<vmem_shared>>
      tpu.enqueue_indirect_dma source(%arg6 : memref<80x128xf32, #tpu.memory_space<vmem>>) target(%dma_start3A_309 : memref<80x128xf32, #tpu.memory_space<vmem_shared>>) offsets(%dma_start3A_306 : memref<80xi32, #tpu.memory_space<vmem>>) semaphore(%run_scoped3A_304 : memref<!tpu.dma_semaphore, #tpu.memory_space<semaphore_mem>>) {add = true}
      %dma_wait3A = arith.constant 0 : i32
      %dma_wait3A_310 = tpu.memref_slice %arg7[%run_scoped3A_297, %dma_wait3A] : memref<8x80xi32, #tpu.memory_space<vmem>> -> memref<1x80xi32, #tpu.memory_space<vmem>>
      %dma_wait3A_311 = tpu.memref_squeeze %dma_wait3A_310 : memref<1x80xi32, #tpu.memory_space<vmem>> -> memref<80xi32, #tpu.memory_space<vmem>>
      %dma_wait3A_312 = arith.constant 0 : i32
      %dma_wait3A_313 = arith.constant 0 : i32
      %dma_wait3A_314 = tpu.memref_slice %arg8[%dma_wait3A_312, %dma_wait3A_313] : memref<80x128xf32, #tpu.memory_space<vmem_shared>> -> memref<80x128xf32, #tpu.memory_space<vmem_shared>>
      tpu.wait_indirect_dma semaphore(%run_scoped3A_304 : memref<!tpu.dma_semaphore, #tpu.memory_space<semaphore_mem>>) src(%arg6 : memref<80x128xf32, #tpu.memory_space<vmem>>) dst(%dma_wait3A_314 : memref<80x128xf32, #tpu.memory_space<vmem_shared>>)
      tpu.yield
    }) : () -> ()
    %barrier3A_298 = arith.constant 0 : index
    tpu.barrier barrier_id(%barrier3A_298)
    %eq3A_299 = arith.constant 0 : i32
    %eq3A_300 = arith.cmpi eq, %arg1, %eq3A_299 : i32
    %convert_element_type3A_301 = arith.extui %eq3A_300 : i1 to i32
    %cond3A_302 = arith.constant 0 : i32
    %cond3A_303 = arith.cmpi ne, %convert_element_type3A_301, %cond3A_302 : i32
    scf.if %cond3A_303 {
      "tpu.region"() ({
        %run_scoped3A_304 = tpu.sem_alloc : memref<!tpu.dma_semaphore, #tpu.memory_space<semaphore_mem>>
        %dma_start3A = arith.constant 0 : i32
        %dma_start3A_305 = arith.constant 0 : i32
        %dma_start3A_306 = tpu.memref_slice %arg3[%arg0, %dma_start3A, %dma_start3A_305] : memref<2x80x128xf32, #tpu.memory_space<hbm>> -> memref<1x80x128xf32, #tpu.memory_space<hbm>>
        %dma_start3A_307 = tpu.memref_squeeze %dma_start3A_306 : memref<1x80x128xf32, #tpu.memory_space<hbm>> -> memref<80x128xf32, #tpu.memory_space<hbm>>
        tpu.enqueue_dma source(%arg8 : memref<80x128xf32, #tpu.memory_space<vmem_shared>>) target(%dma_start3A_307 : memref<80x128xf32, #tpu.memory_space<hbm>>) target_semaphore(%run_scoped3A_304 : memref<!tpu.dma_semaphore, #tpu.memory_space<semaphore_mem>>)
        %dma_wait3A = arith.constant 0 : i32
        %dma_wait3A_308 = arith.constant 0 : i32
        %dma_wait3A_309 = tpu.memref_slice %arg3[%arg0, %dma_wait3A, %dma_wait3A_308] : memref<2x80x128xf32, #tpu.memory_space<hbm>> -> memref<1x80x128xf32, #tpu.memory_space<hbm>>
        %dma_wait3A_310 = tpu.memref_squeeze %dma_wait3A_309 : memref<1x80x128xf32, #tpu.memory_space<hbm>> -> memref<80x128xf32, #tpu.memory_space<hbm>>
        tpu.wait_dma2 semaphore(%run_scoped3A_304 : memref<!tpu.dma_semaphore, #tpu.memory_space<semaphore_mem>>) src(%arg8 : memref<80x128xf32, #tpu.memory_space<vmem_shared>>) dst(%dma_wait3A_310 : memref<80x128xf32, #tpu.memory_space<hbm>>)
        tpu.yield
      }) : () -> ()
    } else {
    }
    return
  }
}

#map = affine_map<(d0, d1) -> (0, 0)>
#map1 = affine_map<(d0, d1) -> (0, 0, 0, 0, 0)>
#map2 = affine_map<(d0, d1) -> (0, 0, 0)>
module attributes {stable_mosaic.version = 14 : i64} {
  func.func @_spmm_kernel(%arg0: i32, %arg1: i32, %arg2: memref<10000x128xf32, #tpu.memory_space<hbm>>, %arg3: memref<2x32x5x25x80xi32, #tpu.memory_space<hbm>>, %arg4: memref<2x10000x128xf32, #tpu.memory_space<hbm>>, %arg5: memref<25x80xi32, #tpu.memory_space<vmem>>, %arg6: memref<25x80xi32, #tpu.memory_space<vmem>>, %arg7: memref<80x128xf32, #tpu.memory_space<vmem>>, %arg8: memref<80x128xf32, #tpu.memory_space<vmem>>, %arg9: memref<10240x128xf32, #tpu.memory_space<vmem_shared>>, %arg10: memref<!tpu.dma_semaphore, #tpu.memory_space<semaphore_mem>>, %arg11: memref<!tpu.dma_semaphore, #tpu.memory_space<semaphore_mem>>) attributes {dimension_semantics = [#tpu.dimension_semantics<core_parallel>, #tpu.dimension_semantics<subcore_parallel>], iteration_bounds = array<i64: 2, 16>, scalar_prefetch = 0 : i64, scratch_operands = 7 : i64, tpu.core_type = #tpu.core_type<sc_vector_subcore>, window_params = [{transform_indices = #map}, {transform_indices = #map1}, {transform_indices = #map2}]} {
    %mul3A = arith.constant 16 : i32
    %mul3A_0 = arith.muli %arg0, %mul3A : i32
    %add3A = arith.addi %mul3A_0, %arg1 : i32
    %broadcast_in_dim3A = arith.constant 0.000000e+00 : f32
    %broadcast_in_dim3A_1 = vector.broadcast %broadcast_in_dim3A : f32 to vector<16xf32>
    %scan3A = arith.constant 0 : i32
    %scan3A_2 = arith.constant 0 : i32
    %scan3A_3 = arith.constant 80 : i32
    %scan3A_4 = arith.addi %scan3A_2, %scan3A_3 : i32
    %scan3A_5 = arith.constant 1 : i32
    scf.for %scan3A_135 = %scan3A_2 to %scan3A_4 step %scan3A_5  : i32 {
      %swap3A = arith.index_cast %scan3A_135 : i32 to index
      %swap3A_136 = arith.constant 0 : index
      %swap3A_137 = tpu.vector_load %arg7[%swap3A, %swap3A_136] {strides = array<i32>} : memref<80x128xf32, #tpu.memory_space<vmem>>, vector<16xf32>,
      tpu.vector_store %arg7[%swap3A, %swap3A_136], %broadcast_in_dim3A_1 {strides = array<i32>} : memref<80x128xf32, #tpu.memory_space<vmem>>, vector<16xf32>,
      %swap3A_138 = arith.index_cast %scan3A_135 : i32 to index
      %swap3A_139 = arith.constant 16 : index
      %swap3A_140 = tpu.vector_load %arg7[%swap3A_138, %swap3A_139] {strides = array<i32>} : memref<80x128xf32, #tpu.memory_space<vmem>>, vector<16xf32>,
      tpu.vector_store %arg7[%swap3A_138, %swap3A_139], %broadcast_in_dim3A_1 {strides = array<i32>} : memref<80x128xf32, #tpu.memory_space<vmem>>, vector<16xf32>,
      %swap3A_141 = arith.index_cast %scan3A_135 : i32 to index
      %swap3A_142 = arith.constant 32 : index
      %swap3A_143 = tpu.vector_load %arg7[%swap3A_141, %swap3A_142] {strides = array<i32>} : memref<80x128xf32, #tpu.memory_space<vmem>>, vector<16xf32>,
      tpu.vector_store %arg7[%swap3A_141, %swap3A_142], %broadcast_in_dim3A_1 {strides = array<i32>} : memref<80x128xf32, #tpu.memory_space<vmem>>, vector<16xf32>,
      %swap3A_144 = arith.index_cast %scan3A_135 : i32 to index
      %swap3A_145 = arith.constant 48 : index
      %swap3A_146 = tpu.vector_load %arg7[%swap3A_144, %swap3A_145] {strides = array<i32>} : memref<80x128xf32, #tpu.memory_space<vmem>>, vector<16xf32>,
      tpu.vector_store %arg7[%swap3A_144, %swap3A_145], %broadcast_in_dim3A_1 {strides = array<i32>} : memref<80x128xf32, #tpu.memory_space<vmem>>, vector<16xf32>,
      %swap3A_147 = arith.index_cast %scan3A_135 : i32 to index
      %swap3A_148 = arith.constant 64 : index
      %swap3A_149 = tpu.vector_load %arg7[%swap3A_147, %swap3A_148] {strides = array<i32>} : memref<80x128xf32, #tpu.memory_space<vmem>>, vector<16xf32>,
      tpu.vector_store %arg7[%swap3A_147, %swap3A_148], %broadcast_in_dim3A_1 {strides = array<i32>} : memref<80x128xf32, #tpu.memory_space<vmem>>, vector<16xf32>,
      %swap3A_150 = arith.index_cast %scan3A_135 : i32 to index
      %swap3A_151 = arith.constant 80 : index
      %swap3A_152 = tpu.vector_load %arg7[%swap3A_150, %swap3A_151] {strides = array<i32>} : memref<80x128xf32, #tpu.memory_space<vmem>>, vector<16xf32>,
      tpu.vector_store %arg7[%swap3A_150, %swap3A_151], %broadcast_in_dim3A_1 {strides = array<i32>} : memref<80x128xf32, #tpu.memory_space<vmem>>, vector<16xf32>,
      %swap3A_153 = arith.index_cast %scan3A_135 : i32 to index
      %swap3A_154 = arith.constant 96 : index
      %swap3A_155 = tpu.vector_load %arg7[%swap3A_153, %swap3A_154] {strides = array<i32>} : memref<80x128xf32, #tpu.memory_space<vmem>>, vector<16xf32>,
      tpu.vector_store %arg7[%swap3A_153, %swap3A_154], %broadcast_in_dim3A_1 {strides = array<i32>} : memref<80x128xf32, #tpu.memory_space<vmem>>, vector<16xf32>,
      %swap3A_156 = arith.index_cast %scan3A_135 : i32 to index
      %swap3A_157 = arith.constant 112 : index
      %swap3A_158 = tpu.vector_load %arg7[%swap3A_156, %swap3A_157] {strides = array<i32>} : memref<80x128xf32, #tpu.memory_space<vmem>>, vector<16xf32>,
      tpu.vector_store %arg7[%swap3A_156, %swap3A_157], %broadcast_in_dim3A_1 {strides = array<i32>} : memref<80x128xf32, #tpu.memory_space<vmem>>, vector<16xf32>,
    }
    %scan3A_6 = arith.constant 80 : i32
    %scan3A_7 = arith.constant 0 : i32
    %scan3A_8 = arith.constant 0 : i32
    %scan3A_9 = arith.constant 8 : i32
    %scan3A_10 = arith.addi %scan3A_8, %scan3A_9 : i32
    %scan3A_11 = arith.constant 1 : i32
    scf.for %scan3A_135 = %scan3A_8 to %scan3A_10 step %scan3A_11  : i32 {
      %mul3A_136 = arith.constant 640 : i32
      %mul3A_137 = arith.muli %arg1, %mul3A_136 : i32
      %mul3A_138 = arith.constant 80 : i32
      %mul3A_139 = arith.muli %scan3A_135, %mul3A_138 : i32
      %add3A_140 = arith.addi %mul3A_137, %mul3A_139 : i32
      "tpu.region"() ({
        %run_scoped3A_141 = tpu.sem_alloc : memref<!tpu.dma_semaphore, #tpu.memory_space<semaphore_mem>>
        %dma_start3A_142 = arith.constant 0 : i32
        %dma_start3A_143 = tpu.memref_slice %arg9[%add3A_140, %dma_start3A_142] : memref<10240x128xf32, #tpu.memory_space<vmem_shared>> -> memref<80x128xf32, #tpu.memory_space<vmem_shared>>
        %dma_start3A_144 = arith.constant 0 : i32
        %dma_start3A_145 = tpu.memref_slice %arg9[%add3A_140, %dma_start3A_144] : memref<10240x128xf32, #tpu.memory_space<vmem_shared>> -> memref<80x128xf32, #tpu.memory_space<vmem_shared>>
        tpu.enqueue_dma source(%arg7 : memref<80x128xf32, #tpu.memory_space<vmem>>) target(%dma_start3A_145 : memref<80x128xf32, #tpu.memory_space<vmem_shared>>) target_semaphore(%run_scoped3A_141 : memref<!tpu.dma_semaphore, #tpu.memory_space<semaphore_mem>>)
        %dma_wait3A = arith.constant 0 : i32
        %dma_wait3A_146 = tpu.memref_slice %arg9[%add3A_140, %dma_wait3A] : memref<10240x128xf32, #tpu.memory_space<vmem_shared>> -> memref<80x128xf32, #tpu.memory_space<vmem_shared>>
        %dma_wait3A_147 = arith.constant 0 : i32
        %dma_wait3A_148 = tpu.memref_slice %arg9[%add3A_140, %dma_wait3A_147] : memref<10240x128xf32, #tpu.memory_space<vmem_shared>> -> memref<80x128xf32, #tpu.memory_space<vmem_shared>>
        tpu.wait_dma2 semaphore(%run_scoped3A_141 : memref<!tpu.dma_semaphore, #tpu.memory_space<semaphore_mem>>) src(%arg7 : memref<80x128xf32, #tpu.memory_space<vmem>>) dst(%dma_wait3A_148 : memref<80x128xf32, #tpu.memory_space<vmem_shared>>)
        tpu.yield
      }) : () -> ()
    }
    %scan3A_12 = arith.constant 8 : i32
    %barrier3A = arith.constant 0 : index
    tpu.barrier barrier_id(%barrier3A)
    %run_scoped3A = arith.constant 0 : i32
    %run_scoped3A_13 = arith.constant 0 : i32
    "tpu.region"() ({
      %run_scoped3A_135 = tpu.sem_alloc : memref<!tpu.dma_semaphore, #tpu.memory_space<semaphore_mem>>
      %dma_start3A_136 = arith.constant 0 : i32
      %dma_start3A_137 = arith.constant 0 : i32
      %dma_start3A_138 = tpu.memref_slice %arg3[%run_scoped3A, %add3A, %run_scoped3A_13, %dma_start3A_136, %dma_start3A_137] : memref<2x32x5x25x80xi32, #tpu.memory_space<hbm>> -> memref<1x1x1x25x80xi32, #tpu.memory_space<hbm>>
      %dma_start3A_139 = tpu.memref_squeeze %dma_start3A_138 : memref<1x1x1x25x80xi32, #tpu.memory_space<hbm>> -> memref<25x80xi32, #tpu.memory_space<hbm>>
      %dma_start3A_140 = arith.constant 0 : i32
      %dma_start3A_141 = arith.constant 0 : i32
      %dma_start3A_142 = tpu.memref_slice %arg3[%run_scoped3A, %add3A, %run_scoped3A_13, %dma_start3A_140, %dma_start3A_141] : memref<2x32x5x25x80xi32, #tpu.memory_space<hbm>> -> memref<1x1x1x25x80xi32, #tpu.memory_space<hbm>>
      %dma_start3A_143 = tpu.memref_squeeze %dma_start3A_142 : memref<1x1x1x25x80xi32, #tpu.memory_space<hbm>> -> memref<25x80xi32, #tpu.memory_space<hbm>>
      tpu.enqueue_dma source(%dma_start3A_143 : memref<25x80xi32, #tpu.memory_space<hbm>>) target(%arg5 : memref<25x80xi32, #tpu.memory_space<vmem>>) target_semaphore(%run_scoped3A_135 : memref<!tpu.dma_semaphore, #tpu.memory_space<semaphore_mem>>)
      %dma_wait3A = arith.constant 0 : i32
      %dma_wait3A_144 = arith.constant 0 : i32
      %dma_wait3A_145 = tpu.memref_slice %arg3[%run_scoped3A, %add3A, %run_scoped3A_13, %dma_wait3A, %dma_wait3A_144] : memref<2x32x5x25x80xi32, #tpu.memory_space<hbm>> -> memref<1x1x1x25x80xi32, #tpu.memory_space<hbm>>
      %dma_wait3A_146 = tpu.memref_squeeze %dma_wait3A_145 : memref<1x1x1x25x80xi32, #tpu.memory_space<hbm>> -> memref<25x80xi32, #tpu.memory_space<hbm>>
      %dma_wait3A_147 = arith.constant 0 : i32
      %dma_wait3A_148 = arith.constant 0 : i32
      %dma_wait3A_149 = tpu.memref_slice %arg3[%run_scoped3A, %add3A, %run_scoped3A_13, %dma_wait3A_147, %dma_wait3A_148] : memref<2x32x5x25x80xi32, #tpu.memory_space<hbm>> -> memref<1x1x1x25x80xi32, #tpu.memory_space<hbm>>
      %dma_wait3A_150 = tpu.memref_squeeze %dma_wait3A_149 : memref<1x1x1x25x80xi32, #tpu.memory_space<hbm>> -> memref<25x80xi32, #tpu.memory_space<hbm>>
      tpu.wait_dma2 semaphore(%run_scoped3A_135 : memref<!tpu.dma_semaphore, #tpu.memory_space<semaphore_mem>>) src(%dma_wait3A_150 : memref<25x80xi32, #tpu.memory_space<hbm>>) dst(%arg5 : memref<25x80xi32, #tpu.memory_space<vmem>>)
      tpu.yield
    }) : () -> ()
    %run_scoped3A_14 = arith.constant 1 : i32
    %run_scoped3A_15 = arith.constant 0 : i32
    "tpu.region"() ({
      %run_scoped3A_135 = tpu.sem_alloc : memref<!tpu.dma_semaphore, #tpu.memory_space<semaphore_mem>>
      %dma_start3A_136 = arith.constant 0 : i32
      %dma_start3A_137 = arith.constant 0 : i32
      %dma_start3A_138 = tpu.memref_slice %arg3[%run_scoped3A_14, %add3A, %run_scoped3A_15, %dma_start3A_136, %dma_start3A_137] : memref<2x32x5x25x80xi32, #tpu.memory_space<hbm>> -> memref<1x1x1x25x80xi32, #tpu.memory_space<hbm>>
      %dma_start3A_139 = tpu.memref_squeeze %dma_start3A_138 : memref<1x1x1x25x80xi32, #tpu.memory_space<hbm>> -> memref<25x80xi32, #tpu.memory_space<hbm>>
      %dma_start3A_140 = arith.constant 0 : i32
      %dma_start3A_141 = arith.constant 0 : i32
      %dma_start3A_142 = tpu.memref_slice %arg3[%run_scoped3A_14, %add3A, %run_scoped3A_15, %dma_start3A_140, %dma_start3A_141] : memref<2x32x5x25x80xi32, #tpu.memory_space<hbm>> -> memref<1x1x1x25x80xi32, #tpu.memory_space<hbm>>
      %dma_start3A_143 = tpu.memref_squeeze %dma_start3A_142 : memref<1x1x1x25x80xi32, #tpu.memory_space<hbm>> -> memref<25x80xi32, #tpu.memory_space<hbm>>
      tpu.enqueue_dma source(%dma_start3A_143 : memref<25x80xi32, #tpu.memory_space<hbm>>) target(%arg6 : memref<25x80xi32, #tpu.memory_space<vmem>>) target_semaphore(%run_scoped3A_135 : memref<!tpu.dma_semaphore, #tpu.memory_space<semaphore_mem>>)
      %dma_wait3A = arith.constant 0 : i32
      %dma_wait3A_144 = arith.constant 0 : i32
      %dma_wait3A_145 = tpu.memref_slice %arg3[%run_scoped3A_14, %add3A, %run_scoped3A_15, %dma_wait3A, %dma_wait3A_144] : memref<2x32x5x25x80xi32, #tpu.memory_space<hbm>> -> memref<1x1x1x25x80xi32, #tpu.memory_space<hbm>>
      %dma_wait3A_146 = tpu.memref_squeeze %dma_wait3A_145 : memref<1x1x1x25x80xi32, #tpu.memory_space<hbm>> -> memref<25x80xi32, #tpu.memory_space<hbm>>
      %dma_wait3A_147 = arith.constant 0 : i32
      %dma_wait3A_148 = arith.constant 0 : i32
      %dma_wait3A_149 = tpu.memref_slice %arg3[%run_scoped3A_14, %add3A, %run_scoped3A_15, %dma_wait3A_147, %dma_wait3A_148] : memref<2x32x5x25x80xi32, #tpu.memory_space<hbm>> -> memref<1x1x1x25x80xi32, #tpu.memory_space<hbm>>
      %dma_wait3A_150 = tpu.memref_squeeze %dma_wait3A_149 : memref<1x1x1x25x80xi32, #tpu.memory_space<hbm>> -> memref<25x80xi32, #tpu.memory_space<hbm>>
      tpu.wait_dma2 semaphore(%run_scoped3A_135 : memref<!tpu.dma_semaphore, #tpu.memory_space<semaphore_mem>>) src(%dma_wait3A_150 : memref<25x80xi32, #tpu.memory_space<hbm>>) dst(%arg6 : memref<25x80xi32, #tpu.memory_space<vmem>>)
      tpu.yield
    }) : () -> ()
    %scan3A_16 = arith.constant 0 : i32
    %scan3A_17 = arith.constant 0 : i32
    %scan3A_18 = arith.constant 25 : i32
    %scan3A_19 = arith.addi %scan3A_17, %scan3A_18 : i32
    %scan3A_20 = arith.constant 1 : i32
    scf.for %scan3A_135 = %scan3A_17 to %scan3A_19 step %scan3A_20  : i32 {
      %get3A = arith.index_cast %scan3A_135 : i32 to index
      %get3A_136 = arith.constant 0 : index
      %get3A_137 = tpu.vector_load %arg5[%get3A, %get3A_136] {strides = array<i32>} : memref<25x80xi32, #tpu.memory_space<vmem>>, vector<16xi32>,
      %get3A_138 = arith.index_cast %scan3A_135 : i32 to index
      %get3A_139 = arith.constant 0 : index
      %get3A_140 = tpu.vector_load %arg6[%get3A_138, %get3A_139] {strides = array<i32>} : memref<25x80xi32, #tpu.memory_space<vmem>>, vector<16xi32>,
      %eq3A_141 = arith.cmpi eq, %get3A_137, %get3A_140 : vector<16xi32>
      %jit3A = arith.constant 10000 : i32
      %broadcast_in_dim3A_142 = vector.broadcast %jit3A : i32 to vector<16xi32>
      %select_n3A = arith.select %eq3A_141, %broadcast_in_dim3A_142, %get3A_137 : vector<16xi1>, vector<16xi32>
      %swap3A = arith.index_cast %scan3A_135 : i32 to index
      %swap3A_143 = arith.constant 0 : index
      %swap3A_144 = tpu.vector_load %arg5[%swap3A, %swap3A_143] {strides = array<i32>} : memref<25x80xi32, #tpu.memory_space<vmem>>, vector<16xi32>,
      tpu.vector_store %arg5[%swap3A, %swap3A_143], %select_n3A {strides = array<i32>} : memref<25x80xi32, #tpu.memory_space<vmem>>, vector<16xi32>,
      %get3A_145 = arith.index_cast %scan3A_135 : i32 to index
      %get3A_146 = arith.constant 16 : index
      %get3A_147 = tpu.vector_load %arg5[%get3A_145, %get3A_146] {strides = array<i32>} : memref<25x80xi32, #tpu.memory_space<vmem>>, vector<16xi32>,
      %get3A_148 = arith.index_cast %scan3A_135 : i32 to index
      %get3A_149 = arith.constant 16 : index
      %get3A_150 = tpu.vector_load %arg6[%get3A_148, %get3A_149] {strides = array<i32>} : memref<25x80xi32, #tpu.memory_space<vmem>>, vector<16xi32>,
      %eq3A_151 = arith.cmpi eq, %get3A_147, %get3A_150 : vector<16xi32>
      %jit3A_152 = arith.constant 10000 : i32
      %broadcast_in_dim3A_153 = vector.broadcast %jit3A_152 : i32 to vector<16xi32>
      %select_n3A_154 = arith.select %eq3A_151, %broadcast_in_dim3A_153, %get3A_147 : vector<16xi1>, vector<16xi32>
      %swap3A_155 = arith.index_cast %scan3A_135 : i32 to index
      %swap3A_156 = arith.constant 16 : index
      %swap3A_157 = tpu.vector_load %arg5[%swap3A_155, %swap3A_156] {strides = array<i32>} : memref<25x80xi32, #tpu.memory_space<vmem>>, vector<16xi32>,
      tpu.vector_store %arg5[%swap3A_155, %swap3A_156], %select_n3A_154 {strides = array<i32>} : memref<25x80xi32, #tpu.memory_space<vmem>>, vector<16xi32>,
      %get3A_158 = arith.index_cast %scan3A_135 : i32 to index
      %get3A_159 = arith.constant 32 : index
      %get3A_160 = tpu.vector_load %arg5[%get3A_158, %get3A_159] {strides = array<i32>} : memref<25x80xi32, #tpu.memory_space<vmem>>, vector<16xi32>,
      %get3A_161 = arith.index_cast %scan3A_135 : i32 to index
      %get3A_162 = arith.constant 32 : index
      %get3A_163 = tpu.vector_load %arg6[%get3A_161, %get3A_162] {strides = array<i32>} : memref<25x80xi32, #tpu.memory_space<vmem>>, vector<16xi32>,
      %eq3A_164 = arith.cmpi eq, %get3A_160, %get3A_163 : vector<16xi32>
      %jit3A_165 = arith.constant 10000 : i32
      %broadcast_in_dim3A_166 = vector.broadcast %jit3A_165 : i32 to vector<16xi32>
      %select_n3A_167 = arith.select %eq3A_164, %broadcast_in_dim3A_166, %get3A_160 : vector<16xi1>, vector<16xi32>
      %swap3A_168 = arith.index_cast %scan3A_135 : i32 to index
      %swap3A_169 = arith.constant 32 : index
      %swap3A_170 = tpu.vector_load %arg5[%swap3A_168, %swap3A_169] {strides = array<i32>} : memref<25x80xi32, #tpu.memory_space<vmem>>, vector<16xi32>,
      tpu.vector_store %arg5[%swap3A_168, %swap3A_169], %select_n3A_167 {strides = array<i32>} : memref<25x80xi32, #tpu.memory_space<vmem>>, vector<16xi32>,
      %get3A_171 = arith.index_cast %scan3A_135 : i32 to index
      %get3A_172 = arith.constant 48 : index
      %get3A_173 = tpu.vector_load %arg5[%get3A_171, %get3A_172] {strides = array<i32>} : memref<25x80xi32, #tpu.memory_space<vmem>>, vector<16xi32>,
      %get3A_174 = arith.index_cast %scan3A_135 : i32 to index
      %get3A_175 = arith.constant 48 : index
      %get3A_176 = tpu.vector_load %arg6[%get3A_174, %get3A_175] {strides = array<i32>} : memref<25x80xi32, #tpu.memory_space<vmem>>, vector<16xi32>,
      %eq3A_177 = arith.cmpi eq, %get3A_173, %get3A_176 : vector<16xi32>
      %jit3A_178 = arith.constant 10000 : i32
      %broadcast_in_dim3A_179 = vector.broadcast %jit3A_178 : i32 to vector<16xi32>
      %select_n3A_180 = arith.select %eq3A_177, %broadcast_in_dim3A_179, %get3A_173 : vector<16xi1>, vector<16xi32>
      %swap3A_181 = arith.index_cast %scan3A_135 : i32 to index
      %swap3A_182 = arith.constant 48 : index
      %swap3A_183 = tpu.vector_load %arg5[%swap3A_181, %swap3A_182] {strides = array<i32>} : memref<25x80xi32, #tpu.memory_space<vmem>>, vector<16xi32>,
      tpu.vector_store %arg5[%swap3A_181, %swap3A_182], %select_n3A_180 {strides = array<i32>} : memref<25x80xi32, #tpu.memory_space<vmem>>, vector<16xi32>,
      %get3A_184 = arith.index_cast %scan3A_135 : i32 to index
      %get3A_185 = arith.constant 64 : index
      %get3A_186 = tpu.vector_load %arg5[%get3A_184, %get3A_185] {strides = array<i32>} : memref<25x80xi32, #tpu.memory_space<vmem>>, vector<16xi32>,
      %get3A_187 = arith.index_cast %scan3A_135 : i32 to index
      %get3A_188 = arith.constant 64 : index
      %get3A_189 = tpu.vector_load %arg6[%get3A_187, %get3A_188] {strides = array<i32>} : memref<25x80xi32, #tpu.memory_space<vmem>>, vector<16xi32>,
      %eq3A_190 = arith.cmpi eq, %get3A_186, %get3A_189 : vector<16xi32>
      %jit3A_191 = arith.constant 10000 : i32
      %broadcast_in_dim3A_192 = vector.broadcast %jit3A_191 : i32 to vector<16xi32>
      %select_n3A_193 = arith.select %eq3A_190, %broadcast_in_dim3A_192, %get3A_186 : vector<16xi1>, vector<16xi32>
      %swap3A_194 = arith.index_cast %scan3A_135 : i32 to index
      %swap3A_195 = arith.constant 64 : index
      %swap3A_196 = tpu.vector_load %arg5[%swap3A_194, %swap3A_195] {strides = array<i32>} : memref<25x80xi32, #tpu.memory_space<vmem>>, vector<16xi32>,
      tpu.vector_store %arg5[%swap3A_194, %swap3A_195], %select_n3A_193 {strides = array<i32>} : memref<25x80xi32, #tpu.memory_space<vmem>>, vector<16xi32>,
    }
    %scan3A_21 = arith.constant 25 : i32
    %dma_start3A = arith.constant 0 : i32
    %dma_start3A_22 = arith.constant 0 : i32
    %dma_start3A_23 = tpu.memref_slice %arg6[%dma_start3A, %dma_start3A_22] : memref<25x80xi32, #tpu.memory_space<vmem>> -> memref<1x80xi32, #tpu.memory_space<vmem>>
    %dma_start3A_24 = tpu.memref_squeeze %dma_start3A_23 : memref<1x80xi32, #tpu.memory_space<vmem>> -> memref<80xi32, #tpu.memory_space<vmem>>
    %dma_start3A_25 = arith.constant 0 : i32
    %dma_start3A_26 = arith.constant 0 : i32
    %dma_start3A_27 = tpu.memref_slice %arg2[%dma_start3A_25, %dma_start3A_26] : memref<10000x128xf32, #tpu.memory_space<hbm>> -> memref<10000x128xf32, #tpu.memory_space<hbm>>
    tpu.enqueue_indirect_dma source(%dma_start3A_27 : memref<10000x128xf32, #tpu.memory_space<hbm>>) target(%arg7 : memref<80x128xf32, #tpu.memory_space<vmem>>) offsets(%dma_start3A_24 : memref<80xi32, #tpu.memory_space<vmem>>) semaphore(%arg10 : memref<!tpu.dma_semaphore, #tpu.memory_space<semaphore_mem>>)
    %scan3A_28 = arith.constant 0 : i32
    %scan3A_29 = arith.constant 0 : i32
    %scan3A_30 = arith.constant 13 : i32
    %scan3A_31 = arith.addi %scan3A_29, %scan3A_30 : i32
    %scan3A_32 = arith.constant 1 : i32
    scf.for %scan3A_135 = %scan3A_29 to %scan3A_31 step %scan3A_32  : i32 {
      %mul3A_136 = arith.constant 2 : i32
      %mul3A_137 = arith.muli %mul3A_136, %scan3A_135 : i32
      %mul3A_138 = arith.constant 2 : i32
      %mul3A_139 = arith.muli %mul3A_138, %scan3A_135 : i32
      %add3A_140 = arith.constant 1 : i32
      %add3A_141 = arith.addi %mul3A_139, %add3A_140 : i32
      %lt3A_142 = arith.constant 25 : i32
      %lt3A_143 = arith.cmpi slt, %add3A_141, %lt3A_142 : i32
      %convert_element_type3A_144 = arith.extui %lt3A_143 : i1 to i32
      %cond3A_145 = arith.constant 0 : i32
      %cond3A_146 = arith.cmpi ne, %convert_element_type3A_144, %cond3A_145 : i32
      scf.if %cond3A_146 {
        %dma_start3A_164 = arith.constant 0 : i32
        %dma_start3A_165 = tpu.memref_slice %arg6[%add3A_141, %dma_start3A_164] : memref<25x80xi32, #tpu.memory_space<vmem>> -> memref<1x80xi32, #tpu.memory_space<vmem>>
        %dma_start3A_166 = tpu.memref_squeeze %dma_start3A_165 : memref<1x80xi32, #tpu.memory_space<vmem>> -> memref<80xi32, #tpu.memory_space<vmem>>
        %dma_start3A_167 = arith.constant 0 : i32
        %dma_start3A_168 = arith.constant 0 : i32
        %dma_start3A_169 = tpu.memref_slice %arg2[%dma_start3A_167, %dma_start3A_168] : memref<10000x128xf32, #tpu.memory_space<hbm>> -> memref<10000x128xf32, #tpu.memory_space<hbm>>
        tpu.enqueue_indirect_dma source(%dma_start3A_169 : memref<10000x128xf32, #tpu.memory_space<hbm>>) target(%arg8 : memref<80x128xf32, #tpu.memory_space<vmem>>) offsets(%dma_start3A_166 : memref<80xi32, #tpu.memory_space<vmem>>) semaphore(%arg11 : memref<!tpu.dma_semaphore, #tpu.memory_space<semaphore_mem>>)
      } else {
      }
      %dma_wait3A = arith.constant 0 : i32
      %dma_wait3A_147 = tpu.memref_slice %arg6[%mul3A_137, %dma_wait3A] : memref<25x80xi32, #tpu.memory_space<vmem>> -> memref<1x80xi32, #tpu.memory_space<vmem>>
      %dma_wait3A_148 = tpu.memref_squeeze %dma_wait3A_147 : memref<1x80xi32, #tpu.memory_space<vmem>> -> memref<80xi32, #tpu.memory_space<vmem>>
      %dma_wait3A_149 = arith.constant 0 : i32
      %dma_wait3A_150 = arith.constant 0 : i32
      %dma_wait3A_151 = tpu.memref_slice %arg2[%dma_wait3A_149, %dma_wait3A_150] : memref<10000x128xf32, #tpu.memory_space<hbm>> -> memref<10000x128xf32, #tpu.memory_space<hbm>>
      tpu.wait_indirect_dma semaphore(%arg10 : memref<!tpu.dma_semaphore, #tpu.memory_space<semaphore_mem>>) src(%dma_wait3A_151 : memref<10000x128xf32, #tpu.memory_space<hbm>>) dst(%arg7 : memref<80x128xf32, #tpu.memory_space<vmem>>)
      "tpu.region"() ({
        %run_scoped3A_164 = tpu.sem_alloc : memref<!tpu.dma_semaphore, #tpu.memory_space<semaphore_mem>>
        %dma_start3A_165 = arith.constant 0 : i32
        %dma_start3A_166 = tpu.memref_slice %arg5[%mul3A_137, %dma_start3A_165] : memref<25x80xi32, #tpu.memory_space<vmem>> -> memref<1x80xi32, #tpu.memory_space<vmem>>
        %dma_start3A_167 = tpu.memref_squeeze %dma_start3A_166 : memref<1x80xi32, #tpu.memory_space<vmem>> -> memref<80xi32, #tpu.memory_space<vmem>>
        %dma_start3A_168 = arith.constant 0 : i32
        %dma_start3A_169 = arith.constant 0 : i32
        %dma_start3A_170 = tpu.memref_slice %arg9[%dma_start3A_168, %dma_start3A_169] : memref<10240x128xf32, #tpu.memory_space<vmem_shared>> -> memref<10240x128xf32, #tpu.memory_space<vmem_shared>>
        tpu.enqueue_indirect_dma source(%arg7 : memref<80x128xf32, #tpu.memory_space<vmem>>) target(%dma_start3A_170 : memref<10240x128xf32, #tpu.memory_space<vmem_shared>>) offsets(%dma_start3A_167 : memref<80xi32, #tpu.memory_space<vmem>>) semaphore(%run_scoped3A_164 : memref<!tpu.dma_semaphore, #tpu.memory_space<semaphore_mem>>) {add = true}
        %dma_wait3A_171 = arith.constant 0 : i32
        %dma_wait3A_172 = tpu.memref_slice %arg5[%mul3A_137, %dma_wait3A_171] : memref<25x80xi32, #tpu.memory_space<vmem>> -> memref<1x80xi32, #tpu.memory_space<vmem>>
        %dma_wait3A_173 = tpu.memref_squeeze %dma_wait3A_172 : memref<1x80xi32, #tpu.memory_space<vmem>> -> memref<80xi32, #tpu.memory_space<vmem>>
        %dma_wait3A_174 = arith.constant 0 : i32
        %dma_wait3A_175 = arith.constant 0 : i32
        %dma_wait3A_176 = tpu.memref_slice %arg9[%dma_wait3A_174, %dma_wait3A_175] : memref<10240x128xf32, #tpu.memory_space<vmem_shared>> -> memref<10240x128xf32, #tpu.memory_space<vmem_shared>>
        tpu.wait_indirect_dma semaphore(%run_scoped3A_164 : memref<!tpu.dma_semaphore, #tpu.memory_space<semaphore_mem>>) src(%arg7 : memref<80x128xf32, #tpu.memory_space<vmem>>) dst(%dma_wait3A_176 : memref<10240x128xf32, #tpu.memory_space<vmem_shared>>)
        tpu.yield
      }) : () -> ()
      %add3A_152 = arith.constant 2 : i32
      %add3A_153 = arith.addi %mul3A_137, %add3A_152 : i32
      %lt3A_154 = arith.constant 25 : i32
      %lt3A_155 = arith.cmpi slt, %add3A_153, %lt3A_154 : i32
      %convert_element_type3A_156 = arith.extui %lt3A_155 : i1 to i32
      %cond3A_157 = arith.constant 0 : i32
      %cond3A_158 = arith.cmpi ne, %convert_element_type3A_156, %cond3A_157 : i32
      scf.if %cond3A_158 {
        %add3A_164 = arith.constant 2 : i32
        %add3A_165 = arith.addi %mul3A_137, %add3A_164 : i32
        %dma_start3A_166 = arith.constant 0 : i32
        %dma_start3A_167 = tpu.memref_slice %arg6[%add3A_165, %dma_start3A_166] : memref<25x80xi32, #tpu.memory_space<vmem>> -> memref<1x80xi32, #tpu.memory_space<vmem>>
        %dma_start3A_168 = tpu.memref_squeeze %dma_start3A_167 : memref<1x80xi32, #tpu.memory_space<vmem>> -> memref<80xi32, #tpu.memory_space<vmem>>
        %dma_start3A_169 = arith.constant 0 : i32
        %dma_start3A_170 = arith.constant 0 : i32
        %dma_start3A_171 = tpu.memref_slice %arg2[%dma_start3A_169, %dma_start3A_170] : memref<10000x128xf32, #tpu.memory_space<hbm>> -> memref<10000x128xf32, #tpu.memory_space<hbm>>
        tpu.enqueue_indirect_dma source(%dma_start3A_171 : memref<10000x128xf32, #tpu.memory_space<hbm>>) target(%arg7 : memref<80x128xf32, #tpu.memory_space<vmem>>) offsets(%dma_start3A_168 : memref<80xi32, #tpu.memory_space<vmem>>) semaphore(%arg10 : memref<!tpu.dma_semaphore, #tpu.memory_space<semaphore_mem>>)
      } else {
      }
      %lt3A_159 = arith.constant 25 : i32
      %lt3A_160 = arith.cmpi slt, %add3A_141, %lt3A_159 : i32
      %convert_element_type3A_161 = arith.extui %lt3A_160 : i1 to i32
      %cond3A_162 = arith.constant 0 : i32
      %cond3A_163 = arith.cmpi ne, %convert_element_type3A_161, %cond3A_162 : i32
      scf.if %cond3A_163 {
        %dma_wait3A_164 = arith.constant 0 : i32
        %dma_wait3A_165 = tpu.memref_slice %arg6[%add3A_141, %dma_wait3A_164] : memref<25x80xi32, #tpu.memory_space<vmem>> -> memref<1x80xi32, #tpu.memory_space<vmem>>
        %dma_wait3A_166 = tpu.memref_squeeze %dma_wait3A_165 : memref<1x80xi32, #tpu.memory_space<vmem>> -> memref<80xi32, #tpu.memory_space<vmem>>
        %dma_wait3A_167 = arith.constant 0 : i32
        %dma_wait3A_168 = arith.constant 0 : i32
        %dma_wait3A_169 = tpu.memref_slice %arg2[%dma_wait3A_167, %dma_wait3A_168] : memref<10000x128xf32, #tpu.memory_space<hbm>> -> memref<10000x128xf32, #tpu.memory_space<hbm>>
        tpu.wait_indirect_dma semaphore(%arg11 : memref<!tpu.dma_semaphore, #tpu.memory_space<semaphore_mem>>) src(%dma_wait3A_169 : memref<10000x128xf32, #tpu.memory_space<hbm>>) dst(%arg8 : memref<80x128xf32, #tpu.memory_space<vmem>>)
        "tpu.region"() ({
          %run_scoped3A_170 = tpu.sem_alloc : memref<!tpu.dma_semaphore, #tpu.memory_space<semaphore_mem>>
          %dma_start3A_171 = arith.constant 0 : i32
          %dma_start3A_172 = tpu.memref_slice %arg5[%add3A_141, %dma_start3A_171] : memref<25x80xi32, #tpu.memory_space<vmem>> -> memref<1x80xi32, #tpu.memory_space<vmem>>
          %dma_start3A_173 = tpu.memref_squeeze %dma_start3A_172 : memref<1x80xi32, #tpu.memory_space<vmem>> -> memref<80xi32, #tpu.memory_space<vmem>>
          %dma_start3A_174 = arith.constant 0 : i32
          %dma_start3A_175 = arith.constant 0 : i32
          %dma_start3A_176 = tpu.memref_slice %arg9[%dma_start3A_174, %dma_start3A_175] : memref<10240x128xf32, #tpu.memory_space<vmem_shared>> -> memref<10240x128xf32, #tpu.memory_space<vmem_shared>>
          tpu.enqueue_indirect_dma source(%arg8 : memref<80x128xf32, #tpu.memory_space<vmem>>) target(%dma_start3A_176 : memref<10240x128xf32, #tpu.memory_space<vmem_shared>>) offsets(%dma_start3A_173 : memref<80xi32, #tpu.memory_space<vmem>>) semaphore(%run_scoped3A_170 : memref<!tpu.dma_semaphore, #tpu.memory_space<semaphore_mem>>) {add = true}
          %dma_wait3A_177 = arith.constant 0 : i32
          %dma_wait3A_178 = tpu.memref_slice %arg5[%add3A_141, %dma_wait3A_177] : memref<25x80xi32, #tpu.memory_space<vmem>> -> memref<1x80xi32, #tpu.memory_space<vmem>>
          %dma_wait3A_179 = tpu.memref_squeeze %dma_wait3A_178 : memref<1x80xi32, #tpu.memory_space<vmem>> -> memref<80xi32, #tpu.memory_space<vmem>>
          %dma_wait3A_180 = arith.constant 0 : i32
          %dma_wait3A_181 = arith.constant 0 : i32
          %dma_wait3A_182 = tpu.memref_slice %arg9[%dma_wait3A_180, %dma_wait3A_181] : memref<10240x128xf32, #tpu.memory_space<vmem_shared>> -> memref<10240x128xf32, #tpu.memory_space<vmem_shared>>
          tpu.wait_indirect_dma semaphore(%run_scoped3A_170 : memref<!tpu.dma_semaphore, #tpu.memory_space<semaphore_mem>>) src(%arg8 : memref<80x128xf32, #tpu.memory_space<vmem>>) dst(%dma_wait3A_182 : memref<10240x128xf32, #tpu.memory_space<vmem_shared>>)
          tpu.yield
        }) : () -> ()
      } else {
      }
    }
    %scan3A_33 = arith.constant 13 : i32
    %run_scoped3A_34 = arith.constant 0 : i32
    %run_scoped3A_35 = arith.constant 1 : i32
    "tpu.region"() ({
      %run_scoped3A_135 = tpu.sem_alloc : memref<!tpu.dma_semaphore, #tpu.memory_space<semaphore_mem>>
      %dma_start3A_136 = arith.constant 0 : i32
      %dma_start3A_137 = arith.constant 0 : i32
      %dma_start3A_138 = tpu.memref_slice %arg3[%run_scoped3A_34, %add3A, %run_scoped3A_35, %dma_start3A_136, %dma_start3A_137] : memref<2x32x5x25x80xi32, #tpu.memory_space<hbm>> -> memref<1x1x1x25x80xi32, #tpu.memory_space<hbm>>
      %dma_start3A_139 = tpu.memref_squeeze %dma_start3A_138 : memref<1x1x1x25x80xi32, #tpu.memory_space<hbm>> -> memref<25x80xi32, #tpu.memory_space<hbm>>
      %dma_start3A_140 = arith.constant 0 : i32
      %dma_start3A_141 = arith.constant 0 : i32
      %dma_start3A_142 = tpu.memref_slice %arg3[%run_scoped3A_34, %add3A, %run_scoped3A_35, %dma_start3A_140, %dma_start3A_141] : memref<2x32x5x25x80xi32, #tpu.memory_space<hbm>> -> memref<1x1x1x25x80xi32, #tpu.memory_space<hbm>>
      %dma_start3A_143 = tpu.memref_squeeze %dma_start3A_142 : memref<1x1x1x25x80xi32, #tpu.memory_space<hbm>> -> memref<25x80xi32, #tpu.memory_space<hbm>>
      tpu.enqueue_dma source(%dma_start3A_143 : memref<25x80xi32, #tpu.memory_space<hbm>>) target(%arg5 : memref<25x80xi32, #tpu.memory_space<vmem>>) target_semaphore(%run_scoped3A_135 : memref<!tpu.dma_semaphore, #tpu.memory_space<semaphore_mem>>)
      %dma_wait3A = arith.constant 0 : i32
      %dma_wait3A_144 = arith.constant 0 : i32
      %dma_wait3A_145 = tpu.memref_slice %arg3[%run_scoped3A_34, %add3A, %run_scoped3A_35, %dma_wait3A, %dma_wait3A_144] : memref<2x32x5x25x80xi32, #tpu.memory_space<hbm>> -> memref<1x1x1x25x80xi32, #tpu.memory_space<hbm>>
      %dma_wait3A_146 = tpu.memref_squeeze %dma_wait3A_145 : memref<1x1x1x25x80xi32, #tpu.memory_space<hbm>> -> memref<25x80xi32, #tpu.memory_space<hbm>>
      %dma_wait3A_147 = arith.constant 0 : i32
      %dma_wait3A_148 = arith.constant 0 : i32
      %dma_wait3A_149 = tpu.memref_slice %arg3[%run_scoped3A_34, %add3A, %run_scoped3A_35, %dma_wait3A_147, %dma_wait3A_148] : memref<2x32x5x25x80xi32, #tpu.memory_space<hbm>> -> memref<1x1x1x25x80xi32, #tpu.memory_space<hbm>>
      %dma_wait3A_150 = tpu.memref_squeeze %dma_wait3A_149 : memref<1x1x1x25x80xi32, #tpu.memory_space<hbm>> -> memref<25x80xi32, #tpu.memory_space<hbm>>
      tpu.wait_dma2 semaphore(%run_scoped3A_135 : memref<!tpu.dma_semaphore, #tpu.memory_space<semaphore_mem>>) src(%dma_wait3A_150 : memref<25x80xi32, #tpu.memory_space<hbm>>) dst(%arg5 : memref<25x80xi32, #tpu.memory_space<vmem>>)
      tpu.yield
    }) : () -> ()
    %run_scoped3A_36 = arith.constant 1 : i32
    %run_scoped3A_37 = arith.constant 1 : i32
    "tpu.region"() ({
      %run_scoped3A_135 = tpu.sem_alloc : memref<!tpu.dma_semaphore, #tpu.memory_space<semaphore_mem>>
      %dma_start3A_136 = arith.constant 0 : i32
      %dma_start3A_137 = arith.constant 0 : i32
      %dma_start3A_138 = tpu.memref_slice %arg3[%run_scoped3A_36, %add3A, %run_scoped3A_37, %dma_start3A_136, %dma_start3A_137] : memref<2x32x5x25x80xi32, #tpu.memory_space<hbm>> -> memref<1x1x1x25x80xi32, #tpu.memory_space<hbm>>
      %dma_start3A_139 = tpu.memref_squeeze %dma_start3A_138 : memref<1x1x1x25x80xi32, #tpu.memory_space<hbm>> -> memref<25x80xi32, #tpu.memory_space<hbm>>
      %dma_start3A_140 = arith.constant 0 : i32
      %dma_start3A_141 = arith.constant 0 : i32
      %dma_start3A_142 = tpu.memref_slice %arg3[%run_scoped3A_36, %add3A, %run_scoped3A_37, %dma_start3A_140, %dma_start3A_141] : memref<2x32x5x25x80xi32, #tpu.memory_space<hbm>> -> memref<1x1x1x25x80xi32, #tpu.memory_space<hbm>>
      %dma_start3A_143 = tpu.memref_squeeze %dma_start3A_142 : memref<1x1x1x25x80xi32, #tpu.memory_space<hbm>> -> memref<25x80xi32, #tpu.memory_space<hbm>>
      tpu.enqueue_dma source(%dma_start3A_143 : memref<25x80xi32, #tpu.memory_space<hbm>>) target(%arg6 : memref<25x80xi32, #tpu.memory_space<vmem>>) target_semaphore(%run_scoped3A_135 : memref<!tpu.dma_semaphore, #tpu.memory_space<semaphore_mem>>)
      %dma_wait3A = arith.constant 0 : i32
      %dma_wait3A_144 = arith.constant 0 : i32
      %dma_wait3A_145 = tpu.memref_slice %arg3[%run_scoped3A_36, %add3A, %run_scoped3A_37, %dma_wait3A, %dma_wait3A_144] : memref<2x32x5x25x80xi32, #tpu.memory_space<hbm>> -> memref<1x1x1x25x80xi32, #tpu.memory_space<hbm>>
      %dma_wait3A_146 = tpu.memref_squeeze %dma_wait3A_145 : memref<1x1x1x25x80xi32, #tpu.memory_space<hbm>> -> memref<25x80xi32, #tpu.memory_space<hbm>>
      %dma_wait3A_147 = arith.constant 0 : i32
      %dma_wait3A_148 = arith.constant 0 : i32
      %dma_wait3A_149 = tpu.memref_slice %arg3[%run_scoped3A_36, %add3A, %run_scoped3A_37, %dma_wait3A_147, %dma_wait3A_148] : memref<2x32x5x25x80xi32, #tpu.memory_space<hbm>> -> memref<1x1x1x25x80xi32, #tpu.memory_space<hbm>>
      %dma_wait3A_150 = tpu.memref_squeeze %dma_wait3A_149 : memref<1x1x1x25x80xi32, #tpu.memory_space<hbm>> -> memref<25x80xi32, #tpu.memory_space<hbm>>
      tpu.wait_dma2 semaphore(%run_scoped3A_135 : memref<!tpu.dma_semaphore, #tpu.memory_space<semaphore_mem>>) src(%dma_wait3A_150 : memref<25x80xi32, #tpu.memory_space<hbm>>) dst(%arg6 : memref<25x80xi32, #tpu.memory_space<vmem>>)
      tpu.yield
    }) : () -> ()
    %scan3A_38 = arith.constant 0 : i32
    %scan3A_39 = arith.constant 0 : i32
    %scan3A_40 = arith.constant 25 : i32
    %scan3A_41 = arith.addi %scan3A_39, %scan3A_40 : i32
    %scan3A_42 = arith.constant 1 : i32
    scf.for %scan3A_135 = %scan3A_39 to %scan3A_41 step %scan3A_42  : i32 {
      %get3A = arith.index_cast %scan3A_135 : i32 to index
      %get3A_136 = arith.constant 0 : index
      %get3A_137 = tpu.vector_load %arg5[%get3A, %get3A_136] {strides = array<i32>} : memref<25x80xi32, #tpu.memory_space<vmem>>, vector<16xi32>,
      %get3A_138 = arith.index_cast %scan3A_135 : i32 to index
      %get3A_139 = arith.constant 0 : index
      %get3A_140 = tpu.vector_load %arg6[%get3A_138, %get3A_139] {strides = array<i32>} : memref<25x80xi32, #tpu.memory_space<vmem>>, vector<16xi32>,
      %eq3A_141 = arith.cmpi eq, %get3A_137, %get3A_140 : vector<16xi32>
      %jit3A = arith.constant 10000 : i32
      %broadcast_in_dim3A_142 = vector.broadcast %jit3A : i32 to vector<16xi32>
      %select_n3A = arith.select %eq3A_141, %broadcast_in_dim3A_142, %get3A_137 : vector<16xi1>, vector<16xi32>
      %swap3A = arith.index_cast %scan3A_135 : i32 to index
      %swap3A_143 = arith.constant 0 : index
      %swap3A_144 = tpu.vector_load %arg5[%swap3A, %swap3A_143] {strides = array<i32>} : memref<25x80xi32, #tpu.memory_space<vmem>>, vector<16xi32>,
      tpu.vector_store %arg5[%swap3A, %swap3A_143], %select_n3A {strides = array<i32>} : memref<25x80xi32, #tpu.memory_space<vmem>>, vector<16xi32>,
      %get3A_145 = arith.index_cast %scan3A_135 : i32 to index
      %get3A_146 = arith.constant 16 : index
      %get3A_147 = tpu.vector_load %arg5[%get3A_145, %get3A_146] {strides = array<i32>} : memref<25x80xi32, #tpu.memory_space<vmem>>, vector<16xi32>,
      %get3A_148 = arith.index_cast %scan3A_135 : i32 to index
      %get3A_149 = arith.constant 16 : index
      %get3A_150 = tpu.vector_load %arg6[%get3A_148, %get3A_149] {strides = array<i32>} : memref<25x80xi32, #tpu.memory_space<vmem>>, vector<16xi32>,
      %eq3A_151 = arith.cmpi eq, %get3A_147, %get3A_150 : vector<16xi32>
      %jit3A_152 = arith.constant 10000 : i32
      %broadcast_in_dim3A_153 = vector.broadcast %jit3A_152 : i32 to vector<16xi32>
      %select_n3A_154 = arith.select %eq3A_151, %broadcast_in_dim3A_153, %get3A_147 : vector<16xi1>, vector<16xi32>
      %swap3A_155 = arith.index_cast %scan3A_135 : i32 to index
      %swap3A_156 = arith.constant 16 : index
      %swap3A_157 = tpu.vector_load %arg5[%swap3A_155, %swap3A_156] {strides = array<i32>} : memref<25x80xi32, #tpu.memory_space<vmem>>, vector<16xi32>,
      tpu.vector_store %arg5[%swap3A_155, %swap3A_156], %select_n3A_154 {strides = array<i32>} : memref<25x80xi32, #tpu.memory_space<vmem>>, vector<16xi32>,
      %get3A_158 = arith.index_cast %scan3A_135 : i32 to index
      %get3A_159 = arith.constant 32 : index
      %get3A_160 = tpu.vector_load %arg5[%get3A_158, %get3A_159] {strides = array<i32>} : memref<25x80xi32, #tpu.memory_space<vmem>>, vector<16xi32>,
      %get3A_161 = arith.index_cast %scan3A_135 : i32 to index
      %get3A_162 = arith.constant 32 : index
      %get3A_163 = tpu.vector_load %arg6[%get3A_161, %get3A_162] {strides = array<i32>} : memref<25x80xi32, #tpu.memory_space<vmem>>, vector<16xi32>,
      %eq3A_164 = arith.cmpi eq, %get3A_160, %get3A_163 : vector<16xi32>
      %jit3A_165 = arith.constant 10000 : i32
      %broadcast_in_dim3A_166 = vector.broadcast %jit3A_165 : i32 to vector<16xi32>
      %select_n3A_167 = arith.select %eq3A_164, %broadcast_in_dim3A_166, %get3A_160 : vector<16xi1>, vector<16xi32>
      %swap3A_168 = arith.index_cast %scan3A_135 : i32 to index
      %swap3A_169 = arith.constant 32 : index
      %swap3A_170 = tpu.vector_load %arg5[%swap3A_168, %swap3A_169] {strides = array<i32>} : memref<25x80xi32, #tpu.memory_space<vmem>>, vector<16xi32>,
      tpu.vector_store %arg5[%swap3A_168, %swap3A_169], %select_n3A_167 {strides = array<i32>} : memref<25x80xi32, #tpu.memory_space<vmem>>, vector<16xi32>,
      %get3A_171 = arith.index_cast %scan3A_135 : i32 to index
      %get3A_172 = arith.constant 48 : index
      %get3A_173 = tpu.vector_load %arg5[%get3A_171, %get3A_172] {strides = array<i32>} : memref<25x80xi32, #tpu.memory_space<vmem>>, vector<16xi32>,
      %get3A_174 = arith.index_cast %scan3A_135 : i32 to index
      %get3A_175 = arith.constant 48 : index
      %get3A_176 = tpu.vector_load %arg6[%get3A_174, %get3A_175] {strides = array<i32>} : memref<25x80xi32, #tpu.memory_space<vmem>>, vector<16xi32>,
      %eq3A_177 = arith.cmpi eq, %get3A_173, %get3A_176 : vector<16xi32>
      %jit3A_178 = arith.constant 10000 : i32
      %broadcast_in_dim3A_179 = vector.broadcast %jit3A_178 : i32 to vector<16xi32>
      %select_n3A_180 = arith.select %eq3A_177, %broadcast_in_dim3A_179, %get3A_173 : vector<16xi1>, vector<16xi32>
      %swap3A_181 = arith.index_cast %scan3A_135 : i32 to index
      %swap3A_182 = arith.constant 48 : index
      %swap3A_183 = tpu.vector_load %arg5[%swap3A_181, %swap3A_182] {strides = array<i32>} : memref<25x80xi32, #tpu.memory_space<vmem>>, vector<16xi32>,
      tpu.vector_store %arg5[%swap3A_181, %swap3A_182], %select_n3A_180 {strides = array<i32>} : memref<25x80xi32, #tpu.memory_space<vmem>>, vector<16xi32>,
      %get3A_184 = arith.index_cast %scan3A_135 : i32 to index
      %get3A_185 = arith.constant 64 : index
      %get3A_186 = tpu.vector_load %arg5[%get3A_184, %get3A_185] {strides = array<i32>} : memref<25x80xi32, #tpu.memory_space<vmem>>, vector<16xi32>,
      %get3A_187 = arith.index_cast %scan3A_135 : i32 to index
      %get3A_188 = arith.constant 64 : index
      %get3A_189 = tpu.vector_load %arg6[%get3A_187, %get3A_188] {strides = array<i32>} : memref<25x80xi32, #tpu.memory_space<vmem>>, vector<16xi32>,
      %eq3A_190 = arith.cmpi eq, %get3A_186, %get3A_189 : vector<16xi32>
      %jit3A_191 = arith.constant 10000 : i32
      %broadcast_in_dim3A_192 = vector.broadcast %jit3A_191 : i32 to vector<16xi32>
      %select_n3A_193 = arith.select %eq3A_190, %broadcast_in_dim3A_192, %get3A_186 : vector<16xi1>, vector<16xi32>
      %swap3A_194 = arith.index_cast %scan3A_135 : i32 to index
      %swap3A_195 = arith.constant 64 : index
      %swap3A_196 = tpu.vector_load %arg5[%swap3A_194, %swap3A_195] {strides = array<i32>} : memref<25x80xi32, #tpu.memory_space<vmem>>, vector<16xi32>,
      tpu.vector_store %arg5[%swap3A_194, %swap3A_195], %select_n3A_193 {strides = array<i32>} : memref<25x80xi32, #tpu.memory_space<vmem>>, vector<16xi32>,
    }
    %scan3A_43 = arith.constant 25 : i32
    %dma_start3A_44 = arith.constant 0 : i32
    %dma_start3A_45 = arith.constant 0 : i32
    %dma_start3A_46 = tpu.memref_slice %arg6[%dma_start3A_44, %dma_start3A_45] : memref<25x80xi32, #tpu.memory_space<vmem>> -> memref<1x80xi32, #tpu.memory_space<vmem>>
    %dma_start3A_47 = tpu.memref_squeeze %dma_start3A_46 : memref<1x80xi32, #tpu.memory_space<vmem>> -> memref<80xi32, #tpu.memory_space<vmem>>
    %dma_start3A_48 = arith.constant 0 : i32
    %dma_start3A_49 = arith.constant 0 : i32
    %dma_start3A_50 = tpu.memref_slice %arg2[%dma_start3A_48, %dma_start3A_49] : memref<10000x128xf32, #tpu.memory_space<hbm>> -> memref<10000x128xf32, #tpu.memory_space<hbm>>
    tpu.enqueue_indirect_dma source(%dma_start3A_50 : memref<10000x128xf32, #tpu.memory_space<hbm>>) target(%arg7 : memref<80x128xf32, #tpu.memory_space<vmem>>) offsets(%dma_start3A_47 : memref<80xi32, #tpu.memory_space<vmem>>) semaphore(%arg10 : memref<!tpu.dma_semaphore, #tpu.memory_space<semaphore_mem>>)
    %scan3A_51 = arith.constant 0 : i32
    %scan3A_52 = arith.constant 0 : i32
    %scan3A_53 = arith.constant 13 : i32
    %scan3A_54 = arith.addi %scan3A_52, %scan3A_53 : i32
    %scan3A_55 = arith.constant 1 : i32
    scf.for %scan3A_135 = %scan3A_52 to %scan3A_54 step %scan3A_55  : i32 {
      %mul3A_136 = arith.constant 2 : i32
      %mul3A_137 = arith.muli %mul3A_136, %scan3A_135 : i32
      %mul3A_138 = arith.constant 2 : i32
      %mul3A_139 = arith.muli %mul3A_138, %scan3A_135 : i32
      %add3A_140 = arith.constant 1 : i32
      %add3A_141 = arith.addi %mul3A_139, %add3A_140 : i32
      %lt3A_142 = arith.constant 25 : i32
      %lt3A_143 = arith.cmpi slt, %add3A_141, %lt3A_142 : i32
      %convert_element_type3A_144 = arith.extui %lt3A_143 : i1 to i32
      %cond3A_145 = arith.constant 0 : i32
      %cond3A_146 = arith.cmpi ne, %convert_element_type3A_144, %cond3A_145 : i32
      scf.if %cond3A_146 {
        %dma_start3A_164 = arith.constant 0 : i32
        %dma_start3A_165 = tpu.memref_slice %arg6[%add3A_141, %dma_start3A_164] : memref<25x80xi32, #tpu.memory_space<vmem>> -> memref<1x80xi32, #tpu.memory_space<vmem>>
        %dma_start3A_166 = tpu.memref_squeeze %dma_start3A_165 : memref<1x80xi32, #tpu.memory_space<vmem>> -> memref<80xi32, #tpu.memory_space<vmem>>
        %dma_start3A_167 = arith.constant 0 : i32
        %dma_start3A_168 = arith.constant 0 : i32
        %dma_start3A_169 = tpu.memref_slice %arg2[%dma_start3A_167, %dma_start3A_168] : memref<10000x128xf32, #tpu.memory_space<hbm>> -> memref<10000x128xf32, #tpu.memory_space<hbm>>
        tpu.enqueue_indirect_dma source(%dma_start3A_169 : memref<10000x128xf32, #tpu.memory_space<hbm>>) target(%arg8 : memref<80x128xf32, #tpu.memory_space<vmem>>) offsets(%dma_start3A_166 : memref<80xi32, #tpu.memory_space<vmem>>) semaphore(%arg11 : memref<!tpu.dma_semaphore, #tpu.memory_space<semaphore_mem>>)
      } else {
      }
      %dma_wait3A = arith.constant 0 : i32
      %dma_wait3A_147 = tpu.memref_slice %arg6[%mul3A_137, %dma_wait3A] : memref<25x80xi32, #tpu.memory_space<vmem>> -> memref<1x80xi32, #tpu.memory_space<vmem>>
      %dma_wait3A_148 = tpu.memref_squeeze %dma_wait3A_147 : memref<1x80xi32, #tpu.memory_space<vmem>> -> memref<80xi32, #tpu.memory_space<vmem>>
      %dma_wait3A_149 = arith.constant 0 : i32
      %dma_wait3A_150 = arith.constant 0 : i32
      %dma_wait3A_151 = tpu.memref_slice %arg2[%dma_wait3A_149, %dma_wait3A_150] : memref<10000x128xf32, #tpu.memory_space<hbm>> -> memref<10000x128xf32, #tpu.memory_space<hbm>>
      tpu.wait_indirect_dma semaphore(%arg10 : memref<!tpu.dma_semaphore, #tpu.memory_space<semaphore_mem>>) src(%dma_wait3A_151 : memref<10000x128xf32, #tpu.memory_space<hbm>>) dst(%arg7 : memref<80x128xf32, #tpu.memory_space<vmem>>)
      "tpu.region"() ({
        %run_scoped3A_164 = tpu.sem_alloc : memref<!tpu.dma_semaphore, #tpu.memory_space<semaphore_mem>>
        %dma_start3A_165 = arith.constant 0 : i32
        %dma_start3A_166 = tpu.memref_slice %arg5[%mul3A_137, %dma_start3A_165] : memref<25x80xi32, #tpu.memory_space<vmem>> -> memref<1x80xi32, #tpu.memory_space<vmem>>
        %dma_start3A_167 = tpu.memref_squeeze %dma_start3A_166 : memref<1x80xi32, #tpu.memory_space<vmem>> -> memref<80xi32, #tpu.memory_space<vmem>>
        %dma_start3A_168 = arith.constant 0 : i32
        %dma_start3A_169 = arith.constant 0 : i32
        %dma_start3A_170 = tpu.memref_slice %arg9[%dma_start3A_168, %dma_start3A_169] : memref<10240x128xf32, #tpu.memory_space<vmem_shared>> -> memref<10240x128xf32, #tpu.memory_space<vmem_shared>>
        tpu.enqueue_indirect_dma source(%arg7 : memref<80x128xf32, #tpu.memory_space<vmem>>) target(%dma_start3A_170 : memref<10240x128xf32, #tpu.memory_space<vmem_shared>>) offsets(%dma_start3A_167 : memref<80xi32, #tpu.memory_space<vmem>>) semaphore(%run_scoped3A_164 : memref<!tpu.dma_semaphore, #tpu.memory_space<semaphore_mem>>) {add = true}
        %dma_wait3A_171 = arith.constant 0 : i32
        %dma_wait3A_172 = tpu.memref_slice %arg5[%mul3A_137, %dma_wait3A_171] : memref<25x80xi32, #tpu.memory_space<vmem>> -> memref<1x80xi32, #tpu.memory_space<vmem>>
        %dma_wait3A_173 = tpu.memref_squeeze %dma_wait3A_172 : memref<1x80xi32, #tpu.memory_space<vmem>> -> memref<80xi32, #tpu.memory_space<vmem>>
        %dma_wait3A_174 = arith.constant 0 : i32
        %dma_wait3A_175 = arith.constant 0 : i32
        %dma_wait3A_176 = tpu.memref_slice %arg9[%dma_wait3A_174, %dma_wait3A_175] : memref<10240x128xf32, #tpu.memory_space<vmem_shared>> -> memref<10240x128xf32, #tpu.memory_space<vmem_shared>>
        tpu.wait_indirect_dma semaphore(%run_scoped3A_164 : memref<!tpu.dma_semaphore, #tpu.memory_space<semaphore_mem>>) src(%arg7 : memref<80x128xf32, #tpu.memory_space<vmem>>) dst(%dma_wait3A_176 : memref<10240x128xf32, #tpu.memory_space<vmem_shared>>)
        tpu.yield
      }) : () -> ()
      %add3A_152 = arith.constant 2 : i32
      %add3A_153 = arith.addi %mul3A_137, %add3A_152 : i32
      %lt3A_154 = arith.constant 25 : i32
      %lt3A_155 = arith.cmpi slt, %add3A_153, %lt3A_154 : i32
      %convert_element_type3A_156 = arith.extui %lt3A_155 : i1 to i32
      %cond3A_157 = arith.constant 0 : i32
      %cond3A_158 = arith.cmpi ne, %convert_element_type3A_156, %cond3A_157 : i32
      scf.if %cond3A_158 {
        %add3A_164 = arith.constant 2 : i32
        %add3A_165 = arith.addi %mul3A_137, %add3A_164 : i32
        %dma_start3A_166 = arith.constant 0 : i32
        %dma_start3A_167 = tpu.memref_slice %arg6[%add3A_165, %dma_start3A_166] : memref<25x80xi32, #tpu.memory_space<vmem>> -> memref<1x80xi32, #tpu.memory_space<vmem>>
        %dma_start3A_168 = tpu.memref_squeeze %dma_start3A_167 : memref<1x80xi32, #tpu.memory_space<vmem>> -> memref<80xi32, #tpu.memory_space<vmem>>
        %dma_start3A_169 = arith.constant 0 : i32
        %dma_start3A_170 = arith.constant 0 : i32
        %dma_start3A_171 = tpu.memref_slice %arg2[%dma_start3A_169, %dma_start3A_170] : memref<10000x128xf32, #tpu.memory_space<hbm>> -> memref<10000x128xf32, #tpu.memory_space<hbm>>
        tpu.enqueue_indirect_dma source(%dma_start3A_171 : memref<10000x128xf32, #tpu.memory_space<hbm>>) target(%arg7 : memref<80x128xf32, #tpu.memory_space<vmem>>) offsets(%dma_start3A_168 : memref<80xi32, #tpu.memory_space<vmem>>) semaphore(%arg10 : memref<!tpu.dma_semaphore, #tpu.memory_space<semaphore_mem>>)
      } else {
      }
      %lt3A_159 = arith.constant 25 : i32
      %lt3A_160 = arith.cmpi slt, %add3A_141, %lt3A_159 : i32
      %convert_element_type3A_161 = arith.extui %lt3A_160 : i1 to i32
      %cond3A_162 = arith.constant 0 : i32
      %cond3A_163 = arith.cmpi ne, %convert_element_type3A_161, %cond3A_162 : i32
      scf.if %cond3A_163 {
        %dma_wait3A_164 = arith.constant 0 : i32
        %dma_wait3A_165 = tpu.memref_slice %arg6[%add3A_141, %dma_wait3A_164] : memref<25x80xi32, #tpu.memory_space<vmem>> -> memref<1x80xi32, #tpu.memory_space<vmem>>
        %dma_wait3A_166 = tpu.memref_squeeze %dma_wait3A_165 : memref<1x80xi32, #tpu.memory_space<vmem>> -> memref<80xi32, #tpu.memory_space<vmem>>
        %dma_wait3A_167 = arith.constant 0 : i32
        %dma_wait3A_168 = arith.constant 0 : i32
        %dma_wait3A_169 = tpu.memref_slice %arg2[%dma_wait3A_167, %dma_wait3A_168] : memref<10000x128xf32, #tpu.memory_space<hbm>> -> memref<10000x128xf32, #tpu.memory_space<hbm>>
        tpu.wait_indirect_dma semaphore(%arg11 : memref<!tpu.dma_semaphore, #tpu.memory_space<semaphore_mem>>) src(%dma_wait3A_169 : memref<10000x128xf32, #tpu.memory_space<hbm>>) dst(%arg8 : memref<80x128xf32, #tpu.memory_space<vmem>>)
        "tpu.region"() ({
          %run_scoped3A_170 = tpu.sem_alloc : memref<!tpu.dma_semaphore, #tpu.memory_space<semaphore_mem>>
          %dma_start3A_171 = arith.constant 0 : i32
          %dma_start3A_172 = tpu.memref_slice %arg5[%add3A_141, %dma_start3A_171] : memref<25x80xi32, #tpu.memory_space<vmem>> -> memref<1x80xi32, #tpu.memory_space<vmem>>
          %dma_start3A_173 = tpu.memref_squeeze %dma_start3A_172 : memref<1x80xi32, #tpu.memory_space<vmem>> -> memref<80xi32, #tpu.memory_space<vmem>>
          %dma_start3A_174 = arith.constant 0 : i32
          %dma_start3A_175 = arith.constant 0 : i32
          %dma_start3A_176 = tpu.memref_slice %arg9[%dma_start3A_174, %dma_start3A_175] : memref<10240x128xf32, #tpu.memory_space<vmem_shared>> -> memref<10240x128xf32, #tpu.memory_space<vmem_shared>>
          tpu.enqueue_indirect_dma source(%arg8 : memref<80x128xf32, #tpu.memory_space<vmem>>) target(%dma_start3A_176 : memref<10240x128xf32, #tpu.memory_space<vmem_shared>>) offsets(%dma_start3A_173 : memref<80xi32, #tpu.memory_space<vmem>>) semaphore(%run_scoped3A_170 : memref<!tpu.dma_semaphore, #tpu.memory_space<semaphore_mem>>) {add = true}
          %dma_wait3A_177 = arith.constant 0 : i32
          %dma_wait3A_178 = tpu.memref_slice %arg5[%add3A_141, %dma_wait3A_177] : memref<25x80xi32, #tpu.memory_space<vmem>> -> memref<1x80xi32, #tpu.memory_space<vmem>>
          %dma_wait3A_179 = tpu.memref_squeeze %dma_wait3A_178 : memref<1x80xi32, #tpu.memory_space<vmem>> -> memref<80xi32, #tpu.memory_space<vmem>>
          %dma_wait3A_180 = arith.constant 0 : i32
          %dma_wait3A_181 = arith.constant 0 : i32
          %dma_wait3A_182 = tpu.memref_slice %arg9[%dma_wait3A_180, %dma_wait3A_181] : memref<10240x128xf32, #tpu.memory_space<vmem_shared>> -> memref<10240x128xf32, #tpu.memory_space<vmem_shared>>
          tpu.wait_indirect_dma semaphore(%run_scoped3A_170 : memref<!tpu.dma_semaphore, #tpu.memory_space<semaphore_mem>>) src(%arg8 : memref<80x128xf32, #tpu.memory_space<vmem>>) dst(%dma_wait3A_182 : memref<10240x128xf32, #tpu.memory_space<vmem_shared>>)
          tpu.yield
        }) : () -> ()
      } else {
      }
    }
    %scan3A_56 = arith.constant 13 : i32
    %run_scoped3A_57 = arith.constant 0 : i32
    %run_scoped3A_58 = arith.constant 2 : i32
    "tpu.region"() ({
      %run_scoped3A_135 = tpu.sem_alloc : memref<!tpu.dma_semaphore, #tpu.memory_space<semaphore_mem>>
      %dma_start3A_136 = arith.constant 0 : i32
      %dma_start3A_137 = arith.constant 0 : i32
      %dma_start3A_138 = tpu.memref_slice %arg3[%run_scoped3A_57, %add3A, %run_scoped3A_58, %dma_start3A_136, %dma_start3A_137] : memref<2x32x5x25x80xi32, #tpu.memory_space<hbm>> -> memref<1x1x1x25x80xi32, #tpu.memory_space<hbm>>
      %dma_start3A_139 = tpu.memref_squeeze %dma_start3A_138 : memref<1x1x1x25x80xi32, #tpu.memory_space<hbm>> -> memref<25x80xi32, #tpu.memory_space<hbm>>
      %dma_start3A_140 = arith.constant 0 : i32
      %dma_start3A_141 = arith.constant 0 : i32
      %dma_start3A_142 = tpu.memref_slice %arg3[%run_scoped3A_57, %add3A, %run_scoped3A_58, %dma_start3A_140, %dma_start3A_141] : memref<2x32x5x25x80xi32, #tpu.memory_space<hbm>> -> memref<1x1x1x25x80xi32, #tpu.memory_space<hbm>>
      %dma_start3A_143 = tpu.memref_squeeze %dma_start3A_142 : memref<1x1x1x25x80xi32, #tpu.memory_space<hbm>> -> memref<25x80xi32, #tpu.memory_space<hbm>>
      tpu.enqueue_dma source(%dma_start3A_143 : memref<25x80xi32, #tpu.memory_space<hbm>>) target(%arg5 : memref<25x80xi32, #tpu.memory_space<vmem>>) target_semaphore(%run_scoped3A_135 : memref<!tpu.dma_semaphore, #tpu.memory_space<semaphore_mem>>)
      %dma_wait3A = arith.constant 0 : i32
      %dma_wait3A_144 = arith.constant 0 : i32
      %dma_wait3A_145 = tpu.memref_slice %arg3[%run_scoped3A_57, %add3A, %run_scoped3A_58, %dma_wait3A, %dma_wait3A_144] : memref<2x32x5x25x80xi32, #tpu.memory_space<hbm>> -> memref<1x1x1x25x80xi32, #tpu.memory_space<hbm>>
      %dma_wait3A_146 = tpu.memref_squeeze %dma_wait3A_145 : memref<1x1x1x25x80xi32, #tpu.memory_space<hbm>> -> memref<25x80xi32, #tpu.memory_space<hbm>>
      %dma_wait3A_147 = arith.constant 0 : i32
      %dma_wait3A_148 = arith.constant 0 : i32
      %dma_wait3A_149 = tpu.memref_slice %arg3[%run_scoped3A_57, %add3A, %run_scoped3A_58, %dma_wait3A_147, %dma_wait3A_148] : memref<2x32x5x25x80xi32, #tpu.memory_space<hbm>> -> memref<1x1x1x25x80xi32, #tpu.memory_space<hbm>>
      %dma_wait3A_150 = tpu.memref_squeeze %dma_wait3A_149 : memref<1x1x1x25x80xi32, #tpu.memory_space<hbm>> -> memref<25x80xi32, #tpu.memory_space<hbm>>
      tpu.wait_dma2 semaphore(%run_scoped3A_135 : memref<!tpu.dma_semaphore, #tpu.memory_space<semaphore_mem>>) src(%dma_wait3A_150 : memref<25x80xi32, #tpu.memory_space<hbm>>) dst(%arg5 : memref<25x80xi32, #tpu.memory_space<vmem>>)
      tpu.yield
    }) : () -> ()
    %run_scoped3A_59 = arith.constant 1 : i32
    %run_scoped3A_60 = arith.constant 2 : i32
    "tpu.region"() ({
      %run_scoped3A_135 = tpu.sem_alloc : memref<!tpu.dma_semaphore, #tpu.memory_space<semaphore_mem>>
      %dma_start3A_136 = arith.constant 0 : i32
      %dma_start3A_137 = arith.constant 0 : i32
      %dma_start3A_138 = tpu.memref_slice %arg3[%run_scoped3A_59, %add3A, %run_scoped3A_60, %dma_start3A_136, %dma_start3A_137] : memref<2x32x5x25x80xi32, #tpu.memory_space<hbm>> -> memref<1x1x1x25x80xi32, #tpu.memory_space<hbm>>
      %dma_start3A_139 = tpu.memref_squeeze %dma_start3A_138 : memref<1x1x1x25x80xi32, #tpu.memory_space<hbm>> -> memref<25x80xi32, #tpu.memory_space<hbm>>
      %dma_start3A_140 = arith.constant 0 : i32
      %dma_start3A_141 = arith.constant 0 : i32
      %dma_start3A_142 = tpu.memref_slice %arg3[%run_scoped3A_59, %add3A, %run_scoped3A_60, %dma_start3A_140, %dma_start3A_141] : memref<2x32x5x25x80xi32, #tpu.memory_space<hbm>> -> memref<1x1x1x25x80xi32, #tpu.memory_space<hbm>>
      %dma_start3A_143 = tpu.memref_squeeze %dma_start3A_142 : memref<1x1x1x25x80xi32, #tpu.memory_space<hbm>> -> memref<25x80xi32, #tpu.memory_space<hbm>>
      tpu.enqueue_dma source(%dma_start3A_143 : memref<25x80xi32, #tpu.memory_space<hbm>>) target(%arg6 : memref<25x80xi32, #tpu.memory_space<vmem>>) target_semaphore(%run_scoped3A_135 : memref<!tpu.dma_semaphore, #tpu.memory_space<semaphore_mem>>)
      %dma_wait3A = arith.constant 0 : i32
      %dma_wait3A_144 = arith.constant 0 : i32
      %dma_wait3A_145 = tpu.memref_slice %arg3[%run_scoped3A_59, %add3A, %run_scoped3A_60, %dma_wait3A, %dma_wait3A_144] : memref<2x32x5x25x80xi32, #tpu.memory_space<hbm>> -> memref<1x1x1x25x80xi32, #tpu.memory_space<hbm>>
      %dma_wait3A_146 = tpu.memref_squeeze %dma_wait3A_145 : memref<1x1x1x25x80xi32, #tpu.memory_space<hbm>> -> memref<25x80xi32, #tpu.memory_space<hbm>>
      %dma_wait3A_147 = arith.constant 0 : i32
      %dma_wait3A_148 = arith.constant 0 : i32
      %dma_wait3A_149 = tpu.memref_slice %arg3[%run_scoped3A_59, %add3A, %run_scoped3A_60, %dma_wait3A_147, %dma_wait3A_148] : memref<2x32x5x25x80xi32, #tpu.memory_space<hbm>> -> memref<1x1x1x25x80xi32, #tpu.memory_space<hbm>>
      %dma_wait3A_150 = tpu.memref_squeeze %dma_wait3A_149 : memref<1x1x1x25x80xi32, #tpu.memory_space<hbm>> -> memref<25x80xi32, #tpu.memory_space<hbm>>
      tpu.wait_dma2 semaphore(%run_scoped3A_135 : memref<!tpu.dma_semaphore, #tpu.memory_space<semaphore_mem>>) src(%dma_wait3A_150 : memref<25x80xi32, #tpu.memory_space<hbm>>) dst(%arg6 : memref<25x80xi32, #tpu.memory_space<vmem>>)
      tpu.yield
    }) : () -> ()
    %scan3A_61 = arith.constant 0 : i32
    %scan3A_62 = arith.constant 0 : i32
    %scan3A_63 = arith.constant 25 : i32
    %scan3A_64 = arith.addi %scan3A_62, %scan3A_63 : i32
    %scan3A_65 = arith.constant 1 : i32
    scf.for %scan3A_135 = %scan3A_62 to %scan3A_64 step %scan3A_65  : i32 {
      %get3A = arith.index_cast %scan3A_135 : i32 to index
      %get3A_136 = arith.constant 0 : index
      %get3A_137 = tpu.vector_load %arg5[%get3A, %get3A_136] {strides = array<i32>} : memref<25x80xi32, #tpu.memory_space<vmem>>, vector<16xi32>,
      %get3A_138 = arith.index_cast %scan3A_135 : i32 to index
      %get3A_139 = arith.constant 0 : index
      %get3A_140 = tpu.vector_load %arg6[%get3A_138, %get3A_139] {strides = array<i32>} : memref<25x80xi32, #tpu.memory_space<vmem>>, vector<16xi32>,
      %eq3A_141 = arith.cmpi eq, %get3A_137, %get3A_140 : vector<16xi32>
      %jit3A = arith.constant 10000 : i32
      %broadcast_in_dim3A_142 = vector.broadcast %jit3A : i32 to vector<16xi32>
      %select_n3A = arith.select %eq3A_141, %broadcast_in_dim3A_142, %get3A_137 : vector<16xi1>, vector<16xi32>
      %swap3A = arith.index_cast %scan3A_135 : i32 to index
      %swap3A_143 = arith.constant 0 : index
      %swap3A_144 = tpu.vector_load %arg5[%swap3A, %swap3A_143] {strides = array<i32>} : memref<25x80xi32, #tpu.memory_space<vmem>>, vector<16xi32>,
      tpu.vector_store %arg5[%swap3A, %swap3A_143], %select_n3A {strides = array<i32>} : memref<25x80xi32, #tpu.memory_space<vmem>>, vector<16xi32>,
      %get3A_145 = arith.index_cast %scan3A_135 : i32 to index
      %get3A_146 = arith.constant 16 : index
      %get3A_147 = tpu.vector_load %arg5[%get3A_145, %get3A_146] {strides = array<i32>} : memref<25x80xi32, #tpu.memory_space<vmem>>, vector<16xi32>,
      %get3A_148 = arith.index_cast %scan3A_135 : i32 to index
      %get3A_149 = arith.constant 16 : index
      %get3A_150 = tpu.vector_load %arg6[%get3A_148, %get3A_149] {strides = array<i32>} : memref<25x80xi32, #tpu.memory_space<vmem>>, vector<16xi32>,
      %eq3A_151 = arith.cmpi eq, %get3A_147, %get3A_150 : vector<16xi32>
      %jit3A_152 = arith.constant 10000 : i32
      %broadcast_in_dim3A_153 = vector.broadcast %jit3A_152 : i32 to vector<16xi32>
      %select_n3A_154 = arith.select %eq3A_151, %broadcast_in_dim3A_153, %get3A_147 : vector<16xi1>, vector<16xi32>
      %swap3A_155 = arith.index_cast %scan3A_135 : i32 to index
      %swap3A_156 = arith.constant 16 : index
      %swap3A_157 = tpu.vector_load %arg5[%swap3A_155, %swap3A_156] {strides = array<i32>} : memref<25x80xi32, #tpu.memory_space<vmem>>, vector<16xi32>,
      tpu.vector_store %arg5[%swap3A_155, %swap3A_156], %select_n3A_154 {strides = array<i32>} : memref<25x80xi32, #tpu.memory_space<vmem>>, vector<16xi32>,
      %get3A_158 = arith.index_cast %scan3A_135 : i32 to index
      %get3A_159 = arith.constant 32 : index
      %get3A_160 = tpu.vector_load %arg5[%get3A_158, %get3A_159] {strides = array<i32>} : memref<25x80xi32, #tpu.memory_space<vmem>>, vector<16xi32>,
      %get3A_161 = arith.index_cast %scan3A_135 : i32 to index
      %get3A_162 = arith.constant 32 : index
      %get3A_163 = tpu.vector_load %arg6[%get3A_161, %get3A_162] {strides = array<i32>} : memref<25x80xi32, #tpu.memory_space<vmem>>, vector<16xi32>,
      %eq3A_164 = arith.cmpi eq, %get3A_160, %get3A_163 : vector<16xi32>
      %jit3A_165 = arith.constant 10000 : i32
      %broadcast_in_dim3A_166 = vector.broadcast %jit3A_165 : i32 to vector<16xi32>
      %select_n3A_167 = arith.select %eq3A_164, %broadcast_in_dim3A_166, %get3A_160 : vector<16xi1>, vector<16xi32>
      %swap3A_168 = arith.index_cast %scan3A_135 : i32 to index
      %swap3A_169 = arith.constant 32 : index
      %swap3A_170 = tpu.vector_load %arg5[%swap3A_168, %swap3A_169] {strides = array<i32>} : memref<25x80xi32, #tpu.memory_space<vmem>>, vector<16xi32>,
      tpu.vector_store %arg5[%swap3A_168, %swap3A_169], %select_n3A_167 {strides = array<i32>} : memref<25x80xi32, #tpu.memory_space<vmem>>, vector<16xi32>,
      %get3A_171 = arith.index_cast %scan3A_135 : i32 to index
      %get3A_172 = arith.constant 48 : index
      %get3A_173 = tpu.vector_load %arg5[%get3A_171, %get3A_172] {strides = array<i32>} : memref<25x80xi32, #tpu.memory_space<vmem>>, vector<16xi32>,
      %get3A_174 = arith.index_cast %scan3A_135 : i32 to index
      %get3A_175 = arith.constant 48 : index
      %get3A_176 = tpu.vector_load %arg6[%get3A_174, %get3A_175] {strides = array<i32>} : memref<25x80xi32, #tpu.memory_space<vmem>>, vector<16xi32>,
      %eq3A_177 = arith.cmpi eq, %get3A_173, %get3A_176 : vector<16xi32>
      %jit3A_178 = arith.constant 10000 : i32
      %broadcast_in_dim3A_179 = vector.broadcast %jit3A_178 : i32 to vector<16xi32>
      %select_n3A_180 = arith.select %eq3A_177, %broadcast_in_dim3A_179, %get3A_173 : vector<16xi1>, vector<16xi32>
      %swap3A_181 = arith.index_cast %scan3A_135 : i32 to index
      %swap3A_182 = arith.constant 48 : index
      %swap3A_183 = tpu.vector_load %arg5[%swap3A_181, %swap3A_182] {strides = array<i32>} : memref<25x80xi32, #tpu.memory_space<vmem>>, vector<16xi32>,
      tpu.vector_store %arg5[%swap3A_181, %swap3A_182], %select_n3A_180 {strides = array<i32>} : memref<25x80xi32, #tpu.memory_space<vmem>>, vector<16xi32>,
      %get3A_184 = arith.index_cast %scan3A_135 : i32 to index
      %get3A_185 = arith.constant 64 : index
      %get3A_186 = tpu.vector_load %arg5[%get3A_184, %get3A_185] {strides = array<i32>} : memref<25x80xi32, #tpu.memory_space<vmem>>, vector<16xi32>,
      %get3A_187 = arith.index_cast %scan3A_135 : i32 to index
      %get3A_188 = arith.constant 64 : index
      %get3A_189 = tpu.vector_load %arg6[%get3A_187, %get3A_188] {strides = array<i32>} : memref<25x80xi32, #tpu.memory_space<vmem>>, vector<16xi32>,
      %eq3A_190 = arith.cmpi eq, %get3A_186, %get3A_189 : vector<16xi32>
      %jit3A_191 = arith.constant 10000 : i32
      %broadcast_in_dim3A_192 = vector.broadcast %jit3A_191 : i32 to vector<16xi32>
      %select_n3A_193 = arith.select %eq3A_190, %broadcast_in_dim3A_192, %get3A_186 : vector<16xi1>, vector<16xi32>
      %swap3A_194 = arith.index_cast %scan3A_135 : i32 to index
      %swap3A_195 = arith.constant 64 : index
      %swap3A_196 = tpu.vector_load %arg5[%swap3A_194, %swap3A_195] {strides = array<i32>} : memref<25x80xi32, #tpu.memory_space<vmem>>, vector<16xi32>,
      tpu.vector_store %arg5[%swap3A_194, %swap3A_195], %select_n3A_193 {strides = array<i32>} : memref<25x80xi32, #tpu.memory_space<vmem>>, vector<16xi32>,
    }
    %scan3A_66 = arith.constant 25 : i32
    %dma_start3A_67 = arith.constant 0 : i32
    %dma_start3A_68 = arith.constant 0 : i32
    %dma_start3A_69 = tpu.memref_slice %arg6[%dma_start3A_67, %dma_start3A_68] : memref<25x80xi32, #tpu.memory_space<vmem>> -> memref<1x80xi32, #tpu.memory_space<vmem>>
    %dma_start3A_70 = tpu.memref_squeeze %dma_start3A_69 : memref<1x80xi32, #tpu.memory_space<vmem>> -> memref<80xi32, #tpu.memory_space<vmem>>
    %dma_start3A_71 = arith.constant 0 : i32
    %dma_start3A_72 = arith.constant 0 : i32
    %dma_start3A_73 = tpu.memref_slice %arg2[%dma_start3A_71, %dma_start3A_72] : memref<10000x128xf32, #tpu.memory_space<hbm>> -> memref<10000x128xf32, #tpu.memory_space<hbm>>
    tpu.enqueue_indirect_dma source(%dma_start3A_73 : memref<10000x128xf32, #tpu.memory_space<hbm>>) target(%arg7 : memref<80x128xf32, #tpu.memory_space<vmem>>) offsets(%dma_start3A_70 : memref<80xi32, #tpu.memory_space<vmem>>) semaphore(%arg10 : memref<!tpu.dma_semaphore, #tpu.memory_space<semaphore_mem>>)
    %scan3A_74 = arith.constant 0 : i32
    %scan3A_75 = arith.constant 0 : i32
    %scan3A_76 = arith.constant 13 : i32
    %scan3A_77 = arith.addi %scan3A_75, %scan3A_76 : i32
    %scan3A_78 = arith.constant 1 : i32
    scf.for %scan3A_135 = %scan3A_75 to %scan3A_77 step %scan3A_78  : i32 {
      %mul3A_136 = arith.constant 2 : i32
      %mul3A_137 = arith.muli %mul3A_136, %scan3A_135 : i32
      %mul3A_138 = arith.constant 2 : i32
      %mul3A_139 = arith.muli %mul3A_138, %scan3A_135 : i32
      %add3A_140 = arith.constant 1 : i32
      %add3A_141 = arith.addi %mul3A_139, %add3A_140 : i32
      %lt3A_142 = arith.constant 25 : i32
      %lt3A_143 = arith.cmpi slt, %add3A_141, %lt3A_142 : i32
      %convert_element_type3A_144 = arith.extui %lt3A_143 : i1 to i32
      %cond3A_145 = arith.constant 0 : i32
      %cond3A_146 = arith.cmpi ne, %convert_element_type3A_144, %cond3A_145 : i32
      scf.if %cond3A_146 {
        %dma_start3A_164 = arith.constant 0 : i32
        %dma_start3A_165 = tpu.memref_slice %arg6[%add3A_141, %dma_start3A_164] : memref<25x80xi32, #tpu.memory_space<vmem>> -> memref<1x80xi32, #tpu.memory_space<vmem>>
        %dma_start3A_166 = tpu.memref_squeeze %dma_start3A_165 : memref<1x80xi32, #tpu.memory_space<vmem>> -> memref<80xi32, #tpu.memory_space<vmem>>
        %dma_start3A_167 = arith.constant 0 : i32
        %dma_start3A_168 = arith.constant 0 : i32
        %dma_start3A_169 = tpu.memref_slice %arg2[%dma_start3A_167, %dma_start3A_168] : memref<10000x128xf32, #tpu.memory_space<hbm>> -> memref<10000x128xf32, #tpu.memory_space<hbm>>
        tpu.enqueue_indirect_dma source(%dma_start3A_169 : memref<10000x128xf32, #tpu.memory_space<hbm>>) target(%arg8 : memref<80x128xf32, #tpu.memory_space<vmem>>) offsets(%dma_start3A_166 : memref<80xi32, #tpu.memory_space<vmem>>) semaphore(%arg11 : memref<!tpu.dma_semaphore, #tpu.memory_space<semaphore_mem>>)
      } else {
      }
      %dma_wait3A = arith.constant 0 : i32
      %dma_wait3A_147 = tpu.memref_slice %arg6[%mul3A_137, %dma_wait3A] : memref<25x80xi32, #tpu.memory_space<vmem>> -> memref<1x80xi32, #tpu.memory_space<vmem>>
      %dma_wait3A_148 = tpu.memref_squeeze %dma_wait3A_147 : memref<1x80xi32, #tpu.memory_space<vmem>> -> memref<80xi32, #tpu.memory_space<vmem>>
      %dma_wait3A_149 = arith.constant 0 : i32
      %dma_wait3A_150 = arith.constant 0 : i32
      %dma_wait3A_151 = tpu.memref_slice %arg2[%dma_wait3A_149, %dma_wait3A_150] : memref<10000x128xf32, #tpu.memory_space<hbm>> -> memref<10000x128xf32, #tpu.memory_space<hbm>>
      tpu.wait_indirect_dma semaphore(%arg10 : memref<!tpu.dma_semaphore, #tpu.memory_space<semaphore_mem>>) src(%dma_wait3A_151 : memref<10000x128xf32, #tpu.memory_space<hbm>>) dst(%arg7 : memref<80x128xf32, #tpu.memory_space<vmem>>)
      "tpu.region"() ({
        %run_scoped3A_164 = tpu.sem_alloc : memref<!tpu.dma_semaphore, #tpu.memory_space<semaphore_mem>>
        %dma_start3A_165 = arith.constant 0 : i32
        %dma_start3A_166 = tpu.memref_slice %arg5[%mul3A_137, %dma_start3A_165] : memref<25x80xi32, #tpu.memory_space<vmem>> -> memref<1x80xi32, #tpu.memory_space<vmem>>
        %dma_start3A_167 = tpu.memref_squeeze %dma_start3A_166 : memref<1x80xi32, #tpu.memory_space<vmem>> -> memref<80xi32, #tpu.memory_space<vmem>>
        %dma_start3A_168 = arith.constant 0 : i32
        %dma_start3A_169 = arith.constant 0 : i32
        %dma_start3A_170 = tpu.memref_slice %arg9[%dma_start3A_168, %dma_start3A_169] : memref<10240x128xf32, #tpu.memory_space<vmem_shared>> -> memref<10240x128xf32, #tpu.memory_space<vmem_shared>>
        tpu.enqueue_indirect_dma source(%arg7 : memref<80x128xf32, #tpu.memory_space<vmem>>) target(%dma_start3A_170 : memref<10240x128xf32, #tpu.memory_space<vmem_shared>>) offsets(%dma_start3A_167 : memref<80xi32, #tpu.memory_space<vmem>>) semaphore(%run_scoped3A_164 : memref<!tpu.dma_semaphore, #tpu.memory_space<semaphore_mem>>) {add = true}
        %dma_wait3A_171 = arith.constant 0 : i32
        %dma_wait3A_172 = tpu.memref_slice %arg5[%mul3A_137, %dma_wait3A_171] : memref<25x80xi32, #tpu.memory_space<vmem>> -> memref<1x80xi32, #tpu.memory_space<vmem>>
        %dma_wait3A_173 = tpu.memref_squeeze %dma_wait3A_172 : memref<1x80xi32, #tpu.memory_space<vmem>> -> memref<80xi32, #tpu.memory_space<vmem>>
        %dma_wait3A_174 = arith.constant 0 : i32
        %dma_wait3A_175 = arith.constant 0 : i32
        %dma_wait3A_176 = tpu.memref_slice %arg9[%dma_wait3A_174, %dma_wait3A_175] : memref<10240x128xf32, #tpu.memory_space<vmem_shared>> -> memref<10240x128xf32, #tpu.memory_space<vmem_shared>>
        tpu.wait_indirect_dma semaphore(%run_scoped3A_164 : memref<!tpu.dma_semaphore, #tpu.memory_space<semaphore_mem>>) src(%arg7 : memref<80x128xf32, #tpu.memory_space<vmem>>) dst(%dma_wait3A_176 : memref<10240x128xf32, #tpu.memory_space<vmem_shared>>)
        tpu.yield
      }) : () -> ()
      %add3A_152 = arith.constant 2 : i32
      %add3A_153 = arith.addi %mul3A_137, %add3A_152 : i32
      %lt3A_154 = arith.constant 25 : i32
      %lt3A_155 = arith.cmpi slt, %add3A_153, %lt3A_154 : i32
      %convert_element_type3A_156 = arith.extui %lt3A_155 : i1 to i32
      %cond3A_157 = arith.constant 0 : i32
      %cond3A_158 = arith.cmpi ne, %convert_element_type3A_156, %cond3A_157 : i32
      scf.if %cond3A_158 {
        %add3A_164 = arith.constant 2 : i32
        %add3A_165 = arith.addi %mul3A_137, %add3A_164 : i32
        %dma_start3A_166 = arith.constant 0 : i32
        %dma_start3A_167 = tpu.memref_slice %arg6[%add3A_165, %dma_start3A_166] : memref<25x80xi32, #tpu.memory_space<vmem>> -> memref<1x80xi32, #tpu.memory_space<vmem>>
        %dma_start3A_168 = tpu.memref_squeeze %dma_start3A_167 : memref<1x80xi32, #tpu.memory_space<vmem>> -> memref<80xi32, #tpu.memory_space<vmem>>
        %dma_start3A_169 = arith.constant 0 : i32
        %dma_start3A_170 = arith.constant 0 : i32
        %dma_start3A_171 = tpu.memref_slice %arg2[%dma_start3A_169, %dma_start3A_170] : memref<10000x128xf32, #tpu.memory_space<hbm>> -> memref<10000x128xf32, #tpu.memory_space<hbm>>
        tpu.enqueue_indirect_dma source(%dma_start3A_171 : memref<10000x128xf32, #tpu.memory_space<hbm>>) target(%arg7 : memref<80x128xf32, #tpu.memory_space<vmem>>) offsets(%dma_start3A_168 : memref<80xi32, #tpu.memory_space<vmem>>) semaphore(%arg10 : memref<!tpu.dma_semaphore, #tpu.memory_space<semaphore_mem>>)
      } else {
      }
      %lt3A_159 = arith.constant 25 : i32
      %lt3A_160 = arith.cmpi slt, %add3A_141, %lt3A_159 : i32
      %convert_element_type3A_161 = arith.extui %lt3A_160 : i1 to i32
      %cond3A_162 = arith.constant 0 : i32
      %cond3A_163 = arith.cmpi ne, %convert_element_type3A_161, %cond3A_162 : i32
      scf.if %cond3A_163 {
        %dma_wait3A_164 = arith.constant 0 : i32
        %dma_wait3A_165 = tpu.memref_slice %arg6[%add3A_141, %dma_wait3A_164] : memref<25x80xi32, #tpu.memory_space<vmem>> -> memref<1x80xi32, #tpu.memory_space<vmem>>
        %dma_wait3A_166 = tpu.memref_squeeze %dma_wait3A_165 : memref<1x80xi32, #tpu.memory_space<vmem>> -> memref<80xi32, #tpu.memory_space<vmem>>
        %dma_wait3A_167 = arith.constant 0 : i32
        %dma_wait3A_168 = arith.constant 0 : i32
        %dma_wait3A_169 = tpu.memref_slice %arg2[%dma_wait3A_167, %dma_wait3A_168] : memref<10000x128xf32, #tpu.memory_space<hbm>> -> memref<10000x128xf32, #tpu.memory_space<hbm>>
        tpu.wait_indirect_dma semaphore(%arg11 : memref<!tpu.dma_semaphore, #tpu.memory_space<semaphore_mem>>) src(%dma_wait3A_169 : memref<10000x128xf32, #tpu.memory_space<hbm>>) dst(%arg8 : memref<80x128xf32, #tpu.memory_space<vmem>>)
        "tpu.region"() ({
          %run_scoped3A_170 = tpu.sem_alloc : memref<!tpu.dma_semaphore, #tpu.memory_space<semaphore_mem>>
          %dma_start3A_171 = arith.constant 0 : i32
          %dma_start3A_172 = tpu.memref_slice %arg5[%add3A_141, %dma_start3A_171] : memref<25x80xi32, #tpu.memory_space<vmem>> -> memref<1x80xi32, #tpu.memory_space<vmem>>
          %dma_start3A_173 = tpu.memref_squeeze %dma_start3A_172 : memref<1x80xi32, #tpu.memory_space<vmem>> -> memref<80xi32, #tpu.memory_space<vmem>>
          %dma_start3A_174 = arith.constant 0 : i32
          %dma_start3A_175 = arith.constant 0 : i32
          %dma_start3A_176 = tpu.memref_slice %arg9[%dma_start3A_174, %dma_start3A_175] : memref<10240x128xf32, #tpu.memory_space<vmem_shared>> -> memref<10240x128xf32, #tpu.memory_space<vmem_shared>>
          tpu.enqueue_indirect_dma source(%arg8 : memref<80x128xf32, #tpu.memory_space<vmem>>) target(%dma_start3A_176 : memref<10240x128xf32, #tpu.memory_space<vmem_shared>>) offsets(%dma_start3A_173 : memref<80xi32, #tpu.memory_space<vmem>>) semaphore(%run_scoped3A_170 : memref<!tpu.dma_semaphore, #tpu.memory_space<semaphore_mem>>) {add = true}
          %dma_wait3A_177 = arith.constant 0 : i32
          %dma_wait3A_178 = tpu.memref_slice %arg5[%add3A_141, %dma_wait3A_177] : memref<25x80xi32, #tpu.memory_space<vmem>> -> memref<1x80xi32, #tpu.memory_space<vmem>>
          %dma_wait3A_179 = tpu.memref_squeeze %dma_wait3A_178 : memref<1x80xi32, #tpu.memory_space<vmem>> -> memref<80xi32, #tpu.memory_space<vmem>>
          %dma_wait3A_180 = arith.constant 0 : i32
          %dma_wait3A_181 = arith.constant 0 : i32
          %dma_wait3A_182 = tpu.memref_slice %arg9[%dma_wait3A_180, %dma_wait3A_181] : memref<10240x128xf32, #tpu.memory_space<vmem_shared>> -> memref<10240x128xf32, #tpu.memory_space<vmem_shared>>
          tpu.wait_indirect_dma semaphore(%run_scoped3A_170 : memref<!tpu.dma_semaphore, #tpu.memory_space<semaphore_mem>>) src(%arg8 : memref<80x128xf32, #tpu.memory_space<vmem>>) dst(%dma_wait3A_182 : memref<10240x128xf32, #tpu.memory_space<vmem_shared>>)
          tpu.yield
        }) : () -> ()
      } else {
      }
    }
    %scan3A_79 = arith.constant 13 : i32
    %run_scoped3A_80 = arith.constant 0 : i32
    %run_scoped3A_81 = arith.constant 3 : i32
    "tpu.region"() ({
      %run_scoped3A_135 = tpu.sem_alloc : memref<!tpu.dma_semaphore, #tpu.memory_space<semaphore_mem>>
      %dma_start3A_136 = arith.constant 0 : i32
      %dma_start3A_137 = arith.constant 0 : i32
      %dma_start3A_138 = tpu.memref_slice %arg3[%run_scoped3A_80, %add3A, %run_scoped3A_81, %dma_start3A_136, %dma_start3A_137] : memref<2x32x5x25x80xi32, #tpu.memory_space<hbm>> -> memref<1x1x1x25x80xi32, #tpu.memory_space<hbm>>
      %dma_start3A_139 = tpu.memref_squeeze %dma_start3A_138 : memref<1x1x1x25x80xi32, #tpu.memory_space<hbm>> -> memref<25x80xi32, #tpu.memory_space<hbm>>
      %dma_start3A_140 = arith.constant 0 : i32
      %dma_start3A_141 = arith.constant 0 : i32
      %dma_start3A_142 = tpu.memref_slice %arg3[%run_scoped3A_80, %add3A, %run_scoped3A_81, %dma_start3A_140, %dma_start3A_141] : memref<2x32x5x25x80xi32, #tpu.memory_space<hbm>> -> memref<1x1x1x25x80xi32, #tpu.memory_space<hbm>>
      %dma_start3A_143 = tpu.memref_squeeze %dma_start3A_142 : memref<1x1x1x25x80xi32, #tpu.memory_space<hbm>> -> memref<25x80xi32, #tpu.memory_space<hbm>>
      tpu.enqueue_dma source(%dma_start3A_143 : memref<25x80xi32, #tpu.memory_space<hbm>>) target(%arg5 : memref<25x80xi32, #tpu.memory_space<vmem>>) target_semaphore(%run_scoped3A_135 : memref<!tpu.dma_semaphore, #tpu.memory_space<semaphore_mem>>)
      %dma_wait3A = arith.constant 0 : i32
      %dma_wait3A_144 = arith.constant 0 : i32
      %dma_wait3A_145 = tpu.memref_slice %arg3[%run_scoped3A_80, %add3A, %run_scoped3A_81, %dma_wait3A, %dma_wait3A_144] : memref<2x32x5x25x80xi32, #tpu.memory_space<hbm>> -> memref<1x1x1x25x80xi32, #tpu.memory_space<hbm>>
      %dma_wait3A_146 = tpu.memref_squeeze %dma_wait3A_145 : memref<1x1x1x25x80xi32, #tpu.memory_space<hbm>> -> memref<25x80xi32, #tpu.memory_space<hbm>>
      %dma_wait3A_147 = arith.constant 0 : i32
      %dma_wait3A_148 = arith.constant 0 : i32
      %dma_wait3A_149 = tpu.memref_slice %arg3[%run_scoped3A_80, %add3A, %run_scoped3A_81, %dma_wait3A_147, %dma_wait3A_148] : memref<2x32x5x25x80xi32, #tpu.memory_space<hbm>> -> memref<1x1x1x25x80xi32, #tpu.memory_space<hbm>>
      %dma_wait3A_150 = tpu.memref_squeeze %dma_wait3A_149 : memref<1x1x1x25x80xi32, #tpu.memory_space<hbm>> -> memref<25x80xi32, #tpu.memory_space<hbm>>
      tpu.wait_dma2 semaphore(%run_scoped3A_135 : memref<!tpu.dma_semaphore, #tpu.memory_space<semaphore_mem>>) src(%dma_wait3A_150 : memref<25x80xi32, #tpu.memory_space<hbm>>) dst(%arg5 : memref<25x80xi32, #tpu.memory_space<vmem>>)
      tpu.yield
    }) : () -> ()
    %run_scoped3A_82 = arith.constant 1 : i32
    %run_scoped3A_83 = arith.constant 3 : i32
    "tpu.region"() ({
      %run_scoped3A_135 = tpu.sem_alloc : memref<!tpu.dma_semaphore, #tpu.memory_space<semaphore_mem>>
      %dma_start3A_136 = arith.constant 0 : i32
      %dma_start3A_137 = arith.constant 0 : i32
      %dma_start3A_138 = tpu.memref_slice %arg3[%run_scoped3A_82, %add3A, %run_scoped3A_83, %dma_start3A_136, %dma_start3A_137] : memref<2x32x5x25x80xi32, #tpu.memory_space<hbm>> -> memref<1x1x1x25x80xi32, #tpu.memory_space<hbm>>
      %dma_start3A_139 = tpu.memref_squeeze %dma_start3A_138 : memref<1x1x1x25x80xi32, #tpu.memory_space<hbm>> -> memref<25x80xi32, #tpu.memory_space<hbm>>
      %dma_start3A_140 = arith.constant 0 : i32
      %dma_start3A_141 = arith.constant 0 : i32
      %dma_start3A_142 = tpu.memref_slice %arg3[%run_scoped3A_82, %add3A, %run_scoped3A_83, %dma_start3A_140, %dma_start3A_141] : memref<2x32x5x25x80xi32, #tpu.memory_space<hbm>> -> memref<1x1x1x25x80xi32, #tpu.memory_space<hbm>>
      %dma_start3A_143 = tpu.memref_squeeze %dma_start3A_142 : memref<1x1x1x25x80xi32, #tpu.memory_space<hbm>> -> memref<25x80xi32, #tpu.memory_space<hbm>>
      tpu.enqueue_dma source(%dma_start3A_143 : memref<25x80xi32, #tpu.memory_space<hbm>>) target(%arg6 : memref<25x80xi32, #tpu.memory_space<vmem>>) target_semaphore(%run_scoped3A_135 : memref<!tpu.dma_semaphore, #tpu.memory_space<semaphore_mem>>)
      %dma_wait3A = arith.constant 0 : i32
      %dma_wait3A_144 = arith.constant 0 : i32
      %dma_wait3A_145 = tpu.memref_slice %arg3[%run_scoped3A_82, %add3A, %run_scoped3A_83, %dma_wait3A, %dma_wait3A_144] : memref<2x32x5x25x80xi32, #tpu.memory_space<hbm>> -> memref<1x1x1x25x80xi32, #tpu.memory_space<hbm>>
      %dma_wait3A_146 = tpu.memref_squeeze %dma_wait3A_145 : memref<1x1x1x25x80xi32, #tpu.memory_space<hbm>> -> memref<25x80xi32, #tpu.memory_space<hbm>>
      %dma_wait3A_147 = arith.constant 0 : i32
      %dma_wait3A_148 = arith.constant 0 : i32
      %dma_wait3A_149 = tpu.memref_slice %arg3[%run_scoped3A_82, %add3A, %run_scoped3A_83, %dma_wait3A_147, %dma_wait3A_148] : memref<2x32x5x25x80xi32, #tpu.memory_space<hbm>> -> memref<1x1x1x25x80xi32, #tpu.memory_space<hbm>>
      %dma_wait3A_150 = tpu.memref_squeeze %dma_wait3A_149 : memref<1x1x1x25x80xi32, #tpu.memory_space<hbm>> -> memref<25x80xi32, #tpu.memory_space<hbm>>
      tpu.wait_dma2 semaphore(%run_scoped3A_135 : memref<!tpu.dma_semaphore, #tpu.memory_space<semaphore_mem>>) src(%dma_wait3A_150 : memref<25x80xi32, #tpu.memory_space<hbm>>) dst(%arg6 : memref<25x80xi32, #tpu.memory_space<vmem>>)
      tpu.yield
    }) : () -> ()
    %scan3A_84 = arith.constant 0 : i32
    %scan3A_85 = arith.constant 0 : i32
    %scan3A_86 = arith.constant 25 : i32
    %scan3A_87 = arith.addi %scan3A_85, %scan3A_86 : i32
    %scan3A_88 = arith.constant 1 : i32
    scf.for %scan3A_135 = %scan3A_85 to %scan3A_87 step %scan3A_88  : i32 {
      %get3A = arith.index_cast %scan3A_135 : i32 to index
      %get3A_136 = arith.constant 0 : index
      %get3A_137 = tpu.vector_load %arg5[%get3A, %get3A_136] {strides = array<i32>} : memref<25x80xi32, #tpu.memory_space<vmem>>, vector<16xi32>,
      %get3A_138 = arith.index_cast %scan3A_135 : i32 to index
      %get3A_139 = arith.constant 0 : index
      %get3A_140 = tpu.vector_load %arg6[%get3A_138, %get3A_139] {strides = array<i32>} : memref<25x80xi32, #tpu.memory_space<vmem>>, vector<16xi32>,
      %eq3A_141 = arith.cmpi eq, %get3A_137, %get3A_140 : vector<16xi32>
      %jit3A = arith.constant 10000 : i32
      %broadcast_in_dim3A_142 = vector.broadcast %jit3A : i32 to vector<16xi32>
      %select_n3A = arith.select %eq3A_141, %broadcast_in_dim3A_142, %get3A_137 : vector<16xi1>, vector<16xi32>
      %swap3A = arith.index_cast %scan3A_135 : i32 to index
      %swap3A_143 = arith.constant 0 : index
      %swap3A_144 = tpu.vector_load %arg5[%swap3A, %swap3A_143] {strides = array<i32>} : memref<25x80xi32, #tpu.memory_space<vmem>>, vector<16xi32>,
      tpu.vector_store %arg5[%swap3A, %swap3A_143], %select_n3A {strides = array<i32>} : memref<25x80xi32, #tpu.memory_space<vmem>>, vector<16xi32>,
      %get3A_145 = arith.index_cast %scan3A_135 : i32 to index
      %get3A_146 = arith.constant 16 : index
      %get3A_147 = tpu.vector_load %arg5[%get3A_145, %get3A_146] {strides = array<i32>} : memref<25x80xi32, #tpu.memory_space<vmem>>, vector<16xi32>,
      %get3A_148 = arith.index_cast %scan3A_135 : i32 to index
      %get3A_149 = arith.constant 16 : index
      %get3A_150 = tpu.vector_load %arg6[%get3A_148, %get3A_149] {strides = array<i32>} : memref<25x80xi32, #tpu.memory_space<vmem>>, vector<16xi32>,
      %eq3A_151 = arith.cmpi eq, %get3A_147, %get3A_150 : vector<16xi32>
      %jit3A_152 = arith.constant 10000 : i32
      %broadcast_in_dim3A_153 = vector.broadcast %jit3A_152 : i32 to vector<16xi32>
      %select_n3A_154 = arith.select %eq3A_151, %broadcast_in_dim3A_153, %get3A_147 : vector<16xi1>, vector<16xi32>
      %swap3A_155 = arith.index_cast %scan3A_135 : i32 to index
      %swap3A_156 = arith.constant 16 : index
      %swap3A_157 = tpu.vector_load %arg5[%swap3A_155, %swap3A_156] {strides = array<i32>} : memref<25x80xi32, #tpu.memory_space<vmem>>, vector<16xi32>,
      tpu.vector_store %arg5[%swap3A_155, %swap3A_156], %select_n3A_154 {strides = array<i32>} : memref<25x80xi32, #tpu.memory_space<vmem>>, vector<16xi32>,
      %get3A_158 = arith.index_cast %scan3A_135 : i32 to index
      %get3A_159 = arith.constant 32 : index
      %get3A_160 = tpu.vector_load %arg5[%get3A_158, %get3A_159] {strides = array<i32>} : memref<25x80xi32, #tpu.memory_space<vmem>>, vector<16xi32>,
      %get3A_161 = arith.index_cast %scan3A_135 : i32 to index
      %get3A_162 = arith.constant 32 : index
      %get3A_163 = tpu.vector_load %arg6[%get3A_161, %get3A_162] {strides = array<i32>} : memref<25x80xi32, #tpu.memory_space<vmem>>, vector<16xi32>,
      %eq3A_164 = arith.cmpi eq, %get3A_160, %get3A_163 : vector<16xi32>
      %jit3A_165 = arith.constant 10000 : i32
      %broadcast_in_dim3A_166 = vector.broadcast %jit3A_165 : i32 to vector<16xi32>
      %select_n3A_167 = arith.select %eq3A_164, %broadcast_in_dim3A_166, %get3A_160 : vector<16xi1>, vector<16xi32>
      %swap3A_168 = arith.index_cast %scan3A_135 : i32 to index
      %swap3A_169 = arith.constant 32 : index
      %swap3A_170 = tpu.vector_load %arg5[%swap3A_168, %swap3A_169] {strides = array<i32>} : memref<25x80xi32, #tpu.memory_space<vmem>>, vector<16xi32>,
      tpu.vector_store %arg5[%swap3A_168, %swap3A_169], %select_n3A_167 {strides = array<i32>} : memref<25x80xi32, #tpu.memory_space<vmem>>, vector<16xi32>,
      %get3A_171 = arith.index_cast %scan3A_135 : i32 to index
      %get3A_172 = arith.constant 48 : index
      %get3A_173 = tpu.vector_load %arg5[%get3A_171, %get3A_172] {strides = array<i32>} : memref<25x80xi32, #tpu.memory_space<vmem>>, vector<16xi32>,
      %get3A_174 = arith.index_cast %scan3A_135 : i32 to index
      %get3A_175 = arith.constant 48 : index
      %get3A_176 = tpu.vector_load %arg6[%get3A_174, %get3A_175] {strides = array<i32>} : memref<25x80xi32, #tpu.memory_space<vmem>>, vector<16xi32>,
      %eq3A_177 = arith.cmpi eq, %get3A_173, %get3A_176 : vector<16xi32>
      %jit3A_178 = arith.constant 10000 : i32
      %broadcast_in_dim3A_179 = vector.broadcast %jit3A_178 : i32 to vector<16xi32>
      %select_n3A_180 = arith.select %eq3A_177, %broadcast_in_dim3A_179, %get3A_173 : vector<16xi1>, vector<16xi32>
      %swap3A_181 = arith.index_cast %scan3A_135 : i32 to index
      %swap3A_182 = arith.constant 48 : index
      %swap3A_183 = tpu.vector_load %arg5[%swap3A_181, %swap3A_182] {strides = array<i32>} : memref<25x80xi32, #tpu.memory_space<vmem>>, vector<16xi32>,
      tpu.vector_store %arg5[%swap3A_181, %swap3A_182], %select_n3A_180 {strides = array<i32>} : memref<25x80xi32, #tpu.memory_space<vmem>>, vector<16xi32>,
      %get3A_184 = arith.index_cast %scan3A_135 : i32 to index
      %get3A_185 = arith.constant 64 : index
      %get3A_186 = tpu.vector_load %arg5[%get3A_184, %get3A_185] {strides = array<i32>} : memref<25x80xi32, #tpu.memory_space<vmem>>, vector<16xi32>,
      %get3A_187 = arith.index_cast %scan3A_135 : i32 to index
      %get3A_188 = arith.constant 64 : index
      %get3A_189 = tpu.vector_load %arg6[%get3A_187, %get3A_188] {strides = array<i32>} : memref<25x80xi32, #tpu.memory_space<vmem>>, vector<16xi32>,
      %eq3A_190 = arith.cmpi eq, %get3A_186, %get3A_189 : vector<16xi32>
      %jit3A_191 = arith.constant 10000 : i32
      %broadcast_in_dim3A_192 = vector.broadcast %jit3A_191 : i32 to vector<16xi32>
      %select_n3A_193 = arith.select %eq3A_190, %broadcast_in_dim3A_192, %get3A_186 : vector<16xi1>, vector<16xi32>
      %swap3A_194 = arith.index_cast %scan3A_135 : i32 to index
      %swap3A_195 = arith.constant 64 : index
      %swap3A_196 = tpu.vector_load %arg5[%swap3A_194, %swap3A_195] {strides = array<i32>} : memref<25x80xi32, #tpu.memory_space<vmem>>, vector<16xi32>,
      tpu.vector_store %arg5[%swap3A_194, %swap3A_195], %select_n3A_193 {strides = array<i32>} : memref<25x80xi32, #tpu.memory_space<vmem>>, vector<16xi32>,
    }
    %scan3A_89 = arith.constant 25 : i32
    %dma_start3A_90 = arith.constant 0 : i32
    %dma_start3A_91 = arith.constant 0 : i32
    %dma_start3A_92 = tpu.memref_slice %arg6[%dma_start3A_90, %dma_start3A_91] : memref<25x80xi32, #tpu.memory_space<vmem>> -> memref<1x80xi32, #tpu.memory_space<vmem>>
    %dma_start3A_93 = tpu.memref_squeeze %dma_start3A_92 : memref<1x80xi32, #tpu.memory_space<vmem>> -> memref<80xi32, #tpu.memory_space<vmem>>
    %dma_start3A_94 = arith.constant 0 : i32
    %dma_start3A_95 = arith.constant 0 : i32
    %dma_start3A_96 = tpu.memref_slice %arg2[%dma_start3A_94, %dma_start3A_95] : memref<10000x128xf32, #tpu.memory_space<hbm>> -> memref<10000x128xf32, #tpu.memory_space<hbm>>
    tpu.enqueue_indirect_dma source(%dma_start3A_96 : memref<10000x128xf32, #tpu.memory_space<hbm>>) target(%arg7 : memref<80x128xf32, #tpu.memory_space<vmem>>) offsets(%dma_start3A_93 : memref<80xi32, #tpu.memory_space<vmem>>) semaphore(%arg10 : memref<!tpu.dma_semaphore, #tpu.memory_space<semaphore_mem>>)
    %scan3A_97 = arith.constant 0 : i32
    %scan3A_98 = arith.constant 0 : i32
    %scan3A_99 = arith.constant 13 : i32
    %scan3A_100 = arith.addi %scan3A_98, %scan3A_99 : i32
    %scan3A_101 = arith.constant 1 : i32
    scf.for %scan3A_135 = %scan3A_98 to %scan3A_100 step %scan3A_101  : i32 {
      %mul3A_136 = arith.constant 2 : i32
      %mul3A_137 = arith.muli %mul3A_136, %scan3A_135 : i32
      %mul3A_138 = arith.constant 2 : i32
      %mul3A_139 = arith.muli %mul3A_138, %scan3A_135 : i32
      %add3A_140 = arith.constant 1 : i32
      %add3A_141 = arith.addi %mul3A_139, %add3A_140 : i32
      %lt3A_142 = arith.constant 25 : i32
      %lt3A_143 = arith.cmpi slt, %add3A_141, %lt3A_142 : i32
      %convert_element_type3A_144 = arith.extui %lt3A_143 : i1 to i32
      %cond3A_145 = arith.constant 0 : i32
      %cond3A_146 = arith.cmpi ne, %convert_element_type3A_144, %cond3A_145 : i32
      scf.if %cond3A_146 {
        %dma_start3A_164 = arith.constant 0 : i32
        %dma_start3A_165 = tpu.memref_slice %arg6[%add3A_141, %dma_start3A_164] : memref<25x80xi32, #tpu.memory_space<vmem>> -> memref<1x80xi32, #tpu.memory_space<vmem>>
        %dma_start3A_166 = tpu.memref_squeeze %dma_start3A_165 : memref<1x80xi32, #tpu.memory_space<vmem>> -> memref<80xi32, #tpu.memory_space<vmem>>
        %dma_start3A_167 = arith.constant 0 : i32
        %dma_start3A_168 = arith.constant 0 : i32
        %dma_start3A_169 = tpu.memref_slice %arg2[%dma_start3A_167, %dma_start3A_168] : memref<10000x128xf32, #tpu.memory_space<hbm>> -> memref<10000x128xf32, #tpu.memory_space<hbm>>
        tpu.enqueue_indirect_dma source(%dma_start3A_169 : memref<10000x128xf32, #tpu.memory_space<hbm>>) target(%arg8 : memref<80x128xf32, #tpu.memory_space<vmem>>) offsets(%dma_start3A_166 : memref<80xi32, #tpu.memory_space<vmem>>) semaphore(%arg11 : memref<!tpu.dma_semaphore, #tpu.memory_space<semaphore_mem>>)
      } else {
      }
      %dma_wait3A = arith.constant 0 : i32
      %dma_wait3A_147 = tpu.memref_slice %arg6[%mul3A_137, %dma_wait3A] : memref<25x80xi32, #tpu.memory_space<vmem>> -> memref<1x80xi32, #tpu.memory_space<vmem>>
      %dma_wait3A_148 = tpu.memref_squeeze %dma_wait3A_147 : memref<1x80xi32, #tpu.memory_space<vmem>> -> memref<80xi32, #tpu.memory_space<vmem>>
      %dma_wait3A_149 = arith.constant 0 : i32
      %dma_wait3A_150 = arith.constant 0 : i32
      %dma_wait3A_151 = tpu.memref_slice %arg2[%dma_wait3A_149, %dma_wait3A_150] : memref<10000x128xf32, #tpu.memory_space<hbm>> -> memref<10000x128xf32, #tpu.memory_space<hbm>>
      tpu.wait_indirect_dma semaphore(%arg10 : memref<!tpu.dma_semaphore, #tpu.memory_space<semaphore_mem>>) src(%dma_wait3A_151 : memref<10000x128xf32, #tpu.memory_space<hbm>>) dst(%arg7 : memref<80x128xf32, #tpu.memory_space<vmem>>)
      "tpu.region"() ({
        %run_scoped3A_164 = tpu.sem_alloc : memref<!tpu.dma_semaphore, #tpu.memory_space<semaphore_mem>>
        %dma_start3A_165 = arith.constant 0 : i32
        %dma_start3A_166 = tpu.memref_slice %arg5[%mul3A_137, %dma_start3A_165] : memref<25x80xi32, #tpu.memory_space<vmem>> -> memref<1x80xi32, #tpu.memory_space<vmem>>
        %dma_start3A_167 = tpu.memref_squeeze %dma_start3A_166 : memref<1x80xi32, #tpu.memory_space<vmem>> -> memref<80xi32, #tpu.memory_space<vmem>>
        %dma_start3A_168 = arith.constant 0 : i32
        %dma_start3A_169 = arith.constant 0 : i32
        %dma_start3A_170 = tpu.memref_slice %arg9[%dma_start3A_168, %dma_start3A_169] : memref<10240x128xf32, #tpu.memory_space<vmem_shared>> -> memref<10240x128xf32, #tpu.memory_space<vmem_shared>>
        tpu.enqueue_indirect_dma source(%arg7 : memref<80x128xf32, #tpu.memory_space<vmem>>) target(%dma_start3A_170 : memref<10240x128xf32, #tpu.memory_space<vmem_shared>>) offsets(%dma_start3A_167 : memref<80xi32, #tpu.memory_space<vmem>>) semaphore(%run_scoped3A_164 : memref<!tpu.dma_semaphore, #tpu.memory_space<semaphore_mem>>) {add = true}
        %dma_wait3A_171 = arith.constant 0 : i32
        %dma_wait3A_172 = tpu.memref_slice %arg5[%mul3A_137, %dma_wait3A_171] : memref<25x80xi32, #tpu.memory_space<vmem>> -> memref<1x80xi32, #tpu.memory_space<vmem>>
        %dma_wait3A_173 = tpu.memref_squeeze %dma_wait3A_172 : memref<1x80xi32, #tpu.memory_space<vmem>> -> memref<80xi32, #tpu.memory_space<vmem>>
        %dma_wait3A_174 = arith.constant 0 : i32
        %dma_wait3A_175 = arith.constant 0 : i32
        %dma_wait3A_176 = tpu.memref_slice %arg9[%dma_wait3A_174, %dma_wait3A_175] : memref<10240x128xf32, #tpu.memory_space<vmem_shared>> -> memref<10240x128xf32, #tpu.memory_space<vmem_shared>>
        tpu.wait_indirect_dma semaphore(%run_scoped3A_164 : memref<!tpu.dma_semaphore, #tpu.memory_space<semaphore_mem>>) src(%arg7 : memref<80x128xf32, #tpu.memory_space<vmem>>) dst(%dma_wait3A_176 : memref<10240x128xf32, #tpu.memory_space<vmem_shared>>)
        tpu.yield
      }) : () -> ()
      %add3A_152 = arith.constant 2 : i32
      %add3A_153 = arith.addi %mul3A_137, %add3A_152 : i32
      %lt3A_154 = arith.constant 25 : i32
      %lt3A_155 = arith.cmpi slt, %add3A_153, %lt3A_154 : i32
      %convert_element_type3A_156 = arith.extui %lt3A_155 : i1 to i32
      %cond3A_157 = arith.constant 0 : i32
      %cond3A_158 = arith.cmpi ne, %convert_element_type3A_156, %cond3A_157 : i32
      scf.if %cond3A_158 {
        %add3A_164 = arith.constant 2 : i32
        %add3A_165 = arith.addi %mul3A_137, %add3A_164 : i32
        %dma_start3A_166 = arith.constant 0 : i32
        %dma_start3A_167 = tpu.memref_slice %arg6[%add3A_165, %dma_start3A_166] : memref<25x80xi32, #tpu.memory_space<vmem>> -> memref<1x80xi32, #tpu.memory_space<vmem>>
        %dma_start3A_168 = tpu.memref_squeeze %dma_start3A_167 : memref<1x80xi32, #tpu.memory_space<vmem>> -> memref<80xi32, #tpu.memory_space<vmem>>
        %dma_start3A_169 = arith.constant 0 : i32
        %dma_start3A_170 = arith.constant 0 : i32
        %dma_start3A_171 = tpu.memref_slice %arg2[%dma_start3A_169, %dma_start3A_170] : memref<10000x128xf32, #tpu.memory_space<hbm>> -> memref<10000x128xf32, #tpu.memory_space<hbm>>
        tpu.enqueue_indirect_dma source(%dma_start3A_171 : memref<10000x128xf32, #tpu.memory_space<hbm>>) target(%arg7 : memref<80x128xf32, #tpu.memory_space<vmem>>) offsets(%dma_start3A_168 : memref<80xi32, #tpu.memory_space<vmem>>) semaphore(%arg10 : memref<!tpu.dma_semaphore, #tpu.memory_space<semaphore_mem>>)
      } else {
      }
      %lt3A_159 = arith.constant 25 : i32
      %lt3A_160 = arith.cmpi slt, %add3A_141, %lt3A_159 : i32
      %convert_element_type3A_161 = arith.extui %lt3A_160 : i1 to i32
      %cond3A_162 = arith.constant 0 : i32
      %cond3A_163 = arith.cmpi ne, %convert_element_type3A_161, %cond3A_162 : i32
      scf.if %cond3A_163 {
        %dma_wait3A_164 = arith.constant 0 : i32
        %dma_wait3A_165 = tpu.memref_slice %arg6[%add3A_141, %dma_wait3A_164] : memref<25x80xi32, #tpu.memory_space<vmem>> -> memref<1x80xi32, #tpu.memory_space<vmem>>
        %dma_wait3A_166 = tpu.memref_squeeze %dma_wait3A_165 : memref<1x80xi32, #tpu.memory_space<vmem>> -> memref<80xi32, #tpu.memory_space<vmem>>
        %dma_wait3A_167 = arith.constant 0 : i32
        %dma_wait3A_168 = arith.constant 0 : i32
        %dma_wait3A_169 = tpu.memref_slice %arg2[%dma_wait3A_167, %dma_wait3A_168] : memref<10000x128xf32, #tpu.memory_space<hbm>> -> memref<10000x128xf32, #tpu.memory_space<hbm>>
        tpu.wait_indirect_dma semaphore(%arg11 : memref<!tpu.dma_semaphore, #tpu.memory_space<semaphore_mem>>) src(%dma_wait3A_169 : memref<10000x128xf32, #tpu.memory_space<hbm>>) dst(%arg8 : memref<80x128xf32, #tpu.memory_space<vmem>>)
        "tpu.region"() ({
          %run_scoped3A_170 = tpu.sem_alloc : memref<!tpu.dma_semaphore, #tpu.memory_space<semaphore_mem>>
          %dma_start3A_171 = arith.constant 0 : i32
          %dma_start3A_172 = tpu.memref_slice %arg5[%add3A_141, %dma_start3A_171] : memref<25x80xi32, #tpu.memory_space<vmem>> -> memref<1x80xi32, #tpu.memory_space<vmem>>
          %dma_start3A_173 = tpu.memref_squeeze %dma_start3A_172 : memref<1x80xi32, #tpu.memory_space<vmem>> -> memref<80xi32, #tpu.memory_space<vmem>>
          %dma_start3A_174 = arith.constant 0 : i32
          %dma_start3A_175 = arith.constant 0 : i32
          %dma_start3A_176 = tpu.memref_slice %arg9[%dma_start3A_174, %dma_start3A_175] : memref<10240x128xf32, #tpu.memory_space<vmem_shared>> -> memref<10240x128xf32, #tpu.memory_space<vmem_shared>>
          tpu.enqueue_indirect_dma source(%arg8 : memref<80x128xf32, #tpu.memory_space<vmem>>) target(%dma_start3A_176 : memref<10240x128xf32, #tpu.memory_space<vmem_shared>>) offsets(%dma_start3A_173 : memref<80xi32, #tpu.memory_space<vmem>>) semaphore(%run_scoped3A_170 : memref<!tpu.dma_semaphore, #tpu.memory_space<semaphore_mem>>) {add = true}
          %dma_wait3A_177 = arith.constant 0 : i32
          %dma_wait3A_178 = tpu.memref_slice %arg5[%add3A_141, %dma_wait3A_177] : memref<25x80xi32, #tpu.memory_space<vmem>> -> memref<1x80xi32, #tpu.memory_space<vmem>>
          %dma_wait3A_179 = tpu.memref_squeeze %dma_wait3A_178 : memref<1x80xi32, #tpu.memory_space<vmem>> -> memref<80xi32, #tpu.memory_space<vmem>>
          %dma_wait3A_180 = arith.constant 0 : i32
          %dma_wait3A_181 = arith.constant 0 : i32
          %dma_wait3A_182 = tpu.memref_slice %arg9[%dma_wait3A_180, %dma_wait3A_181] : memref<10240x128xf32, #tpu.memory_space<vmem_shared>> -> memref<10240x128xf32, #tpu.memory_space<vmem_shared>>
          tpu.wait_indirect_dma semaphore(%run_scoped3A_170 : memref<!tpu.dma_semaphore, #tpu.memory_space<semaphore_mem>>) src(%arg8 : memref<80x128xf32, #tpu.memory_space<vmem>>) dst(%dma_wait3A_182 : memref<10240x128xf32, #tpu.memory_space<vmem_shared>>)
          tpu.yield
        }) : () -> ()
      } else {
      }
    }
    %scan3A_102 = arith.constant 13 : i32
    %run_scoped3A_103 = arith.constant 0 : i32
    %run_scoped3A_104 = arith.constant 4 : i32
    "tpu.region"() ({
      %run_scoped3A_135 = tpu.sem_alloc : memref<!tpu.dma_semaphore, #tpu.memory_space<semaphore_mem>>
      %dma_start3A_136 = arith.constant 0 : i32
      %dma_start3A_137 = arith.constant 0 : i32
      %dma_start3A_138 = tpu.memref_slice %arg3[%run_scoped3A_103, %add3A, %run_scoped3A_104, %dma_start3A_136, %dma_start3A_137] : memref<2x32x5x25x80xi32, #tpu.memory_space<hbm>> -> memref<1x1x1x25x80xi32, #tpu.memory_space<hbm>>
      %dma_start3A_139 = tpu.memref_squeeze %dma_start3A_138 : memref<1x1x1x25x80xi32, #tpu.memory_space<hbm>> -> memref<25x80xi32, #tpu.memory_space<hbm>>
      %dma_start3A_140 = arith.constant 0 : i32
      %dma_start3A_141 = arith.constant 0 : i32
      %dma_start3A_142 = tpu.memref_slice %arg3[%run_scoped3A_103, %add3A, %run_scoped3A_104, %dma_start3A_140, %dma_start3A_141] : memref<2x32x5x25x80xi32, #tpu.memory_space<hbm>> -> memref<1x1x1x25x80xi32, #tpu.memory_space<hbm>>
      %dma_start3A_143 = tpu.memref_squeeze %dma_start3A_142 : memref<1x1x1x25x80xi32, #tpu.memory_space<hbm>> -> memref<25x80xi32, #tpu.memory_space<hbm>>
      tpu.enqueue_dma source(%dma_start3A_143 : memref<25x80xi32, #tpu.memory_space<hbm>>) target(%arg5 : memref<25x80xi32, #tpu.memory_space<vmem>>) target_semaphore(%run_scoped3A_135 : memref<!tpu.dma_semaphore, #tpu.memory_space<semaphore_mem>>)
      %dma_wait3A = arith.constant 0 : i32
      %dma_wait3A_144 = arith.constant 0 : i32
      %dma_wait3A_145 = tpu.memref_slice %arg3[%run_scoped3A_103, %add3A, %run_scoped3A_104, %dma_wait3A, %dma_wait3A_144] : memref<2x32x5x25x80xi32, #tpu.memory_space<hbm>> -> memref<1x1x1x25x80xi32, #tpu.memory_space<hbm>>
      %dma_wait3A_146 = tpu.memref_squeeze %dma_wait3A_145 : memref<1x1x1x25x80xi32, #tpu.memory_space<hbm>> -> memref<25x80xi32, #tpu.memory_space<hbm>>
      %dma_wait3A_147 = arith.constant 0 : i32
      %dma_wait3A_148 = arith.constant 0 : i32
      %dma_wait3A_149 = tpu.memref_slice %arg3[%run_scoped3A_103, %add3A, %run_scoped3A_104, %dma_wait3A_147, %dma_wait3A_148] : memref<2x32x5x25x80xi32, #tpu.memory_space<hbm>> -> memref<1x1x1x25x80xi32, #tpu.memory_space<hbm>>
      %dma_wait3A_150 = tpu.memref_squeeze %dma_wait3A_149 : memref<1x1x1x25x80xi32, #tpu.memory_space<hbm>> -> memref<25x80xi32, #tpu.memory_space<hbm>>
      tpu.wait_dma2 semaphore(%run_scoped3A_135 : memref<!tpu.dma_semaphore, #tpu.memory_space<semaphore_mem>>) src(%dma_wait3A_150 : memref<25x80xi32, #tpu.memory_space<hbm>>) dst(%arg5 : memref<25x80xi32, #tpu.memory_space<vmem>>)
      tpu.yield
    }) : () -> ()
    %run_scoped3A_105 = arith.constant 1 : i32
    %run_scoped3A_106 = arith.constant 4 : i32
    "tpu.region"() ({
      %run_scoped3A_135 = tpu.sem_alloc : memref<!tpu.dma_semaphore, #tpu.memory_space<semaphore_mem>>
      %dma_start3A_136 = arith.constant 0 : i32
      %dma_start3A_137 = arith.constant 0 : i32
      %dma_start3A_138 = tpu.memref_slice %arg3[%run_scoped3A_105, %add3A, %run_scoped3A_106, %dma_start3A_136, %dma_start3A_137] : memref<2x32x5x25x80xi32, #tpu.memory_space<hbm>> -> memref<1x1x1x25x80xi32, #tpu.memory_space<hbm>>
      %dma_start3A_139 = tpu.memref_squeeze %dma_start3A_138 : memref<1x1x1x25x80xi32, #tpu.memory_space<hbm>> -> memref<25x80xi32, #tpu.memory_space<hbm>>
      %dma_start3A_140 = arith.constant 0 : i32
      %dma_start3A_141 = arith.constant 0 : i32
      %dma_start3A_142 = tpu.memref_slice %arg3[%run_scoped3A_105, %add3A, %run_scoped3A_106, %dma_start3A_140, %dma_start3A_141] : memref<2x32x5x25x80xi32, #tpu.memory_space<hbm>> -> memref<1x1x1x25x80xi32, #tpu.memory_space<hbm>>
      %dma_start3A_143 = tpu.memref_squeeze %dma_start3A_142 : memref<1x1x1x25x80xi32, #tpu.memory_space<hbm>> -> memref<25x80xi32, #tpu.memory_space<hbm>>
      tpu.enqueue_dma source(%dma_start3A_143 : memref<25x80xi32, #tpu.memory_space<hbm>>) target(%arg6 : memref<25x80xi32, #tpu.memory_space<vmem>>) target_semaphore(%run_scoped3A_135 : memref<!tpu.dma_semaphore, #tpu.memory_space<semaphore_mem>>)
      %dma_wait3A = arith.constant 0 : i32
      %dma_wait3A_144 = arith.constant 0 : i32
      %dma_wait3A_145 = tpu.memref_slice %arg3[%run_scoped3A_105, %add3A, %run_scoped3A_106, %dma_wait3A, %dma_wait3A_144] : memref<2x32x5x25x80xi32, #tpu.memory_space<hbm>> -> memref<1x1x1x25x80xi32, #tpu.memory_space<hbm>>
      %dma_wait3A_146 = tpu.memref_squeeze %dma_wait3A_145 : memref<1x1x1x25x80xi32, #tpu.memory_space<hbm>> -> memref<25x80xi32, #tpu.memory_space<hbm>>
      %dma_wait3A_147 = arith.constant 0 : i32
      %dma_wait3A_148 = arith.constant 0 : i32
      %dma_wait3A_149 = tpu.memref_slice %arg3[%run_scoped3A_105, %add3A, %run_scoped3A_106, %dma_wait3A_147, %dma_wait3A_148] : memref<2x32x5x25x80xi32, #tpu.memory_space<hbm>> -> memref<1x1x1x25x80xi32, #tpu.memory_space<hbm>>
      %dma_wait3A_150 = tpu.memref_squeeze %dma_wait3A_149 : memref<1x1x1x25x80xi32, #tpu.memory_space<hbm>> -> memref<25x80xi32, #tpu.memory_space<hbm>>
      tpu.wait_dma2 semaphore(%run_scoped3A_135 : memref<!tpu.dma_semaphore, #tpu.memory_space<semaphore_mem>>) src(%dma_wait3A_150 : memref<25x80xi32, #tpu.memory_space<hbm>>) dst(%arg6 : memref<25x80xi32, #tpu.memory_space<vmem>>)
      tpu.yield
    }) : () -> ()
    %scan3A_107 = arith.constant 0 : i32
    %scan3A_108 = arith.constant 0 : i32
    %scan3A_109 = arith.constant 25 : i32
    %scan3A_110 = arith.addi %scan3A_108, %scan3A_109 : i32
    %scan3A_111 = arith.constant 1 : i32
    scf.for %scan3A_135 = %scan3A_108 to %scan3A_110 step %scan3A_111  : i32 {
      %get3A = arith.index_cast %scan3A_135 : i32 to index
      %get3A_136 = arith.constant 0 : index
      %get3A_137 = tpu.vector_load %arg5[%get3A, %get3A_136] {strides = array<i32>} : memref<25x80xi32, #tpu.memory_space<vmem>>, vector<16xi32>,
      %get3A_138 = arith.index_cast %scan3A_135 : i32 to index
      %get3A_139 = arith.constant 0 : index
      %get3A_140 = tpu.vector_load %arg6[%get3A_138, %get3A_139] {strides = array<i32>} : memref<25x80xi32, #tpu.memory_space<vmem>>, vector<16xi32>,
      %eq3A_141 = arith.cmpi eq, %get3A_137, %get3A_140 : vector<16xi32>
      %jit3A = arith.constant 10000 : i32
      %broadcast_in_dim3A_142 = vector.broadcast %jit3A : i32 to vector<16xi32>
      %select_n3A = arith.select %eq3A_141, %broadcast_in_dim3A_142, %get3A_137 : vector<16xi1>, vector<16xi32>
      %swap3A = arith.index_cast %scan3A_135 : i32 to index
      %swap3A_143 = arith.constant 0 : index
      %swap3A_144 = tpu.vector_load %arg5[%swap3A, %swap3A_143] {strides = array<i32>} : memref<25x80xi32, #tpu.memory_space<vmem>>, vector<16xi32>,
      tpu.vector_store %arg5[%swap3A, %swap3A_143], %select_n3A {strides = array<i32>} : memref<25x80xi32, #tpu.memory_space<vmem>>, vector<16xi32>,
      %get3A_145 = arith.index_cast %scan3A_135 : i32 to index
      %get3A_146 = arith.constant 16 : index
      %get3A_147 = tpu.vector_load %arg5[%get3A_145, %get3A_146] {strides = array<i32>} : memref<25x80xi32, #tpu.memory_space<vmem>>, vector<16xi32>,
      %get3A_148 = arith.index_cast %scan3A_135 : i32 to index
      %get3A_149 = arith.constant 16 : index
      %get3A_150 = tpu.vector_load %arg6[%get3A_148, %get3A_149] {strides = array<i32>} : memref<25x80xi32, #tpu.memory_space<vmem>>, vector<16xi32>,
      %eq3A_151 = arith.cmpi eq, %get3A_147, %get3A_150 : vector<16xi32>
      %jit3A_152 = arith.constant 10000 : i32
      %broadcast_in_dim3A_153 = vector.broadcast %jit3A_152 : i32 to vector<16xi32>
      %select_n3A_154 = arith.select %eq3A_151, %broadcast_in_dim3A_153, %get3A_147 : vector<16xi1>, vector<16xi32>
      %swap3A_155 = arith.index_cast %scan3A_135 : i32 to index
      %swap3A_156 = arith.constant 16 : index
      %swap3A_157 = tpu.vector_load %arg5[%swap3A_155, %swap3A_156] {strides = array<i32>} : memref<25x80xi32, #tpu.memory_space<vmem>>, vector<16xi32>,
      tpu.vector_store %arg5[%swap3A_155, %swap3A_156], %select_n3A_154 {strides = array<i32>} : memref<25x80xi32, #tpu.memory_space<vmem>>, vector<16xi32>,
      %get3A_158 = arith.index_cast %scan3A_135 : i32 to index
      %get3A_159 = arith.constant 32 : index
      %get3A_160 = tpu.vector_load %arg5[%get3A_158, %get3A_159] {strides = array<i32>} : memref<25x80xi32, #tpu.memory_space<vmem>>, vector<16xi32>,
      %get3A_161 = arith.index_cast %scan3A_135 : i32 to index
      %get3A_162 = arith.constant 32 : index
      %get3A_163 = tpu.vector_load %arg6[%get3A_161, %get3A_162] {strides = array<i32>} : memref<25x80xi32, #tpu.memory_space<vmem>>, vector<16xi32>,
      %eq3A_164 = arith.cmpi eq, %get3A_160, %get3A_163 : vector<16xi32>
      %jit3A_165 = arith.constant 10000 : i32
      %broadcast_in_dim3A_166 = vector.broadcast %jit3A_165 : i32 to vector<16xi32>
      %select_n3A_167 = arith.select %eq3A_164, %broadcast_in_dim3A_166, %get3A_160 : vector<16xi1>, vector<16xi32>
      %swap3A_168 = arith.index_cast %scan3A_135 : i32 to index
      %swap3A_169 = arith.constant 32 : index
      %swap3A_170 = tpu.vector_load %arg5[%swap3A_168, %swap3A_169] {strides = array<i32>} : memref<25x80xi32, #tpu.memory_space<vmem>>, vector<16xi32>,
      tpu.vector_store %arg5[%swap3A_168, %swap3A_169], %select_n3A_167 {strides = array<i32>} : memref<25x80xi32, #tpu.memory_space<vmem>>, vector<16xi32>,
      %get3A_171 = arith.index_cast %scan3A_135 : i32 to index
      %get3A_172 = arith.constant 48 : index
      %get3A_173 = tpu.vector_load %arg5[%get3A_171, %get3A_172] {strides = array<i32>} : memref<25x80xi32, #tpu.memory_space<vmem>>, vector<16xi32>,
      %get3A_174 = arith.index_cast %scan3A_135 : i32 to index
      %get3A_175 = arith.constant 48 : index
      %get3A_176 = tpu.vector_load %arg6[%get3A_174, %get3A_175] {strides = array<i32>} : memref<25x80xi32, #tpu.memory_space<vmem>>, vector<16xi32>,
      %eq3A_177 = arith.cmpi eq, %get3A_173, %get3A_176 : vector<16xi32>
      %jit3A_178 = arith.constant 10000 : i32
      %broadcast_in_dim3A_179 = vector.broadcast %jit3A_178 : i32 to vector<16xi32>
      %select_n3A_180 = arith.select %eq3A_177, %broadcast_in_dim3A_179, %get3A_173 : vector<16xi1>, vector<16xi32>
      %swap3A_181 = arith.index_cast %scan3A_135 : i32 to index
      %swap3A_182 = arith.constant 48 : index
      %swap3A_183 = tpu.vector_load %arg5[%swap3A_181, %swap3A_182] {strides = array<i32>} : memref<25x80xi32, #tpu.memory_space<vmem>>, vector<16xi32>,
      tpu.vector_store %arg5[%swap3A_181, %swap3A_182], %select_n3A_180 {strides = array<i32>} : memref<25x80xi32, #tpu.memory_space<vmem>>, vector<16xi32>,
      %get3A_184 = arith.index_cast %scan3A_135 : i32 to index
      %get3A_185 = arith.constant 64 : index
      %get3A_186 = tpu.vector_load %arg5[%get3A_184, %get3A_185] {strides = array<i32>} : memref<25x80xi32, #tpu.memory_space<vmem>>, vector<16xi32>,
      %get3A_187 = arith.index_cast %scan3A_135 : i32 to index
      %get3A_188 = arith.constant 64 : index
      %get3A_189 = tpu.vector_load %arg6[%get3A_187, %get3A_188] {strides = array<i32>} : memref<25x80xi32, #tpu.memory_space<vmem>>, vector<16xi32>,
      %eq3A_190 = arith.cmpi eq, %get3A_186, %get3A_189 : vector<16xi32>
      %jit3A_191 = arith.constant 10000 : i32
      %broadcast_in_dim3A_192 = vector.broadcast %jit3A_191 : i32 to vector<16xi32>
      %select_n3A_193 = arith.select %eq3A_190, %broadcast_in_dim3A_192, %get3A_186 : vector<16xi1>, vector<16xi32>
      %swap3A_194 = arith.index_cast %scan3A_135 : i32 to index
      %swap3A_195 = arith.constant 64 : index
      %swap3A_196 = tpu.vector_load %arg5[%swap3A_194, %swap3A_195] {strides = array<i32>} : memref<25x80xi32, #tpu.memory_space<vmem>>, vector<16xi32>,
      tpu.vector_store %arg5[%swap3A_194, %swap3A_195], %select_n3A_193 {strides = array<i32>} : memref<25x80xi32, #tpu.memory_space<vmem>>, vector<16xi32>,
    }
    %scan3A_112 = arith.constant 25 : i32
    %dma_start3A_113 = arith.constant 0 : i32
    %dma_start3A_114 = arith.constant 0 : i32
    %dma_start3A_115 = tpu.memref_slice %arg6[%dma_start3A_113, %dma_start3A_114] : memref<25x80xi32, #tpu.memory_space<vmem>> -> memref<1x80xi32, #tpu.memory_space<vmem>>
    %dma_start3A_116 = tpu.memref_squeeze %dma_start3A_115 : memref<1x80xi32, #tpu.memory_space<vmem>> -> memref<80xi32, #tpu.memory_space<vmem>>
    %dma_start3A_117 = arith.constant 0 : i32
    %dma_start3A_118 = arith.constant 0 : i32
    %dma_start3A_119 = tpu.memref_slice %arg2[%dma_start3A_117, %dma_start3A_118] : memref<10000x128xf32, #tpu.memory_space<hbm>> -> memref<10000x128xf32, #tpu.memory_space<hbm>>
    tpu.enqueue_indirect_dma source(%dma_start3A_119 : memref<10000x128xf32, #tpu.memory_space<hbm>>) target(%arg7 : memref<80x128xf32, #tpu.memory_space<vmem>>) offsets(%dma_start3A_116 : memref<80xi32, #tpu.memory_space<vmem>>) semaphore(%arg10 : memref<!tpu.dma_semaphore, #tpu.memory_space<semaphore_mem>>)
    %scan3A_120 = arith.constant 0 : i32
    %scan3A_121 = arith.constant 0 : i32
    %scan3A_122 = arith.constant 13 : i32
    %scan3A_123 = arith.addi %scan3A_121, %scan3A_122 : i32
    %scan3A_124 = arith.constant 1 : i32
    scf.for %scan3A_135 = %scan3A_121 to %scan3A_123 step %scan3A_124  : i32 {
      %mul3A_136 = arith.constant 2 : i32
      %mul3A_137 = arith.muli %mul3A_136, %scan3A_135 : i32
      %mul3A_138 = arith.constant 2 : i32
      %mul3A_139 = arith.muli %mul3A_138, %scan3A_135 : i32
      %add3A_140 = arith.constant 1 : i32
      %add3A_141 = arith.addi %mul3A_139, %add3A_140 : i32
      %lt3A_142 = arith.constant 25 : i32
      %lt3A_143 = arith.cmpi slt, %add3A_141, %lt3A_142 : i32
      %convert_element_type3A_144 = arith.extui %lt3A_143 : i1 to i32
      %cond3A_145 = arith.constant 0 : i32
      %cond3A_146 = arith.cmpi ne, %convert_element_type3A_144, %cond3A_145 : i32
      scf.if %cond3A_146 {
        %dma_start3A_164 = arith.constant 0 : i32
        %dma_start3A_165 = tpu.memref_slice %arg6[%add3A_141, %dma_start3A_164] : memref<25x80xi32, #tpu.memory_space<vmem>> -> memref<1x80xi32, #tpu.memory_space<vmem>>
        %dma_start3A_166 = tpu.memref_squeeze %dma_start3A_165 : memref<1x80xi32, #tpu.memory_space<vmem>> -> memref<80xi32, #tpu.memory_space<vmem>>
        %dma_start3A_167 = arith.constant 0 : i32
        %dma_start3A_168 = arith.constant 0 : i32
        %dma_start3A_169 = tpu.memref_slice %arg2[%dma_start3A_167, %dma_start3A_168] : memref<10000x128xf32, #tpu.memory_space<hbm>> -> memref<10000x128xf32, #tpu.memory_space<hbm>>
        tpu.enqueue_indirect_dma source(%dma_start3A_169 : memref<10000x128xf32, #tpu.memory_space<hbm>>) target(%arg8 : memref<80x128xf32, #tpu.memory_space<vmem>>) offsets(%dma_start3A_166 : memref<80xi32, #tpu.memory_space<vmem>>) semaphore(%arg11 : memref<!tpu.dma_semaphore, #tpu.memory_space<semaphore_mem>>)
      } else {
      }
      %dma_wait3A = arith.constant 0 : i32
      %dma_wait3A_147 = tpu.memref_slice %arg6[%mul3A_137, %dma_wait3A] : memref<25x80xi32, #tpu.memory_space<vmem>> -> memref<1x80xi32, #tpu.memory_space<vmem>>
      %dma_wait3A_148 = tpu.memref_squeeze %dma_wait3A_147 : memref<1x80xi32, #tpu.memory_space<vmem>> -> memref<80xi32, #tpu.memory_space<vmem>>
      %dma_wait3A_149 = arith.constant 0 : i32
      %dma_wait3A_150 = arith.constant 0 : i32
      %dma_wait3A_151 = tpu.memref_slice %arg2[%dma_wait3A_149, %dma_wait3A_150] : memref<10000x128xf32, #tpu.memory_space<hbm>> -> memref<10000x128xf32, #tpu.memory_space<hbm>>
      tpu.wait_indirect_dma semaphore(%arg10 : memref<!tpu.dma_semaphore, #tpu.memory_space<semaphore_mem>>) src(%dma_wait3A_151 : memref<10000x128xf32, #tpu.memory_space<hbm>>) dst(%arg7 : memref<80x128xf32, #tpu.memory_space<vmem>>)
      "tpu.region"() ({
        %run_scoped3A_164 = tpu.sem_alloc : memref<!tpu.dma_semaphore, #tpu.memory_space<semaphore_mem>>
        %dma_start3A_165 = arith.constant 0 : i32
        %dma_start3A_166 = tpu.memref_slice %arg5[%mul3A_137, %dma_start3A_165] : memref<25x80xi32, #tpu.memory_space<vmem>> -> memref<1x80xi32, #tpu.memory_space<vmem>>
        %dma_start3A_167 = tpu.memref_squeeze %dma_start3A_166 : memref<1x80xi32, #tpu.memory_space<vmem>> -> memref<80xi32, #tpu.memory_space<vmem>>
        %dma_start3A_168 = arith.constant 0 : i32
        %dma_start3A_169 = arith.constant 0 : i32
        %dma_start3A_170 = tpu.memref_slice %arg9[%dma_start3A_168, %dma_start3A_169] : memref<10240x128xf32, #tpu.memory_space<vmem_shared>> -> memref<10240x128xf32, #tpu.memory_space<vmem_shared>>
        tpu.enqueue_indirect_dma source(%arg7 : memref<80x128xf32, #tpu.memory_space<vmem>>) target(%dma_start3A_170 : memref<10240x128xf32, #tpu.memory_space<vmem_shared>>) offsets(%dma_start3A_167 : memref<80xi32, #tpu.memory_space<vmem>>) semaphore(%run_scoped3A_164 : memref<!tpu.dma_semaphore, #tpu.memory_space<semaphore_mem>>) {add = true}
        %dma_wait3A_171 = arith.constant 0 : i32
        %dma_wait3A_172 = tpu.memref_slice %arg5[%mul3A_137, %dma_wait3A_171] : memref<25x80xi32, #tpu.memory_space<vmem>> -> memref<1x80xi32, #tpu.memory_space<vmem>>
        %dma_wait3A_173 = tpu.memref_squeeze %dma_wait3A_172 : memref<1x80xi32, #tpu.memory_space<vmem>> -> memref<80xi32, #tpu.memory_space<vmem>>
        %dma_wait3A_174 = arith.constant 0 : i32
        %dma_wait3A_175 = arith.constant 0 : i32
        %dma_wait3A_176 = tpu.memref_slice %arg9[%dma_wait3A_174, %dma_wait3A_175] : memref<10240x128xf32, #tpu.memory_space<vmem_shared>> -> memref<10240x128xf32, #tpu.memory_space<vmem_shared>>
        tpu.wait_indirect_dma semaphore(%run_scoped3A_164 : memref<!tpu.dma_semaphore, #tpu.memory_space<semaphore_mem>>) src(%arg7 : memref<80x128xf32, #tpu.memory_space<vmem>>) dst(%dma_wait3A_176 : memref<10240x128xf32, #tpu.memory_space<vmem_shared>>)
        tpu.yield
      }) : () -> ()
      %add3A_152 = arith.constant 2 : i32
      %add3A_153 = arith.addi %mul3A_137, %add3A_152 : i32
      %lt3A_154 = arith.constant 25 : i32
      %lt3A_155 = arith.cmpi slt, %add3A_153, %lt3A_154 : i32
      %convert_element_type3A_156 = arith.extui %lt3A_155 : i1 to i32
      %cond3A_157 = arith.constant 0 : i32
      %cond3A_158 = arith.cmpi ne, %convert_element_type3A_156, %cond3A_157 : i32
      scf.if %cond3A_158 {
        %add3A_164 = arith.constant 2 : i32
        %add3A_165 = arith.addi %mul3A_137, %add3A_164 : i32
        %dma_start3A_166 = arith.constant 0 : i32
        %dma_start3A_167 = tpu.memref_slice %arg6[%add3A_165, %dma_start3A_166] : memref<25x80xi32, #tpu.memory_space<vmem>> -> memref<1x80xi32, #tpu.memory_space<vmem>>
        %dma_start3A_168 = tpu.memref_squeeze %dma_start3A_167 : memref<1x80xi32, #tpu.memory_space<vmem>> -> memref<80xi32, #tpu.memory_space<vmem>>
        %dma_start3A_169 = arith.constant 0 : i32
        %dma_start3A_170 = arith.constant 0 : i32
        %dma_start3A_171 = tpu.memref_slice %arg2[%dma_start3A_169, %dma_start3A_170] : memref<10000x128xf32, #tpu.memory_space<hbm>> -> memref<10000x128xf32, #tpu.memory_space<hbm>>
        tpu.enqueue_indirect_dma source(%dma_start3A_171 : memref<10000x128xf32, #tpu.memory_space<hbm>>) target(%arg7 : memref<80x128xf32, #tpu.memory_space<vmem>>) offsets(%dma_start3A_168 : memref<80xi32, #tpu.memory_space<vmem>>) semaphore(%arg10 : memref<!tpu.dma_semaphore, #tpu.memory_space<semaphore_mem>>)
      } else {
      }
      %lt3A_159 = arith.constant 25 : i32
      %lt3A_160 = arith.cmpi slt, %add3A_141, %lt3A_159 : i32
      %convert_element_type3A_161 = arith.extui %lt3A_160 : i1 to i32
      %cond3A_162 = arith.constant 0 : i32
      %cond3A_163 = arith.cmpi ne, %convert_element_type3A_161, %cond3A_162 : i32
      scf.if %cond3A_163 {
        %dma_wait3A_164 = arith.constant 0 : i32
        %dma_wait3A_165 = tpu.memref_slice %arg6[%add3A_141, %dma_wait3A_164] : memref<25x80xi32, #tpu.memory_space<vmem>> -> memref<1x80xi32, #tpu.memory_space<vmem>>
        %dma_wait3A_166 = tpu.memref_squeeze %dma_wait3A_165 : memref<1x80xi32, #tpu.memory_space<vmem>> -> memref<80xi32, #tpu.memory_space<vmem>>
        %dma_wait3A_167 = arith.constant 0 : i32
        %dma_wait3A_168 = arith.constant 0 : i32
        %dma_wait3A_169 = tpu.memref_slice %arg2[%dma_wait3A_167, %dma_wait3A_168] : memref<10000x128xf32, #tpu.memory_space<hbm>> -> memref<10000x128xf32, #tpu.memory_space<hbm>>
        tpu.wait_indirect_dma semaphore(%arg11 : memref<!tpu.dma_semaphore, #tpu.memory_space<semaphore_mem>>) src(%dma_wait3A_169 : memref<10000x128xf32, #tpu.memory_space<hbm>>) dst(%arg8 : memref<80x128xf32, #tpu.memory_space<vmem>>)
        "tpu.region"() ({
          %run_scoped3A_170 = tpu.sem_alloc : memref<!tpu.dma_semaphore, #tpu.memory_space<semaphore_mem>>
          %dma_start3A_171 = arith.constant 0 : i32
          %dma_start3A_172 = tpu.memref_slice %arg5[%add3A_141, %dma_start3A_171] : memref<25x80xi32, #tpu.memory_space<vmem>> -> memref<1x80xi32, #tpu.memory_space<vmem>>
          %dma_start3A_173 = tpu.memref_squeeze %dma_start3A_172 : memref<1x80xi32, #tpu.memory_space<vmem>> -> memref<80xi32, #tpu.memory_space<vmem>>
          %dma_start3A_174 = arith.constant 0 : i32
          %dma_start3A_175 = arith.constant 0 : i32
          %dma_start3A_176 = tpu.memref_slice %arg9[%dma_start3A_174, %dma_start3A_175] : memref<10240x128xf32, #tpu.memory_space<vmem_shared>> -> memref<10240x128xf32, #tpu.memory_space<vmem_shared>>
          tpu.enqueue_indirect_dma source(%arg8 : memref<80x128xf32, #tpu.memory_space<vmem>>) target(%dma_start3A_176 : memref<10240x128xf32, #tpu.memory_space<vmem_shared>>) offsets(%dma_start3A_173 : memref<80xi32, #tpu.memory_space<vmem>>) semaphore(%run_scoped3A_170 : memref<!tpu.dma_semaphore, #tpu.memory_space<semaphore_mem>>) {add = true}
          %dma_wait3A_177 = arith.constant 0 : i32
          %dma_wait3A_178 = tpu.memref_slice %arg5[%add3A_141, %dma_wait3A_177] : memref<25x80xi32, #tpu.memory_space<vmem>> -> memref<1x80xi32, #tpu.memory_space<vmem>>
          %dma_wait3A_179 = tpu.memref_squeeze %dma_wait3A_178 : memref<1x80xi32, #tpu.memory_space<vmem>> -> memref<80xi32, #tpu.memory_space<vmem>>
          %dma_wait3A_180 = arith.constant 0 : i32
          %dma_wait3A_181 = arith.constant 0 : i32
          %dma_wait3A_182 = tpu.memref_slice %arg9[%dma_wait3A_180, %dma_wait3A_181] : memref<10240x128xf32, #tpu.memory_space<vmem_shared>> -> memref<10240x128xf32, #tpu.memory_space<vmem_shared>>
          tpu.wait_indirect_dma semaphore(%run_scoped3A_170 : memref<!tpu.dma_semaphore, #tpu.memory_space<semaphore_mem>>) src(%arg8 : memref<80x128xf32, #tpu.memory_space<vmem>>) dst(%dma_wait3A_182 : memref<10240x128xf32, #tpu.memory_space<vmem_shared>>)
          tpu.yield
        }) : () -> ()
      } else {
      }
    }
    %scan3A_125 = arith.constant 13 : i32
    %barrier3A_126 = arith.constant 0 : index
    tpu.barrier barrier_id(%barrier3A_126)
    %mul3A_127 = arith.constant 640 : i32
    %mul3A_128 = arith.muli %arg1, %mul3A_127 : i32
    %multiple_of3A = tpu.assume_multiple %mul3A_128, 8 : i32
    %lt3A = arith.constant 15 : i32
    %lt3A_129 = arith.cmpi slt, %arg1, %lt3A : i32
    %convert_element_type3A = arith.extui %lt3A_129 : i1 to i32
    %cond3A = arith.constant 0 : i32
    %cond3A_130 = arith.cmpi ne, %convert_element_type3A, %cond3A : i32
    scf.if %cond3A_130 {
      "tpu.region"() ({
        %run_scoped3A_135 = tpu.sem_alloc : memref<!tpu.dma_semaphore, #tpu.memory_space<semaphore_mem>>
        %dma_start3A_136 = arith.constant 0 : i32
        %dma_start3A_137 = tpu.memref_slice %arg4[%arg0, %multiple_of3A, %dma_start3A_136] : memref<2x10000x128xf32, #tpu.memory_space<hbm>> -> memref<1x640x128xf32, #tpu.memory_space<hbm>>
        %dma_start3A_138 = tpu.memref_squeeze %dma_start3A_137 : memref<1x640x128xf32, #tpu.memory_space<hbm>> -> memref<640x128xf32, #tpu.memory_space<hbm>>
        %dma_start3A_139 = arith.constant 0 : i32
        %dma_start3A_140 = tpu.memref_slice %arg9[%multiple_of3A, %dma_start3A_139] : memref<10240x128xf32, #tpu.memory_space<vmem_shared>> -> memref<640x128xf32, #tpu.memory_space<vmem_shared>>
        tpu.enqueue_dma source(%dma_start3A_140 : memref<640x128xf32, #tpu.memory_space<vmem_shared>>) target(%dma_start3A_138 : memref<640x128xf32, #tpu.memory_space<hbm>>) target_semaphore(%run_scoped3A_135 : memref<!tpu.dma_semaphore, #tpu.memory_space<semaphore_mem>>)
        %dma_wait3A = arith.constant 0 : i32
        %dma_wait3A_141 = tpu.memref_slice %arg4[%arg0, %multiple_of3A, %dma_wait3A] : memref<2x10000x128xf32, #tpu.memory_space<hbm>> -> memref<1x640x128xf32, #tpu.memory_space<hbm>>
        %dma_wait3A_142 = tpu.memref_squeeze %dma_wait3A_141 : memref<1x640x128xf32, #tpu.memory_space<hbm>> -> memref<640x128xf32, #tpu.memory_space<hbm>>
        %dma_wait3A_143 = arith.constant 0 : i32
        %dma_wait3A_144 = tpu.memref_slice %arg9[%multiple_of3A, %dma_wait3A_143] : memref<10240x128xf32, #tpu.memory_space<vmem_shared>> -> memref<640x128xf32, #tpu.memory_space<vmem_shared>>
        tpu.wait_dma2 semaphore(%run_scoped3A_135 : memref<!tpu.dma_semaphore, #tpu.memory_space<semaphore_mem>>) src(%dma_wait3A_144 : memref<640x128xf32, #tpu.memory_space<vmem_shared>>) dst(%dma_wait3A_142 : memref<640x128xf32, #tpu.memory_space<hbm>>)
        tpu.yield
      }) : () -> ()
    } else {
    }
    %eq3A = arith.constant 15 : i32
    %eq3A_131 = arith.cmpi eq, %arg1, %eq3A : i32
    %convert_element_type3A_132 = arith.extui %eq3A_131 : i1 to i32
    %cond3A_133 = arith.constant 0 : i32
    %cond3A_134 = arith.cmpi ne, %convert_element_type3A_132, %cond3A_133 : i32
    scf.if %cond3A_134 {
      "tpu.region"() ({
        %run_scoped3A_135 = tpu.sem_alloc : memref<!tpu.dma_semaphore, #tpu.memory_space<semaphore_mem>>
        %dma_start3A_136 = arith.constant 9600 : i32
        %dma_start3A_137 = arith.constant 0 : i32
        %dma_start3A_138 = tpu.memref_slice %arg4[%arg0, %dma_start3A_136, %dma_start3A_137] : memref<2x10000x128xf32, #tpu.memory_space<hbm>> -> memref<1x400x128xf32, #tpu.memory_space<hbm>>
        %dma_start3A_139 = tpu.memref_squeeze %dma_start3A_138 : memref<1x400x128xf32, #tpu.memory_space<hbm>> -> memref<400x128xf32, #tpu.memory_space<hbm>>
        %dma_start3A_140 = arith.constant 9600 : i32
        %dma_start3A_141 = arith.constant 0 : i32
        %dma_start3A_142 = tpu.memref_slice %arg9[%dma_start3A_140, %dma_start3A_141] : memref<10240x128xf32, #tpu.memory_space<vmem_shared>> -> memref<400x128xf32, #tpu.memory_space<vmem_shared>>
        tpu.enqueue_dma source(%dma_start3A_142 : memref<400x128xf32, #tpu.memory_space<vmem_shared>>) target(%dma_start3A_139 : memref<400x128xf32, #tpu.memory_space<hbm>>) target_semaphore(%run_scoped3A_135 : memref<!tpu.dma_semaphore, #tpu.memory_space<semaphore_mem>>)
        %dma_wait3A = arith.constant 9600 : i32
        %dma_wait3A_143 = arith.constant 0 : i32
        %dma_wait3A_144 = tpu.memref_slice %arg4[%arg0, %dma_wait3A, %dma_wait3A_143] : memref<2x10000x128xf32, #tpu.memory_space<hbm>> -> memref<1x400x128xf32, #tpu.memory_space<hbm>>
        %dma_wait3A_145 = tpu.memref_squeeze %dma_wait3A_144 : memref<1x400x128xf32, #tpu.memory_space<hbm>> -> memref<400x128xf32, #tpu.memory_space<hbm>>
        %dma_wait3A_146 = arith.constant 9600 : i32
        %dma_wait3A_147 = arith.constant 0 : i32
        %dma_wait3A_148 = tpu.memref_slice %arg9[%dma_wait3A_146, %dma_wait3A_147] : memref<10240x128xf32, #tpu.memory_space<vmem_shared>> -> memref<400x128xf32, #tpu.memory_space<vmem_shared>>
        tpu.wait_dma2 semaphore(%run_scoped3A_135 : memref<!tpu.dma_semaphore, #tpu.memory_space<semaphore_mem>>) src(%dma_wait3A_148 : memref<400x128xf32, #tpu.memory_space<vmem_shared>>) dst(%dma_wait3A_145 : memref<400x128xf32, #tpu.memory_space<hbm>>)
        tpu.yield
      }) : () -> ()
    } else {
    }
    return
  }
}

module attributes {stable_mosaic.version = 14 : i64} {
  func.func @_k0_body(%arg0: i32, %arg1: memref<1000x128xf32, #tpu.memory_space<vmem>>, %arg2: memref<2x1000x1xf32, #tpu.memory_space<vmem>>, %arg3: memref<128x128xf32, #tpu.memory_space<vmem>>, %arg4: memref<1x128xf32, #tpu.memory_space<vmem>>, %arg5: memref<128x128xf32, #tpu.memory_space<vmem>>, %arg6: memref<1000x128xf32, #tpu.memory_space<vmem>>, %arg7: memref<1000x128xf32, #tpu.memory_space<vmem>>, %arg8: memref<1000x1xf32, #tpu.memory_space<vmem>>) attributes {dimension_semantics = [#tpu.dimension_semantics<arbitrary>], iteration_bounds = array<i64: 10>, scalar_prefetch = 0 : i64, scratch_operands = 0 : i64, tpu.core_type = #tpu.core_type<tc>, window_params = [{transform_indices = @transform_0, window_bounds = array<i64: 1000, 128>}, {transform_indices = @transform_1, window_bounds = array<i64: 2, 1000, 1>}, {pipeline_mode = #tpu.pipeline_mode<synchronous>, transform_indices = @transform_2, window_bounds = array<i64: 128, 128>}, {pipeline_mode = #tpu.pipeline_mode<synchronous>, transform_indices = @transform_3, window_bounds = array<i64: 1, 128>}, {pipeline_mode = #tpu.pipeline_mode<synchronous>, transform_indices = @transform_4, window_bounds = array<i64: 128, 128>}, {transform_indices = @transform_5, window_bounds = array<i64: 1000, 128>}, {transform_indices = @transform_6, window_bounds = array<i64: 1000, 128>}, {transform_indices = @transform_7, window_bounds = array<i64: 1000, 1>}]} {
    %get3A = arith.constant 0 : index
    %get3A_0 = arith.constant 0 : index
    %get3A_1 = arith.constant 0 : index
    %get3A_2 = vector.load %arg2[%get3A, %get3A_0, %get3A_1] : memref<2x1000x1xf32, #tpu.memory_space<vmem>>, vector<1x1000x1xf32>
    %get3A_3 = vector.shape_cast %get3A_2 : vector<1x1000x1xf32> to vector<1000x1xf32>
    %get3A_4 = arith.constant 1 : index
    %get3A_5 = arith.constant 0 : index
    %get3A_6 = arith.constant 0 : index
    %get3A_7 = vector.load %arg2[%get3A_4, %get3A_5, %get3A_6] : memref<2x1000x1xf32, #tpu.memory_space<vmem>>, vector<1x1000x1xf32>
    %get3A_8 = vector.shape_cast %get3A_7 : vector<1x1000x1xf32> to vector<1000x1xf32>
    %add3A = arith.addf %get3A_3, %get3A_8 : vector<1000x1xf32>
    %add3A_9 = arith.constant 1.000000e+00 : f32
    %add3A_10 = vector.broadcast %add3A_9 : f32 to vector<1000x1xf32>
    %add3A_11 = arith.addf %add3A, %add3A_10 : vector<1000x1xf32>
    %rsqrt3A = math.rsqrt %add3A_11 : vector<1000x1xf32>
    %get3A_12 = arith.constant 0 : index
    %get3A_13 = arith.constant 0 : index
    %get3A_14 = vector.load %arg1[%get3A_12, %get3A_13] : memref<1000x128xf32, #tpu.memory_space<vmem>>, vector<1000x128xf32>
    %get3A_15 = arith.constant 0 : index
    %get3A_16 = arith.constant 0 : index
    %get3A_17 = vector.load %arg3[%get3A_15, %get3A_16] : memref<128x128xf32, #tpu.memory_space<vmem>>, vector<128x128xf32>
    %dot_general3A = arith.constant dense<0.000000e+00> : vector<1000x128xf32>
    %dot_general3A_18 = tpu.matmul %get3A_14, %get3A_17, %dot_general3A {dimension_numbers = #tpu.dot_dimension_numbers<[1], [0], [0], [1], [0, 0, 1, 1], [], []>, transpose_lhs_hint = false} : vector<1000x128xf32>, vector<128x128xf32>, vector<1000x128xf32> -> vector<1000x128xf32>
    %get3A_19 = arith.constant 0 : index
    %get3A_20 = arith.constant 0 : index
    %get3A_21 = vector.load %arg4[%get3A_19, %get3A_20] : memref<1x128xf32, #tpu.memory_space<vmem>>, vector<1x128xf32>
    %add3A_22 = vector.broadcast %get3A_21 : vector<1x128xf32> to vector<1000x128xf32>
    %add3A_23 = arith.addf %dot_general3A_18, %add3A_22 : vector<1000x128xf32>
    %swap3A = arith.constant 0 : index
    %swap3A_24 = arith.constant 0 : index
    %swap3A_25 = vector.load %arg6[%swap3A, %swap3A_24] : memref<1000x128xf32, #tpu.memory_space<vmem>>, vector<1000x128xf32>
    tpu.vector_store %arg6[%swap3A, %swap3A_24], %add3A_23 {strides = array<i32>} : memref<1000x128xf32, #tpu.memory_space<vmem>>, vector<1000x128xf32>,
    %swap3A_26 = arith.constant 0 : index
    %swap3A_27 = arith.constant 0 : index
    %swap3A_28 = vector.load %arg8[%swap3A_26, %swap3A_27] : memref<1000x1xf32, #tpu.memory_space<vmem>>, vector<1000x1xf32>
    tpu.vector_store %arg8[%swap3A_26, %swap3A_27], %rsqrt3A {strides = array<i32>} : memref<1000x1xf32, #tpu.memory_space<vmem>>, vector<1000x1xf32>,
    %get3A_29 = arith.constant 0 : index
    %get3A_30 = arith.constant 0 : index
    %get3A_31 = vector.load %arg5[%get3A_29, %get3A_30] : memref<128x128xf32, #tpu.memory_space<vmem>>, vector<128x128xf32>
    %dot_general3A_32 = arith.constant dense<0.000000e+00> : vector<1000x128xf32>
    %dot_general3A_33 = tpu.matmul %add3A_23, %get3A_31, %dot_general3A_32 {dimension_numbers = #tpu.dot_dimension_numbers<[1], [0], [0], [1], [0, 0, 1, 1], [], []>, transpose_lhs_hint = false} : vector<1000x128xf32>, vector<128x128xf32>, vector<1000x128xf32> -> vector<1000x128xf32>
    %mul3A = vector.broadcast %rsqrt3A : vector<1000x1xf32> to vector<1000x128xf32>
    %mul3A_34 = arith.mulf %mul3A, %dot_general3A_33 : vector<1000x128xf32>
    %swap3A_35 = arith.constant 0 : index
    %swap3A_36 = arith.constant 0 : index
    %swap3A_37 = vector.load %arg7[%swap3A_35, %swap3A_36] : memref<1000x128xf32, #tpu.memory_space<vmem>>, vector<1000x128xf32>
    tpu.vector_store %arg7[%swap3A_35, %swap3A_36], %mul3A_34 {strides = array<i32>} : memref<1000x128xf32, #tpu.memory_space<vmem>>, vector<1000x128xf32>,
    return
  }
  func.func @transform_0(%arg0: i32) -> (i32, i32) {
    %c0_i32 = arith.constant 0 : i32
    %c0_i32_0 = arith.constant 0 : i32
    return %arg0, %c0_i32 : i32, i32
  }
  func.func @transform_1(%arg0: i32) -> (i32, i32, i32) {
    %c0_i32 = arith.constant 0 : i32
    %c0_i32_0 = arith.constant 0 : i32
    %c0_i32_1 = arith.constant 0 : i32
    return %c0_i32, %arg0, %c0_i32_0 : i32, i32, i32
  }
  func.func @transform_2(%arg0: i32) -> (i32, i32) {
    %c0_i32 = arith.constant 0 : i32
    %c0_i32_0 = arith.constant 0 : i32
    %c0_i32_1 = arith.constant 0 : i32
    return %c0_i32, %c0_i32_0 : i32, i32
  }
  func.func @transform_3(%arg0: i32) -> (i32, i32) {
    %c0_i32 = arith.constant 0 : i32
    %c0_i32_0 = arith.constant 0 : i32
    %c0_i32_1 = arith.constant 0 : i32
    return %c0_i32, %c0_i32_0 : i32, i32
  }
  func.func @transform_4(%arg0: i32) -> (i32, i32) {
    %c0_i32 = arith.constant 0 : i32
    %c0_i32_0 = arith.constant 0 : i32
    %c0_i32_1 = arith.constant 0 : i32
    return %c0_i32, %c0_i32_0 : i32, i32
  }
  func.func @transform_5(%arg0: i32) -> (i32, i32) {
    %c0_i32 = arith.constant 0 : i32
    %c0_i32_0 = arith.constant 0 : i32
    return %arg0, %c0_i32 : i32, i32
  }
  func.func @transform_6(%arg0: i32) -> (i32, i32) {
    %c0_i32 = arith.constant 0 : i32
    %c0_i32_0 = arith.constant 0 : i32
    return %arg0, %c0_i32 : i32, i32
  }
  func.func @transform_7(%arg0: i32) -> (i32, i32) {
    %c0_i32 = arith.constant 0 : i32
    %c0_i32_0 = arith.constant 0 : i32
    return %arg0, %c0_i32 : i32, i32
  }
}

module attributes {stable_mosaic.version = 14 : i64} {
  func.func @_k1_body(%arg0: i32, %arg1: memref<2x1000x128xf32, #tpu.memory_space<vmem>>, %arg2: memref<1000x128xf32, #tpu.memory_space<vmem>>, %arg3: memref<1000x128xf32, #tpu.memory_space<vmem>>, %arg4: memref<1000x1xf32, #tpu.memory_space<vmem>>, %arg5: memref<128x128xf32, #tpu.memory_space<vmem>>, %arg6: memref<1x128xf32, #tpu.memory_space<vmem>>, %arg7: memref<1x128xf32, #tpu.memory_space<vmem>>, %arg8: memref<128x128xf32, #tpu.memory_space<vmem>>, %arg9: memref<1000x128xf32, #tpu.memory_space<vmem>>, %arg10: memref<1000x128xf32, #tpu.memory_space<vmem>>) attributes {dimension_semantics = [#tpu.dimension_semantics<arbitrary>], iteration_bounds = array<i64: 10>, scalar_prefetch = 0 : i64, scratch_operands = 0 : i64, tpu.core_type = #tpu.core_type<tc>, window_params = [{transform_indices = @transform_0, window_bounds = array<i64: 2, 1000, 128>}, {transform_indices = @transform_1, window_bounds = array<i64: 1000, 128>}, {transform_indices = @transform_2, window_bounds = array<i64: 1000, 128>}, {transform_indices = @transform_3, window_bounds = array<i64: 1000, 1>}, {pipeline_mode = #tpu.pipeline_mode<synchronous>, transform_indices = @transform_4, window_bounds = array<i64: 128, 128>}, {pipeline_mode = #tpu.pipeline_mode<synchronous>, transform_indices = @transform_5, window_bounds = array<i64: 1, 128>}, {pipeline_mode = #tpu.pipeline_mode<synchronous>, transform_indices = @transform_6, window_bounds = array<i64: 1, 128>}, {pipeline_mode = #tpu.pipeline_mode<synchronous>, transform_indices = @transform_7, window_bounds = array<i64: 128, 128>}, {transform_indices = @transform_8, window_bounds = array<i64: 1000, 128>}, {transform_indices = @transform_9, window_bounds = array<i64: 1000, 128>}]} {
    %get3A = arith.constant 0 : index
    %get3A_0 = arith.constant 0 : index
    %get3A_1 = vector.load %arg4[%get3A, %get3A_0] : memref<1000x1xf32, #tpu.memory_space<vmem>>, vector<1000x1xf32>
    %get3A_2 = arith.constant 0 : index
    %get3A_3 = arith.constant 0 : index
    %get3A_4 = arith.constant 0 : index
    %get3A_5 = vector.load %arg1[%get3A_2, %get3A_3, %get3A_4] : memref<2x1000x128xf32, #tpu.memory_space<vmem>>, vector<1x1000x128xf32>
    %get3A_6 = vector.shape_cast %get3A_5 : vector<1x1000x128xf32> to vector<1000x128xf32>
    %get3A_7 = arith.constant 1 : index
    %get3A_8 = arith.constant 0 : index
    %get3A_9 = arith.constant 0 : index
    %get3A_10 = vector.load %arg1[%get3A_7, %get3A_8, %get3A_9] : memref<2x1000x128xf32, #tpu.memory_space<vmem>>, vector<1x1000x128xf32>
    %get3A_11 = vector.shape_cast %get3A_10 : vector<1x1000x128xf32> to vector<1000x128xf32>
    %add3A = arith.addf %get3A_6, %get3A_11 : vector<1000x128xf32>
    %get3A_12 = arith.constant 0 : index
    %get3A_13 = arith.constant 0 : index
    %get3A_14 = vector.load %arg2[%get3A_12, %get3A_13] : memref<1000x128xf32, #tpu.memory_space<vmem>>, vector<1000x128xf32>
    %add3A_15 = arith.addf %add3A, %get3A_14 : vector<1000x128xf32>
    %mul3A = vector.broadcast %get3A_1 : vector<1000x1xf32> to vector<1000x128xf32>
    %mul3A_16 = arith.mulf %mul3A, %add3A_15 : vector<1000x128xf32>
    %get3A_17 = arith.constant 0 : index
    %get3A_18 = arith.constant 0 : index
    %get3A_19 = vector.load %arg7[%get3A_17, %get3A_18] : memref<1x128xf32, #tpu.memory_space<vmem>>, vector<1x128xf32>
    %add3A_20 = vector.broadcast %get3A_19 : vector<1x128xf32> to vector<1000x128xf32>
    %add3A_21 = arith.addf %mul3A_16, %add3A_20 : vector<1000x128xf32>
    %get3A_22 = arith.constant 0 : index
    %get3A_23 = arith.constant 0 : index
    %get3A_24 = vector.load %arg3[%get3A_22, %get3A_23] : memref<1000x128xf32, #tpu.memory_space<vmem>>, vector<1000x128xf32>
    %get3A_25 = arith.constant 0 : index
    %get3A_26 = arith.constant 0 : index
    %get3A_27 = vector.load %arg5[%get3A_25, %get3A_26] : memref<128x128xf32, #tpu.memory_space<vmem>>, vector<128x128xf32>
    %dot_general3A = arith.constant dense<0.000000e+00> : vector<1000x128xf32>
    %dot_general3A_28 = tpu.matmul %get3A_24, %get3A_27, %dot_general3A {dimension_numbers = #tpu.dot_dimension_numbers<[1], [0], [0], [1], [0, 0, 1, 1], [], []>, transpose_lhs_hint = false} : vector<1000x128xf32>, vector<128x128xf32>, vector<1000x128xf32> -> vector<1000x128xf32>
    %add3A_29 = arith.addf %add3A_21, %dot_general3A_28 : vector<1000x128xf32>
    %get3A_30 = arith.constant 0 : index
    %get3A_31 = arith.constant 0 : index
    %get3A_32 = vector.load %arg6[%get3A_30, %get3A_31] : memref<1x128xf32, #tpu.memory_space<vmem>>, vector<1x128xf32>
    %add3A_33 = vector.broadcast %get3A_32 : vector<1x128xf32> to vector<1000x128xf32>
    %add3A_34 = arith.addf %add3A_29, %add3A_33 : vector<1000x128xf32>
    %max3A = arith.constant 0.000000e+00 : f32
    %max3A_35 = vector.broadcast %max3A : f32 to vector<1000x128xf32>
    %max3A_36 = arith.maximumf %add3A_34, %max3A_35 : vector<1000x128xf32>
    %get3A_37 = arith.constant 0 : index
    %get3A_38 = arith.constant 0 : index
    %get3A_39 = vector.load %arg3[%get3A_37, %get3A_38] : memref<1000x128xf32, #tpu.memory_space<vmem>>, vector<1000x128xf32>
    %add3A_40 = arith.addf %max3A_36, %get3A_39 : vector<1000x128xf32>
    %swap3A = arith.constant 0 : index
    %swap3A_41 = arith.constant 0 : index
    %swap3A_42 = vector.load %arg9[%swap3A, %swap3A_41] : memref<1000x128xf32, #tpu.memory_space<vmem>>, vector<1000x128xf32>
    tpu.vector_store %arg9[%swap3A, %swap3A_41], %add3A_40 {strides = array<i32>} : memref<1000x128xf32, #tpu.memory_space<vmem>>, vector<1000x128xf32>,
    %get3A_43 = arith.constant 0 : index
    %get3A_44 = arith.constant 0 : index
    %get3A_45 = vector.load %arg8[%get3A_43, %get3A_44] : memref<128x128xf32, #tpu.memory_space<vmem>>, vector<128x128xf32>
    %dot_general3A_46 = arith.constant dense<0.000000e+00> : vector<1000x128xf32>
    %dot_general3A_47 = tpu.matmul %add3A_40, %get3A_45, %dot_general3A_46 {dimension_numbers = #tpu.dot_dimension_numbers<[1], [0], [0], [1], [0, 0, 1, 1], [], []>, transpose_lhs_hint = false} : vector<1000x128xf32>, vector<128x128xf32>, vector<1000x128xf32> -> vector<1000x128xf32>
    %mul3A_48 = vector.broadcast %get3A_1 : vector<1000x1xf32> to vector<1000x128xf32>
    %mul3A_49 = arith.mulf %mul3A_48, %dot_general3A_47 : vector<1000x128xf32>
    %swap3A_50 = arith.constant 0 : index
    %swap3A_51 = arith.constant 0 : index
    %swap3A_52 = vector.load %arg10[%swap3A_50, %swap3A_51] : memref<1000x128xf32, #tpu.memory_space<vmem>>, vector<1000x128xf32>
    tpu.vector_store %arg10[%swap3A_50, %swap3A_51], %mul3A_49 {strides = array<i32>} : memref<1000x128xf32, #tpu.memory_space<vmem>>, vector<1000x128xf32>,
    return
  }
  func.func @transform_0(%arg0: i32) -> (i32, i32, i32) {
    %c0_i32 = arith.constant 0 : i32
    %c0_i32_0 = arith.constant 0 : i32
    %c0_i32_1 = arith.constant 0 : i32
    return %c0_i32, %arg0, %c0_i32_0 : i32, i32, i32
  }
  func.func @transform_1(%arg0: i32) -> (i32, i32) {
    %c0_i32 = arith.constant 0 : i32
    %c0_i32_0 = arith.constant 0 : i32
    return %arg0, %c0_i32 : i32, i32
  }
  func.func @transform_2(%arg0: i32) -> (i32, i32) {
    %c0_i32 = arith.constant 0 : i32
    %c0_i32_0 = arith.constant 0 : i32
    return %arg0, %c0_i32 : i32, i32
  }
  func.func @transform_3(%arg0: i32) -> (i32, i32) {
    %c0_i32 = arith.constant 0 : i32
    %c0_i32_0 = arith.constant 0 : i32
    return %arg0, %c0_i32 : i32, i32
  }
  func.func @transform_4(%arg0: i32) -> (i32, i32) {
    %c0_i32 = arith.constant 0 : i32
    %c0_i32_0 = arith.constant 0 : i32
    %c0_i32_1 = arith.constant 0 : i32
    return %c0_i32, %c0_i32_0 : i32, i32
  }
  func.func @transform_5(%arg0: i32) -> (i32, i32) {
    %c0_i32 = arith.constant 0 : i32
    %c0_i32_0 = arith.constant 0 : i32
    %c0_i32_1 = arith.constant 0 : i32
    return %c0_i32, %c0_i32_0 : i32, i32
  }
  func.func @transform_6(%arg0: i32) -> (i32, i32) {
    %c0_i32 = arith.constant 0 : i32
    %c0_i32_0 = arith.constant 0 : i32
    %c0_i32_1 = arith.constant 0 : i32
    return %c0_i32, %c0_i32_0 : i32, i32
  }
  func.func @transform_7(%arg0: i32) -> (i32, i32) {
    %c0_i32 = arith.constant 0 : i32
    %c0_i32_0 = arith.constant 0 : i32
    %c0_i32_1 = arith.constant 0 : i32
    return %c0_i32, %c0_i32_0 : i32, i32
  }
  func.func @transform_8(%arg0: i32) -> (i32, i32) {
    %c0_i32 = arith.constant 0 : i32
    %c0_i32_0 = arith.constant 0 : i32
    return %arg0, %c0_i32 : i32, i32
  }
  func.func @transform_9(%arg0: i32) -> (i32, i32) {
    %c0_i32 = arith.constant 0 : i32
    %c0_i32_0 = arith.constant 0 : i32
    return %arg0, %c0_i32 : i32, i32
  }
}

module attributes {stable_mosaic.version = 14 : i64} {
  func.func @_k2_body(%arg0: i32, %arg1: memref<2x1000x128xf32, #tpu.memory_space<vmem>>, %arg2: memref<1000x128xf32, #tpu.memory_space<vmem>>, %arg3: memref<1000x128xf32, #tpu.memory_space<vmem>>, %arg4: memref<1000x1xf32, #tpu.memory_space<vmem>>, %arg5: memref<128x128xf32, #tpu.memory_space<vmem>>, %arg6: memref<1x128xf32, #tpu.memory_space<vmem>>, %arg7: memref<1x128xf32, #tpu.memory_space<vmem>>, %arg8: memref<128x128xf32, #tpu.memory_space<vmem>>, %arg9: memref<1x128xf32, #tpu.memory_space<vmem>>, %arg10: memref<1000x128xf32, #tpu.memory_space<vmem>>) attributes {dimension_semantics = [#tpu.dimension_semantics<arbitrary>], iteration_bounds = array<i64: 10>, scalar_prefetch = 0 : i64, scratch_operands = 0 : i64, tpu.core_type = #tpu.core_type<tc>, window_params = [{transform_indices = @transform_0, window_bounds = array<i64: 2, 1000, 128>}, {transform_indices = @transform_1, window_bounds = array<i64: 1000, 128>}, {transform_indices = @transform_2, window_bounds = array<i64: 1000, 128>}, {transform_indices = @transform_3, window_bounds = array<i64: 1000, 1>}, {pipeline_mode = #tpu.pipeline_mode<synchronous>, transform_indices = @transform_4, window_bounds = array<i64: 128, 128>}, {pipeline_mode = #tpu.pipeline_mode<synchronous>, transform_indices = @transform_5, window_bounds = array<i64: 1, 128>}, {pipeline_mode = #tpu.pipeline_mode<synchronous>, transform_indices = @transform_6, window_bounds = array<i64: 1, 128>}, {pipeline_mode = #tpu.pipeline_mode<synchronous>, transform_indices = @transform_7, window_bounds = array<i64: 128, 128>}, {pipeline_mode = #tpu.pipeline_mode<synchronous>, transform_indices = @transform_8, window_bounds = array<i64: 1, 128>}, {transform_indices = @transform_9, window_bounds = array<i64: 1000, 128>}]} {
    %get3A = arith.constant 0 : index
    %get3A_0 = arith.constant 0 : index
    %get3A_1 = vector.load %arg4[%get3A, %get3A_0] : memref<1000x1xf32, #tpu.memory_space<vmem>>, vector<1000x1xf32>
    %get3A_2 = arith.constant 0 : index
    %get3A_3 = arith.constant 0 : index
    %get3A_4 = arith.constant 0 : index
    %get3A_5 = vector.load %arg1[%get3A_2, %get3A_3, %get3A_4] : memref<2x1000x128xf32, #tpu.memory_space<vmem>>, vector<1x1000x128xf32>
    %get3A_6 = vector.shape_cast %get3A_5 : vector<1x1000x128xf32> to vector<1000x128xf32>
    %get3A_7 = arith.constant 1 : index
    %get3A_8 = arith.constant 0 : index
    %get3A_9 = arith.constant 0 : index
    %get3A_10 = vector.load %arg1[%get3A_7, %get3A_8, %get3A_9] : memref<2x1000x128xf32, #tpu.memory_space<vmem>>, vector<1x1000x128xf32>
    %get3A_11 = vector.shape_cast %get3A_10 : vector<1x1000x128xf32> to vector<1000x128xf32>
    %add3A = arith.addf %get3A_6, %get3A_11 : vector<1000x128xf32>
    %get3A_12 = arith.constant 0 : index
    %get3A_13 = arith.constant 0 : index
    %get3A_14 = vector.load %arg2[%get3A_12, %get3A_13] : memref<1000x128xf32, #tpu.memory_space<vmem>>, vector<1000x128xf32>
    %add3A_15 = arith.addf %add3A, %get3A_14 : vector<1000x128xf32>
    %mul3A = vector.broadcast %get3A_1 : vector<1000x1xf32> to vector<1000x128xf32>
    %mul3A_16 = arith.mulf %mul3A, %add3A_15 : vector<1000x128xf32>
    %get3A_17 = arith.constant 0 : index
    %get3A_18 = arith.constant 0 : index
    %get3A_19 = vector.load %arg7[%get3A_17, %get3A_18] : memref<1x128xf32, #tpu.memory_space<vmem>>, vector<1x128xf32>
    %add3A_20 = vector.broadcast %get3A_19 : vector<1x128xf32> to vector<1000x128xf32>
    %add3A_21 = arith.addf %mul3A_16, %add3A_20 : vector<1000x128xf32>
    %get3A_22 = arith.constant 0 : index
    %get3A_23 = arith.constant 0 : index
    %get3A_24 = vector.load %arg3[%get3A_22, %get3A_23] : memref<1000x128xf32, #tpu.memory_space<vmem>>, vector<1000x128xf32>
    %get3A_25 = arith.constant 0 : index
    %get3A_26 = arith.constant 0 : index
    %get3A_27 = vector.load %arg5[%get3A_25, %get3A_26] : memref<128x128xf32, #tpu.memory_space<vmem>>, vector<128x128xf32>
    %dot_general3A = arith.constant dense<0.000000e+00> : vector<1000x128xf32>
    %dot_general3A_28 = tpu.matmul %get3A_24, %get3A_27, %dot_general3A {dimension_numbers = #tpu.dot_dimension_numbers<[1], [0], [0], [1], [0, 0, 1, 1], [], []>, transpose_lhs_hint = false} : vector<1000x128xf32>, vector<128x128xf32>, vector<1000x128xf32> -> vector<1000x128xf32>
    %add3A_29 = arith.addf %add3A_21, %dot_general3A_28 : vector<1000x128xf32>
    %get3A_30 = arith.constant 0 : index
    %get3A_31 = arith.constant 0 : index
    %get3A_32 = vector.load %arg6[%get3A_30, %get3A_31] : memref<1x128xf32, #tpu.memory_space<vmem>>, vector<1x128xf32>
    %add3A_33 = vector.broadcast %get3A_32 : vector<1x128xf32> to vector<1000x128xf32>
    %add3A_34 = arith.addf %add3A_29, %add3A_33 : vector<1000x128xf32>
    %max3A = arith.constant 0.000000e+00 : f32
    %max3A_35 = vector.broadcast %max3A : f32 to vector<1000x128xf32>
    %max3A_36 = arith.maximumf %add3A_34, %max3A_35 : vector<1000x128xf32>
    %get3A_37 = arith.constant 0 : index
    %get3A_38 = arith.constant 0 : index
    %get3A_39 = vector.load %arg3[%get3A_37, %get3A_38] : memref<1000x128xf32, #tpu.memory_space<vmem>>, vector<1000x128xf32>
    %add3A_40 = arith.addf %max3A_36, %get3A_39 : vector<1000x128xf32>
    %get3A_41 = arith.constant 0 : index
    %get3A_42 = arith.constant 0 : index
    %get3A_43 = vector.load %arg8[%get3A_41, %get3A_42] : memref<128x128xf32, #tpu.memory_space<vmem>>, vector<128x128xf32>
    %dot_general3A_44 = arith.constant dense<0.000000e+00> : vector<1000x128xf32>
    %dot_general3A_45 = tpu.matmul %add3A_40, %get3A_43, %dot_general3A_44 {dimension_numbers = #tpu.dot_dimension_numbers<[1], [0], [0], [1], [0, 0, 1, 1], [], []>, transpose_lhs_hint = false} : vector<1000x128xf32>, vector<128x128xf32>, vector<1000x128xf32> -> vector<1000x128xf32>
    %get3A_46 = arith.constant 0 : index
    %get3A_47 = arith.constant 0 : index
    %get3A_48 = vector.load %arg9[%get3A_46, %get3A_47] : memref<1x128xf32, #tpu.memory_space<vmem>>, vector<1x128xf32>
    %add3A_49 = vector.broadcast %get3A_48 : vector<1x128xf32> to vector<1000x128xf32>
    %add3A_50 = arith.addf %dot_general3A_45, %add3A_49 : vector<1000x128xf32>
    %swap3A = arith.constant 0 : index
    %swap3A_51 = arith.constant 0 : index
    %swap3A_52 = vector.load %arg10[%swap3A, %swap3A_51] : memref<1000x128xf32, #tpu.memory_space<vmem>>, vector<1000x128xf32>
    tpu.vector_store %arg10[%swap3A, %swap3A_51], %add3A_50 {strides = array<i32>} : memref<1000x128xf32, #tpu.memory_space<vmem>>, vector<1000x128xf32>,
    return
  }
  func.func @transform_0(%arg0: i32) -> (i32, i32, i32) {
    %c0_i32 = arith.constant 0 : i32
    %c0_i32_0 = arith.constant 0 : i32
    %c0_i32_1 = arith.constant 0 : i32
    return %c0_i32, %arg0, %c0_i32_0 : i32, i32, i32
  }
  func.func @transform_1(%arg0: i32) -> (i32, i32) {
    %c0_i32 = arith.constant 0 : i32
    %c0_i32_0 = arith.constant 0 : i32
    return %arg0, %c0_i32 : i32, i32
  }
  func.func @transform_2(%arg0: i32) -> (i32, i32) {
    %c0_i32 = arith.constant 0 : i32
    %c0_i32_0 = arith.constant 0 : i32
    return %arg0, %c0_i32 : i32, i32
  }
  func.func @transform_3(%arg0: i32) -> (i32, i32) {
    %c0_i32 = arith.constant 0 : i32
    %c0_i32_0 = arith.constant 0 : i32
    return %arg0, %c0_i32 : i32, i32
  }
  func.func @transform_4(%arg0: i32) -> (i32, i32) {
    %c0_i32 = arith.constant 0 : i32
    %c0_i32_0 = arith.constant 0 : i32
    %c0_i32_1 = arith.constant 0 : i32
    return %c0_i32, %c0_i32_0 : i32, i32
  }
  func.func @transform_5(%arg0: i32) -> (i32, i32) {
    %c0_i32 = arith.constant 0 : i32
    %c0_i32_0 = arith.constant 0 : i32
    %c0_i32_1 = arith.constant 0 : i32
    return %c0_i32, %c0_i32_0 : i32, i32
  }
  func.func @transform_6(%arg0: i32) -> (i32, i32) {
    %c0_i32 = arith.constant 0 : i32
    %c0_i32_0 = arith.constant 0 : i32
    %c0_i32_1 = arith.constant 0 : i32
    return %c0_i32, %c0_i32_0 : i32, i32
  }
  func.func @transform_7(%arg0: i32) -> (i32, i32) {
    %c0_i32 = arith.constant 0 : i32
    %c0_i32_0 = arith.constant 0 : i32
    %c0_i32_1 = arith.constant 0 : i32
    return %c0_i32, %c0_i32_0 : i32, i32
  }
  func.func @transform_8(%arg0: i32) -> (i32, i32) {
    %c0_i32 = arith.constant 0 : i32
    %c0_i32_0 = arith.constant 0 : i32
    %c0_i32_1 = arith.constant 0 : i32
    return %c0_i32, %c0_i32_0 : i32, i32
  }
  func.func @transform_9(%arg0: i32) -> (i32, i32) {
    %c0_i32 = arith.constant 0 : i32
    %c0_i32_0 = arith.constant 0 : i32
    return %arg0, %c0_i32 : i32, i32
  }
}

</mosaic_0001>

<sc_bundles>
// kernel: kernel.11.cloned.1.call-start
scs
__scs_entry_jumppad:
0x0: {  	(pc) =	sbr.rel $0x88, $3  }
0x1: {  	(tag) =	ssettag $0x0;
	lr =	simm.s32 $0x1  }
0x2: {  	[smem:$0x3F93] =	sst lr;
	_ =	strace $0xD0000000  }
0x3: {  	_ = 	snop  }
0x4: {  	_ = 	snop  }
0x5: {  	_ = 	snop  }
0x6: {  	_ = 	snop  }
0x7: {  	_ = 	snop  }
__scs_overlays_trampoline_lowered:
0x8: {  	[smem:$0x3FA2] =	sst s0  }
0x9: {  	[smem:$0x3FA3] =	sst s1  }
0xa: {  	[smem:$0x3FA4] =	sst s2  }
0xb: {  	[smem:$0x3FA5] =	sst s3  }
0xc: {  	[smem:$0x3FA6] =	sst s4  }
0xd: {  	[smem:$0x3FA7] =	sst s5  }
0xe: {  	[smem:$0x3FA8] =	sst s6  }
0xf: {  	[smem:$0x3FA9] =	sst s7  }
0x10: {  	[smem:$0x3FAA] =	sst s8  }
0x11: {  	[smem:$0x3FAB] =	sst s9;
	s0 =	simm.s32 @!p0 $0x0  }
0x12: {  	s1 =	sld [smem:$0x3F91];
	s0 =	simm.s32 @p0 $0x1  }
0x13: {  	[smem:$0x3FAC] =	sst s0;
	s0 =	simm.s32 @!p1 $0x0  }
0x14: {  	s2 =	sld [smem:$0x3F90];
	s0 =	simm.s32 @p1 $0x1  }
0x15: {  	[smem:$0x3FAD] =	sst s0;
	s0 =	simm.s32 @!p2 $0x0  }
0x16: {  	s3 =	sld [smem:$0x3FDB];
	s0 =	simm.s32 @p2 $0x1  }
0x17: {  	s4 =	simm.s32 $0x1BF5;
	[smem:$0x3FAF] =	sst s0  }
0x18: {  	s0 =	sld [smem:$0x3F92];
	_ =	swait.ge [sflag:s4], $0x0  }
0x19: {  	s7 =	sld [smem:$0x3F93]  }
0x1a: {  	s8 =	sadd.s32 $0xFFFFE003, lr  }
0x1b: {  	s9 =	sadd.s32 $0xFFFFFEF7, lr;
	s5 =	simm.s32 $0xFFFFFFFF;
	p2 =	slt.u32 s8, $0xFFFFF086  }
0x1c: {  	p1 =	slt.u32 s9, $0xF7A;
	s5 =	simm.s32 @!p2 $0x0  }
0x1d: {  	s5 =	simm.s32 @p1 $0x1;
	p0 =	seq.s32 s7, s2  }
0x1e: {  	s7 =	smul.u32 @!p0 $0xF7A, s2;
	p2 =	seq.s32 @!p0 s5, $0x0  }
0x1f: {  	s9 =	smul.u32 $0xF7A, s1;
	s8 =	simm.s32 @!p0 $0x1BF5;
	p2 =	por !p2, p0  }
0x20: {  	[sflag:s8] =	ssyncset.s32 @!p0 $0xFFFFF086;
	s6 =	sadd.s32 @!p0 s3, s7;
	s7 =	simm.s32 @!p0 $0x108  }
0x21: {  	s3 =	sadd.s32 s3, s9;
	s6 =	sadd.s32 @!p0 $0x88, s6;
	s7 =	simm.s32 @p2 $0x1082  }
0x22: {  	[simem:s7], [sflag:s8] =	dma.local @!p0 [hbm:s6], $0xF7A  }
0x23: {  	s9 =	sor.u32 $0xD0000000, s2;
	s6 =	simm.s32 $0x108;
	_ =	swait.ge @!p0 [sflag:s8], $0x0  }
0x24: {  	s3 =	sadd.s32 $0x88, s3;
	s6 =	simm.s32 @!p1 $0x1082;
	[sflag:s4] =	ssyncset.s32 $0xFFFFF086  }
0x25: {  	[simem:s6], [sflag:s4] =	dma.local [hbm:s3], $0xF7A  }
0x26: {  	[smem:$0x3F93] =	sst s1;
	(tag) =	ssettag s2;
	_ =	strace s9  }
0x27: {  	s1 =	sld [smem:$0x3FA3]  }
0x28: {  	s2 =	sld [smem:$0x3FA4]  }
0x29: {  	s4 =	sld [smem:$0x3FA6]  }
0x2a: {  	p0 =	seq.s32 s5, $0x0;
	s5 =	sld [smem:$0x3FA7]  }
0x2b: {  	s6 =	sld [smem:$0x3FA8]  }
0x2c: {  	s7 =	sld [smem:$0x3FA9]  }
0x2d: {  	s3 =	simm.s32 $0x108;
	s8 =	sld [smem:$0x3FAA]  }
0x2e: {  	s3 =	simm.s32 @!p0 $0x1082;
	s9 =	sld [smem:$0x3FAB]  }
0x2f: {  	lr =	sadd.s32 s0, s3;
	s0 =	sld [smem:$0x3FA2]  }
0x30: {  	s3 =	sld [smem:$0x3FA5]  }
0x31: {  	[smem:$0x3FAE] =	sst s10  }
0x32: {  	s10 =	sld [smem:$0x3FAC];
	_ =	sdelay $0x3  }
0x33: {  	p0 =	seq.s32 s10, $0x1;
	s10 =	sld [smem:$0x3FAE];
	_ =	sdelay $0x3  }
0x34: {  	[smem:$0x3FAE] =	sst s10  }
0x35: {  	s10 =	sld [smem:$0x3FAD];
	_ =	sdelay $0x3  }
0x36: {  	p1 =	seq.s32 s10, $0x1;
	s10 =	sld [smem:$0x3FAE];
	_ =	sdelay $0x3  }
0x37: {  	[smem:$0x3FAE] =	sst s10  }
0x38: {  	s10 =	sld [smem:$0x3FAF]  }
0x39: {  	_ = 	snop;
	(pc) =	sbr.ind lr, $3  }
0x3a: {  	_ = 	snop  }
0x3b: {  	_ = 	snop  }
0x3c: {  	p2 =	seq.s32 s10, $0x1;
	s10 =	sld [smem:$0x3FAE]  }
0x3d: {  	_ =	shalt  }
0x3e: {  	_ =	shalt  }
0x3f: {  	_ =	shalt  }
0x40: {  	_ =	shalt  }
0x41: {  	_ =	shalt  }
0x42: {  	_ =	shalt  }
0x43: {  	_ =	shalt  }
0x44: {  	_ =	shalt  }
0x45: {  	_ =	shalt  }
0x46: {  	_ =	shalt  }
0x47: {  	_ =	shalt  }
0x48: {  	_ =	shalt  }
0x49: {  	_ =	shalt  }
0x4a: {  	_ =	shalt  }
0x4b: {  	_ =	shalt  }
0x4c: {  	_ =	shalt  }
0x4d: {  	_ =	shalt  }
0x4e: {  	_ =	shalt  }
0x4f: {  	_ =	shalt  }
0x50: {  	_ =	shalt  }
0x51: {  	_ =	shalt  }
0x52: {  	_ =	shalt  }
0x53: {  	_ =	shalt  }
0x54: {  	_ =	shalt  }
0x55: {  	_ =	shalt  }
0x56: {  	_ =	shalt  }
0x57: {  	_ =	shalt  }
0x58: {  	_ =	shalt  }
0x59: {  	_ =	shalt  }
0x5a: {  	_ =	shalt  }
0x5b: {  	_ =	shalt  }
0x5c: {  	_ =	shalt  }
0x5d: {  	_ =	shalt  }
0x5e: {  	_ =	shalt  }
0x5f: {  	_ =	shalt  }
0x60: {  	_ =	shalt  }
0x61: {  	_ =	shalt  }
0x62: {  	_ =	shalt  }
0x63: {  	_ =	shalt  }
0x64: {  	_ =	shalt  }
0x65: {  	_ =	shalt  }
0x66: {  	_ =	shalt  }
0x67: {  	_ =	shalt  }
0x68: {  	_ =	shalt  }
0x69: {  	_ =	shalt  }
0x6a: {  	_ =	shalt  }
0x6b: {  	_ =	shalt  }
0x6c: {  	_ =	shalt  }
0x6d: {  	_ =	shalt  }
0x6e: {  	_ =	shalt  }
0x6f: {  	_ =	shalt  }
0x70: {  	_ =	shalt  }
0x71: {  	_ =	shalt  }
0x72: {  	_ =	shalt  }
0x73: {  	_ =	shalt  }
0x74: {  	_ =	shalt  }
0x75: {  	_ =	shalt  }
0x76: {  	_ =	shalt  }
0x77: {  	_ =	shalt  }
0x78: {  	_ =	shalt  }
0x79: {  	_ =	shalt  }
0x7a: {  	_ =	shalt  }
0x7b: {  	_ =	shalt  }
0x7c: {  	_ =	shalt  }
0x7d: {  	_ =	shalt  }
0x7e: {  	_ =	shalt  }
0x7f: {  	_ =	shalt  }
0x80: {  	_ =	shalt  }
0x81: {  	_ =	shalt  }
0x82: {  	_ =	shalt  }
0x83: {  	_ =	shalt  }
0x84: {  	_ =	shalt  }
0x85: {  	_ =	shalt  }
0x86: {  	_ =	shalt  }
0x87: {  	_ =	shalt  }
.Lfunc_end0:
.L_simem_size_0:
called_computation.1_lowered:
.L_overlay_start_0:
0x88: {  	s2 =	sld [smem:$0x3FD9]  }
0x89: {  	s3 =	sld [smem:$0x3FFE];
	_ =	sdelay $0x1  }
0x8a: {  	s1 =	srdreg.scid  }
0x8b: {  	s0 =	sand.u32 $0x1, s1  }
0x8c: {  	s17 =	sshll.u32 s0, $0xA;
	s2 =	sadd.s32 s3, s2  }
0x8d: {  	s2 =	sadd.s32 s2, s17  }
0x8e: {  	[smem:$0x3FBA] =	sst s2  }
0x8f: {  	_ = 	snop  }
0x90: {  	s2 =	sld [smem:$0x3FD0];
	(tm) =	ssettm $0x1  }
0x91: {  	s18 =	sld [smem:$0x3FFB];
	_ =	sdelay $0x3  }
0x92: {  	_ =	strace s18  }
0x93: {  	s3 =	sld [smem:$0x3FFC];
	_ =	sdelay $0x3  }
0x94: {  	_ =	strace s3  }
0x95: {  	s3 =	sld [smem:$0x3FFD];
	_ =	sdelay $0x3  }
0x96: {  	_ =	strace s3  }
0x97: {  	_ =	strace $0x8FFFFFFF  }
0x98: {  	s19 =	sld [smem:$0x3FDB];
	_ =	sdelay $0x1  }
0x99: {  	s4 =	simm.s32 $_scs_section_size  }
0x9a: {  	s5 =	simm.s32 $_size__tile_overlayer_lowered;
	s6 =	simm.s32 $_tile_overlayer_lowered  }
0x9b: {  	s22 =	simm.s32 $0x1BFF;
	s21 =	sshll.u32 s6, $0x1;
	s3 =	sadd.s32 s4, s19  }
0x9c: {  	s7 =	simm.s32 $0x0;
	s20 =	sshll.u32 s5, $0x1;
	s5 =	sadd.s32 s21, s3  }
0x9d: {  	[timem:s7], [sflag:s22] =	dma.local [hbm:s5], s20  }
0x9e: {  	_ =	swait.ge [sflag:s22], s20  }
0x9f: {  	s4 =	ssub.s32 $0x0, s20;
	[sflag:s22] =	ssyncset.done $0x0  }
0xa0: {  	[sflag:s22] =	ssyncadd.s32 s4;
	_ =	sdelay $0x1  }
0xa1: {  	s23 =	simm.s32 $0x1B8B  }
0xa2: {  	_ =	swait.ge [sflag:s23], $0x1  }
0xa3: {  	[sflag:s23] =	ssyncset.done $0x0  }
0xa4: {  	s25 =	simm.s32 $0x1B8E;
	s24 =	sld [smem:$0x3FFE];
	[sflag:s23] =	ssyncadd.s32 $0xFFFFFFFF  }
0xa5: {  	s26 =	simm.s32 $execute0_lowered;
	[smem:$0x3FD2] =	sst s25  }
0xa6: {  	s5 =	sshll.u32 s26, $0x1;
	_ =	strace $0x80000049;
	[dreg:$0x1] =	wrdreg $0xFFFFFFFF  }
0xa7: {  	s28 =	simm.s32 $_size_execute0_lowered;
	s3 =	sadd.s32 s3, s5;
	[dreg:$0x0] =	wrdreg $0x0  }
0xa8: {  	s5 =	sshll.u32 s28, $0x1;
	[dreg:$0x2] =	wrdreg s3  }
0xa9: {  	[dreg:$0x3] =	wrdreg s5  }
0xaa: {  	[dreg:$0x4] =	wrdreg $0xC0  }
0xab: {  	_ =	task [dreg:s7], $0x5FFFF  }
0xac: {  	[dreg:$0x1] =	wrdreg $0xFFFFFFFF  }
0xad: {  	[dreg:$0x0] =	wrdreg $0x60  }
0xae: {  	[dreg:$0x2] =	wrdreg s2  }
0xaf: {  	[dreg:$0x3] =	wrdreg s24  }
0xb0: {  	[dreg:$0x4] =	wrdreg $0x70000  }
0xb1: {  	[dreg:$0x5] =	wrdreg $0x9  }
0xb2: {  	_ =	task.clear_ibuf [dreg:s7], $0x6FFFF;
	_ =	strace $0x90000049  }
0xb3: {  	s29 =	simm.s32 $0x9;
	_ =	strace $0x8000004B  }
0xb4: {  	_ =	swait.ge [sflag:s29], $0x1  }
0xb5: {  	[sflag:s29] =	ssyncadd.s32 $0xFFFFFFFF  }
0xb6: {  	_ =	strace $0x9000004B  }
0xb7: {  	_ =	sfence  }
0xb8: {  	s30 =	sld [smem:$0x0];
	_ =	sdelay $0x2  }
0xb9: {  	s31 =	sshll.u32 s1, $0xD;
	s1 =	sshrl.u32 s1, $0x2  }
0xba: {  	s3 =	sand.u32 $0x4000, s31;
	s1 =	sadd.s32 s1, s30  }
0xbb: {  	s0 =	sor.u32 s3, s0;
	s1 =	sshll.u32 s1, $0x11  }
0xbc: {  	s0 =	sor.u32 s1, s0  }
0xbd: {  	s0 =	sadd.s32 $0x8F2B, s0  }
0xbe: {  	[sflag:s0] =	ssyncadd.remote.s32 $0x1  }
0xbf: {  	_ =	sfence.sel $0xFFFF  }
0xc0: {  	[dreg:$0x0] =	wrdreg $0xFFFFFFFF;
	(pc) =	sbr.abs _section_cstart, $3  }
0xc1: {  	[dreg:$0x1] =	wrdreg $0xFFFFFFFF  }
0xc2: {  	_ =	task.clear_ibuf [dreg:s7], $0x2FFFF;
	_ =	strace $0x9FFFFFFF  }
0xc3: {  	(tm) =	ssettm $0x7FFFFFFF  }
tec
execute0_lowered:
.L_overlay_start_1:
0x0: {  	(tag) =	ssettag $0x1  }
0x1: {  	s0 =	srdreg.scid;
	s1 =	rddreg [dreg:$0x0]  }
0x2: {  	s2 =	rddreg [dreg:$0x1];
	s9 =	stileid.u32  }
0x3: {  	s3 =	rddreg [dreg:$0x2];
	s28 =	simm.s32 $0x2000;
	s0 =	sand.u32 $0x1, s0  }
0x4: {  	s29 =	simm.s32 $0x3;
	s22 =	smul.u32 $0x14000, s9;
	s4 =	sshll.u32 s0, $0x4  }
0x5: {  	s30 =	simm.s32 $0x1000;
	s24 =	smul.u32 $0x50000, s9;
	s5 =	sor.u32 s9, s4  }
0x6: {  	s31 =	simm.s32 $0x50;
	p0 =	seq.s32 s9, $0xF;
	s5 =	smul.u32 $0x5000, s5  }
0x7: {  	s6 =	ssub.s32 $0x2, s0;
	s0 =	smul.u32 $0x138800, s0;
	s4 =	simm.s32 $0x0  }
0x8: {  	s7 =	sshrl.u32 s6, $0x1;
	s26 =	sshrl.u32 s24, $0x2;
	s5 =	sshrl.u32 s5, $0x3  }
0x9: {  	[smem:$0x7FF] =	sst s4;
	s6 =	ssub.s32 s6, s7;
	s5 =	sadd.s32 s5, s2  }
0xa: {  	s25 =	sadd.s32 s22, s0;
	s0 =	sshrl.u32 s0, $0x3;
	s16 =	sadd.s32 $0x4E00, s5  }
0xb: {  	_ =	strace $0x8000004A;
	s17 =	sadd.s32 $0x18E00, s5;
	[dreg:$0x4] =	wrdreg s16  }
0xc: {  	s7 =	simm.s32 $0xC00;
	s18 =	sadd.s32 $0x5000, s5;
	[dreg:$0x5] =	wrdreg s17  }
0xd: {  	s2 =	sadd.s32 $0x54000, s2;
	s19 =	sadd.s32 $0x19000, s5;
	[dreg:$0x6] =	wrdreg s18  }
0xe: {  	s20 =	sadd.s32 $0x5200, s5;
	s21 =	sadd.s32 $0x19200, s5;
	[dreg:$0x7] =	wrdreg s19  }
0xf: {  	s8 =	sadd.s32 $0x5400, s5;
	s23 =	sadd.s32 $0x19400, s5;
	[dreg:$0x8] =	wrdreg s20  }
0x10: {  	s13 =	sadd.s32 $0x5600, s5;
	s14 =	sadd.s32 $0x19600, s5;
	[dreg:$0x9] =	wrdreg s21  }
0x11: {  	s5 =	sshrl.u32 s25, $0x3;
	s0 =	sadd.s32 s2, s0;
	[dreg:$0xa] =	wrdreg s8  }
0x12: {  	[dreg:$0xb] =	wrdreg s23;
	s15 =	sadd.s32 s2, s5;
	s16 =	sadd.s32 s26, s3  }
0x13: {  	s17 =	sadd.s32 $0x25800, s0;
	s0 =	sadd.s32 $0x12C000, s3;
	s18 =	smax.u32 s6, $0x1  }
0x14: {  	s2 =	simm.s32 $0x4800;
	s5 =	simm.s32 $0x4;
	s6 =	simm.s32 $0x2  }
0x15: {  	s19 =	sadd.s32 $0x2800, s16;
	s20 =	sadd.s32 $0x5000, s16;
	s21 =	sadd.s32 $0x7800, s16  }
0x16: {  	s22 =	sadd.s32 $0xA000, s16;
	s23 =	sadd.s32 $0xC800, s16;
	s24 =	sadd.s32 $0xF000, s16  }
0x17: {  	v0 =	vimm.f32 $0.0e+00;
	s25 =	sshrl.u32 @p0 s0, $0x3;
	s26 =	sadd.s32 $0x11800, s16;
	s0 =	simm.s32 $0x1  }
.LBB2_1:
0x18: {  	s8 =	simm.s32 $0x0;
	s9 =	simm.s32 $0x200  }
.LBB2_2:
0x19: {  	p1 =	sne.s32 s9, $0x9E00;
	[tilespmem:s8+$0x2070] =	vst v0  }
0x1a: {  	[tilespmem:s8+$0x2000] =	vst v0  }
0x1b: {  	[tilespmem:s8+$0x2010] =	vst v0  }
.Ltmp0:
0x1c: {  	[tilespmem:s8+$0x2020] =	vst v0;
	(pc) =	sbr.rel @p1 .LBB2_2-.Ltmp0, $4  }
0x1d: {  	[tilespmem:s8+$0x2030] =	vst v0  }
0x1e: {  	[tilespmem:s8+$0x2040] =	vst v0  }
0x1f: {  	[tilespmem:s8+$0x2050] =	vst v0  }
0x20: {  	[tilespmem:s8+$0x2060] =	vst v0;
	s8 =	sshra.s32 s9, $0x2;
	s9 =	sadd.s32 $0x200, s9  }
0x21: {  	[tilespmem:s8+$0x2070] =	vst v0  }
0x22: {  	[tilespmem:s8+$0x2000] =	vst v0  }
0x23: {  	[tilespmem:s8+$0x2010] =	vst v0  }
0x24: {  	[tilespmem:s8+$0x2020] =	vst v0  }
0x25: {  	[tilespmem:s8+$0x2030] =	vst v0  }
0x26: {  	[tilespmem:s8+$0x2040] =	vst v0  }
0x27: {  	[tilespmem:s8+$0x2050] =	vst v0  }
0x28: {  	[tilespmem:s8+$0x2060] =	vst v0  }
0x29: {  	[spmem:s16] =	stream.linear.scatter [tilespmem:s28], [sflag:$0x3], $0x2800, $0x38;
	[tilespmem:$0x1B000] =	vst v63  }
0x2a: {  	_ =	swait.ge [sflag:s29], $0x2800  }
0x2b: {  	[sflag:s29] =	ssyncset.done $0x0  }
0x2c: {  	[sflag:s29] =	ssyncadd.s32 $0xFFFFD800  }
0x2d: {  	[spmem:s19] =	stream.linear.scatter [tilespmem:s28], [sflag:$0x3], $0x2800, $0x38;
	[tilespmem:$0x1B000] =	vst v63  }
0x2e: {  	_ =	swait.ge [sflag:s29], $0x2800  }
0x2f: {  	[sflag:s29] =	ssyncset.done $0x0  }
0x30: {  	[sflag:s29] =	ssyncadd.s32 $0xFFFFD800  }
0x31: {  	[spmem:s20] =	stream.linear.scatter [tilespmem:s28], [sflag:$0x3], $0x2800, $0x38;
	[tilespmem:$0x1B000] =	vst v63  }
0x32: {  	_ =	swait.ge [sflag:s29], $0x2800  }
0x33: {  	[sflag:s29] =	ssyncset.done $0x0  }
0x34: {  	[sflag:s29] =	ssyncadd.s32 $0xFFFFD800  }
0x35: {  	[spmem:s21] =	stream.linear.scatter [tilespmem:s28], [sflag:$0x3], $0x2800, $0x38;
	[tilespmem:$0x1B000] =	vst v63  }
0x36: {  	_ =	swait.ge [sflag:s29], $0x2800  }
0x37: {  	[sflag:s29] =	ssyncset.done $0x0  }
0x38: {  	[sflag:s29] =	ssyncadd.s32 $0xFFFFD800  }
0x39: {  	[spmem:s22] =	stream.linear.scatter [tilespmem:s28], [sflag:$0x3], $0x2800, $0x38;
	[tilespmem:$0x1B000] =	vst v63  }
0x3a: {  	_ =	swait.ge [sflag:s29], $0x2800  }
0x3b: {  	[sflag:s29] =	ssyncset.done $0x0  }
0x3c: {  	[sflag:s29] =	ssyncadd.s32 $0xFFFFD800  }
0x3d: {  	[spmem:s23] =	stream.linear.scatter [tilespmem:s28], [sflag:$0x3], $0x2800, $0x38;
	[tilespmem:$0x1B000] =	vst v63  }
0x3e: {  	_ =	swait.ge [sflag:s29], $0x2800  }
0x3f: {  	[sflag:s29] =	ssyncset.done $0x0  }
0x40: {  	[sflag:s29] =	ssyncadd.s32 $0xFFFFD800  }
0x41: {  	[spmem:s24] =	stream.linear.scatter [tilespmem:s28], [sflag:$0x3], $0x2800, $0x38;
	[tilespmem:$0x1B000] =	vst v63  }
0x42: {  	_ =	swait.ge [sflag:s29], $0x2800  }
0x43: {  	[sflag:s29] =	ssyncset.done $0x0  }
0x44: {  	[sflag:s29] =	ssyncadd.s32 $0xFFFFD800  }
0x45: {  	[spmem:s26] =	stream.linear.scatter [tilespmem:s28], [sflag:$0x3], $0x2800, $0x38;
	[tilespmem:$0x1B000] =	vst v63  }
0x46: {  	_ =	swait.ge [sflag:s29], $0x2800  }
0x47: {  	[sflag:s29] =	ssyncset.done $0x0  }
0x48: {  	[sflag:s29] =	ssyncadd.s32 $0xFFFFD800  }
0x49: {  	[bflag:$0x0] =	sbarrier.arrive $0xFFFF  }
0x4a: {  	s11 =	simm.s32 $0x0;
	s9 =	rddreg [dreg:$0x4]  }
0x4b: {  	[tilespmem:s11], [sflag:$0x3] =	stream.linear.gather [hbm4b:s9+s11], $0xC80, $0x38;
	[tilespmem:$0x1B000] =	vst v63  }
0x4c: {  	_ =	swait.ge [sflag:s29], $0xC80  }
0x4d: {  	[sflag:s29] =	ssyncset.done $0x0  }
0x4e: {  	s12 =	rddreg [dreg:$0x5];
	[sflag:s29] =	ssyncadd.s32 $0xFFFFF380  }
0x4f: {  	[tilespmem:s30], [sflag:$0x3] =	stream.linear.gather [hbm4b:s12+s11], $0xC80, $0x38;
	[tilespmem:$0x1B000] =	vst v63  }
0x50: {  	_ =	swait.ge [sflag:s29], $0xC80  }
0x51: {  	[sflag:s29] =	ssyncset.done $0x0  }
0x52: {  	s8 =	simm.s32 $0x0;
	[sflag:s29] =	ssyncadd.s32 $0xFFFFF380  }
0x53: {  	v5 =	vld [tilespmem:s8+$0x1000]  }
0x54: {  	v4 =	vld [tilespmem:s8+$0x1010]  }
0x55: {  	v3 =	vld [tilespmem:s8+$0x1020]  }
0x56: {  	v2 =	vld [tilespmem:s8+$0x1030]  }
0x57: {  	v1 =	vld [tilespmem:s8+$0x1040]  }
0x58: {  	v9 =	vld [tilespmem:s8+$0x0]  }
0x59: {  	v8 =	vld [tilespmem:s8+$0x10]  }
0x5a: {  	v7 =	vld [tilespmem:s8+$0x20]  }
0x5b: {  	s9 =	simm.s32 $0x200;
	v6 =	vld [tilespmem:s8+$0x30]  }
.LBB2_4:
0x5c: {  	s10 =	sshra.s32 s9, $0x2;
	p1 =	sne.s32 s9, $0x3000;
	v10 =	vld [tilespmem:s8+$0x40]  }
0x5d: {  	vm0 =	veq.s32 v9, v5;
	v5 =	vld [tilespmem:s10+$0x1000]  }
0x5e: {  	v9 =	vsel vm0, $0x2710, v9;
	vm0 =	veq.s32 v8, v4;
	v4 =	vld [tilespmem:s10+$0x1010]  }
0x5f: {  	[tilespmem:s8+$0x0] =	vst v9;
	v8 =	vsel vm0, $0x2710, v8;
	vm0 =	veq.s32 v7, v3;
	v3 =	vld [tilespmem:s10+$0x1020]  }
0x60: {  	[tilespmem:s8+$0x10] =	vst v8;
	v7 =	vsel vm0, $0x2710, v7;
	vm0 =	veq.s32 v6, v2;
	v2 =	vld [tilespmem:s10+$0x1030]  }
.Ltmp1:
0x61: {  	[tilespmem:s8+$0x20] =	vst v7;
	v6 =	vsel vm0, $0x2710, v6;
	vm0 =	veq.s32 v10, v1;
	v1 =	vld [tilespmem:s10+$0x1040];
	(pc) =	sbr.rel @p1 .LBB2_4-.Ltmp1, $4  }
0x62: {  	v9 =	vld [tilespmem:s10+$0x0];
	[tilespmem:s8+$0x30] =	vst v6;
	v6 =	vsel vm0, $0x2710, v10  }
0x63: {  	v8 =	vld [tilespmem:s10+$0x10];
	[tilespmem:s8+$0x40] =	vst v6;
	s8 =	smov.u32 s10  }
0x64: {  	v7 =	vld [tilespmem:s8+$0x20]  }
0x65: {  	s9 =	sadd.s32 $0x200, s9;
	v6 =	vld [tilespmem:s8+$0x30]  }
0x66: {  	v10 =	vld [tilespmem:s8+$0x40]  }
0x67: {  	vm0 =	veq.s32 v9, v5  }
0x68: {  	v5 =	vsel vm0, $0x2710, v9;
	vm12 =	veq.s32 v8, v4  }
0x69: {  	[tilespmem:s8+$0x0] =	vst v5;
	v4 =	vsel vm12, $0x2710, v8;
	vm13 =	veq.s32 v7, v3  }
0x6a: {  	[tilespmem:s8+$0x10] =	vst v4;
	v3 =	vsel vm13, $0x2710, v7;
	vm14 =	veq.s32 v6, v2  }
0x6b: {  	[tilespmem:s8+$0x20] =	vst v3;
	v2 =	vsel vm14, $0x2710, v6;
	vm15 =	veq.s32 v10, v1  }
0x6c: {  	[tilespmem:s8+$0x30] =	vst v2;
	v1 =	vsel vm15, $0x2710, v10  }
0x6d: {  	[tilespmem:s8+$0x40] =	vst v1  }
0x6e: {  	[tilespmem:s28], [sflag:$0x1] =	stream.indirect.gather [hbm4b:s1+s31], $0x80, s30, s31, $0xb8;
	[tilespmem:$0x1B000] =	vst v63  }
0x6f: {  	s9 =	simm.s32 $0x1080  }
0x70: {  	[tilespmem:s2], [sflag:$0x2] =	stream.indirect.gather [hbm4b:s1+s31], $0x80, s9, s31, $0xb8;
	[tilespmem:$0x1B000] =	vst v63  }
0x71: {  	_ =	swait.ge [sflag:s0], $0x2800  }
0x72: {  	[sflag:s0] =	ssyncset.done $0x0  }
0x73: {  	s10 =	simm.s32 $0x0;
	[sflag:s0] =	ssyncadd.s32 $0xFFFFD800  }
0x74: {  	[spmem:s3] =	stream.indirect.scatter.add.f32 [tilespmem:s28], [sflag:$0x4], $0x80, s10, s31, $0xb8;
	[tilespmem:$0x1B000] =	vst v63  }
0x75: {  	_ =	swait.ge [sflag:s5], $0x2800  }
0x76: {  	[sflag:s5] =	ssyncset.done $0x0  }
0x77: {  	s11 =	simm.s32 $0x1100;
	[sflag:s5] =	ssyncadd.s32 $0xFFFFD800  }
0x78: {  	[tilespmem:s28], [sflag:$0x1] =	stream.indirect.gather [hbm4b:s1+s31], $0x80, s11, s31, $0xb8;
	[tilespmem:$0x1B000] =	vst v63  }
0x79: {  	_ =	swait.ge [sflag:s6], $0x2800  }
0x7a: {  	[sflag:s6] =	ssyncset.done $0x0  }
0x7b: {  	s12 =	simm.s32 $0x80;
	[sflag:s6] =	ssyncadd.s32 $0xFFFFD800  }
0x7c: {  	[spmem:s3] =	stream.indirect.scatter.add.f32 [tilespmem:s2], [sflag:$0x3], $0x80, s12, s31, $0xb8;
	[tilespmem:$0x1B000] =	vst v63  }
0x7d: {  	_ =	swait.ge [sflag:s29], $0x2800  }
0x7e: {  	s8 =	simm.s32 $0x100;
	s9 =	simm.s32 $0x800;
	[sflag:s29] =	ssyncset.done $0x0  }
.LBB2_6:
0x7f: {  	s10 =	sadd.s32 $0x1080, s8  }
0x80: {  	[sflag:s29] =	ssyncadd.s32 $0xFFFFD800;
	s11 =	smov.u32 s9;
	s12 =	sadd.s32 $0x400, s9  }
0x81: {  	[tilespmem:s2], [sflag:$0x2] =	stream.indirect.gather [hbm4b:s1+s31], $0x80, s10, s31, $0xb8;
	[tilespmem:$0x1B000] =	vst v63  }
0x82: {  	p1 =	sne.s32 s9, $0x2C00;
	_ =	swait.ge [sflag:s0], $0x2800  }
0x83: {  	[sflag:s0] =	ssyncset.done $0x0  }
0x84: {  	[sflag:s0] =	ssyncadd.s32 $0xFFFFD800  }
0x85: {  	[spmem:s3] =	stream.indirect.scatter.add.f32 [tilespmem:s28], [sflag:$0x4], $0x80, s8, s31, $0xb8;
	[tilespmem:$0x1B000] =	vst v63  }
0x86: {  	_ =	swait.ge [sflag:s5], $0x2800  }
0x87: {  	[sflag:s5] =	ssyncset.done $0x0  }
0x88: {  	s9 =	sadd.s32 $0x1100, s8;
	[sflag:s5] =	ssyncadd.s32 $0xFFFFD800  }
0x89: {  	[tilespmem:s28], [sflag:$0x1] =	stream.indirect.gather [hbm4b:s1+s31], $0x80, s9, s31, $0xb8;
	[tilespmem:$0x1B000] =	vst v63  }
0x8a: {  	_ =	swait.ge [sflag:s6], $0x2800  }
.Ltmp2:
0x8b: {  	[sflag:s6] =	ssyncset.done $0x0;
	(pc) =	sbr.rel @p1 .LBB2_6-.Ltmp2, $4  }
0x8c: {  	s8 =	sadd.s32 $0x80, s8;
	[sflag:s6] =	ssyncadd.s32 $0xFFFFD800  }
0x8d: {  	[spmem:s3] =	stream.indirect.scatter.add.f32 [tilespmem:s2], [sflag:$0x3], $0x80, s8, s31, $0xb8;
	[tilespmem:$0x1B000] =	vst v63  }
0x8e: {  	_ =	swait.ge [sflag:s29], $0x2800  }
0x8f: {  	s9 =	smov.u32 s12;
	s8 =	sshra.s32 s11, $0x2;
	[sflag:s29] =	ssyncset.done $0x0  }
0x90: {  	s9 =	sadd.s32 $0x1080, s8;
	[sflag:s29] =	ssyncadd.s32 $0xFFFFD800  }
0x91: {  	[tilespmem:s2], [sflag:$0x2] =	stream.indirect.gather [hbm4b:s1+s31], $0x80, s9, s31, $0xb8;
	[tilespmem:$0x1B000] =	vst v63  }
0x92: {  	_ =	swait.ge [sflag:s0], $0x2800  }
0x93: {  	[sflag:s0] =	ssyncset.done $0x0  }
0x94: {  	[sflag:s0] =	ssyncadd.s32 $0xFFFFD800  }
0x95: {  	[spmem:s3] =	stream.indirect.scatter.add.f32 [tilespmem:s28], [sflag:$0x4], $0x80, s8, s31, $0xb8;
	[tilespmem:$0x1B000] =	vst v63  }
0x96: {  	_ =	swait.ge [sflag:s5], $0x2800  }
0x97: {  	[sflag:s5] =	ssyncset.done $0x0  }
0x98: {  	s12 =	sadd.s32 $0x1100, s8;
	[sflag:s5] =	ssyncadd.s32 $0xFFFFD800  }
0x99: {  	[tilespmem:s28], [sflag:$0x1] =	stream.indirect.gather [hbm4b:s1+s31], $0x80, s12, s31, $0xb8;
	[tilespmem:$0x1B000] =	vst v63  }
0x9a: {  	_ =	swait.ge [sflag:s6], $0x2800  }
0x9b: {  	[sflag:s6] =	ssyncset.done $0x0  }
0x9c: {  	s9 =	sadd.s32 $0x80, s8;
	[sflag:s6] =	ssyncadd.s32 $0xFFFFD800  }
0x9d: {  	[spmem:s3] =	stream.indirect.scatter.add.f32 [tilespmem:s2], [sflag:$0x3], $0x80, s9, s31, $0xb8;
	[tilespmem:$0x1B000] =	vst v63  }
0x9e: {  	_ =	swait.ge [sflag:s29], $0x2800  }
0x9f: {  	[sflag:s29] =	ssyncset.done $0x0  }
0xa0: {  	[sflag:s29] =	ssyncadd.s32 $0xFFFFD800  }
0xa1: {  	_ =	swait.ge [sflag:s0], $0x2800  }
0xa2: {  	[sflag:s0] =	ssyncset.done $0x0  }
0xa3: {  	[sflag:s0] =	ssyncadd.s32 $0xFFFFD800  }
0xa4: {  	[spmem:s3] =	stream.indirect.scatter.add.f32 [tilespmem:s28], [sflag:$0x4], $0x80, s7, s31, $0xb8;
	[tilespmem:$0x1B000] =	vst v63  }
0xa5: {  	_ =	swait.ge [sflag:s5], $0x2800  }
0xa6: {  	[sflag:s5] =	ssyncset.done $0x0  }
0xa7: {  	s10 =	simm.s32 $0x0;
	s11 =	rddreg [dreg:$0x6];
	[sflag:s5] =	ssyncadd.s32 $0xFFFFD800  }
0xa8: {  	[tilespmem:s10], [sflag:$0x3] =	stream.linear.gather [hbm4b:s11+s10], $0xC80, $0x38;
	[tilespmem:$0x1B000] =	vst v63  }
0xa9: {  	_ =	swait.ge [sflag:s29], $0xC80  }
0xaa: {  	[sflag:s29] =	ssyncset.done $0x0  }
0xab: {  	s12 =	rddreg [dreg:$0x7];
	[sflag:s29] =	ssyncadd.s32 $0xFFFFF380  }
0xac: {  	[tilespmem:s30], [sflag:$0x3] =	stream.linear.gather [hbm4b:s12+s10], $0xC80, $0x38;
	[tilespmem:$0x1B000] =	vst v63  }
0xad: {  	_ =	swait.ge [sflag:s29], $0xC80  }
0xae: {  	[sflag:s29] =	ssyncset.done $0x0  }
0xaf: {  	s8 =	simm.s32 $0x0;
	[sflag:s29] =	ssyncadd.s32 $0xFFFFF380  }
0xb0: {  	v5 =	vld [tilespmem:s8+$0x1000]  }
0xb1: {  	v4 =	vld [tilespmem:s8+$0x1010]  }
0xb2: {  	v3 =	vld [tilespmem:s8+$0x1020]  }
0xb3: {  	v2 =	vld [tilespmem:s8+$0x1030]  }
0xb4: {  	v1 =	vld [tilespmem:s8+$0x1040]  }
0xb5: {  	v9 =	vld [tilespmem:s8+$0x0]  }
0xb6: {  	v8 =	vld [tilespmem:s8+$0x10]  }
0xb7: {  	v7 =	vld [tilespmem:s8+$0x20]  }
0xb8: {  	s9 =	simm.s32 $0x200;
	v6 =	vld [tilespmem:s8+$0x30]  }
.LBB2_8:
0xb9: {  	s10 =	sshra.s32 s9, $0x2;
	p1 =	sne.s32 s9, $0x3000;
	v10 =	vld [tilespmem:s8+$0x40]  }
0xba: {  	vm0 =	veq.s32 v9, v5;
	v5 =	vld [tilespmem:s10+$0x1000]  }
0xbb: {  	v9 =	vsel vm0, $0x2710, v9;
	vm0 =	veq.s32 v8, v4;
	v4 =	vld [tilespmem:s10+$0x1010]  }
0xbc: {  	[tilespmem:s8+$0x0] =	vst v9;
	v8 =	vsel vm0, $0x2710, v8;
	vm0 =	veq.s32 v7, v3;
	v3 =	vld [tilespmem:s10+$0x1020]  }
0xbd: {  	[tilespmem:s8+$0x10] =	vst v8;
	v7 =	vsel vm0, $0x2710, v7;
	vm0 =	veq.s32 v6, v2;
	v2 =	vld [tilespmem:s10+$0x1030]  }
.Ltmp3:
0xbe: {  	[tilespmem:s8+$0x20] =	vst v7;
	v6 =	vsel vm0, $0x2710, v6;
	vm0 =	veq.s32 v10, v1;
	v1 =	vld [tilespmem:s10+$0x1040];
	(pc) =	sbr.rel @p1 .LBB2_8-.Ltmp3, $4  }
0xbf: {  	v9 =	vld [tilespmem:s10+$0x0];
	[tilespmem:s8+$0x30] =	vst v6;
	v6 =	vsel vm0, $0x2710, v10  }
0xc0: {  	v8 =	vld [tilespmem:s10+$0x10];
	[tilespmem:s8+$0x40] =	vst v6;
	s8 =	smov.u32 s10  }
0xc1: {  	v7 =	vld [tilespmem:s8+$0x20]  }
0xc2: {  	s9 =	sadd.s32 $0x200, s9;
	v6 =	vld [tilespmem:s8+$0x30]  }
0xc3: {  	v10 =	vld [tilespmem:s8+$0x40]  }
0xc4: {  	vm0 =	veq.s32 v9, v5  }
0xc5: {  	v5 =	vsel vm0, $0x2710, v9;
	vm12 =	veq.s32 v8, v4  }
0xc6: {  	[tilespmem:s8+$0x0] =	vst v5;
	v4 =	vsel vm12, $0x2710, v8;
	vm13 =	veq.s32 v7, v3  }
0xc7: {  	[tilespmem:s8+$0x10] =	vst v4;
	v3 =	vsel vm13, $0x2710, v7;
	vm14 =	veq.s32 v6, v2  }
0xc8: {  	[tilespmem:s8+$0x20] =	vst v3;
	v2 =	vsel vm14, $0x2710, v6;
	vm15 =	veq.s32 v10, v1  }
0xc9: {  	[tilespmem:s8+$0x30] =	vst v2;
	v1 =	vsel vm15, $0x2710, v10  }
0xca: {  	[tilespmem:s8+$0x40] =	vst v1  }
0xcb: {  	[tilespmem:s28], [sflag:$0x1] =	stream.indirect.gather [hbm4b:s1+s31], $0x80, s30, s31, $0xb8;
	[tilespmem:$0x1B000] =	vst v63  }
0xcc: {  	s9 =	simm.s32 $0x1080  }
0xcd: {  	[tilespmem:s2], [sflag:$0x2] =	stream.indirect.gather [hbm4b:s1+s31], $0x80, s9, s31, $0xb8;
	[tilespmem:$0x1B000] =	vst v63  }
0xce: {  	_ =	swait.ge [sflag:s0], $0x2800  }
0xcf: {  	[sflag:s0] =	ssyncset.done $0x0  }
0xd0: {  	s10 =	simm.s32 $0x0;
	[sflag:s0] =	ssyncadd.s32 $0xFFFFD800  }
0xd1: {  	[spmem:s3] =	stream.indirect.scatter.add.f32 [tilespmem:s28], [sflag:$0x4], $0x80, s10, s31, $0xb8;
	[tilespmem:$0x1B000] =	vst v63  }
0xd2: {  	_ =	swait.ge [sflag:s5], $0x2800  }
0xd3: {  	[sflag:s5] =	ssyncset.done $0x0  }
0xd4: {  	s11 =	simm.s32 $0x1100;
	[sflag:s5] =	ssyncadd.s32 $0xFFFFD800  }
0xd5: {  	[tilespmem:s28], [sflag:$0x1] =	stream.indirect.gather [hbm4b:s1+s31], $0x80, s11, s31, $0xb8;
	[tilespmem:$0x1B000] =	vst v63  }
0xd6: {  	_ =	swait.ge [sflag:s6], $0x2800  }
0xd7: {  	[sflag:s6] =	ssyncset.done $0x0  }
0xd8: {  	s12 =	simm.s32 $0x80;
	[sflag:s6] =	ssyncadd.s32 $0xFFFFD800  }
0xd9: {  	[spmem:s3] =	stream.indirect.scatter.add.f32 [tilespmem:s2], [sflag:$0x3], $0x80, s12, s31, $0xb8;
	[tilespmem:$0x1B000] =	vst v63  }
0xda: {  	_ =	swait.ge [sflag:s29], $0x2800  }
0xdb: {  	s8 =	simm.s32 $0x100;
	s9 =	simm.s32 $0x800;
	[sflag:s29] =	ssyncset.done $0x0  }
.LBB2_10:
0xdc: {  	s10 =	sadd.s32 $0x1080, s8  }
0xdd: {  	[sflag:s29] =	ssyncadd.s32 $0xFFFFD800;
	s11 =	smov.u32 s9;
	s12 =	sadd.s32 $0x400, s9  }
0xde: {  	[tilespmem:s2], [sflag:$0x2] =	stream.indirect.gather [hbm4b:s1+s31], $0x80, s10, s31, $0xb8;
	[tilespmem:$0x1B000] =	vst v63  }
0xdf: {  	p1 =	sne.s32 s9, $0x2C00;
	_ =	swait.ge [sflag:s0], $0x2800  }
0xe0: {  	[sflag:s0] =	ssyncset.done $0x0  }
0xe1: {  	[sflag:s0] =	ssyncadd.s32 $0xFFFFD800  }
0xe2: {  	[spmem:s3] =	stream.indirect.scatter.add.f32 [tilespmem:s28], [sflag:$0x4], $0x80, s8, s31, $0xb8;
	[tilespmem:$0x1B000] =	vst v63  }
0xe3: {  	_ =	swait.ge [sflag:s5], $0x2800  }
0xe4: {  	[sflag:s5] =	ssyncset.done $0x0  }
0xe5: {  	s9 =	sadd.s32 $0x1100, s8;
	[sflag:s5] =	ssyncadd.s32 $0xFFFFD800  }
0xe6: {  	[tilespmem:s28], [sflag:$0x1] =	stream.indirect.gather [hbm4b:s1+s31], $0x80, s9, s31, $0xb8;
	[tilespmem:$0x1B000] =	vst v63  }
0xe7: {  	_ =	swait.ge [sflag:s6], $0x2800  }
.Ltmp4:
0xe8: {  	[sflag:s6] =	ssyncset.done $0x0;
	(pc) =	sbr.rel @p1 .LBB2_10-.Ltmp4, $4  }
0xe9: {  	s8 =	sadd.s32 $0x80, s8;
	[sflag:s6] =	ssyncadd.s32 $0xFFFFD800  }
0xea: {  	[spmem:s3] =	stream.indirect.scatter.add.f32 [tilespmem:s2], [sflag:$0x3], $0x80, s8, s31, $0xb8;
	[tilespmem:$0x1B000] =	vst v63  }
0xeb: {  	_ =	swait.ge [sflag:s29], $0x2800  }
0xec: {  	s9 =	smov.u32 s12;
	s8 =	sshra.s32 s11, $0x2;
	[sflag:s29] =	ssyncset.done $0x0  }
0xed: {  	s9 =	sadd.s32 $0x1080, s8;
	[sflag:s29] =	ssyncadd.s32 $0xFFFFD800  }
0xee: {  	[tilespmem:s2], [sflag:$0x2] =	stream.indirect.gather [hbm4b:s1+s31], $0x80, s9, s31, $0xb8;
	[tilespmem:$0x1B000] =	vst v63  }
0xef: {  	_ =	swait.ge [sflag:s0], $0x2800  }
0xf0: {  	[sflag:s0] =	ssyncset.done $0x0  }
0xf1: {  	[sflag:s0] =	ssyncadd.s32 $0xFFFFD800  }
0xf2: {  	[spmem:s3] =	stream.indirect.scatter.add.f32 [tilespmem:s28], [sflag:$0x4], $0x80, s8, s31, $0xb8;
	[tilespmem:$0x1B000] =	vst v63  }
0xf3: {  	_ =	swait.ge [sflag:s5], $0x2800  }
0xf4: {  	[sflag:s5] =	ssyncset.done $0x0  }
0xf5: {  	s12 =	sadd.s32 $0x1100, s8;
	[sflag:s5] =	ssyncadd.s32 $0xFFFFD800  }
0xf6: {  	[tilespmem:s28], [sflag:$0x1] =	stream.indirect.gather [hbm4b:s1+s31], $0x80, s12, s31, $0xb8;
	[tilespmem:$0x1B000] =	vst v63  }
0xf7: {  	_ =	swait.ge [sflag:s6], $0x2800  }
0xf8: {  	[sflag:s6] =	ssyncset.done $0x0  }
0xf9: {  	s9 =	sadd.s32 $0x80, s8;
	[sflag:s6] =	ssyncadd.s32 $0xFFFFD800  }
0xfa: {  	[spmem:s3] =	stream.indirect.scatter.add.f32 [tilespmem:s2], [sflag:$0x3], $0x80, s9, s31, $0xb8;
	[tilespmem:$0x1B000] =	vst v63  }
0xfb: {  	_ =	swait.ge [sflag:s29], $0x2800  }
0xfc: {  	[sflag:s29] =	ssyncset.done $0x0  }
0xfd: {  	[sflag:s29] =	ssyncadd.s32 $0xFFFFD800  }
0xfe: {  	_ =	swait.ge [sflag:s0], $0x2800  }
0xff: {  	[sflag:s0] =	ssyncset.done $0x0  }
0x100: {  	[sflag:s0] =	ssyncadd.s32 $0xFFFFD800  }
0x101: {  	[spmem:s3] =	stream.indirect.scatter.add.f32 [tilespmem:s28], [sflag:$0x4], $0x80, s7, s31, $0xb8;
	[tilespmem:$0x1B000] =	vst v63  }
0x102: {  	_ =	swait.ge [sflag:s5], $0x2800  }
0x103: {  	[sflag:s5] =	ssyncset.done $0x0  }
0x104: {  	s10 =	simm.s32 $0x0;
	s11 =	rddreg [dreg:$0x8];
	[sflag:s5] =	ssyncadd.s32 $0xFFFFD800  }
0x105: {  	[tilespmem:s10], [sflag:$0x3] =	stream.linear.gather [hbm4b:s11+s10], $0xC80, $0x38;
	[tilespmem:$0x1B000] =	vst v63  }
0x106: {  	_ =	swait.ge [sflag:s29], $0xC80  }
0x107: {  	[sflag:s29] =	ssyncset.done $0x0  }
0x108: {  	s12 =	rddreg [dreg:$0x9];
	[sflag:s29] =	ssyncadd.s32 $0xFFFFF380  }
0x109: {  	[tilespmem:s30], [sflag:$0x3] =	stream.linear.gather [hbm4b:s12+s10], $0xC80, $0x38;
	[tilespmem:$0x1B000] =	vst v63  }
0x10a: {  	_ =	swait.ge [sflag:s29], $0xC80  }
0x10b: {  	[sflag:s29] =	ssyncset.done $0x0  }
0x10c: {  	s8 =	simm.s32 $0x0;
	[sflag:s29] =	ssyncadd.s32 $0xFFFFF380  }
0x10d: {  	v5 =	vld [tilespmem:s8+$0x1000]  }
0x10e: {  	v4 =	vld [tilespmem:s8+$0x1010]  }
0x10f: {  	v3 =	vld [tilespmem:s8+$0x1020]  }
0x110: {  	v2 =	vld [tilespmem:s8+$0x1030]  }
0x111: {  	v1 =	vld [tilespmem:s8+$0x1040]  }
0x112: {  	v9 =	vld [tilespmem:s8+$0x0]  }
0x113: {  	v8 =	vld [tilespmem:s8+$0x10]  }
0x114: {  	v7 =	vld [tilespmem:s8+$0x20]  }
0x115: {  	s9 =	simm.s32 $0x200;
	v6 =	vld [tilespmem:s8+$0x30]  }
.LBB2_12:
0x116: {  	s10 =	sshra.s32 s9, $0x2;
	p1 =	sne.s32 s9, $0x3000;
	v10 =	vld [tilespmem:s8+$0x40]  }
0x117: {  	vm0 =	veq.s32 v9, v5;
	v5 =	vld [tilespmem:s10+$0x1000]  }
0x118: {  	v9 =	vsel vm0, $0x2710, v9;
	vm0 =	veq.s32 v8, v4;
	v4 =	vld [tilespmem:s10+$0x1010]  }
0x119: {  	[tilespmem:s8+$0x0] =	vst v9;
	v8 =	vsel vm0, $0x2710, v8;
	vm0 =	veq.s32 v7, v3;
	v3 =	vld [tilespmem:s10+$0x1020]  }
0x11a: {  	[tilespmem:s8+$0x10] =	vst v8;
	v7 =	vsel vm0, $0x2710, v7;
	vm0 =	veq.s32 v6, v2;
	v2 =	vld [tilespmem:s10+$0x1030]  }
.Ltmp5:
0x11b: {  	[tilespmem:s8+$0x20] =	vst v7;
	v6 =	vsel vm0, $0x2710, v6;
	vm0 =	veq.s32 v10, v1;
	v1 =	vld [tilespmem:s10+$0x1040];
	(pc) =	sbr.rel @p1 .LBB2_12-.Ltmp5, $4  }
0x11c: {  	v9 =	vld [tilespmem:s10+$0x0];
	[tilespmem:s8+$0x30] =	vst v6;
	v6 =	vsel vm0, $0x2710, v10  }
0x11d: {  	v8 =	vld [tilespmem:s10+$0x10];
	[tilespmem:s8+$0x40] =	vst v6;
	s8 =	smov.u32 s10  }
0x11e: {  	v7 =	vld [tilespmem:s8+$0x20]  }
0x11f: {  	s9 =	sadd.s32 $0x200, s9;
	v6 =	vld [tilespmem:s8+$0x30]  }
0x120: {  	v10 =	vld [tilespmem:s8+$0x40]  }
0x121: {  	vm0 =	veq.s32 v9, v5  }
0x122: {  	v5 =	vsel vm0, $0x2710, v9;
	vm12 =	veq.s32 v8, v4  }
0x123: {  	[tilespmem:s8+$0x0] =	vst v5;
	v4 =	vsel vm12, $0x2710, v8;
	vm13 =	veq.s32 v7, v3  }
0x124: {  	[tilespmem:s8+$0x10] =	vst v4;
	v3 =	vsel vm13, $0x2710, v7;
	vm14 =	veq.s32 v6, v2  }
0x125: {  	[tilespmem:s8+$0x20] =	vst v3;
	v2 =	vsel vm14, $0x2710, v6;
	vm15 =	veq.s32 v10, v1  }
0x126: {  	[tilespmem:s8+$0x30] =	vst v2;
	v1 =	vsel vm15, $0x2710, v10  }
0x127: {  	[tilespmem:s8+$0x40] =	vst v1  }
0x128: {  	[tilespmem:s28], [sflag:$0x1] =	stream.indirect.gather [hbm4b:s1+s31], $0x80, s30, s31, $0xb8;
	[tilespmem:$0x1B000] =	vst v63  }
0x129: {  	s9 =	simm.s32 $0x1080  }
0x12a: {  	[tilespmem:s2], [sflag:$0x2] =	stream.indirect.gather [hbm4b:s1+s31], $0x80, s9, s31, $0xb8;
	[tilespmem:$0x1B000] =	vst v63  }
0x12b: {  	_ =	swait.ge [sflag:s0], $0x2800  }
0x12c: {  	[sflag:s0] =	ssyncset.done $0x0  }
0x12d: {  	s10 =	simm.s32 $0x0;
	[sflag:s0] =	ssyncadd.s32 $0xFFFFD800  }
0x12e: {  	[spmem:s3] =	stream.indirect.scatter.add.f32 [tilespmem:s28], [sflag:$0x4], $0x80, s10, s31, $0xb8;
	[tilespmem:$0x1B000] =	vst v63  }
0x12f: {  	_ =	swait.ge [sflag:s5], $0x2800  }
0x130: {  	[sflag:s5] =	ssyncset.done $0x0  }
0x131: {  	s11 =	simm.s32 $0x1100;
	[sflag:s5] =	ssyncadd.s32 $0xFFFFD800  }
0x132: {  	[tilespmem:s28], [sflag:$0x1] =	stream.indirect.gather [hbm4b:s1+s31], $0x80, s11, s31, $0xb8;
	[tilespmem:$0x1B000] =	vst v63  }
0x133: {  	_ =	swait.ge [sflag:s6], $0x2800  }
0x134: {  	[sflag:s6] =	ssyncset.done $0x0  }
0x135: {  	s12 =	simm.s32 $0x80;
	[sflag:s6] =	ssyncadd.s32 $0xFFFFD800  }
0x136: {  	[spmem:s3] =	stream.indirect.scatter.add.f32 [tilespmem:s2], [sflag:$0x3], $0x80, s12, s31, $0xb8;
	[tilespmem:$0x1B000] =	vst v63  }
0x137: {  	_ =	swait.ge [sflag:s29], $0x2800  }
0x138: {  	s8 =	simm.s32 $0x100;
	s9 =	simm.s32 $0x800;
	[sflag:s29] =	ssyncset.done $0x0  }
.LBB2_14:
0x139: {  	s10 =	sadd.s32 $0x1080, s8  }
0x13a: {  	[sflag:s29] =	ssyncadd.s32 $0xFFFFD800;
	s11 =	smov.u32 s9;
	s12 =	sadd.s32 $0x400, s9  }
0x13b: {  	[tilespmem:s2], [sflag:$0x2] =	stream.indirect.gather [hbm4b:s1+s31], $0x80, s10, s31, $0xb8;
	[tilespmem:$0x1B000] =	vst v63  }
0x13c: {  	p1 =	sne.s32 s9, $0x2C00;
	_ =	swait.ge [sflag:s0], $0x2800  }
0x13d: {  	[sflag:s0] =	ssyncset.done $0x0  }
0x13e: {  	[sflag:s0] =	ssyncadd.s32 $0xFFFFD800  }
0x13f: {  	[spmem:s3] =	stream.indirect.scatter.add.f32 [tilespmem:s28], [sflag:$0x4], $0x80, s8, s31, $0xb8;
	[tilespmem:$0x1B000] =	vst v63  }
0x140: {  	_ =	swait.ge [sflag:s5], $0x2800  }
0x141: {  	[sflag:s5] =	ssyncset.done $0x0  }
0x142: {  	s9 =	sadd.s32 $0x1100, s8;
	[sflag:s5] =	ssyncadd.s32 $0xFFFFD800  }
0x143: {  	[tilespmem:s28], [sflag:$0x1] =	stream.indirect.gather [hbm4b:s1+s31], $0x80, s9, s31, $0xb8;
	[tilespmem:$0x1B000] =	vst v63  }
0x144: {  	_ =	swait.ge [sflag:s6], $0x2800  }
.Ltmp6:
0x145: {  	[sflag:s6] =	ssyncset.done $0x0;
	(pc) =	sbr.rel @p1 .LBB2_14-.Ltmp6, $4  }
0x146: {  	s8 =	sadd.s32 $0x80, s8;
	[sflag:s6] =	ssyncadd.s32 $0xFFFFD800  }
0x147: {  	[spmem:s3] =	stream.indirect.scatter.add.f32 [tilespmem:s2], [sflag:$0x3], $0x80, s8, s31, $0xb8;
	[tilespmem:$0x1B000] =	vst v63  }
0x148: {  	_ =	swait.ge [sflag:s29], $0x2800  }
0x149: {  	s9 =	smov.u32 s12;
	s8 =	sshra.s32 s11, $0x2;
	[sflag:s29] =	ssyncset.done $0x0  }
0x14a: {  	s9 =	sadd.s32 $0x1080, s8;
	[sflag:s29] =	ssyncadd.s32 $0xFFFFD800  }
0x14b: {  	[tilespmem:s2], [sflag:$0x2] =	stream.indirect.gather [hbm4b:s1+s31], $0x80, s9, s31, $0xb8;
	[tilespmem:$0x1B000] =	vst v63  }
0x14c: {  	_ =	swait.ge [sflag:s0], $0x2800  }
0x14d: {  	[sflag:s0] =	ssyncset.done $0x0  }
0x14e: {  	[sflag:s0] =	ssyncadd.s32 $0xFFFFD800  }
0x14f: {  	[spmem:s3] =	stream.indirect.scatter.add.f32 [tilespmem:s28], [sflag:$0x4], $0x80, s8, s31, $0xb8;
	[tilespmem:$0x1B000] =	vst v63  }
0x150: {  	_ =	swait.ge [sflag:s5], $0x2800  }
0x151: {  	[sflag:s5] =	ssyncset.done $0x0  }
0x152: {  	s12 =	sadd.s32 $0x1100, s8;
	[sflag:s5] =	ssyncadd.s32 $0xFFFFD800  }
0x153: {  	[tilespmem:s28], [sflag:$0x1] =	stream.indirect.gather [hbm4b:s1+s31], $0x80, s12, s31, $0xb8;
	[tilespmem:$0x1B000] =	vst v63  }
0x154: {  	_ =	swait.ge [sflag:s6], $0x2800  }
0x155: {  	[sflag:s6] =	ssyncset.done $0x0  }
0x156: {  	s9 =	sadd.s32 $0x80, s8;
	[sflag:s6] =	ssyncadd.s32 $0xFFFFD800  }
0x157: {  	[spmem:s3] =	stream.indirect.scatter.add.f32 [tilespmem:s2], [sflag:$0x3], $0x80, s9, s31, $0xb8;
	[tilespmem:$0x1B000] =	vst v63  }
0x158: {  	_ =	swait.ge [sflag:s29], $0x2800  }
0x159: {  	[sflag:s29] =	ssyncset.done $0x0  }
0x15a: {  	[sflag:s29] =	ssyncadd.s32 $0xFFFFD800  }
0x15b: {  	_ =	swait.ge [sflag:s0], $0x2800  }
0x15c: {  	[sflag:s0] =	ssyncset.done $0x0  }
0x15d: {  	[sflag:s0] =	ssyncadd.s32 $0xFFFFD800  }
0x15e: {  	[spmem:s3] =	stream.indirect.scatter.add.f32 [tilespmem:s28], [sflag:$0x4], $0x80, s7, s31, $0xb8;
	[tilespmem:$0x1B000] =	vst v63  }
0x15f: {  	_ =	swait.ge [sflag:s5], $0x2800  }
0x160: {  	[sflag:s5] =	ssyncset.done $0x0  }
0x161: {  	s10 =	simm.s32 $0x0;
	s11 =	rddreg [dreg:$0xa];
	[sflag:s5] =	ssyncadd.s32 $0xFFFFD800  }
0x162: {  	[tilespmem:s10], [sflag:$0x3] =	stream.linear.gather [hbm4b:s11+s10], $0xC80, $0x38;
	[tilespmem:$0x1B000] =	vst v63  }
0x163: {  	_ =	swait.ge [sflag:s29], $0xC80  }
0x164: {  	[sflag:s29] =	ssyncset.done $0x0  }
0x165: {  	s12 =	rddreg [dreg:$0xb];
	[sflag:s29] =	ssyncadd.s32 $0xFFFFF380  }
0x166: {  	[tilespmem:s30], [sflag:$0x3] =	stream.linear.gather [hbm4b:s12+s10], $0xC80, $0x38;
	[tilespmem:$0x1B000] =	vst v63  }
0x167: {  	_ =	swait.ge [sflag:s29], $0xC80  }
0x168: {  	[sflag:s29] =	ssyncset.done $0x0  }
0x169: {  	s8 =	simm.s32 $0x0;
	[sflag:s29] =	ssyncadd.s32 $0xFFFFF380  }
0x16a: {  	v5 =	vld [tilespmem:s8+$0x1000]  }
0x16b: {  	v4 =	vld [tilespmem:s8+$0x1010]  }
0x16c: {  	v3 =	vld [tilespmem:s8+$0x1020]  }
0x16d: {  	v2 =	vld [tilespmem:s8+$0x1030]  }
0x16e: {  	v1 =	vld [tilespmem:s8+$0x1040]  }
0x16f: {  	v9 =	vld [tilespmem:s8+$0x0]  }
0x170: {  	v8 =	vld [tilespmem:s8+$0x10]  }
0x171: {  	v7 =	vld [tilespmem:s8+$0x20]  }
0x172: {  	s9 =	simm.s32 $0x200;
	v6 =	vld [tilespmem:s8+$0x30]  }
.LBB2_16:
0x173: {  	s10 =	sshra.s32 s9, $0x2;
	p1 =	sne.s32 s9, $0x3000;
	v10 =	vld [tilespmem:s8+$0x40]  }
0x174: {  	vm0 =	veq.s32 v9, v5;
	v5 =	vld [tilespmem:s10+$0x1000]  }
0x175: {  	v9 =	vsel vm0, $0x2710, v9;
	vm0 =	veq.s32 v8, v4;
	v4 =	vld [tilespmem:s10+$0x1010]  }
0x176: {  	[tilespmem:s8+$0x0] =	vst v9;
	v8 =	vsel vm0, $0x2710, v8;
	vm0 =	veq.s32 v7, v3;
	v3 =	vld [tilespmem:s10+$0x1020]  }
0x177: {  	[tilespmem:s8+$0x10] =	vst v8;
	v7 =	vsel vm0, $0x2710, v7;
	vm0 =	veq.s32 v6, v2;
	v2 =	vld [tilespmem:s10+$0x1030]  }
.Ltmp7:
0x178: {  	[tilespmem:s8+$0x20] =	vst v7;
	v6 =	vsel vm0, $0x2710, v6;
	vm0 =	veq.s32 v10, v1;
	v1 =	vld [tilespmem:s10+$0x1040];
	(pc) =	sbr.rel @p1 .LBB2_16-.Ltmp7, $4  }
0x179: {  	v9 =	vld [tilespmem:s10+$0x0];
	[tilespmem:s8+$0x30] =	vst v6;
	v6 =	vsel vm0, $0x2710, v10  }
0x17a: {  	v8 =	vld [tilespmem:s10+$0x10];
	[tilespmem:s8+$0x40] =	vst v6;
	s8 =	smov.u32 s10  }
0x17b: {  	v7 =	vld [tilespmem:s8+$0x20]  }
0x17c: {  	s9 =	sadd.s32 $0x200, s9;
	v6 =	vld [tilespmem:s8+$0x30]  }
0x17d: {  	v10 =	vld [tilespmem:s8+$0x40]  }
0x17e: {  	vm0 =	veq.s32 v9, v5  }
0x17f: {  	v5 =	vsel vm0, $0x2710, v9;
	vm12 =	veq.s32 v8, v4  }
0x180: {  	[tilespmem:s8+$0x0] =	vst v5;
	v4 =	vsel vm12, $0x2710, v8;
	vm13 =	veq.s32 v7, v3  }
0x181: {  	[tilespmem:s8+$0x10] =	vst v4;
	v3 =	vsel vm13, $0x2710, v7;
	vm14 =	veq.s32 v6, v2  }
0x182: {  	[tilespmem:s8+$0x20] =	vst v3;
	v2 =	vsel vm14, $0x2710, v6;
	vm15 =	veq.s32 v10, v1  }
0x183: {  	[tilespmem:s8+$0x30] =	vst v2;
	v1 =	vsel vm15, $0x2710, v10  }
0x184: {  	[tilespmem:s8+$0x40] =	vst v1  }
0x185: {  	[tilespmem:s28], [sflag:$0x1] =	stream.indirect.gather [hbm4b:s1+s31], $0x80, s30, s31, $0xb8;
	[tilespmem:$0x1B000] =	vst v63  }
0x186: {  	s9 =	simm.s32 $0x1080  }
0x187: {  	[tilespmem:s2], [sflag:$0x2] =	stream.indirect.gather [hbm4b:s1+s31], $0x80, s9, s31, $0xb8;
	[tilespmem:$0x1B000] =	vst v63  }
0x188: {  	_ =	swait.ge [sflag:s0], $0x2800  }
0x189: {  	[sflag:s0] =	ssyncset.done $0x0  }
0x18a: {  	s10 =	simm.s32 $0x0;
	[sflag:s0] =	ssyncadd.s32 $0xFFFFD800  }
0x18b: {  	[spmem:s3] =	stream.indirect.scatter.add.f32 [tilespmem:s28], [sflag:$0x4], $0x80, s10, s31, $0xb8;
	[tilespmem:$0x1B000] =	vst v63  }
0x18c: {  	_ =	swait.ge [sflag:s5], $0x2800  }
0x18d: {  	[sflag:s5] =	ssyncset.done $0x0  }
0x18e: {  	s11 =	simm.s32 $0x1100;
	[sflag:s5] =	ssyncadd.s32 $0xFFFFD800  }
0x18f: {  	[tilespmem:s28], [sflag:$0x1] =	stream.indirect.gather [hbm4b:s1+s31], $0x80, s11, s31, $0xb8;
	[tilespmem:$0x1B000] =	vst v63  }
0x190: {  	_ =	swait.ge [sflag:s6], $0x2800  }
0x191: {  	[sflag:s6] =	ssyncset.done $0x0  }
0x192: {  	s12 =	simm.s32 $0x80;
	[sflag:s6] =	ssyncadd.s32 $0xFFFFD800  }
0x193: {  	[spmem:s3] =	stream.indirect.scatter.add.f32 [tilespmem:s2], [sflag:$0x3], $0x80, s12, s31, $0xb8;
	[tilespmem:$0x1B000] =	vst v63  }
0x194: {  	_ =	swait.ge [sflag:s29], $0x2800  }
0x195: {  	s8 =	simm.s32 $0x100;
	s9 =	simm.s32 $0x800;
	[sflag:s29] =	ssyncset.done $0x0  }
.LBB2_18:
0x196: {  	s10 =	sadd.s32 $0x1080, s8  }
0x197: {  	[sflag:s29] =	ssyncadd.s32 $0xFFFFD800;
	s11 =	smov.u32 s9;
	s12 =	sadd.s32 $0x400, s9  }
0x198: {  	[tilespmem:s2], [sflag:$0x2] =	stream.indirect.gather [hbm4b:s1+s31], $0x80, s10, s31, $0xb8;
	[tilespmem:$0x1B000] =	vst v63  }
0x199: {  	p1 =	sne.s32 s9, $0x2C00;
	_ =	swait.ge [sflag:s0], $0x2800  }
0x19a: {  	[sflag:s0] =	ssyncset.done $0x0  }
0x19b: {  	[sflag:s0] =	ssyncadd.s32 $0xFFFFD800  }
0x19c: {  	[spmem:s3] =	stream.indirect.scatter.add.f32 [tilespmem:s28], [sflag:$0x4], $0x80, s8, s31, $0xb8;
	[tilespmem:$0x1B000] =	vst v63  }
0x19d: {  	_ =	swait.ge [sflag:s5], $0x2800  }
0x19e: {  	[sflag:s5] =	ssyncset.done $0x0  }
0x19f: {  	s9 =	sadd.s32 $0x1100, s8;
	[sflag:s5] =	ssyncadd.s32 $0xFFFFD800  }
0x1a0: {  	[tilespmem:s28], [sflag:$0x1] =	stream.indirect.gather [hbm4b:s1+s31], $0x80, s9, s31, $0xb8;
	[tilespmem:$0x1B000] =	vst v63  }
0x1a1: {  	_ =	swait.ge [sflag:s6], $0x2800  }
.Ltmp8:
0x1a2: {  	[sflag:s6] =	ssyncset.done $0x0;
	(pc) =	sbr.rel @p1 .LBB2_18-.Ltmp8, $4  }
0x1a3: {  	s8 =	sadd.s32 $0x80, s8;
	[sflag:s6] =	ssyncadd.s32 $0xFFFFD800  }
0x1a4: {  	[spmem:s3] =	stream.indirect.scatter.add.f32 [tilespmem:s2], [sflag:$0x3], $0x80, s8, s31, $0xb8;
	[tilespmem:$0x1B000] =	vst v63  }
0x1a5: {  	_ =	swait.ge [sflag:s29], $0x2800  }
0x1a6: {  	s9 =	smov.u32 s12;
	s8 =	sshra.s32 s11, $0x2;
	[sflag:s29] =	ssyncset.done $0x0  }
0x1a7: {  	s9 =	sadd.s32 $0x1080, s8;
	[sflag:s29] =	ssyncadd.s32 $0xFFFFD800  }
0x1a8: {  	[tilespmem:s2], [sflag:$0x2] =	stream.indirect.gather [hbm4b:s1+s31], $0x80, s9, s31, $0xb8;
	[tilespmem:$0x1B000] =	vst v63  }
0x1a9: {  	_ =	swait.ge [sflag:s0], $0x2800  }
0x1aa: {  	[sflag:s0] =	ssyncset.done $0x0  }
0x1ab: {  	[sflag:s0] =	ssyncadd.s32 $0xFFFFD800  }
0x1ac: {  	[spmem:s3] =	stream.indirect.scatter.add.f32 [tilespmem:s28], [sflag:$0x4], $0x80, s8, s31, $0xb8;
	[tilespmem:$0x1B000] =	vst v63  }
0x1ad: {  	_ =	swait.ge [sflag:s5], $0x2800  }
0x1ae: {  	[sflag:s5] =	ssyncset.done $0x0  }
0x1af: {  	s10 =	sadd.s32 $0x1100, s8;
	[sflag:s5] =	ssyncadd.s32 $0xFFFFD800  }
0x1b0: {  	[tilespmem:s28], [sflag:$0x1] =	stream.indirect.gather [hbm4b:s1+s31], $0x80, s10, s31, $0xb8;
	[tilespmem:$0x1B000] =	vst v63  }
0x1b1: {  	_ =	swait.ge [sflag:s6], $0x2800  }
0x1b2: {  	[sflag:s6] =	ssyncset.done $0x0  }
0x1b3: {  	s11 =	sadd.s32 $0x80, s8;
	[sflag:s6] =	ssyncadd.s32 $0xFFFFD800  }
0x1b4: {  	[spmem:s3] =	stream.indirect.scatter.add.f32 [tilespmem:s2], [sflag:$0x3], $0x80, s11, s31, $0xb8;
	[tilespmem:$0x1B000] =	vst v63  }
0x1b5: {  	_ =	swait.ge [sflag:s29], $0x2800  }
0x1b6: {  	[sflag:s29] =	ssyncset.done $0x0  }
0x1b7: {  	[sflag:s29] =	ssyncadd.s32 $0xFFFFD800  }
0x1b8: {  	_ =	swait.ge [sflag:s0], $0x2800  }
0x1b9: {  	[sflag:s0] =	ssyncset.done $0x0  }
0x1ba: {  	[sflag:s0] =	ssyncadd.s32 $0xFFFFD800  }
0x1bb: {  	[spmem:s3] =	stream.indirect.scatter.add.f32 [tilespmem:s28], [sflag:$0x4], $0x80, s7, s31, $0xb8;
	[tilespmem:$0x1B000] =	vst v63  }
0x1bc: {  	_ =	swait.ge [sflag:s5], $0x2800  }
0x1bd: {  	[sflag:s5] =	ssyncset.done $0x0  }
0x1be: {  	s12 =	simm.s32 $0x0;
	[sflag:s5] =	ssyncadd.s32 $0xFFFFD800  }
0x1bf: {  	[tilespmem:s12], [sflag:$0x3] =	stream.linear.gather [hbm4b:s13+s12], $0xC80, $0x38;
	[tilespmem:$0x1B000] =	vst v63  }
0x1c0: {  	_ =	swait.ge [sflag:s29], $0xC80  }
0x1c1: {  	[sflag:s29] =	ssyncset.done $0x0  }
0x1c2: {  	[sflag:s29] =	ssyncadd.s32 $0xFFFFF380  }
0x1c3: {  	[tilespmem:s30], [sflag:$0x3] =	stream.linear.gather [hbm4b:s14+s12], $0xC80, $0x38;
	[tilespmem:$0x1B000] =	vst v63  }
0x1c4: {  	_ =	swait.ge [sflag:s29], $0xC80  }
0x1c5: {  	[sflag:s29] =	ssyncset.done $0x0  }
0x1c6: {  	s8 =	simm.s32 $0x0;
	[sflag:s29] =	ssyncadd.s32 $0xFFFFF380  }
0x1c7: {  	v5 =	vld [tilespmem:s8+$0x1000]  }
0x1c8: {  	v4 =	vld [tilespmem:s8+$0x1010]  }
0x1c9: {  	v3 =	vld [tilespmem:s8+$0x1020]  }
0x1ca: {  	v2 =	vld [tilespmem:s8+$0x1030]  }
0x1cb: {  	v1 =	vld [tilespmem:s8+$0x1040]  }
0x1cc: {  	v9 =	vld [tilespmem:s8+$0x0]  }
0x1cd: {  	v8 =	vld [tilespmem:s8+$0x10]  }
0x1ce: {  	v7 =	vld [tilespmem:s8+$0x20]  }
0x1cf: {  	s9 =	simm.s32 $0x200;
	v6 =	vld [tilespmem:s8+$0x30]  }
.LBB2_20:
0x1d0: {  	s10 =	sshra.s32 s9, $0x2;
	p1 =	sne.s32 s9, $0x3000;
	v10 =	vld [tilespmem:s8+$0x40]  }
0x1d1: {  	vm0 =	veq.s32 v9, v5;
	v5 =	vld [tilespmem:s10+$0x1000]  }
0x1d2: {  	v9 =	vsel vm0, $0x2710, v9;
	vm0 =	veq.s32 v8, v4;
	v4 =	vld [tilespmem:s10+$0x1010]  }
0x1d3: {  	[tilespmem:s8+$0x0] =	vst v9;
	v8 =	vsel vm0, $0x2710, v8;
	vm0 =	veq.s32 v7, v3;
	v3 =	vld [tilespmem:s10+$0x1020]  }
0x1d4: {  	[tilespmem:s8+$0x10] =	vst v8;
	v7 =	vsel vm0, $0x2710, v7;
	vm0 =	veq.s32 v6, v2;
	v2 =	vld [tilespmem:s10+$0x1030]  }
.Ltmp9:
0x1d5: {  	[tilespmem:s8+$0x20] =	vst v7;
	v6 =	vsel vm0, $0x2710, v6;
	vm0 =	veq.s32 v10, v1;
	v1 =	vld [tilespmem:s10+$0x1040];
	(pc) =	sbr.rel @p1 .LBB2_20-.Ltmp9, $4  }
0x1d6: {  	v9 =	vld [tilespmem:s10+$0x0];
	[tilespmem:s8+$0x30] =	vst v6;
	v6 =	vsel vm0, $0x2710, v10  }
0x1d7: {  	v8 =	vld [tilespmem:s10+$0x10];
	[tilespmem:s8+$0x40] =	vst v6;
	s8 =	smov.u32 s10  }
0x1d8: {  	v7 =	vld [tilespmem:s8+$0x20]  }
0x1d9: {  	s9 =	sadd.s32 $0x200, s9;
	v6 =	vld [tilespmem:s8+$0x30]  }
0x1da: {  	v10 =	vld [tilespmem:s8+$0x40]  }
0x1db: {  	vm0 =	veq.s32 v9, v5  }
0x1dc: {  	v5 =	vsel vm0, $0x2710, v9;
	vm12 =	veq.s32 v8, v4  }
0x1dd: {  	[tilespmem:s8+$0x0] =	vst v5;
	v4 =	vsel vm12, $0x2710, v8;
	vm13 =	veq.s32 v7, v3  }
0x1de: {  	[tilespmem:s8+$0x10] =	vst v4;
	v3 =	vsel vm13, $0x2710, v7;
	vm14 =	veq.s32 v6, v2  }
0x1df: {  	[tilespmem:s8+$0x20] =	vst v3;
	v2 =	vsel vm14, $0x2710, v6;
	vm15 =	veq.s32 v10, v1  }
0x1e0: {  	[tilespmem:s8+$0x30] =	vst v2;
	v1 =	vsel vm15, $0x2710, v10  }
0x1e1: {  	[tilespmem:s8+$0x40] =	vst v1  }
0x1e2: {  	[tilespmem:s28], [sflag:$0x1] =	stream.indirect.gather [hbm4b:s1+s31], $0x80, s30, s31, $0xb8;
	[tilespmem:$0x1B000] =	vst v63  }
0x1e3: {  	s9 =	simm.s32 $0x1080  }
0x1e4: {  	[tilespmem:s2], [sflag:$0x2] =	stream.indirect.gather [hbm4b:s1+s31], $0x80, s9, s31, $0xb8;
	[tilespmem:$0x1B000] =	vst v63  }
0x1e5: {  	_ =	swait.ge [sflag:s0], $0x2800  }
0x1e6: {  	[sflag:s0] =	ssyncset.done $0x0  }
0x1e7: {  	s10 =	simm.s32 $0x0;
	[sflag:s0] =	ssyncadd.s32 $0xFFFFD800  }
0x1e8: {  	[spmem:s3] =	stream.indirect.scatter.add.f32 [tilespmem:s28], [sflag:$0x4], $0x80, s10, s31, $0xb8;
	[tilespmem:$0x1B000] =	vst v63  }
0x1e9: {  	_ =	swait.ge [sflag:s5], $0x2800  }
0x1ea: {  	[sflag:s5] =	ssyncset.done $0x0  }
0x1eb: {  	s11 =	simm.s32 $0x1100;
	[sflag:s5] =	ssyncadd.s32 $0xFFFFD800  }
0x1ec: {  	[tilespmem:s28], [sflag:$0x1] =	stream.indirect.gather [hbm4b:s1+s31], $0x80, s11, s31, $0xb8;
	[tilespmem:$0x1B000] =	vst v63  }
0x1ed: {  	_ =	swait.ge [sflag:s6], $0x2800  }
0x1ee: {  	[sflag:s6] =	ssyncset.done $0x0  }
0x1ef: {  	s12 =	simm.s32 $0x80;
	[sflag:s6] =	ssyncadd.s32 $0xFFFFD800  }
0x1f0: {  	[spmem:s3] =	stream.indirect.scatter.add.f32 [tilespmem:s2], [sflag:$0x3], $0x80, s12, s31, $0xb8;
	[tilespmem:$0x1B000] =	vst v63  }
0x1f1: {  	_ =	swait.ge [sflag:s29], $0x2800  }
0x1f2: {  	s8 =	simm.s32 $0x100;
	s9 =	simm.s32 $0x800;
	[sflag:s29] =	ssyncset.done $0x0  }
.LBB2_22:
0x1f3: {  	s10 =	sadd.s32 $0x1080, s8  }
0x1f4: {  	[sflag:s29] =	ssyncadd.s32 $0xFFFFD800;
	s11 =	smov.u32 s9;
	s12 =	sadd.s32 $0x400, s9  }
0x1f5: {  	[tilespmem:s2], [sflag:$0x2] =	stream.indirect.gather [hbm4b:s1+s31], $0x80, s10, s31, $0xb8;
	[tilespmem:$0x1B000] =	vst v63  }
0x1f6: {  	p1 =	sne.s32 s9, $0x2C00;
	_ =	swait.ge [sflag:s0], $0x2800  }
0x1f7: {  	[sflag:s0] =	ssyncset.done $0x0  }
0x1f8: {  	[sflag:s0] =	ssyncadd.s32 $0xFFFFD800  }
0x1f9: {  	[spmem:s3] =	stream.indirect.scatter.add.f32 [tilespmem:s28], [sflag:$0x4], $0x80, s8, s31, $0xb8;
	[tilespmem:$0x1B000] =	vst v63  }
0x1fa: {  	_ =	swait.ge [sflag:s5], $0x2800  }
0x1fb: {  	[sflag:s5] =	ssyncset.done $0x0  }
0x1fc: {  	s9 =	sadd.s32 $0x1100, s8;
	[sflag:s5] =	ssyncadd.s32 $0xFFFFD800  }
0x1fd: {  	[tilespmem:s28], [sflag:$0x1] =	stream.indirect.gather [hbm4b:s1+s31], $0x80, s9, s31, $0xb8;
	[tilespmem:$0x1B000] =	vst v63  }
0x1fe: {  	_ =	swait.ge [sflag:s6], $0x2800  }
.Ltmp10:
0x1ff: {  	[sflag:s6] =	ssyncset.done $0x0;
	(pc) =	sbr.rel @p1 .LBB2_22-.Ltmp10, $4  }
0x200: {  	s8 =	sadd.s32 $0x80, s8;
	[sflag:s6] =	ssyncadd.s32 $0xFFFFD800  }
0x201: {  	[spmem:s3] =	stream.indirect.scatter.add.f32 [tilespmem:s2], [sflag:$0x3], $0x80, s8, s31, $0xb8;
	[tilespmem:$0x1B000] =	vst v63  }
0x202: {  	_ =	swait.ge [sflag:s29], $0x2800  }
0x203: {  	s9 =	smov.u32 s12;
	s8 =	sshra.s32 s11, $0x2;
	[sflag:s29] =	ssyncset.done $0x0  }
0x204: {  	s9 =	sadd.s32 $0x1080, s8;
	[sflag:s29] =	ssyncadd.s32 $0xFFFFD800  }
0x205: {  	[tilespmem:s2], [sflag:$0x2] =	stream.indirect.gather [hbm4b:s1+s31], $0x80, s9, s31, $0xb8;
	[tilespmem:$0x1B000] =	vst v63  }
0x206: {  	_ =	swait.ge [sflag:s0], $0x2800  }
0x207: {  	[sflag:s0] =	ssyncset.done $0x0  }
0x208: {  	[sflag:s0] =	ssyncadd.s32 $0xFFFFD800  }
0x209: {  	[spmem:s3] =	stream.indirect.scatter.add.f32 [tilespmem:s28], [sflag:$0x4], $0x80, s8, s31, $0xb8;
	[tilespmem:$0x1B000] =	vst v63  }
0x20a: {  	_ =	swait.ge [sflag:s5], $0x2800  }
0x20b: {  	[sflag:s5] =	ssyncset.done $0x0  }
0x20c: {  	s11 =	sadd.s32 $0x1100, s8;
	[sflag:s5] =	ssyncadd.s32 $0xFFFFD800  }
0x20d: {  	[tilespmem:s28], [sflag:$0x1] =	stream.indirect.gather [hbm4b:s1+s31], $0x80, s11, s31, $0xb8;
	[tilespmem:$0x1B000] =	vst v63  }
0x20e: {  	_ =	swait.ge [sflag:s6], $0x2800  }
0x20f: {  	[sflag:s6] =	ssyncset.done $0x0  }
0x210: {  	s12 =	sadd.s32 $0x80, s8;
	[sflag:s6] =	ssyncadd.s32 $0xFFFFD800  }
0x211: {  	[spmem:s3] =	stream.indirect.scatter.add.f32 [tilespmem:s2], [sflag:$0x3], $0x80, s12, s31, $0xb8;
	[tilespmem:$0x1B000] =	vst v63  }
0x212: {  	_ =	swait.ge [sflag:s29], $0x2800  }
0x213: {  	[sflag:s29] =	ssyncset.done $0x0  }
0x214: {  	[sflag:s29] =	ssyncadd.s32 $0xFFFFD800  }
0x215: {  	_ =	swait.ge [sflag:s0], $0x2800  }
0x216: {  	[sflag:s0] =	ssyncset.done $0x0  }
0x217: {  	[sflag:s0] =	ssyncadd.s32 $0xFFFFD800  }
0x218: {  	[spmem:s3] =	stream.indirect.scatter.add.f32 [tilespmem:s28], [sflag:$0x4], $0x80, s7, s31, $0xb8;
	[tilespmem:$0x1B000] =	vst v63  }
0x219: {  	_ =	swait.ge [sflag:s5], $0x2800  }
0x21a: {  	[sflag:s5] =	ssyncset.done $0x0  }
0x21b: {  	[sflag:s5] =	ssyncadd.s32 $0xFFFFD800  }
0x21c: {  	s8 =	simm.s32 @p0 $0x1FC3;
	[bflag:$0x0] =	sbarrier.arrive $0xFFFF  }
0x21d: {  	[hbm:s17], [sflag:s8] =	dma.local @p0 [spmem:s25], $0x1900  }
0x21e: {  	s8 =	simm.s32 @p0 $0x3  }
0x21f: {  	s4 =	sadd.s32 $0x1, s4;
	s9 =	stileid.u32;
	_ =	swait.ge @p0 [sflag:s8], $0x1900  }
0x220: {  	p1 =	sne.s32 s4, s18;
	s9 =	sshll.u32 @!p0 s9, $0x6;
	[sflag:s8] =	ssyncset.done @p0 $0x0  }
0x221: {  	[sflag:s8] =	ssyncadd.s32 @p0 $0xFFFFE700;
	s8 =	sor.u32 @!p0 $0x1C03, s9;
	s9 =	sshrl.u32 @!p0 s16, $0x3  }
0x222: {  	[hbm:s15], [sflag:s8] =	dma.local @!p0 [spmem:s9], $0x2800  }
.Ltmp11:
0x223: {  	_ = 	snop;
	(pc) =	sbr.rel @p1 .LBB2_1-.Ltmp11, $4  }
0x224: {  	s8 =	simm.s32 @!p0 $0x3  }
0x225: {  	_ =	swait.ge @!p0 [sflag:s8], $0x2800  }
0x226: {  	[sflag:s8] =	ssyncset.done @!p0 $0x0  }
0x227: {  	[sflag:s8] =	ssyncadd.s32 @!p0 $0xFFFFD800  }
0x228: {  	_ =	sfence.sel $0x180000  }
0x229: {  	[bflag:$0x0] =	sbarrier.arrive $0xFFFF  }
0x22a: {  	_ =	strace $0x9000004A  }
0x22b: {  	s0 =	stileid.u32;
	[bflag:$0x2] =	sbarrier.arrive $0xFFFF  }
0x22c: {  	p0 =	sne.s32 s0, $0x0;
	s0 =	rddreg [dreg:$0x3]  }
0x22d: {  	s0 =	sadd.s32 @!p0 $0x100000, s0  }
0x22e: {  	[sflag:s0] =	ssyncadd.tile.s32 @!p0 $0x1;
	_ =	shalt  }
.Lfunc_end2:
_tile_overlayer_lowered:
.L_overlay_start_2:
0x22f: {  	(tag) =	ssettag $0x2  }
0x230: {  	s0 =	rddreg [dreg:$0x0];
	s2 =	stileid.u32  }
0x231: {  	s1 =	rddreg [dreg:$0x1];
	p0 =	sne.s32 s2, $0x0  }
0x232: {  	s3 =	rddreg [dreg:$0x2];
	[bflag:$0x3] =	sbarrier.arrive $0xFFFF;
	s2 =	simm.s32 @!p0 $0x1C03  }
0x233: {  	[timem:s3], [sflag:s2] =	dma.local @!p0 [hbm:s0], s1  }
0x234: {  	s0 =	simm.s32 @!p0 $0x3  }
0x235: {  	_ =	swait.ge @!p0 [sflag:s0], s1  }
0x236: {  	s1 =	ssub.s32 @!p0 $0x0, s1;
	[sflag:s0] =	ssyncset.done @!p0 $0x0  }
0x237: {  	[sflag:s0] =	ssyncadd.s32 @!p0 s1  }
0x238: {  	[bflag:$0x3] =	sbarrier.arrive $0xFFFF  }
0x239: {  	_ =	shalt  }

// kernel: kernel.14.cloned.1.call-start
scs
__scs_entry_jumppad:
0x0: {  	(pc) =	sbr.rel $0x88, $3  }
0x1: {  	(tag) =	ssettag $0x0;
	lr =	simm.s32 $0x1  }
0x2: {  	[smem:$0x3F93] =	sst lr;
	_ =	strace $0xD0000000  }
0x3: {  	_ = 	snop  }
0x4: {  	_ = 	snop  }
0x5: {  	_ = 	snop  }
0x6: {  	_ = 	snop  }
0x7: {  	_ = 	snop  }
__scs_overlays_trampoline_lowered:
0x8: {  	[smem:$0x3FA2] =	sst s0  }
0x9: {  	[smem:$0x3FA3] =	sst s1  }
0xa: {  	[smem:$0x3FA4] =	sst s2  }
0xb: {  	[smem:$0x3FA5] =	sst s3  }
0xc: {  	[smem:$0x3FA6] =	sst s4  }
0xd: {  	[smem:$0x3FA7] =	sst s5  }
0xe: {  	[smem:$0x3FA8] =	sst s6  }
0xf: {  	[smem:$0x3FA9] =	sst s7  }
0x10: {  	[smem:$0x3FAA] =	sst s8  }
0x11: {  	[smem:$0x3FAB] =	sst s9;
	s0 =	simm.s32 @!p0 $0x0  }
0x12: {  	s1 =	sld [smem:$0x3F91];
	s0 =	simm.s32 @p0 $0x1  }
0x13: {  	[smem:$0x3FAC] =	sst s0;
	s0 =	simm.s32 @!p1 $0x0  }
0x14: {  	s2 =	sld [smem:$0x3F90];
	s0 =	simm.s32 @p1 $0x1  }
0x15: {  	[smem:$0x3FAD] =	sst s0;
	s0 =	simm.s32 @!p2 $0x0  }
0x16: {  	s3 =	sld [smem:$0x3FDB];
	s0 =	simm.s32 @p2 $0x1  }
0x17: {  	s4 =	simm.s32 $0x1BF5;
	[smem:$0x3FAF] =	sst s0  }
0x18: {  	s0 =	sld [smem:$0x3F92];
	_ =	swait.ge [sflag:s4], $0x0  }
0x19: {  	s7 =	sld [smem:$0x3F93]  }
0x1a: {  	s8 =	sadd.s32 $0xFFFFE003, lr  }
0x1b: {  	s9 =	sadd.s32 $0xFFFFFEF7, lr;
	s5 =	simm.s32 $0xFFFFFFFF;
	p2 =	slt.u32 s8, $0xFFFFF086  }
0x1c: {  	p1 =	slt.u32 s9, $0xF7A;
	s5 =	simm.s32 @!p2 $0x0  }
0x1d: {  	s5 =	simm.s32 @p1 $0x1;
	p0 =	seq.s32 s7, s2  }
0x1e: {  	s7 =	smul.u32 @!p0 $0xF7A, s2;
	p2 =	seq.s32 @!p0 s5, $0x0  }
0x1f: {  	s9 =	smul.u32 $0xF7A, s1;
	s8 =	simm.s32 @!p0 $0x1BF5;
	p2 =	por !p2, p0  }
0x20: {  	[sflag:s8] =	ssyncset.s32 @!p0 $0xFFFFF086;
	s6 =	sadd.s32 @!p0 s3, s7;
	s7 =	simm.s32 @!p0 $0x108  }
0x21: {  	s3 =	sadd.s32 s3, s9;
	s6 =	sadd.s32 @!p0 $0x88, s6;
	s7 =	simm.s32 @p2 $0x1082  }
0x22: {  	[simem:s7], [sflag:s8] =	dma.local @!p0 [hbm:s6], $0xF7A  }
0x23: {  	s9 =	sor.u32 $0xD0000000, s2;
	s6 =	simm.s32 $0x108;
	_ =	swait.ge @!p0 [sflag:s8], $0x0  }
0x24: {  	s3 =	sadd.s32 $0x88, s3;
	s6 =	simm.s32 @!p1 $0x1082;
	[sflag:s4] =	ssyncset.s32 $0xFFFFF086  }
0x25: {  	[simem:s6], [sflag:s4] =	dma.local [hbm:s3], $0xF7A  }
0x26: {  	[smem:$0x3F93] =	sst s1;
	(tag) =	ssettag s2;
	_ =	strace s9  }
0x27: {  	s1 =	sld [smem:$0x3FA3]  }
0x28: {  	s2 =	sld [smem:$0x3FA4]  }
0x29: {  	s4 =	sld [smem:$0x3FA6]  }
0x2a: {  	p0 =	seq.s32 s5, $0x0;
	s5 =	sld [smem:$0x3FA7]  }
0x2b: {  	s6 =	sld [smem:$0x3FA8]  }
0x2c: {  	s7 =	sld [smem:$0x3FA9]  }
0x2d: {  	s3 =	simm.s32 $0x108;
	s8 =	sld [smem:$0x3FAA]  }
0x2e: {  	s3 =	simm.s32 @!p0 $0x1082;
	s9 =	sld [smem:$0x3FAB]  }
0x2f: {  	lr =	sadd.s32 s0, s3;
	s0 =	sld [smem:$0x3FA2]  }
0x30: {  	s3 =	sld [smem:$0x3FA5]  }
0x31: {  	[smem:$0x3FAE] =	sst s10  }
0x32: {  	s10 =	sld [smem:$0x3FAC];
	_ =	sdelay $0x3  }
0x33: {  	p0 =	seq.s32 s10, $0x1;
	s10 =	sld [smem:$0x3FAE];
	_ =	sdelay $0x3  }
0x34: {  	[smem:$0x3FAE] =	sst s10  }
0x35: {  	s10 =	sld [smem:$0x3FAD];
	_ =	sdelay $0x3  }
0x36: {  	p1 =	seq.s32 s10, $0x1;
	s10 =	sld [smem:$0x3FAE];
	_ =	sdelay $0x3  }
0x37: {  	[smem:$0x3FAE] =	sst s10  }
0x38: {  	s10 =	sld [smem:$0x3FAF]  }
0x39: {  	_ = 	snop;
	(pc) =	sbr.ind lr, $3  }
0x3a: {  	_ = 	snop  }
0x3b: {  	_ = 	snop  }
0x3c: {  	p2 =	seq.s32 s10, $0x1;
	s10 =	sld [smem:$0x3FAE]  }
0x3d: {  	_ =	shalt  }
0x3e: {  	_ =	shalt  }
0x3f: {  	_ =	shalt  }
0x40: {  	_ =	shalt  }
0x41: {  	_ =	shalt  }
0x42: {  	_ =	shalt  }
0x43: {  	_ =	shalt  }
0x44: {  	_ =	shalt  }
0x45: {  	_ =	shalt  }
0x46: {  	_ =	shalt  }
0x47: {  	_ =	shalt  }
0x48: {  	_ =	shalt  }
0x49: {  	_ =	shalt  }
0x4a: {  	_ =	shalt  }
0x4b: {  	_ =	shalt  }
0x4c: {  	_ =	shalt  }
0x4d: {  	_ =	shalt  }
0x4e: {  	_ =	shalt  }
0x4f: {  	_ =	shalt  }
0x50: {  	_ =	shalt  }
0x51: {  	_ =	shalt  }
0x52: {  	_ =	shalt  }
0x53: {  	_ =	shalt  }
0x54: {  	_ =	shalt  }
0x55: {  	_ =	shalt  }
0x56: {  	_ =	shalt  }
0x57: {  	_ =	shalt  }
0x58: {  	_ =	shalt  }
0x59: {  	_ =	shalt  }
0x5a: {  	_ =	shalt  }
0x5b: {  	_ =	shalt  }
0x5c: {  	_ =	shalt  }
0x5d: {  	_ =	shalt  }
0x5e: {  	_ =	shalt  }
0x5f: {  	_ =	shalt  }
0x60: {  	_ =	shalt  }
0x61: {  	_ =	shalt  }
0x62: {  	_ =	shalt  }
0x63: {  	_ =	shalt  }
0x64: {  	_ =	shalt  }
0x65: {  	_ =	shalt  }
0x66: {  	_ =	shalt  }
0x67: {  	_ =	shalt  }
0x68: {  	_ =	shalt  }
0x69: {  	_ =	shalt  }
0x6a: {  	_ =	shalt  }
0x6b: {  	_ =	shalt  }
0x6c: {  	_ =	shalt  }
0x6d: {  	_ =	shalt  }
0x6e: {  	_ =	shalt  }
0x6f: {  	_ =	shalt  }
0x70: {  	_ =	shalt  }
0x71: {  	_ =	shalt  }
0x72: {  	_ =	shalt  }
0x73: {  	_ =	shalt  }
0x74: {  	_ =	shalt  }
0x75: {  	_ =	shalt  }
0x76: {  	_ =	shalt  }
0x77: {  	_ =	shalt  }
0x78: {  	_ =	shalt  }
0x79: {  	_ =	shalt  }
0x7a: {  	_ =	shalt  }
0x7b: {  	_ =	shalt  }
0x7c: {  	_ =	shalt  }
0x7d: {  	_ =	shalt  }
0x7e: {  	_ =	shalt  }
0x7f: {  	_ =	shalt  }
0x80: {  	_ =	shalt  }
0x81: {  	_ =	shalt  }
0x82: {  	_ =	shalt  }
0x83: {  	_ =	shalt  }
0x84: {  	_ =	shalt  }
0x85: {  	_ =	shalt  }
0x86: {  	_ =	shalt  }
0x87: {  	_ =	shalt  }
.Lfunc_end0:
.L_simem_size_0:
called_computation.2_lowered:
.L_overlay_start_0:
0x88: {  	s2 =	sld [smem:$0x3FD9]  }
0x89: {  	s3 =	sld [smem:$0x3FFE];
	_ =	sdelay $0x1  }
0x8a: {  	s1 =	srdreg.scid  }
0x8b: {  	s0 =	sand.u32 $0x1, s1  }
0x8c: {  	s17 =	sshll.u32 s0, $0xA;
	s2 =	sadd.s32 s3, s2  }
0x8d: {  	s2 =	sadd.s32 s2, s17  }
0x8e: {  	[smem:$0x3FBA] =	sst s2  }
0x8f: {  	_ = 	snop  }
0x90: {  	s2 =	sld [smem:$0x3FD0];
	(tm) =	ssettm $0x1  }
0x91: {  	s18 =	sld [smem:$0x3FFB];
	_ =	sdelay $0x3  }
0x92: {  	_ =	strace s18  }
0x93: {  	s3 =	sld [smem:$0x3FFC];
	_ =	sdelay $0x3  }
0x94: {  	_ =	strace s3  }
0x95: {  	s3 =	sld [smem:$0x3FFD];
	_ =	sdelay $0x3  }
0x96: {  	_ =	strace s3  }
0x97: {  	_ =	strace $0x8FFFFFFF  }
0x98: {  	s19 =	sld [smem:$0x3FDB];
	_ =	sdelay $0x1  }
0x99: {  	s4 =	simm.s32 $_scs_section_size  }
0x9a: {  	s5 =	simm.s32 $_size__tile_overlayer_lowered;
	s6 =	simm.s32 $_tile_overlayer_lowered  }
0x9b: {  	s22 =	simm.s32 $0x1BFF;
	s21 =	sshll.u32 s6, $0x1;
	s3 =	sadd.s32 s4, s19  }
0x9c: {  	s7 =	simm.s32 $0x0;
	s20 =	sshll.u32 s5, $0x1;
	s5 =	sadd.s32 s21, s3  }
0x9d: {  	[timem:s7], [sflag:s22] =	dma.local [hbm:s5], s20  }
0x9e: {  	_ =	swait.ge [sflag:s22], s20  }
0x9f: {  	s4 =	ssub.s32 $0x0, s20;
	[sflag:s22] =	ssyncset.done $0x0  }
0xa0: {  	[sflag:s22] =	ssyncadd.s32 s4;
	_ =	sdelay $0x1  }
0xa1: {  	s23 =	simm.s32 $0x1B8B  }
0xa2: {  	_ =	swait.ge [sflag:s23], $0x1  }
0xa3: {  	[sflag:s23] =	ssyncset.done $0x0  }
0xa4: {  	s25 =	simm.s32 $0x1B8E;
	s24 =	sld [smem:$0x3FFE];
	[sflag:s23] =	ssyncadd.s32 $0xFFFFFFFF  }
0xa5: {  	s26 =	simm.s32 $execute0_lowered;
	[smem:$0x3FD2] =	sst s25  }
0xa6: {  	s5 =	sshll.u32 s26, $0x1;
	_ =	strace $0x8000004C;
	[dreg:$0x1] =	wrdreg $0xFFFFFFFF  }
0xa7: {  	s28 =	simm.s32 $_size_execute0_lowered;
	s3 =	sadd.s32 s3, s5;
	[dreg:$0x0] =	wrdreg $0x0  }
0xa8: {  	s5 =	sshll.u32 s28, $0x1;
	[dreg:$0x2] =	wrdreg s3  }
0xa9: {  	[dreg:$0x3] =	wrdreg s5  }
0xaa: {  	[dreg:$0x4] =	wrdreg $0xC0  }
0xab: {  	_ =	task [dreg:s7], $0x5FFFF  }
0xac: {  	[dreg:$0x1] =	wrdreg $0xFFFFFFFF  }
0xad: {  	[dreg:$0x0] =	wrdreg $0x60  }
0xae: {  	[dreg:$0x2] =	wrdreg s2  }
0xaf: {  	[dreg:$0x3] =	wrdreg s24  }
0xb0: {  	[dreg:$0x4] =	wrdreg $0x70000  }
0xb1: {  	[dreg:$0x5] =	wrdreg $0x9  }
0xb2: {  	_ =	task.clear_ibuf [dreg:s7], $0x6FFFF;
	_ =	strace $0x9000004C  }
0xb3: {  	s29 =	simm.s32 $0x9;
	_ =	strace $0x8000004E  }
0xb4: {  	_ =	swait.ge [sflag:s29], $0x1  }
0xb5: {  	[sflag:s29] =	ssyncadd.s32 $0xFFFFFFFF  }
0xb6: {  	_ =	strace $0x9000004E  }
0xb7: {  	_ =	sfence  }
0xb8: {  	s30 =	sld [smem:$0x0];
	_ =	sdelay $0x2  }
0xb9: {  	s31 =	sshll.u32 s1, $0xD;
	s1 =	sshrl.u32 s1, $0x2  }
0xba: {  	s3 =	sand.u32 $0x4000, s31;
	s1 =	sadd.s32 s1, s30  }
0xbb: {  	s0 =	sor.u32 s3, s0;
	s1 =	sshll.u32 s1, $0x11  }
0xbc: {  	s0 =	sor.u32 s1, s0  }
0xbd: {  	s0 =	sadd.s32 $0x8F2B, s0  }
0xbe: {  	[sflag:s0] =	ssyncadd.remote.s32 $0x1  }
0xbf: {  	_ =	sfence.sel $0xFFFF  }
0xc0: {  	[dreg:$0x0] =	wrdreg $0xFFFFFFFF;
	(pc) =	sbr.abs _section_cstart, $3  }
0xc1: {  	[dreg:$0x1] =	wrdreg $0xFFFFFFFF  }
0xc2: {  	_ =	task.clear_ibuf [dreg:s7], $0x2FFFF;
	_ =	strace $0x9FFFFFFF  }
0xc3: {  	(tm) =	ssettm $0x7FFFFFFF  }
tec
execute0_lowered:
.L_overlay_start_1:
0x0: {  	(tag) =	ssettag $0x1  }
0x1: {  	s0 =	srdreg.scid;
	s1 =	rddreg [dreg:$0x0]  }
0x2: {  	s2 =	rddreg [dreg:$0x1];
	s9 =	stileid.u32  }
0x3: {  	s3 =	rddreg [dreg:$0x2];
	s28 =	simm.s32 $0x2000;
	s0 =	sand.u32 $0x1, s0  }
0x4: {  	s29 =	simm.s32 $0x3;
	s22 =	smul.u32 $0x14000, s9;
	s4 =	sshll.u32 s0, $0x4  }
0x5: {  	s30 =	simm.s32 $0x1000;
	s24 =	smul.u32 $0x50000, s9;
	s5 =	sor.u32 s9, s4  }
0x6: {  	s31 =	simm.s32 $0x50;
	p0 =	seq.s32 s9, $0xF;
	s5 =	smul.u32 $0x5000, s5  }
0x7: {  	s6 =	ssub.s32 $0x2, s0;
	s0 =	smul.u32 $0x138800, s0;
	s4 =	simm.s32 $0x0  }
0x8: {  	s7 =	sshrl.u32 s6, $0x1;
	s26 =	sshrl.u32 s24, $0x2;
	s5 =	sshrl.u32 s5, $0x3  }
0x9: {  	[smem:$0x7FF] =	sst s4;
	s6 =	ssub.s32 s6, s7;
	s5 =	sadd.s32 s5, s2  }
0xa: {  	s25 =	sadd.s32 s22, s0;
	s0 =	sshrl.u32 s0, $0x3;
	s16 =	sadd.s32 $0x4E00, s5  }
0xb: {  	_ =	strace $0x8000004D;
	s17 =	sadd.s32 $0x18E00, s5;
	[dreg:$0x4] =	wrdreg s16  }
0xc: {  	s7 =	simm.s32 $0xC00;
	s18 =	sadd.s32 $0x5000, s5;
	[dreg:$0x5] =	wrdreg s17  }
0xd: {  	s2 =	sadd.s32 $0x54000, s2;
	s19 =	sadd.s32 $0x19000, s5;
	[dreg:$0x6] =	wrdreg s18  }
0xe: {  	s20 =	sadd.s32 $0x5200, s5;
	s21 =	sadd.s32 $0x19200, s5;
	[dreg:$0x7] =	wrdreg s19  }
0xf: {  	s8 =	sadd.s32 $0x5400, s5;
	s23 =	sadd.s32 $0x19400, s5;
	[dreg:$0x8] =	wrdreg s20  }
0x10: {  	s13 =	sadd.s32 $0x5600, s5;
	s14 =	sadd.s32 $0x19600, s5;
	[dreg:$0x9] =	wrdreg s21  }
0x11: {  	s5 =	sshrl.u32 s25, $0x3;
	s0 =	sadd.s32 s2, s0;
	[dreg:$0xa] =	wrdreg s8  }
0x12: {  	[dreg:$0xb] =	wrdreg s23;
	s15 =	sadd.s32 s2, s5;
	s16 =	sadd.s32 s26, s3  }
0x13: {  	s17 =	sadd.s32 $0x25800, s0;
	s0 =	sadd.s32 $0x12C000, s3;
	s18 =	smax.u32 s6, $0x1  }
0x14: {  	s2 =	simm.s32 $0x4800;
	s5 =	simm.s32 $0x4;
	s6 =	simm.s32 $0x2  }
0x15: {  	s19 =	sadd.s32 $0x2800, s16;
	s20 =	sadd.s32 $0x5000, s16;
	s21 =	sadd.s32 $0x7800, s16  }
0x16: {  	s22 =	sadd.s32 $0xA000, s16;
	s23 =	sadd.s32 $0xC800, s16;
	s24 =	sadd.s32 $0xF000, s16  }
0x17: {  	v0 =	vimm.f32 $0.0e+00;
	s25 =	sshrl.u32 @p0 s0, $0x3;
	s26 =	sadd.s32 $0x11800, s16;
	s0 =	simm.s32 $0x1  }
.LBB2_1:
0x18: {  	s8 =	simm.s32 $0x0;
	s9 =	simm.s32 $0x200  }
.LBB2_2:
0x19: {  	p1 =	sne.s32 s9, $0x9E00;
	[tilespmem:s8+$0x2070] =	vst v0  }
0x1a: {  	[tilespmem:s8+$0x2000] =	vst v0  }
0x1b: {  	[tilespmem:s8+$0x2010] =	vst v0  }
.Ltmp0:
0x1c: {  	[tilespmem:s8+$0x2020] =	vst v0;
	(pc) =	sbr.rel @p1 .LBB2_2-.Ltmp0, $4  }
0x1d: {  	[tilespmem:s8+$0x2030] =	vst v0  }
0x1e: {  	[tilespmem:s8+$0x2040] =	vst v0  }
0x1f: {  	[tilespmem:s8+$0x2050] =	vst v0  }
0x20: {  	[tilespmem:s8+$0x2060] =	vst v0;
	s8 =	sshra.s32 s9, $0x2;
	s9 =	sadd.s32 $0x200, s9  }
0x21: {  	[tilespmem:s8+$0x2070] =	vst v0  }
0x22: {  	[tilespmem:s8+$0x2000] =	vst v0  }
0x23: {  	[tilespmem:s8+$0x2010] =	vst v0  }
0x24: {  	[tilespmem:s8+$0x2020] =	vst v0  }
0x25: {  	[tilespmem:s8+$0x2030] =	vst v0  }
0x26: {  	[tilespmem:s8+$0x2040] =	vst v0  }
0x27: {  	[tilespmem:s8+$0x2050] =	vst v0  }
0x28: {  	[tilespmem:s8+$0x2060] =	vst v0  }
0x29: {  	[spmem:s16] =	stream.linear.scatter [tilespmem:s28], [sflag:$0x3], $0x2800, $0x38;
	[tilespmem:$0x1B000] =	vst v63  }
0x2a: {  	_ =	swait.ge [sflag:s29], $0x2800  }
0x2b: {  	[sflag:s29] =	ssyncset.done $0x0  }
0x2c: {  	[sflag:s29] =	ssyncadd.s32 $0xFFFFD800  }
0x2d: {  	[spmem:s19] =	stream.linear.scatter [tilespmem:s28], [sflag:$0x3], $0x2800, $0x38;
	[tilespmem:$0x1B000] =	vst v63  }
0x2e: {  	_ =	swait.ge [sflag:s29], $0x2800  }
0x2f: {  	[sflag:s29] =	ssyncset.done $0x0  }
0x30: {  	[sflag:s29] =	ssyncadd.s32 $0xFFFFD800  }
0x31: {  	[spmem:s20] =	stream.linear.scatter [tilespmem:s28], [sflag:$0x3], $0x2800, $0x38;
	[tilespmem:$0x1B000] =	vst v63  }
0x32: {  	_ =	swait.ge [sflag:s29], $0x2800  }
0x33: {  	[sflag:s29] =	ssyncset.done $0x0  }
0x34: {  	[sflag:s29] =	ssyncadd.s32 $0xFFFFD800  }
0x35: {  	[spmem:s21] =	stream.linear.scatter [tilespmem:s28], [sflag:$0x3], $0x2800, $0x38;
	[tilespmem:$0x1B000] =	vst v63  }
0x36: {  	_ =	swait.ge [sflag:s29], $0x2800  }
0x37: {  	[sflag:s29] =	ssyncset.done $0x0  }
0x38: {  	[sflag:s29] =	ssyncadd.s32 $0xFFFFD800  }
0x39: {  	[spmem:s22] =	stream.linear.scatter [tilespmem:s28], [sflag:$0x3], $0x2800, $0x38;
	[tilespmem:$0x1B000] =	vst v63  }
0x3a: {  	_ =	swait.ge [sflag:s29], $0x2800  }
0x3b: {  	[sflag:s29] =	ssyncset.done $0x0  }
0x3c: {  	[sflag:s29] =	ssyncadd.s32 $0xFFFFD800  }
0x3d: {  	[spmem:s23] =	stream.linear.scatter [tilespmem:s28], [sflag:$0x3], $0x2800, $0x38;
	[tilespmem:$0x1B000] =	vst v63  }
0x3e: {  	_ =	swait.ge [sflag:s29], $0x2800  }
0x3f: {  	[sflag:s29] =	ssyncset.done $0x0  }
0x40: {  	[sflag:s29] =	ssyncadd.s32 $0xFFFFD800  }
0x41: {  	[spmem:s24] =	stream.linear.scatter [tilespmem:s28], [sflag:$0x3], $0x2800, $0x38;
	[tilespmem:$0x1B000] =	vst v63  }
0x42: {  	_ =	swait.ge [sflag:s29], $0x2800  }
0x43: {  	[sflag:s29] =	ssyncset.done $0x0  }
0x44: {  	[sflag:s29] =	ssyncadd.s32 $0xFFFFD800  }
0x45: {  	[spmem:s26] =	stream.linear.scatter [tilespmem:s28], [sflag:$0x3], $0x2800, $0x38;
	[tilespmem:$0x1B000] =	vst v63  }
0x46: {  	_ =	swait.ge [sflag:s29], $0x2800  }
0x47: {  	[sflag:s29] =	ssyncset.done $0x0  }
0x48: {  	[sflag:s29] =	ssyncadd.s32 $0xFFFFD800  }
0x49: {  	[bflag:$0x0] =	sbarrier.arrive $0xFFFF  }
0x4a: {  	s11 =	simm.s32 $0x0;
	s9 =	rddreg [dreg:$0x4]  }
0x4b: {  	[tilespmem:s11], [sflag:$0x3] =	stream.linear.gather [hbm4b:s9+s11], $0xC80, $0x38;
	[tilespmem:$0x1B000] =	vst v63  }
0x4c: {  	_ =	swait.ge [sflag:s29], $0xC80  }
0x4d: {  	[sflag:s29] =	ssyncset.done $0x0  }
0x4e: {  	s12 =	rddreg [dreg:$0x5];
	[sflag:s29] =	ssyncadd.s32 $0xFFFFF380  }
0x4f: {  	[tilespmem:s30], [sflag:$0x3] =	stream.linear.gather [hbm4b:s12+s11], $0xC80, $0x38;
	[tilespmem:$0x1B000] =	vst v63  }
0x50: {  	_ =	swait.ge [sflag:s29], $0xC80  }
0x51: {  	[sflag:s29] =	ssyncset.done $0x0  }
0x52: {  	s8 =	simm.s32 $0x0;
	[sflag:s29] =	ssyncadd.s32 $0xFFFFF380  }
0x53: {  	v5 =	vld [tilespmem:s8+$0x1000]  }
0x54: {  	v4 =	vld [tilespmem:s8+$0x1010]  }
0x55: {  	v3 =	vld [tilespmem:s8+$0x1020]  }
0x56: {  	v2 =	vld [tilespmem:s8+$0x1030]  }
0x57: {  	v1 =	vld [tilespmem:s8+$0x1040]  }
0x58: {  	v9 =	vld [tilespmem:s8+$0x0]  }
0x59: {  	v8 =	vld [tilespmem:s8+$0x10]  }
0x5a: {  	v7 =	vld [tilespmem:s8+$0x20]  }
0x5b: {  	s9 =	simm.s32 $0x200;
	v6 =	vld [tilespmem:s8+$0x30]  }
.LBB2_4:
0x5c: {  	s10 =	sshra.s32 s9, $0x2;
	p1 =	sne.s32 s9, $0x3000;
	v10 =	vld [tilespmem:s8+$0x40]  }
0x5d: {  	vm0 =	veq.s32 v9, v5;
	v5 =	vld [tilespmem:s10+$0x1000]  }
0x5e: {  	v9 =	vsel vm0, $0x2710, v9;
	vm0 =	veq.s32 v8, v4;
	v4 =	vld [tilespmem:s10+$0x1010]  }
0x5f: {  	[tilespmem:s8+$0x0] =	vst v9;
	v8 =	vsel vm0, $0x2710, v8;
	vm0 =	veq.s32 v7, v3;
	v3 =	vld [tilespmem:s10+$0x1020]  }
0x60: {  	[tilespmem:s8+$0x10] =	vst v8;
	v7 =	vsel vm0, $0x2710, v7;
	vm0 =	veq.s32 v6, v2;
	v2 =	vld [tilespmem:s10+$0x1030]  }
.Ltmp1:
0x61: {  	[tilespmem:s8+$0x20] =	vst v7;
	v6 =	vsel vm0, $0x2710, v6;
	vm0 =	veq.s32 v10, v1;
	v1 =	vld [tilespmem:s10+$0x1040];
	(pc) =	sbr.rel @p1 .LBB2_4-.Ltmp1, $4  }
0x62: {  	v9 =	vld [tilespmem:s10+$0x0];
	[tilespmem:s8+$0x30] =	vst v6;
	v6 =	vsel vm0, $0x2710, v10  }
0x63: {  	v8 =	vld [tilespmem:s10+$0x10];
	[tilespmem:s8+$0x40] =	vst v6;
	s8 =	smov.u32 s10  }
0x64: {  	v7 =	vld [tilespmem:s8+$0x20]  }
0x65: {  	s9 =	sadd.s32 $0x200, s9;
	v6 =	vld [tilespmem:s8+$0x30]  }
0x66: {  	v10 =	vld [tilespmem:s8+$0x40]  }
0x67: {  	vm0 =	veq.s32 v9, v5  }
0x68: {  	v5 =	vsel vm0, $0x2710, v9;
	vm12 =	veq.s32 v8, v4  }
0x69: {  	[tilespmem:s8+$0x0] =	vst v5;
	v4 =	vsel vm12, $0x2710, v8;
	vm13 =	veq.s32 v7, v3  }
0x6a: {  	[tilespmem:s8+$0x10] =	vst v4;
	v3 =	vsel vm13, $0x2710, v7;
	vm14 =	veq.s32 v6, v2  }
0x6b: {  	[tilespmem:s8+$0x20] =	vst v3;
	v2 =	vsel vm14, $0x2710, v6;
	vm15 =	veq.s32 v10, v1  }
0x6c: {  	[tilespmem:s8+$0x30] =	vst v2;
	v1 =	vsel vm15, $0x2710, v10  }
0x6d: {  	[tilespmem:s8+$0x40] =	vst v1  }
0x6e: {  	[tilespmem:s28], [sflag:$0x1] =	stream.indirect.gather [hbm4b:s1+s31], $0x80, s30, s31, $0xb8;
	[tilespmem:$0x1B000] =	vst v63  }
0x6f: {  	s9 =	simm.s32 $0x1080  }
0x70: {  	[tilespmem:s2], [sflag:$0x2] =	stream.indirect.gather [hbm4b:s1+s31], $0x80, s9, s31, $0xb8;
	[tilespmem:$0x1B000] =	vst v63  }
0x71: {  	_ =	swait.ge [sflag:s0], $0x2800  }
0x72: {  	[sflag:s0] =	ssyncset.done $0x0  }
0x73: {  	s10 =	simm.s32 $0x0;
	[sflag:s0] =	ssyncadd.s32 $0xFFFFD800  }
0x74: {  	[spmem:s3] =	stream.indirect.scatter.add.f32 [tilespmem:s28], [sflag:$0x4], $0x80, s10, s31, $0xb8;
	[tilespmem:$0x1B000] =	vst v63  }
0x75: {  	_ =	swait.ge [sflag:s5], $0x2800  }
0x76: {  	[sflag:s5] =	ssyncset.done $0x0  }
0x77: {  	s11 =	simm.s32 $0x1100;
	[sflag:s5] =	ssyncadd.s32 $0xFFFFD800  }
0x78: {  	[tilespmem:s28], [sflag:$0x1] =	stream.indirect.gather [hbm4b:s1+s31], $0x80, s11, s31, $0xb8;
	[tilespmem:$0x1B000] =	vst v63  }
0x79: {  	_ =	swait.ge [sflag:s6], $0x2800  }
0x7a: {  	[sflag:s6] =	ssyncset.done $0x0  }
0x7b: {  	s12 =	simm.s32 $0x80;
	[sflag:s6] =	ssyncadd.s32 $0xFFFFD800  }
0x7c: {  	[spmem:s3] =	stream.indirect.scatter.add.f32 [tilespmem:s2], [sflag:$0x3], $0x80, s12, s31, $0xb8;
	[tilespmem:$0x1B000] =	vst v63  }
0x7d: {  	_ =	swait.ge [sflag:s29], $0x2800  }
0x7e: {  	s8 =	simm.s32 $0x100;
	s9 =	simm.s32 $0x800;
	[sflag:s29] =	ssyncset.done $0x0  }
.LBB2_6:
0x7f: {  	s10 =	sadd.s32 $0x1080, s8  }
0x80: {  	[sflag:s29] =	ssyncadd.s32 $0xFFFFD800;
	s11 =	smov.u32 s9;
	s12 =	sadd.s32 $0x400, s9  }
0x81: {  	[tilespmem:s2], [sflag:$0x2] =	stream.indirect.gather [hbm4b:s1+s31], $0x80, s10, s31, $0xb8;
	[tilespmem:$0x1B000] =	vst v63  }
0x82: {  	p1 =	sne.s32 s9, $0x2C00;
	_ =	swait.ge [sflag:s0], $0x2800  }
0x83: {  	[sflag:s0] =	ssyncset.done $0x0  }
0x84: {  	[sflag:s0] =	ssyncadd.s32 $0xFFFFD800  }
0x85: {  	[spmem:s3] =	stream.indirect.scatter.add.f32 [tilespmem:s28], [sflag:$0x4], $0x80, s8, s31, $0xb8;
	[tilespmem:$0x1B000] =	vst v63  }
0x86: {  	_ =	swait.ge [sflag:s5], $0x2800  }
0x87: {  	[sflag:s5] =	ssyncset.done $0x0  }
0x88: {  	s9 =	sadd.s32 $0x1100, s8;
	[sflag:s5] =	ssyncadd.s32 $0xFFFFD800  }
0x89: {  	[tilespmem:s28], [sflag:$0x1] =	stream.indirect.gather [hbm4b:s1+s31], $0x80, s9, s31, $0xb8;
	[tilespmem:$0x1B000] =	vst v63  }
0x8a: {  	_ =	swait.ge [sflag:s6], $0x2800  }
.Ltmp2:
0x8b: {  	[sflag:s6] =	ssyncset.done $0x0;
	(pc) =	sbr.rel @p1 .LBB2_6-.Ltmp2, $4  }
0x8c: {  	s8 =	sadd.s32 $0x80, s8;
	[sflag:s6] =	ssyncadd.s32 $0xFFFFD800  }
0x8d: {  	[spmem:s3] =	stream.indirect.scatter.add.f32 [tilespmem:s2], [sflag:$0x3], $0x80, s8, s31, $0xb8;
	[tilespmem:$0x1B000] =	vst v63  }
0x8e: {  	_ =	swait.ge [sflag:s29], $0x2800  }
0x8f: {  	s9 =	smov.u32 s12;
	s8 =	sshra.s32 s11, $0x2;
	[sflag:s29] =	ssyncset.done $0x0  }
0x90: {  	s9 =	sadd.s32 $0x1080, s8;
	[sflag:s29] =	ssyncadd.s32 $0xFFFFD800  }
0x91: {  	[tilespmem:s2], [sflag:$0x2] =	stream.indirect.gather [hbm4b:s1+s31], $0x80, s9, s31, $0xb8;
	[tilespmem:$0x1B000] =	vst v63  }
0x92: {  	_ =	swait.ge [sflag:s0], $0x2800  }
0x93: {  	[sflag:s0] =	ssyncset.done $0x0  }
0x94: {  	[sflag:s0] =	ssyncadd.s32 $0xFFFFD800  }
0x95: {  	[spmem:s3] =	stream.indirect.scatter.add.f32 [tilespmem:s28], [sflag:$0x4], $0x80, s8, s31, $0xb8;
	[tilespmem:$0x1B000] =	vst v63  }
0x96: {  	_ =	swait.ge [sflag:s5], $0x2800  }
0x97: {  	[sflag:s5] =	ssyncset.done $0x0  }
0x98: {  	s12 =	sadd.s32 $0x1100, s8;
	[sflag:s5] =	ssyncadd.s32 $0xFFFFD800  }
0x99: {  	[tilespmem:s28], [sflag:$0x1] =	stream.indirect.gather [hbm4b:s1+s31], $0x80, s12, s31, $0xb8;
	[tilespmem:$0x1B000] =	vst v63  }
0x9a: {  	_ =	swait.ge [sflag:s6], $0x2800  }
0x9b: {  	[sflag:s6] =	ssyncset.done $0x0  }
0x9c: {  	s9 =	sadd.s32 $0x80, s8;
	[sflag:s6] =	ssyncadd.s32 $0xFFFFD800  }
0x9d: {  	[spmem:s3] =	stream.indirect.scatter.add.f32 [tilespmem:s2], [sflag:$0x3], $0x80, s9, s31, $0xb8;
	[tilespmem:$0x1B000] =	vst v63  }
0x9e: {  	_ =	swait.ge [sflag:s29], $0x2800  }
0x9f: {  	[sflag:s29] =	ssyncset.done $0x0  }
0xa0: {  	[sflag:s29] =	ssyncadd.s32 $0xFFFFD800  }
0xa1: {  	_ =	swait.ge [sflag:s0], $0x2800  }
0xa2: {  	[sflag:s0] =	ssyncset.done $0x0  }
0xa3: {  	[sflag:s0] =	ssyncadd.s32 $0xFFFFD800  }
0xa4: {  	[spmem:s3] =	stream.indirect.scatter.add.f32 [tilespmem:s28], [sflag:$0x4], $0x80, s7, s31, $0xb8;
	[tilespmem:$0x1B000] =	vst v63  }
0xa5: {  	_ =	swait.ge [sflag:s5], $0x2800  }
0xa6: {  	[sflag:s5] =	ssyncset.done $0x0  }
0xa7: {  	s10 =	simm.s32 $0x0;
	s11 =	rddreg [dreg:$0x6];
	[sflag:s5] =	ssyncadd.s32 $0xFFFFD800  }
0xa8: {  	[tilespmem:s10], [sflag:$0x3] =	stream.linear.gather [hbm4b:s11+s10], $0xC80, $0x38;
	[tilespmem:$0x1B000] =	vst v63  }
0xa9: {  	_ =	swait.ge [sflag:s29], $0xC80  }
0xaa: {  	[sflag:s29] =	ssyncset.done $0x0  }
0xab: {  	s12 =	rddreg [dreg:$0x7];
	[sflag:s29] =	ssyncadd.s32 $0xFFFFF380  }
0xac: {  	[tilespmem:s30], [sflag:$0x3] =	stream.linear.gather [hbm4b:s12+s10], $0xC80, $0x38;
	[tilespmem:$0x1B000] =	vst v63  }
0xad: {  	_ =	swait.ge [sflag:s29], $0xC80  }
0xae: {  	[sflag:s29] =	ssyncset.done $0x0  }
0xaf: {  	s8 =	simm.s32 $0x0;
	[sflag:s29] =	ssyncadd.s32 $0xFFFFF380  }
0xb0: {  	v5 =	vld [tilespmem:s8+$0x1000]  }
0xb1: {  	v4 =	vld [tilespmem:s8+$0x1010]  }
0xb2: {  	v3 =	vld [tilespmem:s8+$0x1020]  }
0xb3: {  	v2 =	vld [tilespmem:s8+$0x1030]  }
0xb4: {  	v1 =	vld [tilespmem:s8+$0x1040]  }
0xb5: {  	v9 =	vld [tilespmem:s8+$0x0]  }
0xb6: {  	v8 =	vld [tilespmem:s8+$0x10]  }
0xb7: {  	v7 =	vld [tilespmem:s8+$0x20]  }
0xb8: {  	s9 =	simm.s32 $0x200;
	v6 =	vld [tilespmem:s8+$0x30]  }
.LBB2_8:
0xb9: {  	s10 =	sshra.s32 s9, $0x2;
	p1 =	sne.s32 s9, $0x3000;
	v10 =	vld [tilespmem:s8+$0x40]  }
0xba: {  	vm0 =	veq.s32 v9, v5;
	v5 =	vld [tilespmem:s10+$0x1000]  }
0xbb: {  	v9 =	vsel vm0, $0x2710, v9;
	vm0 =	veq.s32 v8, v4;
	v4 =	vld [tilespmem:s10+$0x1010]  }
0xbc: {  	[tilespmem:s8+$0x0] =	vst v9;
	v8 =	vsel vm0, $0x2710, v8;
	vm0 =	veq.s32 v7, v3;
	v3 =	vld [tilespmem:s10+$0x1020]  }
0xbd: {  	[tilespmem:s8+$0x10] =	vst v8;
	v7 =	vsel vm0, $0x2710, v7;
	vm0 =	veq.s32 v6, v2;
	v2 =	vld [tilespmem:s10+$0x1030]  }
.Ltmp3:
0xbe: {  	[tilespmem:s8+$0x20] =	vst v7;
	v6 =	vsel vm0, $0x2710, v6;
	vm0 =	veq.s32 v10, v1;
	v1 =	vld [tilespmem:s10+$0x1040];
	(pc) =	sbr.rel @p1 .LBB2_8-.Ltmp3, $4  }
0xbf: {  	v9 =	vld [tilespmem:s10+$0x0];
	[tilespmem:s8+$0x30] =	vst v6;
	v6 =	vsel vm0, $0x2710, v10  }
0xc0: {  	v8 =	vld [tilespmem:s10+$0x10];
	[tilespmem:s8+$0x40] =	vst v6;
	s8 =	smov.u32 s10  }
0xc1: {  	v7 =	vld [tilespmem:s8+$0x20]  }
0xc2: {  	s9 =	sadd.s32 $0x200, s9;
	v6 =	vld [tilespmem:s8+$0x30]  }
0xc3: {  	v10 =	vld [tilespmem:s8+$0x40]  }
0xc4: {  	vm0 =	veq.s32 v9, v5  }
0xc5: {  	v5 =	vsel vm0, $0x2710, v9;
	vm12 =	veq.s32 v8, v4  }
0xc6: {  	[tilespmem:s8+$0x0] =	vst v5;
	v4 =	vsel vm12, $0x2710, v8;
	vm13 =	veq.s32 v7, v3  }
0xc7: {  	[tilespmem:s8+$0x10] =	vst v4;
	v3 =	vsel vm13, $0x2710, v7;
	vm14 =	veq.s32 v6, v2  }
0xc8: {  	[tilespmem:s8+$0x20] =	vst v3;
	v2 =	vsel vm14, $0x2710, v6;
	vm15 =	veq.s32 v10, v1  }
0xc9: {  	[tilespmem:s8+$0x30] =	vst v2;
	v1 =	vsel vm15, $0x2710, v10  }
0xca: {  	[tilespmem:s8+$0x40] =	vst v1  }
0xcb: {  	[tilespmem:s28], [sflag:$0x1] =	stream.indirect.gather [hbm4b:s1+s31], $0x80, s30, s31, $0xb8;
	[tilespmem:$0x1B000] =	vst v63  }
0xcc: {  	s9 =	simm.s32 $0x1080  }
0xcd: {  	[tilespmem:s2], [sflag:$0x2] =	stream.indirect.gather [hbm4b:s1+s31], $0x80, s9, s31, $0xb8;
	[tilespmem:$0x1B000] =	vst v63  }
0xce: {  	_ =	swait.ge [sflag:s0], $0x2800  }
0xcf: {  	[sflag:s0] =	ssyncset.done $0x0  }
0xd0: {  	s10 =	simm.s32 $0x0;
	[sflag:s0] =	ssyncadd.s32 $0xFFFFD800  }
0xd1: {  	[spmem:s3] =	stream.indirect.scatter.add.f32 [tilespmem:s28], [sflag:$0x4], $0x80, s10, s31, $0xb8;
	[tilespmem:$0x1B000] =	vst v63  }
0xd2: {  	_ =	swait.ge [sflag:s5], $0x2800  }
0xd3: {  	[sflag:s5] =	ssyncset.done $0x0  }
0xd4: {  	s11 =	simm.s32 $0x1100;
	[sflag:s5] =	ssyncadd.s32 $0xFFFFD800  }
0xd5: {  	[tilespmem:s28], [sflag:$0x1] =	stream.indirect.gather [hbm4b:s1+s31], $0x80, s11, s31, $0xb8;
	[tilespmem:$0x1B000] =	vst v63  }
0xd6: {  	_ =	swait.ge [sflag:s6], $0x2800  }
0xd7: {  	[sflag:s6] =	ssyncset.done $0x0  }
0xd8: {  	s12 =	simm.s32 $0x80;
	[sflag:s6] =	ssyncadd.s32 $0xFFFFD800  }
0xd9: {  	[spmem:s3] =	stream.indirect.scatter.add.f32 [tilespmem:s2], [sflag:$0x3], $0x80, s12, s31, $0xb8;
	[tilespmem:$0x1B000] =	vst v63  }
0xda: {  	_ =	swait.ge [sflag:s29], $0x2800  }
0xdb: {  	s8 =	simm.s32 $0x100;
	s9 =	simm.s32 $0x800;
	[sflag:s29] =	ssyncset.done $0x0  }
.LBB2_10:
0xdc: {  	s10 =	sadd.s32 $0x1080, s8  }
0xdd: {  	[sflag:s29] =	ssyncadd.s32 $0xFFFFD800;
	s11 =	smov.u32 s9;
	s12 =	sadd.s32 $0x400, s9  }
0xde: {  	[tilespmem:s2], [sflag:$0x2] =	stream.indirect.gather [hbm4b:s1+s31], $0x80, s10, s31, $0xb8;
	[tilespmem:$0x1B000] =	vst v63  }
0xdf: {  	p1 =	sne.s32 s9, $0x2C00;
	_ =	swait.ge [sflag:s0], $0x2800  }
0xe0: {  	[sflag:s0] =	ssyncset.done $0x0  }
0xe1: {  	[sflag:s0] =	ssyncadd.s32 $0xFFFFD800  }
0xe2: {  	[spmem:s3] =	stream.indirect.scatter.add.f32 [tilespmem:s28], [sflag:$0x4], $0x80, s8, s31, $0xb8;
	[tilespmem:$0x1B000] =	vst v63  }
0xe3: {  	_ =	swait.ge [sflag:s5], $0x2800  }
0xe4: {  	[sflag:s5] =	ssyncset.done $0x0  }
0xe5: {  	s9 =	sadd.s32 $0x1100, s8;
	[sflag:s5] =	ssyncadd.s32 $0xFFFFD800  }
0xe6: {  	[tilespmem:s28], [sflag:$0x1] =	stream.indirect.gather [hbm4b:s1+s31], $0x80, s9, s31, $0xb8;
	[tilespmem:$0x1B000] =	vst v63  }
0xe7: {  	_ =	swait.ge [sflag:s6], $0x2800  }
.Ltmp4:
0xe8: {  	[sflag:s6] =	ssyncset.done $0x0;
	(pc) =	sbr.rel @p1 .LBB2_10-.Ltmp4, $4  }
0xe9: {  	s8 =	sadd.s32 $0x80, s8;
	[sflag:s6] =	ssyncadd.s32 $0xFFFFD800  }
0xea: {  	[spmem:s3] =	stream.indirect.scatter.add.f32 [tilespmem:s2], [sflag:$0x3], $0x80, s8, s31, $0xb8;
	[tilespmem:$0x1B000] =	vst v63  }
0xeb: {  	_ =	swait.ge [sflag:s29], $0x2800  }
0xec: {  	s9 =	smov.u32 s12;
	s8 =	sshra.s32 s11, $0x2;
	[sflag:s29] =	ssyncset.done $0x0  }
0xed: {  	s9 =	sadd.s32 $0x1080, s8;
	[sflag:s29] =	ssyncadd.s32 $0xFFFFD800  }
0xee: {  	[tilespmem:s2], [sflag:$0x2] =	stream.indirect.gather [hbm4b:s1+s31], $0x80, s9, s31, $0xb8;
	[tilespmem:$0x1B000] =	vst v63  }
0xef: {  	_ =	swait.ge [sflag:s0], $0x2800  }
0xf0: {  	[sflag:s0] =	ssyncset.done $0x0  }
0xf1: {  	[sflag:s0] =	ssyncadd.s32 $0xFFFFD800  }
0xf2: {  	[spmem:s3] =	stream.indirect.scatter.add.f32 [tilespmem:s28], [sflag:$0x4], $0x80, s8, s31, $0xb8;
	[tilespmem:$0x1B000] =	vst v63  }
0xf3: {  	_ =	swait.ge [sflag:s5], $0x2800  }
0xf4: {  	[sflag:s5] =	ssyncset.done $0x0  }
0xf5: {  	s12 =	sadd.s32 $0x1100, s8;
	[sflag:s5] =	ssyncadd.s32 $0xFFFFD800  }
0xf6: {  	[tilespmem:s28], [sflag:$0x1] =	stream.indirect.gather [hbm4b:s1+s31], $0x80, s12, s31, $0xb8;
	[tilespmem:$0x1B000] =	vst v63  }
0xf7: {  	_ =	swait.ge [sflag:s6], $0x2800  }
0xf8: {  	[sflag:s6] =	ssyncset.done $0x0  }
0xf9: {  	s9 =	sadd.s32 $0x80, s8;
	[sflag:s6] =	ssyncadd.s32 $0xFFFFD800  }
0xfa: {  	[spmem:s3] =	stream.indirect.scatter.add.f32 [tilespmem:s2], [sflag:$0x3], $0x80, s9, s31, $0xb8;
	[tilespmem:$0x1B000] =	vst v63  }
0xfb: {  	_ =	swait.ge [sflag:s29], $0x2800  }
0xfc: {  	[sflag:s29] =	ssyncset.done $0x0  }
0xfd: {  	[sflag:s29] =	ssyncadd.s32 $0xFFFFD800  }
0xfe: {  	_ =	swait.ge [sflag:s0], $0x2800  }
0xff: {  	[sflag:s0] =	ssyncset.done $0x0  }
0x100: {  	[sflag:s0] =	ssyncadd.s32 $0xFFFFD800  }
0x101: {  	[spmem:s3] =	stream.indirect.scatter.add.f32 [tilespmem:s28], [sflag:$0x4], $0x80, s7, s31, $0xb8;
	[tilespmem:$0x1B000] =	vst v63  }
0x102: {  	_ =	swait.ge [sflag:s5], $0x2800  }
0x103: {  	[sflag:s5] =	ssyncset.done $0x0  }
0x104: {  	s10 =	simm.s32 $0x0;
	s11 =	rddreg [dreg:$0x8];
	[sflag:s5] =	ssyncadd.s32 $0xFFFFD800  }
0x105: {  	[tilespmem:s10], [sflag:$0x3] =	stream.linear.gather [hbm4b:s11+s10], $0xC80, $0x38;
	[tilespmem:$0x1B000] =	vst v63  }
0x106: {  	_ =	swait.ge [sflag:s29], $0xC80  }
0x107: {  	[sflag:s29] =	ssyncset.done $0x0  }
0x108: {  	s12 =	rddreg [dreg:$0x9];
	[sflag:s29] =	ssyncadd.s32 $0xFFFFF380  }
0x109: {  	[tilespmem:s30], [sflag:$0x3] =	stream.linear.gather [hbm4b:s12+s10], $0xC80, $0x38;
	[tilespmem:$0x1B000] =	vst v63  }
0x10a: {  	_ =	swait.ge [sflag:s29], $0xC80  }
0x10b: {  	[sflag:s29] =	ssyncset.done $0x0  }
0x10c: {  	s8 =	simm.s32 $0x0;
	[sflag:s29] =	ssyncadd.s32 $0xFFFFF380  }
0x10d: {  	v5 =	vld [tilespmem:s8+$0x1000]  }
0x10e: {  	v4 =	vld [tilespmem:s8+$0x1010]  }
0x10f: {  	v3 =	vld [tilespmem:s8+$0x1020]  }
0x110: {  	v2 =	vld [tilespmem:s8+$0x1030]  }
0x111: {  	v1 =	vld [tilespmem:s8+$0x1040]  }
0x112: {  	v9 =	vld [tilespmem:s8+$0x0]  }
0x113: {  	v8 =	vld [tilespmem:s8+$0x10]  }
0x114: {  	v7 =	vld [tilespmem:s8+$0x20]  }
0x115: {  	s9 =	simm.s32 $0x200;
	v6 =	vld [tilespmem:s8+$0x30]  }
.LBB2_12:
0x116: {  	s10 =	sshra.s32 s9, $0x2;
	p1 =	sne.s32 s9, $0x3000;
	v10 =	vld [tilespmem:s8+$0x40]  }
0x117: {  	vm0 =	veq.s32 v9, v5;
	v5 =	vld [tilespmem:s10+$0x1000]  }
0x118: {  	v9 =	vsel vm0, $0x2710, v9;
	vm0 =	veq.s32 v8, v4;
	v4 =	vld [tilespmem:s10+$0x1010]  }
0x119: {  	[tilespmem:s8+$0x0] =	vst v9;
	v8 =	vsel vm0, $0x2710, v8;
	vm0 =	veq.s32 v7, v3;
	v3 =	vld [tilespmem:s10+$0x1020]  }
0x11a: {  	[tilespmem:s8+$0x10] =	vst v8;
	v7 =	vsel vm0, $0x2710, v7;
	vm0 =	veq.s32 v6, v2;
	v2 =	vld [tilespmem:s10+$0x1030]  }
.Ltmp5:
0x11b: {  	[tilespmem:s8+$0x20] =	vst v7;
	v6 =	vsel vm0, $0x2710, v6;
	vm0 =	veq.s32 v10, v1;
	v1 =	vld [tilespmem:s10+$0x1040];
	(pc) =	sbr.rel @p1 .LBB2_12-.Ltmp5, $4  }
0x11c: {  	v9 =	vld [tilespmem:s10+$0x0];
	[tilespmem:s8+$0x30] =	vst v6;
	v6 =	vsel vm0, $0x2710, v10  }
0x11d: {  	v8 =	vld [tilespmem:s10+$0x10];
	[tilespmem:s8+$0x40] =	vst v6;
	s8 =	smov.u32 s10  }
0x11e: {  	v7 =	vld [tilespmem:s8+$0x20]  }
0x11f: {  	s9 =	sadd.s32 $0x200, s9;
	v6 =	vld [tilespmem:s8+$0x30]  }
0x120: {  	v10 =	vld [tilespmem:s8+$0x40]  }
0x121: {  	vm0 =	veq.s32 v9, v5  }
0x122: {  	v5 =	vsel vm0, $0x2710, v9;
	vm12 =	veq.s32 v8, v4  }
0x123: {  	[tilespmem:s8+$0x0] =	vst v5;
	v4 =	vsel vm12, $0x2710, v8;
	vm13 =	veq.s32 v7, v3  }
0x124: {  	[tilespmem:s8+$0x10] =	vst v4;
	v3 =	vsel vm13, $0x2710, v7;
	vm14 =	veq.s32 v6, v2  }
0x125: {  	[tilespmem:s8+$0x20] =	vst v3;
	v2 =	vsel vm14, $0x2710, v6;
	vm15 =	veq.s32 v10, v1  }
0x126: {  	[tilespmem:s8+$0x30] =	vst v2;
	v1 =	vsel vm15, $0x2710, v10  }
0x127: {  	[tilespmem:s8+$0x40] =	vst v1  }
0x128: {  	[tilespmem:s28], [sflag:$0x1] =	stream.indirect.gather [hbm4b:s1+s31], $0x80, s30, s31, $0xb8;
	[tilespmem:$0x1B000] =	vst v63  }
0x129: {  	s9 =	simm.s32 $0x1080  }
0x12a: {  	[tilespmem:s2], [sflag:$0x2] =	stream.indirect.gather [hbm4b:s1+s31], $0x80, s9, s31, $0xb8;
	[tilespmem:$0x1B000] =	vst v63  }
0x12b: {  	_ =	swait.ge [sflag:s0], $0x2800  }
0x12c: {  	[sflag:s0] =	ssyncset.done $0x0  }
0x12d: {  	s10 =	simm.s32 $0x0;
	[sflag:s0] =	ssyncadd.s32 $0xFFFFD800  }
0x12e: {  	[spmem:s3] =	stream.indirect.scatter.add.f32 [tilespmem:s28], [sflag:$0x4], $0x80, s10, s31, $0xb8;
	[tilespmem:$0x1B000] =	vst v63  }
0x12f: {  	_ =	swait.ge [sflag:s5], $0x2800  }
0x130: {  	[sflag:s5] =	ssyncset.done $0x0  }
0x131: {  	s11 =	simm.s32 $0x1100;
	[sflag:s5] =	ssyncadd.s32 $0xFFFFD800  }
0x132: {  	[tilespmem:s28], [sflag:$0x1] =	stream.indirect.gather [hbm4b:s1+s31], $0x80, s11, s31, $0xb8;
	[tilespmem:$0x1B000] =	vst v63  }
0x133: {  	_ =	swait.ge [sflag:s6], $0x2800  }
0x134: {  	[sflag:s6] =	ssyncset.done $0x0  }
0x135: {  	s12 =	simm.s32 $0x80;
	[sflag:s6] =	ssyncadd.s32 $0xFFFFD800  }
0x136: {  	[spmem:s3] =	stream.indirect.scatter.add.f32 [tilespmem:s2], [sflag:$0x3], $0x80, s12, s31, $0xb8;
	[tilespmem:$0x1B000] =	vst v63  }
0x137: {  	_ =	swait.ge [sflag:s29], $0x2800  }
0x138: {  	s8 =	simm.s32 $0x100;
	s9 =	simm.s32 $0x800;
	[sflag:s29] =	ssyncset.done $0x0  }
.LBB2_14:
0x139: {  	s10 =	sadd.s32 $0x1080, s8  }
0x13a: {  	[sflag:s29] =	ssyncadd.s32 $0xFFFFD800;
	s11 =	smov.u32 s9;
	s12 =	sadd.s32 $0x400, s9  }
0x13b: {  	[tilespmem:s2], [sflag:$0x2] =	stream.indirect.gather [hbm4b:s1+s31], $0x80, s10, s31, $0xb8;
	[tilespmem:$0x1B000] =	vst v63  }
0x13c: {  	p1 =	sne.s32 s9, $0x2C00;
	_ =	swait.ge [sflag:s0], $0x2800  }
0x13d: {  	[sflag:s0] =	ssyncset.done $0x0  }
0x13e: {  	[sflag:s0] =	ssyncadd.s32 $0xFFFFD800  }
0x13f: {  	[spmem:s3] =	stream.indirect.scatter.add.f32 [tilespmem:s28], [sflag:$0x4], $0x80, s8, s31, $0xb8;
	[tilespmem:$0x1B000] =	vst v63  }
0x140: {  	_ =	swait.ge [sflag:s5], $0x2800  }
0x141: {  	[sflag:s5] =	ssyncset.done $0x0  }
0x142: {  	s9 =	sadd.s32 $0x1100, s8;
	[sflag:s5] =	ssyncadd.s32 $0xFFFFD800  }
0x143: {  	[tilespmem:s28], [sflag:$0x1] =	stream.indirect.gather [hbm4b:s1+s31], $0x80, s9, s31, $0xb8;
	[tilespmem:$0x1B000] =	vst v63  }
0x144: {  	_ =	swait.ge [sflag:s6], $0x2800  }
.Ltmp6:
0x145: {  	[sflag:s6] =	ssyncset.done $0x0;
	(pc) =	sbr.rel @p1 .LBB2_14-.Ltmp6, $4  }
0x146: {  	s8 =	sadd.s32 $0x80, s8;
	[sflag:s6] =	ssyncadd.s32 $0xFFFFD800  }
0x147: {  	[spmem:s3] =	stream.indirect.scatter.add.f32 [tilespmem:s2], [sflag:$0x3], $0x80, s8, s31, $0xb8;
	[tilespmem:$0x1B000] =	vst v63  }
0x148: {  	_ =	swait.ge [sflag:s29], $0x2800  }
0x149: {  	s9 =	smov.u32 s12;
	s8 =	sshra.s32 s11, $0x2;
	[sflag:s29] =	ssyncset.done $0x0  }
0x14a: {  	s9 =	sadd.s32 $0x1080, s8;
	[sflag:s29] =	ssyncadd.s32 $0xFFFFD800  }
0x14b: {  	[tilespmem:s2], [sflag:$0x2] =	stream.indirect.gather [hbm4b:s1+s31], $0x80, s9, s31, $0xb8;
	[tilespmem:$0x1B000] =	vst v63  }
0x14c: {  	_ =	swait.ge [sflag:s0], $0x2800  }
0x14d: {  	[sflag:s0] =	ssyncset.done $0x0  }
0x14e: {  	[sflag:s0] =	ssyncadd.s32 $0xFFFFD800  }
0x14f: {  	[spmem:s3] =	stream.indirect.scatter.add.f32 [tilespmem:s28], [sflag:$0x4], $0x80, s8, s31, $0xb8;
	[tilespmem:$0x1B000] =	vst v63  }
0x150: {  	_ =	swait.ge [sflag:s5], $0x2800  }
0x151: {  	[sflag:s5] =	ssyncset.done $0x0  }
0x152: {  	s12 =	sadd.s32 $0x1100, s8;
	[sflag:s5] =	ssyncadd.s32 $0xFFFFD800  }
0x153: {  	[tilespmem:s28], [sflag:$0x1] =	stream.indirect.gather [hbm4b:s1+s31], $0x80, s12, s31, $0xb8;
	[tilespmem:$0x1B000] =	vst v63  }
0x154: {  	_ =	swait.ge [sflag:s6], $0x2800  }
0x155: {  	[sflag:s6] =	ssyncset.done $0x0  }
0x156: {  	s9 =	sadd.s32 $0x80, s8;
	[sflag:s6] =	ssyncadd.s32 $0xFFFFD800  }
0x157: {  	[spmem:s3] =	stream.indirect.scatter.add.f32 [tilespmem:s2], [sflag:$0x3], $0x80, s9, s31, $0xb8;
	[tilespmem:$0x1B000] =	vst v63  }
0x158: {  	_ =	swait.ge [sflag:s29], $0x2800  }
0x159: {  	[sflag:s29] =	ssyncset.done $0x0  }
0x15a: {  	[sflag:s29] =	ssyncadd.s32 $0xFFFFD800  }
0x15b: {  	_ =	swait.ge [sflag:s0], $0x2800  }
0x15c: {  	[sflag:s0] =	ssyncset.done $0x0  }
0x15d: {  	[sflag:s0] =	ssyncadd.s32 $0xFFFFD800  }
0x15e: {  	[spmem:s3] =	stream.indirect.scatter.add.f32 [tilespmem:s28], [sflag:$0x4], $0x80, s7, s31, $0xb8;
	[tilespmem:$0x1B000] =	vst v63  }
0x15f: {  	_ =	swait.ge [sflag:s5], $0x2800  }
0x160: {  	[sflag:s5] =	ssyncset.done $0x0  }
0x161: {  	s10 =	simm.s32 $0x0;
	s11 =	rddreg [dreg:$0xa];
	[sflag:s5] =	ssyncadd.s32 $0xFFFFD800  }
0x162: {  	[tilespmem:s10], [sflag:$0x3] =	stream.linear.gather [hbm4b:s11+s10], $0xC80, $0x38;
	[tilespmem:$0x1B000] =	vst v63  }
0x163: {  	_ =	swait.ge [sflag:s29], $0xC80  }
0x164: {  	[sflag:s29] =	ssyncset.done $0x0  }
0x165: {  	s12 =	rddreg [dreg:$0xb];
	[sflag:s29] =	ssyncadd.s32 $0xFFFFF380  }
0x166: {  	[tilespmem:s30], [sflag:$0x3] =	stream.linear.gather [hbm4b:s12+s10], $0xC80, $0x38;
	[tilespmem:$0x1B000] =	vst v63  }
0x167: {  	_ =	swait.ge [sflag:s29], $0xC80  }
0x168: {  	[sflag:s29] =	ssyncset.done $0x0  }
0x169: {  	s8 =	simm.s32 $0x0;
	[sflag:s29] =	ssyncadd.s32 $0xFFFFF380  }
0x16a: {  	v5 =	vld [tilespmem:s8+$0x1000]  }
0x16b: {  	v4 =	vld [tilespmem:s8+$0x1010]  }
0x16c: {  	v3 =	vld [tilespmem:s8+$0x1020]  }
0x16d: {  	v2 =	vld [tilespmem:s8+$0x1030]  }
0x16e: {  	v1 =	vld [tilespmem:s8+$0x1040]  }
0x16f: {  	v9 =	vld [tilespmem:s8+$0x0]  }
0x170: {  	v8 =	vld [tilespmem:s8+$0x10]  }
0x171: {  	v7 =	vld [tilespmem:s8+$0x20]  }
0x172: {  	s9 =	simm.s32 $0x200;
	v6 =	vld [tilespmem:s8+$0x30]  }
.LBB2_16:
0x173: {  	s10 =	sshra.s32 s9, $0x2;
	p1 =	sne.s32 s9, $0x3000;
	v10 =	vld [tilespmem:s8+$0x40]  }
0x174: {  	vm0 =	veq.s32 v9, v5;
	v5 =	vld [tilespmem:s10+$0x1000]  }
0x175: {  	v9 =	vsel vm0, $0x2710, v9;
	vm0 =	veq.s32 v8, v4;
	v4 =	vld [tilespmem:s10+$0x1010]  }
0x176: {  	[tilespmem:s8+$0x0] =	vst v9;
	v8 =	vsel vm0, $0x2710, v8;
	vm0 =	veq.s32 v7, v3;
	v3 =	vld [tilespmem:s10+$0x1020]  }
0x177: {  	[tilespmem:s8+$0x10] =	vst v8;
	v7 =	vsel vm0, $0x2710, v7;
	vm0 =	veq.s32 v6, v2;
	v2 =	vld [tilespmem:s10+$0x1030]  }
.Ltmp7:
0x178: {  	[tilespmem:s8+$0x20] =	vst v7;
	v6 =	vsel vm0, $0x2710, v6;
	vm0 =	veq.s32 v10, v1;
	v1 =	vld [tilespmem:s10+$0x1040];
	(pc) =	sbr.rel @p1 .LBB2_16-.Ltmp7, $4  }
0x179: {  	v9 =	vld [tilespmem:s10+$0x0];
	[tilespmem:s8+$0x30] =	vst v6;
	v6 =	vsel vm0, $0x2710, v10  }
0x17a: {  	v8 =	vld [tilespmem:s10+$0x10];
	[tilespmem:s8+$0x40] =	vst v6;
	s8 =	smov.u32 s10  }
0x17b: {  	v7 =	vld [tilespmem:s8+$0x20]  }
0x17c: {  	s9 =	sadd.s32 $0x200, s9;
	v6 =	vld [tilespmem:s8+$0x30]  }
0x17d: {  	v10 =	vld [tilespmem:s8+$0x40]  }
0x17e: {  	vm0 =	veq.s32 v9, v5  }
0x17f: {  	v5 =	vsel vm0, $0x2710, v9;
	vm12 =	veq.s32 v8, v4  }
0x180: {  	[tilespmem:s8+$0x0] =	vst v5;
	v4 =	vsel vm12, $0x2710, v8;
	vm13 =	veq.s32 v7, v3  }
0x181: {  	[tilespmem:s8+$0x10] =	vst v4;
	v3 =	vsel vm13, $0x2710, v7;
	vm14 =	veq.s32 v6, v2  }
0x182: {  	[tilespmem:s8+$0x20] =	vst v3;
	v2 =	vsel vm14, $0x2710, v6;
	vm15 =	veq.s32 v10, v1  }
0x183: {  	[tilespmem:s8+$0x30] =	vst v2;
	v1 =	vsel vm15, $0x2710, v10  }
0x184: {  	[tilespmem:s8+$0x40] =	vst v1  }
0x185: {  	[tilespmem:s28], [sflag:$0x1] =	stream.indirect.gather [hbm4b:s1+s31], $0x80, s30, s31, $0xb8;
	[tilespmem:$0x1B000] =	vst v63  }
0x186: {  	s9 =	simm.s32 $0x1080  }
0x187: {  	[tilespmem:s2], [sflag:$0x2] =	stream.indirect.gather [hbm4b:s1+s31], $0x80, s9, s31, $0xb8;
	[tilespmem:$0x1B000] =	vst v63  }
0x188: {  	_ =	swait.ge [sflag:s0], $0x2800  }
0x189: {  	[sflag:s0] =	ssyncset.done $0x0  }
0x18a: {  	s10 =	simm.s32 $0x0;
	[sflag:s0] =	ssyncadd.s32 $0xFFFFD800  }
0x18b: {  	[spmem:s3] =	stream.indirect.scatter.add.f32 [tilespmem:s28], [sflag:$0x4], $0x80, s10, s31, $0xb8;
	[tilespmem:$0x1B000] =	vst v63  }
0x18c: {  	_ =	swait.ge [sflag:s5], $0x2800  }
0x18d: {  	[sflag:s5] =	ssyncset.done $0x0  }
0x18e: {  	s11 =	simm.s32 $0x1100;
	[sflag:s5] =	ssyncadd.s32 $0xFFFFD800  }
0x18f: {  	[tilespmem:s28], [sflag:$0x1] =	stream.indirect.gather [hbm4b:s1+s31], $0x80, s11, s31, $0xb8;
	[tilespmem:$0x1B000] =	vst v63  }
0x190: {  	_ =	swait.ge [sflag:s6], $0x2800  }
0x191: {  	[sflag:s6] =	ssyncset.done $0x0  }
0x192: {  	s12 =	simm.s32 $0x80;
	[sflag:s6] =	ssyncadd.s32 $0xFFFFD800  }
0x193: {  	[spmem:s3] =	stream.indirect.scatter.add.f32 [tilespmem:s2], [sflag:$0x3], $0x80, s12, s31, $0xb8;
	[tilespmem:$0x1B000] =	vst v63  }
0x194: {  	_ =	swait.ge [sflag:s29], $0x2800  }
0x195: {  	s8 =	simm.s32 $0x100;
	s9 =	simm.s32 $0x800;
	[sflag:s29] =	ssyncset.done $0x0  }
.LBB2_18:
0x196: {  	s10 =	sadd.s32 $0x1080, s8  }
0x197: {  	[sflag:s29] =	ssyncadd.s32 $0xFFFFD800;
	s11 =	smov.u32 s9;
	s12 =	sadd.s32 $0x400, s9  }
0x198: {  	[tilespmem:s2], [sflag:$0x2] =	stream.indirect.gather [hbm4b:s1+s31], $0x80, s10, s31, $0xb8;
	[tilespmem:$0x1B000] =	vst v63  }
0x199: {  	p1 =	sne.s32 s9, $0x2C00;
	_ =	swait.ge [sflag:s0], $0x2800  }
0x19a: {  	[sflag:s0] =	ssyncset.done $0x0  }
0x19b: {  	[sflag:s0] =	ssyncadd.s32 $0xFFFFD800  }
0x19c: {  	[spmem:s3] =	stream.indirect.scatter.add.f32 [tilespmem:s28], [sflag:$0x4], $0x80, s8, s31, $0xb8;
	[tilespmem:$0x1B000] =	vst v63  }
0x19d: {  	_ =	swait.ge [sflag:s5], $0x2800  }
0x19e: {  	[sflag:s5] =	ssyncset.done $0x0  }
0x19f: {  	s9 =	sadd.s32 $0x1100, s8;
	[sflag:s5] =	ssyncadd.s32 $0xFFFFD800  }
0x1a0: {  	[tilespmem:s28], [sflag:$0x1] =	stream.indirect.gather [hbm4b:s1+s31], $0x80, s9, s31, $0xb8;
	[tilespmem:$0x1B000] =	vst v63  }
0x1a1: {  	_ =	swait.ge [sflag:s6], $0x2800  }
.Ltmp8:
0x1a2: {  	[sflag:s6] =	ssyncset.done $0x0;
	(pc) =	sbr.rel @p1 .LBB2_18-.Ltmp8, $4  }
0x1a3: {  	s8 =	sadd.s32 $0x80, s8;
	[sflag:s6] =	ssyncadd.s32 $0xFFFFD800  }
0x1a4: {  	[spmem:s3] =	stream.indirect.scatter.add.f32 [tilespmem:s2], [sflag:$0x3], $0x80, s8, s31, $0xb8;
	[tilespmem:$0x1B000] =	vst v63  }
0x1a5: {  	_ =	swait.ge [sflag:s29], $0x2800  }
0x1a6: {  	s9 =	smov.u32 s12;
	s8 =	sshra.s32 s11, $0x2;
	[sflag:s29] =	ssyncset.done $0x0  }
0x1a7: {  	s9 =	sadd.s32 $0x1080, s8;
	[sflag:s29] =	ssyncadd.s32 $0xFFFFD800  }
0x1a8: {  	[tilespmem:s2], [sflag:$0x2] =	stream.indirect.gather [hbm4b:s1+s31], $0x80, s9, s31, $0xb8;
	[tilespmem:$0x1B000] =	vst v63  }
0x1a9: {  	_ =	swait.ge [sflag:s0], $0x2800  }
0x1aa: {  	[sflag:s0] =	ssyncset.done $0x0  }
0x1ab: {  	[sflag:s0] =	ssyncadd.s32 $0xFFFFD800  }
0x1ac: {  	[spmem:s3] =	stream.indirect.scatter.add.f32 [tilespmem:s28], [sflag:$0x4], $0x80, s8, s31, $0xb8;
	[tilespmem:$0x1B000] =	vst v63  }
0x1ad: {  	_ =	swait.ge [sflag:s5], $0x2800  }
0x1ae: {  	[sflag:s5] =	ssyncset.done $0x0  }
0x1af: {  	s10 =	sadd.s32 $0x1100, s8;
	[sflag:s5] =	ssyncadd.s32 $0xFFFFD800  }
0x1b0: {  	[tilespmem:s28], [sflag:$0x1] =	stream.indirect.gather [hbm4b:s1+s31], $0x80, s10, s31, $0xb8;
	[tilespmem:$0x1B000] =	vst v63  }
0x1b1: {  	_ =	swait.ge [sflag:s6], $0x2800  }
0x1b2: {  	[sflag:s6] =	ssyncset.done $0x0  }
0x1b3: {  	s11 =	sadd.s32 $0x80, s8;
	[sflag:s6] =	ssyncadd.s32 $0xFFFFD800  }
0x1b4: {  	[spmem:s3] =	stream.indirect.scatter.add.f32 [tilespmem:s2], [sflag:$0x3], $0x80, s11, s31, $0xb8;
	[tilespmem:$0x1B000] =	vst v63  }
0x1b5: {  	_ =	swait.ge [sflag:s29], $0x2800  }
0x1b6: {  	[sflag:s29] =	ssyncset.done $0x0  }
0x1b7: {  	[sflag:s29] =	ssyncadd.s32 $0xFFFFD800  }
0x1b8: {  	_ =	swait.ge [sflag:s0], $0x2800  }
0x1b9: {  	[sflag:s0] =	ssyncset.done $0x0  }
0x1ba: {  	[sflag:s0] =	ssyncadd.s32 $0xFFFFD800  }
0x1bb: {  	[spmem:s3] =	stream.indirect.scatter.add.f32 [tilespmem:s28], [sflag:$0x4], $0x80, s7, s31, $0xb8;
	[tilespmem:$0x1B000] =	vst v63  }
0x1bc: {  	_ =	swait.ge [sflag:s5], $0x2800  }
0x1bd: {  	[sflag:s5] =	ssyncset.done $0x0  }
0x1be: {  	s12 =	simm.s32 $0x0;
	[sflag:s5] =	ssyncadd.s32 $0xFFFFD800  }
0x1bf: {  	[tilespmem:s12], [sflag:$0x3] =	stream.linear.gather [hbm4b:s13+s12], $0xC80, $0x38;
	[tilespmem:$0x1B000] =	vst v63  }
0x1c0: {  	_ =	swait.ge [sflag:s29], $0xC80  }
0x1c1: {  	[sflag:s29] =	ssyncset.done $0x0  }
0x1c2: {  	[sflag:s29] =	ssyncadd.s32 $0xFFFFF380  }
0x1c3: {  	[tilespmem:s30], [sflag:$0x3] =	stream.linear.gather [hbm4b:s14+s12], $0xC80, $0x38;
	[tilespmem:$0x1B000] =	vst v63  }
0x1c4: {  	_ =	swait.ge [sflag:s29], $0xC80  }
0x1c5: {  	[sflag:s29] =	ssyncset.done $0x0  }
0x1c6: {  	s8 =	simm.s32 $0x0;
	[sflag:s29] =	ssyncadd.s32 $0xFFFFF380  }
0x1c7: {  	v5 =	vld [tilespmem:s8+$0x1000]  }
0x1c8: {  	v4 =	vld [tilespmem:s8+$0x1010]  }
0x1c9: {  	v3 =	vld [tilespmem:s8+$0x1020]  }
0x1ca: {  	v2 =	vld [tilespmem:s8+$0x1030]  }
0x1cb: {  	v1 =	vld [tilespmem:s8+$0x1040]  }
0x1cc: {  	v9 =	vld [tilespmem:s8+$0x0]  }
0x1cd: {  	v8 =	vld [tilespmem:s8+$0x10]  }
0x1ce: {  	v7 =	vld [tilespmem:s8+$0x20]  }
0x1cf: {  	s9 =	simm.s32 $0x200;
	v6 =	vld [tilespmem:s8+$0x30]  }
.LBB2_20:
0x1d0: {  	s10 =	sshra.s32 s9, $0x2;
	p1 =	sne.s32 s9, $0x3000;
	v10 =	vld [tilespmem:s8+$0x40]  }
0x1d1: {  	vm0 =	veq.s32 v9, v5;
	v5 =	vld [tilespmem:s10+$0x1000]  }
0x1d2: {  	v9 =	vsel vm0, $0x2710, v9;
	vm0 =	veq.s32 v8, v4;
	v4 =	vld [tilespmem:s10+$0x1010]  }
0x1d3: {  	[tilespmem:s8+$0x0] =	vst v9;
	v8 =	vsel vm0, $0x2710, v8;
	vm0 =	veq.s32 v7, v3;
	v3 =	vld [tilespmem:s10+$0x1020]  }
0x1d4: {  	[tilespmem:s8+$0x10] =	vst v8;
	v7 =	vsel vm0, $0x2710, v7;
	vm0 =	veq.s32 v6, v2;
	v2 =	vld [tilespmem:s10+$0x1030]  }
.Ltmp9:
0x1d5: {  	[tilespmem:s8+$0x20] =	vst v7;
	v6 =	vsel vm0, $0x2710, v6;
	vm0 =	veq.s32 v10, v1;
	v1 =	vld [tilespmem:s10+$0x1040];
	(pc) =	sbr.rel @p1 .LBB2_20-.Ltmp9, $4  }
0x1d6: {  	v9 =	vld [tilespmem:s10+$0x0];
	[tilespmem:s8+$0x30] =	vst v6;
	v6 =	vsel vm0, $0x2710, v10  }
0x1d7: {  	v8 =	vld [tilespmem:s10+$0x10];
	[tilespmem:s8+$0x40] =	vst v6;
	s8 =	smov.u32 s10  }
0x1d8: {  	v7 =	vld [tilespmem:s8+$0x20]  }
0x1d9: {  	s9 =	sadd.s32 $0x200, s9;
	v6 =	vld [tilespmem:s8+$0x30]  }
0x1da: {  	v10 =	vld [tilespmem:s8+$0x40]  }
0x1db: {  	vm0 =	veq.s32 v9, v5  }
0x1dc: {  	v5 =	vsel vm0, $0x2710, v9;
	vm12 =	veq.s32 v8, v4  }
0x1dd: {  	[tilespmem:s8+$0x0] =	vst v5;
	v4 =	vsel vm12, $0x2710, v8;
	vm13 =	veq.s32 v7, v3  }
0x1de: {  	[tilespmem:s8+$0x10] =	vst v4;
	v3 =	vsel vm13, $0x2710, v7;
	vm14 =	veq.s32 v6, v2  }
0x1df: {  	[tilespmem:s8+$0x20] =	vst v3;
	v2 =	vsel vm14, $0x2710, v6;
	vm15 =	veq.s32 v10, v1  }
0x1e0: {  	[tilespmem:s8+$0x30] =	vst v2;
	v1 =	vsel vm15, $0x2710, v10  }
0x1e1: {  	[tilespmem:s8+$0x40] =	vst v1  }
0x1e2: {  	[tilespmem:s28], [sflag:$0x1] =	stream.indirect.gather [hbm4b:s1+s31], $0x80, s30, s31, $0xb8;
	[tilespmem:$0x1B000] =	vst v63  }
0x1e3: {  	s9 =	simm.s32 $0x1080  }
0x1e4: {  	[tilespmem:s2], [sflag:$0x2] =	stream.indirect.gather [hbm4b:s1+s31], $0x80, s9, s31, $0xb8;
	[tilespmem:$0x1B000] =	vst v63  }
0x1e5: {  	_ =	swait.ge [sflag:s0], $0x2800  }
0x1e6: {  	[sflag:s0] =	ssyncset.done $0x0  }
0x1e7: {  	s10 =	simm.s32 $0x0;
	[sflag:s0] =	ssyncadd.s32 $0xFFFFD800  }
0x1e8: {  	[spmem:s3] =	stream.indirect.scatter.add.f32 [tilespmem:s28], [sflag:$0x4], $0x80, s10, s31, $0xb8;
	[tilespmem:$0x1B000] =	vst v63  }
0x1e9: {  	_ =	swait.ge [sflag:s5], $0x2800  }
0x1ea: {  	[sflag:s5] =	ssyncset.done $0x0  }
0x1eb: {  	s11 =	simm.s32 $0x1100;
	[sflag:s5] =	ssyncadd.s32 $0xFFFFD800  }
0x1ec: {  	[tilespmem:s28], [sflag:$0x1] =	stream.indirect.gather [hbm4b:s1+s31], $0x80, s11, s31, $0xb8;
	[tilespmem:$0x1B000] =	vst v63  }
0x1ed: {  	_ =	swait.ge [sflag:s6], $0x2800  }
0x1ee: {  	[sflag:s6] =	ssyncset.done $0x0  }
0x1ef: {  	s12 =	simm.s32 $0x80;
	[sflag:s6] =	ssyncadd.s32 $0xFFFFD800  }
0x1f0: {  	[spmem:s3] =	stream.indirect.scatter.add.f32 [tilespmem:s2], [sflag:$0x3], $0x80, s12, s31, $0xb8;
	[tilespmem:$0x1B000] =	vst v63  }
0x1f1: {  	_ =	swait.ge [sflag:s29], $0x2800  }
0x1f2: {  	s8 =	simm.s32 $0x100;
	s9 =	simm.s32 $0x800;
	[sflag:s29] =	ssyncset.done $0x0  }
.LBB2_22:
0x1f3: {  	s10 =	sadd.s32 $0x1080, s8  }
0x1f4: {  	[sflag:s29] =	ssyncadd.s32 $0xFFFFD800;
	s11 =	smov.u32 s9;
	s12 =	sadd.s32 $0x400, s9  }
0x1f5: {  	[tilespmem:s2], [sflag:$0x2] =	stream.indirect.gather [hbm4b:s1+s31], $0x80, s10, s31, $0xb8;
	[tilespmem:$0x1B000] =	vst v63  }
0x1f6: {  	p1 =	sne.s32 s9, $0x2C00;
	_ =	swait.ge [sflag:s0], $0x2800  }
0x1f7: {  	[sflag:s0] =	ssyncset.done $0x0  }
0x1f8: {  	[sflag:s0] =	ssyncadd.s32 $0xFFFFD800  }
0x1f9: {  	[spmem:s3] =	stream.indirect.scatter.add.f32 [tilespmem:s28], [sflag:$0x4], $0x80, s8, s31, $0xb8;
	[tilespmem:$0x1B000] =	vst v63  }
0x1fa: {  	_ =	swait.ge [sflag:s5], $0x2800  }
0x1fb: {  	[sflag:s5] =	ssyncset.done $0x0  }
0x1fc: {  	s9 =	sadd.s32 $0x1100, s8;
	[sflag:s5] =	ssyncadd.s32 $0xFFFFD800  }
0x1fd: {  	[tilespmem:s28], [sflag:$0x1] =	stream.indirect.gather [hbm4b:s1+s31], $0x80, s9, s31, $0xb8;
	[tilespmem:$0x1B000] =	vst v63  }
0x1fe: {  	_ =	swait.ge [sflag:s6], $0x2800  }
.Ltmp10:
0x1ff: {  	[sflag:s6] =	ssyncset.done $0x0;
	(pc) =	sbr.rel @p1 .LBB2_22-.Ltmp10, $4  }
0x200: {  	s8 =	sadd.s32 $0x80, s8;
	[sflag:s6] =	ssyncadd.s32 $0xFFFFD800  }
0x201: {  	[spmem:s3] =	stream.indirect.scatter.add.f32 [tilespmem:s2], [sflag:$0x3], $0x80, s8, s31, $0xb8;
	[tilespmem:$0x1B000] =	vst v63  }
0x202: {  	_ =	swait.ge [sflag:s29], $0x2800  }
0x203: {  	s9 =	smov.u32 s12;
	s8 =	sshra.s32 s11, $0x2;
	[sflag:s29] =	ssyncset.done $0x0  }
0x204: {  	s9 =	sadd.s32 $0x1080, s8;
	[sflag:s29] =	ssyncadd.s32 $0xFFFFD800  }
0x205: {  	[tilespmem:s2], [sflag:$0x2] =	stream.indirect.gather [hbm4b:s1+s31], $0x80, s9, s31, $0xb8;
	[tilespmem:$0x1B000] =	vst v63  }
0x206: {  	_ =	swait.ge [sflag:s0], $0x2800  }
0x207: {  	[sflag:s0] =	ssyncset.done $0x0  }
0x208: {  	[sflag:s0] =	ssyncadd.s32 $0xFFFFD800  }
0x209: {  	[spmem:s3] =	stream.indirect.scatter.add.f32 [tilespmem:s28], [sflag:$0x4], $0x80, s8, s31, $0xb8;
	[tilespmem:$0x1B000] =	vst v63  }
0x20a: {  	_ =	swait.ge [sflag:s5], $0x2800  }
0x20b: {  	[sflag:s5] =	ssyncset.done $0x0  }
0x20c: {  	s11 =	sadd.s32 $0x1100, s8;
	[sflag:s5] =	ssyncadd.s32 $0xFFFFD800  }
0x20d: {  	[tilespmem:s28], [sflag:$0x1] =	stream.indirect.gather [hbm4b:s1+s31], $0x80, s11, s31, $0xb8;
	[tilespmem:$0x1B000] =	vst v63  }
0x20e: {  	_ =	swait.ge [sflag:s6], $0x2800  }
0x20f: {  	[sflag:s6] =	ssyncset.done $0x0  }
0x210: {  	s12 =	sadd.s32 $0x80, s8;
	[sflag:s6] =	ssyncadd.s32 $0xFFFFD800  }
0x211: {  	[spmem:s3] =	stream.indirect.scatter.add.f32 [tilespmem:s2], [sflag:$0x3], $0x80, s12, s31, $0xb8;
	[tilespmem:$0x1B000] =	vst v63  }
0x212: {  	_ =	swait.ge [sflag:s29], $0x2800  }
0x213: {  	[sflag:s29] =	ssyncset.done $0x0  }
0x214: {  	[sflag:s29] =	ssyncadd.s32 $0xFFFFD800  }
0x215: {  	_ =	swait.ge [sflag:s0], $0x2800  }
0x216: {  	[sflag:s0] =	ssyncset.done $0x0  }
0x217: {  	[sflag:s0] =	ssyncadd.s32 $0xFFFFD800  }
0x218: {  	[spmem:s3] =	stream.indirect.scatter.add.f32 [tilespmem:s28], [sflag:$0x4], $0x80, s7, s31, $0xb8;
	[tilespmem:$0x1B000] =	vst v63  }
0x219: {  	_ =	swait.ge [sflag:s5], $0x2800  }
0x21a: {  	[sflag:s5] =	ssyncset.done $0x0  }
0x21b: {  	[sflag:s5] =	ssyncadd.s32 $0xFFFFD800  }
0x21c: {  	s8 =	simm.s32 @p0 $0x1FC3;
	[bflag:$0x0] =	sbarrier.arrive $0xFFFF  }
0x21d: {  	[hbm:s17], [sflag:s8] =	dma.local @p0 [spmem:s25], $0x1900  }
0x21e: {  	s8 =	simm.s32 @p0 $0x3  }
0x21f: {  	s4 =	sadd.s32 $0x1, s4;
	s9 =	stileid.u32;
	_ =	swait.ge @p0 [sflag:s8], $0x1900  }
0x220: {  	p1 =	sne.s32 s4, s18;
	s9 =	sshll.u32 @!p0 s9, $0x6;
	[sflag:s8] =	ssyncset.done @p0 $0x0  }
0x221: {  	[sflag:s8] =	ssyncadd.s32 @p0 $0xFFFFE700;
	s8 =	sor.u32 @!p0 $0x1C03, s9;
	s9 =	sshrl.u32 @!p0 s16, $0x3  }
0x222: {  	[hbm:s15], [sflag:s8] =	dma.local @!p0 [spmem:s9], $0x2800  }
.Ltmp11:
0x223: {  	_ = 	snop;
	(pc) =	sbr.rel @p1 .LBB2_1-.Ltmp11, $4  }
0x224: {  	s8 =	simm.s32 @!p0 $0x3  }
0x225: {  	_ =	swait.ge @!p0 [sflag:s8], $0x2800  }
0x226: {  	[sflag:s8] =	ssyncset.done @!p0 $0x0  }
0x227: {  	[sflag:s8] =	ssyncadd.s32 @!p0 $0xFFFFD800  }
0x228: {  	_ =	sfence.sel $0x180000  }
0x229: {  	[bflag:$0x0] =	sbarrier.arrive $0xFFFF  }
0x22a: {  	_ =	strace $0x9000004D  }
0x22b: {  	s0 =	stileid.u32;
	[bflag:$0x2] =	sbarrier.arrive $0xFFFF  }
0x22c: {  	p0 =	sne.s32 s0, $0x0;
	s0 =	rddreg [dreg:$0x3]  }
0x22d: {  	s0 =	sadd.s32 @!p0 $0x100000, s0  }
0x22e: {  	[sflag:s0] =	ssyncadd.tile.s32 @!p0 $0x1;
	_ =	shalt  }
.Lfunc_end2:
_tile_overlayer_lowered:
.L_overlay_start_2:
0x22f: {  	(tag) =	ssettag $0x2  }
0x230: {  	s0 =	rddreg [dreg:$0x0];
	s2 =	stileid.u32  }
0x231: {  	s1 =	rddreg [dreg:$0x1];
	p0 =	sne.s32 s2, $0x0  }
0x232: {  	s3 =	rddreg [dreg:$0x2];
	[bflag:$0x3] =	sbarrier.arrive $0xFFFF;
	s2 =	simm.s32 @!p0 $0x1C03  }
0x233: {  	[timem:s3], [sflag:s2] =	dma.local @!p0 [hbm:s0], s1  }
0x234: {  	s0 =	simm.s32 @!p0 $0x3  }
0x235: {  	_ =	swait.ge @!p0 [sflag:s0], s1  }
0x236: {  	s1 =	ssub.s32 @!p0 $0x0, s1;
	[sflag:s0] =	ssyncset.done @!p0 $0x0  }
0x237: {  	[sflag:s0] =	ssyncadd.s32 @!p0 s1  }
0x238: {  	[bflag:$0x3] =	sbarrier.arrive $0xFFFF  }
0x239: {  	_ =	shalt  }

// kernel: kernel.8.cloned.1.call-start
scs
__scs_entry_jumppad:
0x0: {  	(pc) =	sbr.rel $0x88, $3  }
0x1: {  	(tag) =	ssettag $0x0;
	lr =	simm.s32 $0x1  }
0x2: {  	[smem:$0x3F93] =	sst lr;
	_ =	strace $0xD0000000  }
0x3: {  	_ = 	snop  }
0x4: {  	_ = 	snop  }
0x5: {  	_ = 	snop  }
0x6: {  	_ = 	snop  }
0x7: {  	_ = 	snop  }
__scs_overlays_trampoline_lowered:
0x8: {  	[smem:$0x3FA2] =	sst s0  }
0x9: {  	[smem:$0x3FA3] =	sst s1  }
0xa: {  	[smem:$0x3FA4] =	sst s2  }
0xb: {  	[smem:$0x3FA5] =	sst s3  }
0xc: {  	[smem:$0x3FA6] =	sst s4  }
0xd: {  	[smem:$0x3FA7] =	sst s5  }
0xe: {  	[smem:$0x3FA8] =	sst s6  }
0xf: {  	[smem:$0x3FA9] =	sst s7  }
0x10: {  	[smem:$0x3FAA] =	sst s8  }
0x11: {  	[smem:$0x3FAB] =	sst s9;
	s0 =	simm.s32 @!p0 $0x0  }
0x12: {  	s1 =	sld [smem:$0x3F91];
	s0 =	simm.s32 @p0 $0x1  }
0x13: {  	[smem:$0x3FAC] =	sst s0;
	s0 =	simm.s32 @!p1 $0x0  }
0x14: {  	s2 =	sld [smem:$0x3F90];
	s0 =	simm.s32 @p1 $0x1  }
0x15: {  	[smem:$0x3FAD] =	sst s0;
	s0 =	simm.s32 @!p2 $0x0  }
0x16: {  	s3 =	sld [smem:$0x3FDB];
	s0 =	simm.s32 @p2 $0x1  }
0x17: {  	s4 =	simm.s32 $0x1BF5;
	[smem:$0x3FAF] =	sst s0  }
0x18: {  	s0 =	sld [smem:$0x3F92];
	_ =	swait.ge [sflag:s4], $0x0  }
0x19: {  	s7 =	sld [smem:$0x3F93]  }
0x1a: {  	s8 =	sadd.s32 $0xFFFFE003, lr  }
0x1b: {  	s9 =	sadd.s32 $0xFFFFFEF7, lr;
	s5 =	simm.s32 $0xFFFFFFFF;
	p2 =	slt.u32 s8, $0xFFFFF086  }
0x1c: {  	p1 =	slt.u32 s9, $0xF7A;
	s5 =	simm.s32 @!p2 $0x0  }
0x1d: {  	s5 =	simm.s32 @p1 $0x1;
	p0 =	seq.s32 s7, s2  }
0x1e: {  	s7 =	smul.u32 @!p0 $0xF7A, s2;
	p2 =	seq.s32 @!p0 s5, $0x0  }
0x1f: {  	s9 =	smul.u32 $0xF7A, s1;
	s8 =	simm.s32 @!p0 $0x1BF5;
	p2 =	por !p2, p0  }
0x20: {  	[sflag:s8] =	ssyncset.s32 @!p0 $0xFFFFF086;
	s6 =	sadd.s32 @!p0 s3, s7;
	s7 =	simm.s32 @!p0 $0x108  }
0x21: {  	s3 =	sadd.s32 s3, s9;
	s6 =	sadd.s32 @!p0 $0x88, s6;
	s7 =	simm.s32 @p2 $0x1082  }
0x22: {  	[simem:s7], [sflag:s8] =	dma.local @!p0 [hbm:s6], $0xF7A  }
0x23: {  	s9 =	sor.u32 $0xD0000000, s2;
	s6 =	simm.s32 $0x108;
	_ =	swait.ge @!p0 [sflag:s8], $0x0  }
0x24: {  	s3 =	sadd.s32 $0x88, s3;
	s6 =	simm.s32 @!p1 $0x1082;
	[sflag:s4] =	ssyncset.s32 $0xFFFFF086  }
0x25: {  	[simem:s6], [sflag:s4] =	dma.local [hbm:s3], $0xF7A  }
0x26: {  	[smem:$0x3F93] =	sst s1;
	(tag) =	ssettag s2;
	_ =	strace s9  }
0x27: {  	s1 =	sld [smem:$0x3FA3]  }
0x28: {  	s2 =	sld [smem:$0x3FA4]  }
0x29: {  	s4 =	sld [smem:$0x3FA6]  }
0x2a: {  	p0 =	seq.s32 s5, $0x0;
	s5 =	sld [smem:$0x3FA7]  }
0x2b: {  	s6 =	sld [smem:$0x3FA8]  }
0x2c: {  	s7 =	sld [smem:$0x3FA9]  }
0x2d: {  	s3 =	simm.s32 $0x108;
	s8 =	sld [smem:$0x3FAA]  }
0x2e: {  	s3 =	simm.s32 @!p0 $0x1082;
	s9 =	sld [smem:$0x3FAB]  }
0x2f: {  	lr =	sadd.s32 s0, s3;
	s0 =	sld [smem:$0x3FA2]  }
0x30: {  	s3 =	sld [smem:$0x3FA5]  }
0x31: {  	[smem:$0x3FAE] =	sst s10  }
0x32: {  	s10 =	sld [smem:$0x3FAC];
	_ =	sdelay $0x3  }
0x33: {  	p0 =	seq.s32 s10, $0x1;
	s10 =	sld [smem:$0x3FAE];
	_ =	sdelay $0x3  }
0x34: {  	[smem:$0x3FAE] =	sst s10  }
0x35: {  	s10 =	sld [smem:$0x3FAD];
	_ =	sdelay $0x3  }
0x36: {  	p1 =	seq.s32 s10, $0x1;
	s10 =	sld [smem:$0x3FAE];
	_ =	sdelay $0x3  }
0x37: {  	[smem:$0x3FAE] =	sst s10  }
0x38: {  	s10 =	sld [smem:$0x3FAF]  }
0x39: {  	_ = 	snop;
	(pc) =	sbr.ind lr, $3  }
0x3a: {  	_ = 	snop  }
0x3b: {  	_ = 	snop  }
0x3c: {  	p2 =	seq.s32 s10, $0x1;
	s10 =	sld [smem:$0x3FAE]  }
0x3d: {  	_ =	shalt  }
0x3e: {  	_ =	shalt  }
0x3f: {  	_ =	shalt  }
0x40: {  	_ =	shalt  }
0x41: {  	_ =	shalt  }
0x42: {  	_ =	shalt  }
0x43: {  	_ =	shalt  }
0x44: {  	_ =	shalt  }
0x45: {  	_ =	shalt  }
0x46: {  	_ =	shalt  }
0x47: {  	_ =	shalt  }
0x48: {  	_ =	shalt  }
0x49: {  	_ =	shalt  }
0x4a: {  	_ =	shalt  }
0x4b: {  	_ =	shalt  }
0x4c: {  	_ =	shalt  }
0x4d: {  	_ =	shalt  }
0x4e: {  	_ =	shalt  }
0x4f: {  	_ =	shalt  }
0x50: {  	_ =	shalt  }
0x51: {  	_ =	shalt  }
0x52: {  	_ =	shalt  }
0x53: {  	_ =	shalt  }
0x54: {  	_ =	shalt  }
0x55: {  	_ =	shalt  }
0x56: {  	_ =	shalt  }
0x57: {  	_ =	shalt  }
0x58: {  	_ =	shalt  }
0x59: {  	_ =	shalt  }
0x5a: {  	_ =	shalt  }
0x5b: {  	_ =	shalt  }
0x5c: {  	_ =	shalt  }
0x5d: {  	_ =	shalt  }
0x5e: {  	_ =	shalt  }
0x5f: {  	_ =	shalt  }
0x60: {  	_ =	shalt  }
0x61: {  	_ =	shalt  }
0x62: {  	_ =	shalt  }
0x63: {  	_ =	shalt  }
0x64: {  	_ =	shalt  }
0x65: {  	_ =	shalt  }
0x66: {  	_ =	shalt  }
0x67: {  	_ =	shalt  }
0x68: {  	_ =	shalt  }
0x69: {  	_ =	shalt  }
0x6a: {  	_ =	shalt  }
0x6b: {  	_ =	shalt  }
0x6c: {  	_ =	shalt  }
0x6d: {  	_ =	shalt  }
0x6e: {  	_ =	shalt  }
0x6f: {  	_ =	shalt  }
0x70: {  	_ =	shalt  }
0x71: {  	_ =	shalt  }
0x72: {  	_ =	shalt  }
0x73: {  	_ =	shalt  }
0x74: {  	_ =	shalt  }
0x75: {  	_ =	shalt  }
0x76: {  	_ =	shalt  }
0x77: {  	_ =	shalt  }
0x78: {  	_ =	shalt  }
0x79: {  	_ =	shalt  }
0x7a: {  	_ =	shalt  }
0x7b: {  	_ =	shalt  }
0x7c: {  	_ =	shalt  }
0x7d: {  	_ =	shalt  }
0x7e: {  	_ =	shalt  }
0x7f: {  	_ =	shalt  }
0x80: {  	_ =	shalt  }
0x81: {  	_ =	shalt  }
0x82: {  	_ =	shalt  }
0x83: {  	_ =	shalt  }
0x84: {  	_ =	shalt  }
0x85: {  	_ =	shalt  }
0x86: {  	_ =	shalt  }
0x87: {  	_ =	shalt  }
.Lfunc_end0:
.L_simem_size_0:
called_computation_lowered:
.L_overlay_start_0:
0x88: {  	s2 =	sld [smem:$0x3FD9]  }
0x89: {  	s3 =	sld [smem:$0x3FFE];
	_ =	sdelay $0x1  }
0x8a: {  	s1 =	srdreg.scid  }
0x8b: {  	s0 =	sand.u32 $0x1, s1  }
0x8c: {  	s17 =	sshll.u32 s0, $0xA;
	s2 =	sadd.s32 s3, s2  }
0x8d: {  	s2 =	sadd.s32 s2, s17  }
0x8e: {  	[smem:$0x3FBA] =	sst s2  }
0x8f: {  	_ = 	snop  }
0x90: {  	s2 =	sld [smem:$0x3FD0];
	(tm) =	ssettm $0x1  }
0x91: {  	s18 =	sld [smem:$0x3FFB];
	_ =	sdelay $0x3  }
0x92: {  	_ =	strace s18  }
0x93: {  	s3 =	sld [smem:$0x3FFC];
	_ =	sdelay $0x3  }
0x94: {  	_ =	strace s3  }
0x95: {  	s3 =	sld [smem:$0x3FFD];
	_ =	sdelay $0x3  }
0x96: {  	_ =	strace s3  }
0x97: {  	_ =	strace $0x8FFFFFFF  }
0x98: {  	s19 =	sld [smem:$0x3FDB];
	_ =	sdelay $0x1  }
0x99: {  	s4 =	simm.s32 $_scs_section_size  }
0x9a: {  	s5 =	simm.s32 $_size__tile_overlayer_lowered;
	s6 =	simm.s32 $_tile_overlayer_lowered  }
0x9b: {  	s22 =	simm.s32 $0x1BFF;
	s21 =	sshll.u32 s6, $0x1;
	s3 =	sadd.s32 s4, s19  }
0x9c: {  	s7 =	simm.s32 $0x0;
	s20 =	sshll.u32 s5, $0x1;
	s5 =	sadd.s32 s21, s3  }
0x9d: {  	[timem:s7], [sflag:s22] =	dma.local [hbm:s5], s20  }
0x9e: {  	_ =	swait.ge [sflag:s22], s20  }
0x9f: {  	s4 =	ssub.s32 $0x0, s20;
	[sflag:s22] =	ssyncset.done $0x0  }
0xa0: {  	[sflag:s22] =	ssyncadd.s32 s4;
	_ =	sdelay $0x1  }
0xa1: {  	s23 =	simm.s32 $0x1B8B  }
0xa2: {  	_ =	swait.ge [sflag:s23], $0x1  }
0xa3: {  	[sflag:s23] =	ssyncset.done $0x0  }
0xa4: {  	s25 =	simm.s32 $0x1B8E;
	s24 =	sld [smem:$0x3FFE];
	[sflag:s23] =	ssyncadd.s32 $0xFFFFFFFF  }
0xa5: {  	s26 =	simm.s32 $execute0_lowered;
	[smem:$0x3FD2] =	sst s25  }
0xa6: {  	s5 =	sshll.u32 s26, $0x1;
	_ =	strace $0x80000046;
	[dreg:$0x1] =	wrdreg $0xFFFFFFFF  }
0xa7: {  	s28 =	simm.s32 $_size_execute0_lowered;
	s3 =	sadd.s32 s3, s5;
	[dreg:$0x0] =	wrdreg $0x0  }
0xa8: {  	s5 =	sshll.u32 s28, $0x1;
	[dreg:$0x2] =	wrdreg s3  }
0xa9: {  	[dreg:$0x3] =	wrdreg s5  }
0xaa: {  	[dreg:$0x4] =	wrdreg $0xC0  }
0xab: {  	_ =	task [dreg:s7], $0x5FFFF  }
0xac: {  	[dreg:$0x1] =	wrdreg $0xFFFFFFFF  }
0xad: {  	[dreg:$0x0] =	wrdreg $0x60  }
0xae: {  	[dreg:$0x2] =	wrdreg s2  }
0xaf: {  	[dreg:$0x3] =	wrdreg s24  }
0xb0: {  	[dreg:$0x4] =	wrdreg $0xAC000  }
0xb1: {  	[dreg:$0x5] =	wrdreg $0x9  }
0xb2: {  	_ =	task.clear_ibuf [dreg:s7], $0x6FFFF;
	_ =	strace $0x90000046  }
0xb3: {  	s29 =	simm.s32 $0x9;
	_ =	strace $0x80000048  }
0xb4: {  	_ =	swait.ge [sflag:s29], $0x1  }
0xb5: {  	[sflag:s29] =	ssyncadd.s32 $0xFFFFFFFF  }
0xb6: {  	_ =	strace $0x90000048  }
0xb7: {  	_ =	sfence  }
0xb8: {  	s30 =	sld [smem:$0x0];
	_ =	sdelay $0x2  }
0xb9: {  	s31 =	sshll.u32 s1, $0xD;
	s1 =	sshrl.u32 s1, $0x2  }
0xba: {  	s3 =	sand.u32 $0x4000, s31;
	s1 =	sadd.s32 s1, s30  }
0xbb: {  	s0 =	sor.u32 s3, s0;
	s1 =	sshll.u32 s1, $0x11  }
0xbc: {  	s0 =	sor.u32 s1, s0  }
0xbd: {  	s0 =	sadd.s32 $0x8F2B, s0  }
0xbe: {  	[sflag:s0] =	ssyncadd.remote.s32 $0x1  }
0xbf: {  	_ =	sfence.sel $0xFFFF  }
0xc0: {  	[dreg:$0x0] =	wrdreg $0xFFFFFFFF;
	(pc) =	sbr.abs _section_cstart, $3  }
0xc1: {  	[dreg:$0x1] =	wrdreg $0xFFFFFFFF  }
0xc2: {  	_ =	task.clear_ibuf [dreg:s7], $0x2FFFF;
	_ =	strace $0x9FFFFFFF  }
0xc3: {  	(tm) =	ssettm $0x7FFFFFFF  }
tec
execute0_lowered:
.L_overlay_start_1:
0x0: {  	(tag) =	ssettag $0x1  }
0x1: {  	s3 =	rddreg [dreg:$0x0]  }
0x2: {  	s4 =	rddreg [dreg:$0x1]  }
0x3: {  	s1 =	rddreg [dreg:$0x2]  }
0x4: {  	s0 =	rddreg [dreg:$0x3];
	s2 =	simm.s32 $0x0;
	s5 =	srdreg.scid  }
0x5: {  	s9 =	stileid.u32;
	s10 =	simm.s32 $0x50;
	s11 =	simm.s32 $0xA800  }
0x6: {  	s13 =	simm.s32 $0x0;
	[smem:$0x7FF] =	sst s2;
	s5 =	sand.u32 $0x1, s5  }
0x7: {  	s8 =	sshll.u32 s9, $0xB;
	p0 =	sne.s32 s9, $0x0;
	s9 =	simm.s32 $0x8000  }
0x8: {  	s6 =	smul.u32 $0x500, s5;
	s7 =	sshll.u32 s5, $0xF;
	_ =	strace $0x80000047  }
0x9: {  	s5 =	ssub.s32 $0x2, s5;
	s12 =	sshrl.u32 @!p0 s1, $0x3;
	s7 =	sor.u32 s8, s7  }
0xa: {  	v0 =	vlaneseq.u32;
	s30 =	sshrl.u32 s5, $0x1;
	s8 =	simm.s32 $0x4000;
	s6 =	sadd.s32 s6, s4  }
0xb: {  	v1 =	vimm.f32 $0.0e+00;
	v6 =	vimm.f32 $1.000000000e+00;
	v2 =	vor.u32 $0x10, v0;
	s3 =	sadd.s32 s3, s7;
	s31 =	ssub.s32 s5, s30;
	s7 =	simm.s32 $0x1  }
0xc: {  	v3 =	vor.u32 $0x20, v0;
	v4 =	vor.u32 $0x30, v0;
	v5 =	vor.u32 $0x40, v0;
	s4 =	sadd.s32 $0x10000, s3;
	s5 =	sadd.s32 $0x4400, s6;
	s6 =	smax.u32 s31, $0x1  }
.LBB2_1:
0xd: {  	[tilespmem:s2], [sflag:$0x1] =	stream.linear.gather [hbm4b:s3+s2], $0x3E80, $0x38;
	[tilespmem:$0xAE80] =	vst v63  }
0xe: {  	_ =	swait.ge [sflag:s7], $0x3E80  }
0xf: {  	[sflag:s7] =	ssyncset.done $0x0  }
0x10: {  	[sflag:s7] =	ssyncadd.s32 $0xFFFFC180  }
0x11: {  	[tilespmem:s8], [sflag:$0x1] =	stream.linear.gather [hbm4b:s4+s2], $0x3E80, $0x38;
	[tilespmem:$0xAE80] =	vst v63  }
0x12: {  	_ =	swait.ge [sflag:s7], $0x3E80  }
0x13: {  	[sflag:s7] =	ssyncset.done $0x0  }
0x14: {  	s14 =	simm.s32 $0x0;
	s15 =	simm.s32 $0x200;
	[sflag:s7] =	ssyncadd.s32 $0xFFFFC180  }
.LBB2_2:
0x15: {  	p1 =	sne.s32 s15, $0x9E00;
	[tilespmem:s14+$0x8070] =	vst v1  }
0x16: {  	[tilespmem:s14+$0x8000] =	vst v1  }
0x17: {  	[tilespmem:s14+$0x8010] =	vst v1  }
.Ltmp0:
0x18: {  	[tilespmem:s14+$0x8020] =	vst v1;
	(pc) =	sbr.rel @p1 .LBB2_2-.Ltmp0, $4  }
0x19: {  	[tilespmem:s14+$0x8030] =	vst v1  }
0x1a: {  	[tilespmem:s14+$0x8040] =	vst v1  }
0x1b: {  	[tilespmem:s14+$0x8050] =	vst v1  }
0x1c: {  	[tilespmem:s14+$0x8060] =	vst v1;
	s14 =	sshra.s32 s15, $0x2;
	s15 =	sadd.s32 $0x200, s15  }
0x1d: {  	[tilespmem:s14+$0x8070] =	vst v1  }
0x1e: {  	[tilespmem:s14+$0x8000] =	vst v1  }
0x1f: {  	[tilespmem:s14+$0x8010] =	vst v1  }
0x20: {  	[tilespmem:s14+$0x8020] =	vst v1  }
0x21: {  	[tilespmem:s14+$0x8030] =	vst v1  }
0x22: {  	[tilespmem:s14+$0x8040] =	vst v1  }
0x23: {  	[tilespmem:s14+$0x8050] =	vst v1  }
0x24: {  	[tilespmem:s14+$0x8060] =	vst v1  }
0x25: {  	[tilespmem:$0xA800] =	vst v0  }
0x26: {  	[tilespmem:$0xA810] =	vst v2  }
0x27: {  	[tilespmem:$0xA820] =	vst v3  }
0x28: {  	[tilespmem:$0xA830] =	vst v4  }
0x29: {  	[tilespmem:$0xA840] =	vst v5  }
0x2a: {  	[tilespmem:$0xA880] =	vst v0  }
0x2b: {  	[tilespmem:$0xA890] =	vst v2  }
0x2c: {  	[tilespmem:$0xA8A0] =	vst v3  }
0x2d: {  	[tilespmem:$0xA8B0] =	vst v4  }
0x2e: {  	[tilespmem:$0xA8C0] =	vst v5  }
0x2f: {  	[tilespmem:$0xA900] =	vst v0  }
0x30: {  	[tilespmem:$0xA910] =	vst v2  }
0x31: {  	[tilespmem:$0xA920] =	vst v3  }
0x32: {  	[tilespmem:$0xA930] =	vst v4  }
0x33: {  	[tilespmem:$0xA940] =	vst v5  }
0x34: {  	[tilespmem:$0xA980] =	vst v0  }
0x35: {  	[tilespmem:$0xA990] =	vst v2  }
0x36: {  	[tilespmem:$0xA9A0] =	vst v3  }
0x37: {  	[tilespmem:$0xA9B0] =	vst v4  }
0x38: {  	[tilespmem:$0xA9C0] =	vst v5  }
0x39: {  	[tilespmem:$0xAA00] =	vst v0  }
0x3a: {  	[tilespmem:$0xAA10] =	vst v2  }
0x3b: {  	[tilespmem:$0xAA20] =	vst v3  }
0x3c: {  	[tilespmem:$0xAA30] =	vst v4  }
0x3d: {  	[tilespmem:$0xAA40] =	vst v5  }
0x3e: {  	[tilespmem:$0xAA80] =	vst v0  }
0x3f: {  	[tilespmem:$0xAA90] =	vst v2  }
0x40: {  	[tilespmem:$0xAAA0] =	vst v3  }
0x41: {  	[tilespmem:$0xAAB0] =	vst v4  }
0x42: {  	[tilespmem:$0xAAC0] =	vst v5  }
0x43: {  	[tilespmem:$0xAB00] =	vst v0  }
0x44: {  	[tilespmem:$0xAB10] =	vst v2  }
0x45: {  	[tilespmem:$0xAB20] =	vst v3  }
0x46: {  	[tilespmem:$0xAB30] =	vst v4  }
0x47: {  	[tilespmem:$0xAB40] =	vst v5  }
0x48: {  	[tilespmem:$0xAB80] =	vst v0  }
0x49: {  	[tilespmem:$0xAB90] =	vst v2  }
0x4a: {  	[tilespmem:$0xABA0] =	vst v3  }
0x4b: {  	[tilespmem:$0xABB0] =	vst v4  }
0x4c: {  	s14 =	simm.s32 @!p0 $0x8000;
	[tilespmem:$0xABC0] =	vst v5  }
0x4d: {  	[spmem:s1] =	stream.linear.scatter @!p0 [tilespmem:s14], [sflag:$0x1], $0x2800, $0x38;
	[tilespmem:$0xAE80] =	vst v63  }
0x4e: {  	s14 =	simm.s32 @!p0 $0x1  }
0x4f: {  	_ =	swait.ge @!p0 [sflag:s14], $0x2800  }
0x50: {  	[sflag:s14] =	ssyncset.done @!p0 $0x0  }
0x51: {  	[sflag:s14] =	ssyncadd.s32 @!p0 $0xFFFFD800  }
0x52: {  	s14 =	simm.s32 $0x0;
	[bflag:$0x0] =	sbarrier.arrive $0xFFFF  }
.LBB2_4:
0x53: {  	s15 =	sshra.s32 s14, $0x2  }
0x54: {  	v7 =	vld [tilespmem:s15+$0x0]  }
0x55: {  	v8 =	vld [tilespmem:s15+$0x4000];
	_ =	sdelay $0x4  }
0x56: {  	vm0 =	vne.s32 v7, v8;
	_ =	sdelay $0x5  }
0x57: {  	[tilespmem:v7+s9+$0x0] =	vst.idx.add.f32.msk vm0, v6  }
0x58: {  	v7 =	vld [tilespmem:s15+$0x10]  }
0x59: {  	v8 =	vld [tilespmem:s15+$0x4010];
	_ =	sdelay $0x4  }
0x5a: {  	vm12 =	vne.s32 v7, v8;
	_ =	sdelay $0x5  }
0x5b: {  	[tilespmem:v7+s9+$0x0] =	vst.idx.add.f32.msk vm12, v6  }
0x5c: {  	v7 =	vld [tilespmem:s15+$0x20]  }
0x5d: {  	v8 =	vld [tilespmem:s15+$0x4020];
	_ =	sdelay $0x4  }
0x5e: {  	vm13 =	vne.s32 v7, v8;
	_ =	sdelay $0x5  }
0x5f: {  	[tilespmem:v7+s9+$0x0] =	vst.idx.add.f32.msk vm13, v6  }
0x60: {  	v7 =	vld [tilespmem:s15+$0x30]  }
0x61: {  	v8 =	vld [tilespmem:s15+$0x4030];
	_ =	sdelay $0x4  }
0x62: {  	vm14 =	vne.s32 v7, v8;
	_ =	sdelay $0x5  }
0x63: {  	[tilespmem:v7+s9+$0x0] =	vst.idx.add.f32.msk vm14, v6  }
0x64: {  	v7 =	vld [tilespmem:s15+$0x40]  }
0x65: {  	v8 =	vld [tilespmem:s15+$0x4040];
	_ =	sdelay $0x4  }
0x66: {  	vm15 =	vne.s32 v7, v8  }
0x67: {  	p1 =	sne.s32 s14, $0xF800  }
.Ltmp1:
0x68: {  	_ = 	snop;
	(pc) =	sbr.rel @p1 .LBB2_4-.Ltmp1, $2  }
0x69: {  	_ =	sdelay $0x2  }
0x6a: {  	s14 =	sadd.s32 $0x200, s14;
	[tilespmem:v7+s9+$0x0] =	vst.idx.add.f32.msk vm15, v6  }
0x6b: {  	[spmem:s1] =	stream.indirect.scatter.add.f32 [tilespmem:s9], [sflag:$0x1], $0x80, s11, s10, $0xb8;
	[tilespmem:$0xAE80] =	vst v63  }
0x6c: {  	_ =	swait.ge [sflag:s7], $0x2800  }
0x6d: {  	[sflag:s7] =	ssyncset.done $0x0  }
0x6e: {  	s13 =	sadd.s32 $0x1, s13;
	[sflag:s7] =	ssyncadd.s32 $0xFFFFD800  }
0x6f: {  	s14 =	simm.s32 @!p0 $0x1C01;
	p1 =	sne.s32 s13, s6;
	[bflag:$0x0] =	sbarrier.arrive $0xFFFF  }
0x70: {  	[hbm:s5], [sflag:s14] =	dma.local @!p0 [spmem:s12], $0x500  }
.Ltmp2:
0x71: {  	_ = 	snop;
	(pc) =	sbr.rel @p1 .LBB2_1-.Ltmp2, $4  }
0x72: {  	s14 =	simm.s32 @!p0 $0x1  }
0x73: {  	_ =	swait.ge @!p0 [sflag:s14], $0x500  }
0x74: {  	[sflag:s14] =	ssyncset.done @!p0 $0x0  }
0x75: {  	[sflag:s14] =	ssyncadd.s32 @!p0 $0xFFFFFB00  }
0x76: {  	_ =	sfence.sel $0x180000  }
0x77: {  	[bflag:$0x0] =	sbarrier.arrive $0xFFFF  }
0x78: {  	_ =	strace $0x90000047  }
0x79: {  	s0 =	sadd.s32 @!p0 $0x100000, s0;
	[bflag:$0x2] =	sbarrier.arrive $0xFFFF  }
0x7a: {  	[sflag:s0] =	ssyncadd.tile.s32 @!p0 $0x1;
	_ =	shalt  }
.Lfunc_end2:
_tile_overlayer_lowered:
.L_overlay_start_2:
0x7b: {  	(tag) =	ssettag $0x2  }
0x7c: {  	s0 =	rddreg [dreg:$0x0];
	s2 =	stileid.u32  }
0x7d: {  	s1 =	rddreg [dreg:$0x1];
	p0 =	sne.s32 s2, $0x0  }
0x7e: {  	s3 =	rddreg [dreg:$0x2];
	[bflag:$0x3] =	sbarrier.arrive $0xFFFF;
	s2 =	simm.s32 @!p0 $0x1C01  }
0x7f: {  	[timem:s3], [sflag:s2] =	dma.local @!p0 [hbm:s0], s1  }
0x80: {  	s0 =	simm.s32 @!p0 $0x1  }
0x81: {  	_ =	swait.ge @!p0 [sflag:s0], s1  }
0x82: {  	s1 =	ssub.s32 @!p0 $0x0, s1;
	[sflag:s0] =	ssyncset.done @!p0 $0x0  }
0x83: {  	[sflag:s0] =	ssyncadd.s32 @!p0 s1  }
0x84: {  	[bflag:$0x3] =	sbarrier.arrive $0xFFFF  }
0x85: {  	_ =	shalt  }

</sc_bundles>
